<compile_context>
chip_gen: v7x
topology: tpu7x:2x2x1
jax: 0.10.2.dev20260603
libtpu: 0.0.44.dev20260713+nightly
codegen_flags: <defaults>
</compile_context>

<pallas_src>
import functools

import jax
import jax.numpy as jnp
from jax import lax
from jax.experimental import pallas as pl
from jax.experimental.pallas import tpu as pltpu
from jax.experimental.pallas import tpu_sc as plsc

B, D1, D2 = 64, 2048, 512
L = 16
NC, NS = 2, 16
NW = NC * NS
KSC = 16
HALF = D2 // 2
RT = 64
NT = D1 // RT
NCH = HALF // L
SG = 32
NG = D1 // SG


def _build_sc_argmin():
    mesh = plsc.VectorSubcoreMesh(
        core_axis_name="c", subcore_axis_name="s", num_cores=NC, num_subcores=NS
    )

    @functools.partial(
        pl.kernel,
        mesh=mesh,
        out_type=jax.ShapeDtypeStruct((KSC, D2), jnp.int32),
        scratch_types=[
            pltpu.VMEM((2, RT, HALF), jnp.float32),
            pltpu.VMEM((HALF,), jnp.float32),
            pltpu.VMEM((HALF,), jnp.int32),
            pltpu.SemaphoreType.DMA,
            pltpu.SemaphoreType.DMA,
        ],
    )
    def sc_argmin(x_hbm, out_hbm, buf, accv, acci, sem0, sem1):
        wid = lax.axis_index("s") * NC + lax.axis_index("c")
        b = wid // 2
        col0 = (wid % 2) * HALF
        sems = (sem0, sem1)

        for c in range(NCH):
            accv[pl.ds(c * L, L)] = jnp.full((L,), jnp.inf, jnp.float32)
            acci[pl.ds(c * L, L)] = jnp.zeros((L,), jnp.int32)

        def start_copy(t, slot):
            pltpu.make_async_copy(
                x_hbm.at[b, pl.ds(t * RT, RT), pl.ds(col0, HALF)],
                buf.at[slot],
                sems[slot],
            ).start()

        def wait_copy(t, slot):
            pltpu.make_async_copy(
                x_hbm.at[b, pl.ds(t * RT, RT), pl.ds(col0, HALF)],
                buf.at[slot],
                sems[slot],
            ).wait()

        def consume(slot, base_row):
            base = jnp.full((L,), base_row, jnp.int32)
            for c in range(NCH):
                av = accv[pl.ds(c * L, L)]
                ai = acci[pl.ds(c * L, L)]

                def row_body(r, carry, _c=c, _slot=slot):
                    av, ai, ridx = carry
                    v = buf[_slot, r, pl.ds(_c * L, L)]
                    lt = v < av
                    return (
                        jnp.where(lt, v, av),
                        jnp.where(lt, ridx, ai),
                        ridx + 1,
                    )

                av, ai, _ = lax.fori_loop(
                    0, RT, row_body, (av, ai, base), unroll=8
                )
                accv[pl.ds(c * L, L)] = av
                acci[pl.ds(c * L, L)] = ai

        start_copy(0, 0)

        def tile_pair(tp, _):
            t0 = tp * 2
            start_copy(t0 + 1, 1)
            wait_copy(t0, 0)
            consume(0, t0 * RT)

            @pl.when(t0 + 2 < NT)
            def _():
                start_copy(t0 + 2, 0)

            wait_copy(t0 + 1, 1)
            consume(1, (t0 + 1) * RT)
            return 0

        lax.fori_loop(0, NT // 2, tile_pair, 0)
        pltpu.sync_copy(acci, out_hbm.at[b, pl.ds(col0, HALF)])

    return sc_argmin


def _tc_body(x_ref, o_ref):
    def group_body(i, carry):
        mv, mi = carry
        v = x_ref[0, pl.ds(i * SG, SG), :]
        lt = v < mv
        gi = jnp.full((SG, D2), i, jnp.int32)
        return jnp.where(lt, v, mv), jnp.where(lt, gi, mi)

    mv0 = jnp.full((SG, D2), jnp.inf, jnp.float32)
    mi0 = jnp.zeros((SG, D2), jnp.int32)
    mv, mi = lax.fori_loop(0, NG, group_body, (mv0, mi0), unroll=16)

    sub = lax.broadcasted_iota(jnp.int32, (SG, D2), 0)
    row = mi * SG + sub

    sh = SG // 2
    while sh >= 1:
        mv2 = jnp.roll(mv, -sh, axis=0)
        row2 = jnp.roll(row, -sh, axis=0)
        take = (mv2 < mv) | ((mv2 == mv) & (row2 < row))
        mv = jnp.where(take, mv2, mv)
        row = jnp.where(take, row2, row)
        sh //= 2

    o_ref[0, 0] = row[0, :]


_tc_argmin_3d = pl.pallas_call(
    _tc_body,
    grid=(B - KSC,),
    in_specs=[pl.BlockSpec((1, D1, D2), lambda i: (i + KSC, 0, 0))],
    out_specs=pl.BlockSpec((1, 1, D2), lambda i: (i, 0, 0)),
    out_shape=jax.ShapeDtypeStruct((B - KSC, 1, D2), jnp.int32),
)


def _tc_argmin(x):
    return _tc_argmin_3d(x)[:, 0, :]

_sc_argmin = _build_sc_argmin()


@jax.jit
def kernel(x):
    sc_out = _sc_argmin(x)
    tc_out = _tc_argmin(x)
    return jnp.concatenate([sc_out, tc_out], axis=0).astype(jnp.int64)

# --- scband reference (transcript-rebuilt; emitter-appended) ---
"""Pipeline reference for scband-model-new-73315091744280 (READ-ONLY COPY).

The authoritative reference and input builder live on the scoring server;
editing this copy changes nothing except your own understanding.
"""

import jax, jax.numpy as jnp
import numpy as np


def setup_inputs(seed: int = 0) -> dict:
    key = jax.random.key(seed)
    x = jax.random.normal(key, (64, 2048, 512), dtype=jnp.float32)
    return {"x": x}


def reference(x):
    # Faithful translation of the custom CUDA argmin kernel: argmin over dim=1
    # of a 3D tensor [batch, dim1, dim2] -> int64 [batch, dim2].
    return jnp.argmin(x, axis=1).astype(jnp.int64)

if __name__ == "__main__":
    import jax
    _d = setup_inputs()
    print(jax.jit(kernel)(*tuple(_d.values())))

</pallas_src>

<mosaic_0001>
#map = affine_map<(d0, d1) -> (0, 0, 0)>
#map1 = affine_map<(d0, d1) -> (0, 0)>
module attributes {stable_mosaic.version = 14 : i64} {
  func.func @sc_argmin(%arg0: i32, %arg1: i32, %arg2: memref<64x2048x512xf32, #tpu.memory_space<hbm>>, %arg3: memref<16x512xi32, #tpu.memory_space<hbm>>, %arg4: memref<2x64x256xf32, #tpu.memory_space<vmem>>, %arg5: memref<256xf32, #tpu.memory_space<vmem>>, %arg6: memref<256xi32, #tpu.memory_space<vmem>>, %arg7: memref<!tpu.dma_semaphore, #tpu.memory_space<semaphore_mem>>, %arg8: memref<!tpu.dma_semaphore, #tpu.memory_space<semaphore_mem>>) attributes {dimension_semantics = [#tpu.dimension_semantics<core_parallel>, #tpu.dimension_semantics<subcore_parallel>], iteration_bounds = array<i64: 2, 16>, scalar_prefetch = 0 : i64, scratch_operands = 5 : i64, tpu.core_type = #tpu.core_type<sc_vector_subcore>, window_params = [{transform_indices = #map}, {transform_indices = #map1}]} {
    %mul3A = arith.constant 2 : i32
    %mul3A_0 = arith.muli %arg1, %mul3A : i32
    %add3A = arith.addi %mul3A_0, %arg0 : i32
    %jit3A = arith.constant 2 : i32
    %div3A = arith.divsi %add3A, %jit3A : i32
    %sign3A = arith.constant 0 : i32
    %sign3A_1 = arith.cmpi sgt, %add3A, %sign3A : i32
    %sign3A_2 = arith.extui %sign3A_1 : i1 to i32
    %sign3A_3 = arith.constant 0 : i32
    %sign3A_4 = arith.cmpi slt, %add3A, %sign3A_3 : i32
    %sign3A_5 = arith.extui %sign3A_4 : i1 to i32
    %sign3A_6 = arith.subi %sign3A_2, %sign3A_5 : i32
    %sign3A_7 = arith.constant 0 : i32
    %sign3A_8 = arith.cmpi sgt, %jit3A, %sign3A_7 : i32
    %sign3A_9 = arith.extui %sign3A_8 : i1 to i32
    %sign3A_10 = arith.constant 0 : i32
    %sign3A_11 = arith.cmpi slt, %jit3A, %sign3A_10 : i32
    %sign3A_12 = arith.extui %sign3A_11 : i1 to i32
    %sign3A_13 = arith.subi %sign3A_9, %sign3A_12 : i32
    %ne3A = arith.cmpi ne, %sign3A_6, %sign3A_13 : i32
    %rem3A = arith.remsi %add3A, %jit3A : i32
    %ne3A_14 = arith.constant 0 : i32
    %ne3A_15 = arith.cmpi ne, %rem3A, %ne3A_14 : i32
    %and3A = arith.andi %ne3A, %ne3A_15 : i1
    %sub3A = arith.constant 1 : i32
    %sub3A_16 = arith.subi %div3A, %sub3A : i32
    %select_n3A = arith.select %and3A, %sub3A_16, %div3A : i32
    %jit3A_17 = arith.constant 2 : i32
    %eq3A = arith.constant 0 : i32
    %eq3A_18 = arith.cmpi eq, %jit3A_17, %eq3A : i32
    %jit3A_19 = arith.constant 1 : i32
    %select_n3A_20 = arith.select %eq3A_18, %jit3A_19, %jit3A_17 : i32
    %rem3A_21 = arith.remsi %add3A, %select_n3A_20 : i32
    %ne3A_22 = arith.constant 0 : i32
    %ne3A_23 = arith.cmpi ne, %rem3A_21, %ne3A_22 : i32
    %lt3A = arith.constant 0 : i32
    %lt3A_24 = arith.cmpi slt, %rem3A_21, %lt3A : i32
    %lt3A_25 = arith.constant 0 : i32
    %lt3A_26 = arith.cmpi slt, %select_n3A_20, %lt3A_25 : i32
    %ne3A_27 = arith.xori %lt3A_24, %lt3A_26 : i1
    %and3A_28 = arith.andi %ne3A_27, %ne3A_23 : i1
    %add3A_29 = arith.addi %rem3A_21, %select_n3A_20 : i32
    %select_n3A_30 = arith.select %and3A_28, %add3A_29, %rem3A_21 : i32
    %mul3A_31 = arith.constant 256 : i32
    %mul3A_32 = arith.muli %select_n3A_30, %mul3A_31 : i32
    %broadcast_in_dim3A = arith.constant 0x7F800000 : f32
    %broadcast_in_dim3A_33 = vector.broadcast %broadcast_in_dim3A : f32 to vector<16xf32>
    %swap3A = arith.constant 0 : index
    %swap3A_34 = tpu.vector_load %arg5[%swap3A] {strides = array<i32>} : memref<256xf32, #tpu.memory_space<vmem>>, vector<16xf32>,
    %swap3A_35 = vector.shape_cast %swap3A_34 : vector<16xf32> to vector<16xf32>
    %swap3A_36 = vector.shape_cast %broadcast_in_dim3A_33 : vector<16xf32> to vector<16xf32>
    tpu.vector_store %arg5[%swap3A], %swap3A_36 {strides = array<i32>} : memref<256xf32, #tpu.memory_space<vmem>>, vector<16xf32>,
    %broadcast_in_dim3A_37 = arith.constant 0 : i32
    %broadcast_in_dim3A_38 = vector.broadcast %broadcast_in_dim3A_37 : i32 to vector<16xi32>
    %swap3A_39 = arith.constant 0 : index
    %swap3A_40 = tpu.vector_load %arg6[%swap3A_39] {strides = array<i32>} : memref<256xi32, #tpu.memory_space<vmem>>, vector<16xi32>,
    %swap3A_41 = vector.shape_cast %swap3A_40 : vector<16xi32> to vector<16xi32>
    %swap3A_42 = vector.shape_cast %broadcast_in_dim3A_38 : vector<16xi32> to vector<16xi32>
    tpu.vector_store %arg6[%swap3A_39], %swap3A_42 {strides = array<i32>} : memref<256xi32, #tpu.memory_space<vmem>>, vector<16xi32>,
    %broadcast_in_dim3A_43 = arith.constant 0x7F800000 : f32
    %broadcast_in_dim3A_44 = vector.broadcast %broadcast_in_dim3A_43 : f32 to vector<16xf32>
    %swap3A_45 = arith.constant 16 : index
    %swap3A_46 = tpu.vector_load %arg5[%swap3A_45] {strides = array<i32>} : memref<256xf32, #tpu.memory_space<vmem>>, vector<16xf32>,
    %swap3A_47 = vector.shape_cast %swap3A_46 : vector<16xf32> to vector<16xf32>
    %swap3A_48 = vector.shape_cast %broadcast_in_dim3A_44 : vector<16xf32> to vector<16xf32>
    tpu.vector_store %arg5[%swap3A_45], %swap3A_48 {strides = array<i32>} : memref<256xf32, #tpu.memory_space<vmem>>, vector<16xf32>,
    %broadcast_in_dim3A_49 = arith.constant 0 : i32
    %broadcast_in_dim3A_50 = vector.broadcast %broadcast_in_dim3A_49 : i32 to vector<16xi32>
    %swap3A_51 = arith.constant 16 : index
    %swap3A_52 = tpu.vector_load %arg6[%swap3A_51] {strides = array<i32>} : memref<256xi32, #tpu.memory_space<vmem>>, vector<16xi32>,
    %swap3A_53 = vector.shape_cast %swap3A_52 : vector<16xi32> to vector<16xi32>
    %swap3A_54 = vector.shape_cast %broadcast_in_dim3A_50 : vector<16xi32> to vector<16xi32>
    tpu.vector_store %arg6[%swap3A_51], %swap3A_54 {strides = array<i32>} : memref<256xi32, #tpu.memory_space<vmem>>, vector<16xi32>,
    %broadcast_in_dim3A_55 = arith.constant 0x7F800000 : f32
    %broadcast_in_dim3A_56 = vector.broadcast %broadcast_in_dim3A_55 : f32 to vector<16xf32>
    %swap3A_57 = arith.constant 32 : index
    %swap3A_58 = tpu.vector_load %arg5[%swap3A_57] {strides = array<i32>} : memref<256xf32, #tpu.memory_space<vmem>>, vector<16xf32>,
    %swap3A_59 = vector.shape_cast %swap3A_58 : vector<16xf32> to vector<16xf32>
    %swap3A_60 = vector.shape_cast %broadcast_in_dim3A_56 : vector<16xf32> to vector<16xf32>
    tpu.vector_store %arg5[%swap3A_57], %swap3A_60 {strides = array<i32>} : memref<256xf32, #tpu.memory_space<vmem>>, vector<16xf32>,
    %broadcast_in_dim3A_61 = arith.constant 0 : i32
    %broadcast_in_dim3A_62 = vector.broadcast %broadcast_in_dim3A_61 : i32 to vector<16xi32>
    %swap3A_63 = arith.constant 32 : index
    %swap3A_64 = tpu.vector_load %arg6[%swap3A_63] {strides = array<i32>} : memref<256xi32, #tpu.memory_space<vmem>>, vector<16xi32>,
    %swap3A_65 = vector.shape_cast %swap3A_64 : vector<16xi32> to vector<16xi32>
    %swap3A_66 = vector.shape_cast %broadcast_in_dim3A_62 : vector<16xi32> to vector<16xi32>
    tpu.vector_store %arg6[%swap3A_63], %swap3A_66 {strides = array<i32>} : memref<256xi32, #tpu.memory_space<vmem>>, vector<16xi32>,
    %broadcast_in_dim3A_67 = arith.constant 0x7F800000 : f32
    %broadcast_in_dim3A_68 = vector.broadcast %broadcast_in_dim3A_67 : f32 to vector<16xf32>
    %swap3A_69 = arith.constant 48 : index
    %swap3A_70 = tpu.vector_load %arg5[%swap3A_69] {strides = array<i32>} : memref<256xf32, #tpu.memory_space<vmem>>, vector<16xf32>,
    %swap3A_71 = vector.shape_cast %swap3A_70 : vector<16xf32> to vector<16xf32>
    %swap3A_72 = vector.shape_cast %broadcast_in_dim3A_68 : vector<16xf32> to vector<16xf32>
    tpu.vector_store %arg5[%swap3A_69], %swap3A_72 {strides = array<i32>} : memref<256xf32, #tpu.memory_space<vmem>>, vector<16xf32>,
    %broadcast_in_dim3A_73 = arith.constant 0 : i32
    %broadcast_in_dim3A_74 = vector.broadcast %broadcast_in_dim3A_73 : i32 to vector<16xi32>
    %swap3A_75 = arith.constant 48 : index
    %swap3A_76 = tpu.vector_load %arg6[%swap3A_75] {strides = array<i32>} : memref<256xi32, #tpu.memory_space<vmem>>, vector<16xi32>,
    %swap3A_77 = vector.shape_cast %swap3A_76 : vector<16xi32> to vector<16xi32>
    %swap3A_78 = vector.shape_cast %broadcast_in_dim3A_74 : vector<16xi32> to vector<16xi32>
    tpu.vector_store %arg6[%swap3A_75], %swap3A_78 {strides = array<i32>} : memref<256xi32, #tpu.memory_space<vmem>>, vector<16xi32>,
    %broadcast_in_dim3A_79 = arith.constant 0x7F800000 : f32
    %broadcast_in_dim3A_80 = vector.broadcast %broadcast_in_dim3A_79 : f32 to vector<16xf32>
    %swap3A_81 = arith.constant 64 : index
    %swap3A_82 = tpu.vector_load %arg5[%swap3A_81] {strides = array<i32>} : memref<256xf32, #tpu.memory_space<vmem>>, vector<16xf32>,
    %swap3A_83 = vector.shape_cast %swap3A_82 : vector<16xf32> to vector<16xf32>
    %swap3A_84 = vector.shape_cast %broadcast_in_dim3A_80 : vector<16xf32> to vector<16xf32>
    tpu.vector_store %arg5[%swap3A_81], %swap3A_84 {strides = array<i32>} : memref<256xf32, #tpu.memory_space<vmem>>, vector<16xf32>,
    %broadcast_in_dim3A_85 = arith.constant 0 : i32
    %broadcast_in_dim3A_86 = vector.broadcast %broadcast_in_dim3A_85 : i32 to vector<16xi32>
    %swap3A_87 = arith.constant 64 : index
    %swap3A_88 = tpu.vector_load %arg6[%swap3A_87] {strides = array<i32>} : memref<256xi32, #tpu.memory_space<vmem>>, vector<16xi32>,
    %swap3A_89 = vector.shape_cast %swap3A_88 : vector<16xi32> to vector<16xi32>
    %swap3A_90 = vector.shape_cast %broadcast_in_dim3A_86 : vector<16xi32> to vector<16xi32>
    tpu.vector_store %arg6[%swap3A_87], %swap3A_90 {strides = array<i32>} : memref<256xi32, #tpu.memory_space<vmem>>, vector<16xi32>,
    %broadcast_in_dim3A_91 = arith.constant 0x7F800000 : f32
    %broadcast_in_dim3A_92 = vector.broadcast %broadcast_in_dim3A_91 : f32 to vector<16xf32>
    %swap3A_93 = arith.constant 80 : index
    %swap3A_94 = tpu.vector_load %arg5[%swap3A_93] {strides = array<i32>} : memref<256xf32, #tpu.memory_space<vmem>>, vector<16xf32>,
    %swap3A_95 = vector.shape_cast %swap3A_94 : vector<16xf32> to vector<16xf32>
    %swap3A_96 = vector.shape_cast %broadcast_in_dim3A_92 : vector<16xf32> to vector<16xf32>
    tpu.vector_store %arg5[%swap3A_93], %swap3A_96 {strides = array<i32>} : memref<256xf32, #tpu.memory_space<vmem>>, vector<16xf32>,
    %broadcast_in_dim3A_97 = arith.constant 0 : i32
    %broadcast_in_dim3A_98 = vector.broadcast %broadcast_in_dim3A_97 : i32 to vector<16xi32>
    %swap3A_99 = arith.constant 80 : index
    %swap3A_100 = tpu.vector_load %arg6[%swap3A_99] {strides = array<i32>} : memref<256xi32, #tpu.memory_space<vmem>>, vector<16xi32>,
    %swap3A_101 = vector.shape_cast %swap3A_100 : vector<16xi32> to vector<16xi32>
    %swap3A_102 = vector.shape_cast %broadcast_in_dim3A_98 : vector<16xi32> to vector<16xi32>
    tpu.vector_store %arg6[%swap3A_99], %swap3A_102 {strides = array<i32>} : memref<256xi32, #tpu.memory_space<vmem>>, vector<16xi32>,
    %broadcast_in_dim3A_103 = arith.constant 0x7F800000 : f32
    %broadcast_in_dim3A_104 = vector.broadcast %broadcast_in_dim3A_103 : f32 to vector<16xf32>
    %swap3A_105 = arith.constant 96 : index
    %swap3A_106 = tpu.vector_load %arg5[%swap3A_105] {strides = array<i32>} : memref<256xf32, #tpu.memory_space<vmem>>, vector<16xf32>,
    %swap3A_107 = vector.shape_cast %swap3A_106 : vector<16xf32> to vector<16xf32>
    %swap3A_108 = vector.shape_cast %broadcast_in_dim3A_104 : vector<16xf32> to vector<16xf32>
    tpu.vector_store %arg5[%swap3A_105], %swap3A_108 {strides = array<i32>} : memref<256xf32, #tpu.memory_space<vmem>>, vector<16xf32>,
    %broadcast_in_dim3A_109 = arith.constant 0 : i32
    %broadcast_in_dim3A_110 = vector.broadcast %broadcast_in_dim3A_109 : i32 to vector<16xi32>
    %swap3A_111 = arith.constant 96 : index
    %swap3A_112 = tpu.vector_load %arg6[%swap3A_111] {strides = array<i32>} : memref<256xi32, #tpu.memory_space<vmem>>, vector<16xi32>,
    %swap3A_113 = vector.shape_cast %swap3A_112 : vector<16xi32> to vector<16xi32>
    %swap3A_114 = vector.shape_cast %broadcast_in_dim3A_110 : vector<16xi32> to vector<16xi32>
    tpu.vector_store %arg6[%swap3A_111], %swap3A_114 {strides = array<i32>} : memref<256xi32, #tpu.memory_space<vmem>>, vector<16xi32>,
    %broadcast_in_dim3A_115 = arith.constant 0x7F800000 : f32
    %broadcast_in_dim3A_116 = vector.broadcast %broadcast_in_dim3A_115 : f32 to vector<16xf32>
    %swap3A_117 = arith.constant 112 : index
    %swap3A_118 = tpu.vector_load %arg5[%swap3A_117] {strides = array<i32>} : memref<256xf32, #tpu.memory_space<vmem>>, vector<16xf32>,
    %swap3A_119 = vector.shape_cast %swap3A_118 : vector<16xf32> to vector<16xf32>
    %swap3A_120 = vector.shape_cast %broadcast_in_dim3A_116 : vector<16xf32> to vector<16xf32>
    tpu.vector_store %arg5[%swap3A_117], %swap3A_120 {strides = array<i32>} : memref<256xf32, #tpu.memory_space<vmem>>, vector<16xf32>,
    %broadcast_in_dim3A_121 = arith.constant 0 : i32
    %broadcast_in_dim3A_122 = vector.broadcast %broadcast_in_dim3A_121 : i32 to vector<16xi32>
    %swap3A_123 = arith.constant 112 : index
    %swap3A_124 = tpu.vector_load %arg6[%swap3A_123] {strides = array<i32>} : memref<256xi32, #tpu.memory_space<vmem>>, vector<16xi32>,
    %swap3A_125 = vector.shape_cast %swap3A_124 : vector<16xi32> to vector<16xi32>
    %swap3A_126 = vector.shape_cast %broadcast_in_dim3A_122 : vector<16xi32> to vector<16xi32>
    tpu.vector_store %arg6[%swap3A_123], %swap3A_126 {strides = array<i32>} : memref<256xi32, #tpu.memory_space<vmem>>, vector<16xi32>,
    %broadcast_in_dim3A_127 = arith.constant 0x7F800000 : f32
    %broadcast_in_dim3A_128 = vector.broadcast %broadcast_in_dim3A_127 : f32 to vector<16xf32>
    %swap3A_129 = arith.constant 128 : index
    %swap3A_130 = tpu.vector_load %arg5[%swap3A_129] {strides = array<i32>} : memref<256xf32, #tpu.memory_space<vmem>>, vector<16xf32>,
    %swap3A_131 = vector.shape_cast %swap3A_130 : vector<16xf32> to vector<16xf32>
    %swap3A_132 = vector.shape_cast %broadcast_in_dim3A_128 : vector<16xf32> to vector<16xf32>
    tpu.vector_store %arg5[%swap3A_129], %swap3A_132 {strides = array<i32>} : memref<256xf32, #tpu.memory_space<vmem>>, vector<16xf32>,
    %broadcast_in_dim3A_133 = arith.constant 0 : i32
    %broadcast_in_dim3A_134 = vector.broadcast %broadcast_in_dim3A_133 : i32 to vector<16xi32>
    %swap3A_135 = arith.constant 128 : index
    %swap3A_136 = tpu.vector_load %arg6[%swap3A_135] {strides = array<i32>} : memref<256xi32, #tpu.memory_space<vmem>>, vector<16xi32>,
    %swap3A_137 = vector.shape_cast %swap3A_136 : vector<16xi32> to vector<16xi32>
    %swap3A_138 = vector.shape_cast %broadcast_in_dim3A_134 : vector<16xi32> to vector<16xi32>
    tpu.vector_store %arg6[%swap3A_135], %swap3A_138 {strides = array<i32>} : memref<256xi32, #tpu.memory_space<vmem>>, vector<16xi32>,
    %broadcast_in_dim3A_139 = arith.constant 0x7F800000 : f32
    %broadcast_in_dim3A_140 = vector.broadcast %broadcast_in_dim3A_139 : f32 to vector<16xf32>
    %swap3A_141 = arith.constant 144 : index
    %swap3A_142 = tpu.vector_load %arg5[%swap3A_141] {strides = array<i32>} : memref<256xf32, #tpu.memory_space<vmem>>, vector<16xf32>,
    %swap3A_143 = vector.shape_cast %swap3A_142 : vector<16xf32> to vector<16xf32>
    %swap3A_144 = vector.shape_cast %broadcast_in_dim3A_140 : vector<16xf32> to vector<16xf32>
    tpu.vector_store %arg5[%swap3A_141], %swap3A_144 {strides = array<i32>} : memref<256xf32, #tpu.memory_space<vmem>>, vector<16xf32>,
    %broadcast_in_dim3A_145 = arith.constant 0 : i32
    %broadcast_in_dim3A_146 = vector.broadcast %broadcast_in_dim3A_145 : i32 to vector<16xi32>
    %swap3A_147 = arith.constant 144 : index
    %swap3A_148 = tpu.vector_load %arg6[%swap3A_147] {strides = array<i32>} : memref<256xi32, #tpu.memory_space<vmem>>, vector<16xi32>,
    %swap3A_149 = vector.shape_cast %swap3A_148 : vector<16xi32> to vector<16xi32>
    %swap3A_150 = vector.shape_cast %broadcast_in_dim3A_146 : vector<16xi32> to vector<16xi32>
    tpu.vector_store %arg6[%swap3A_147], %swap3A_150 {strides = array<i32>} : memref<256xi32, #tpu.memory_space<vmem>>, vector<16xi32>,
    %broadcast_in_dim3A_151 = arith.constant 0x7F800000 : f32
    %broadcast_in_dim3A_152 = vector.broadcast %broadcast_in_dim3A_151 : f32 to vector<16xf32>
    %swap3A_153 = arith.constant 160 : index
    %swap3A_154 = tpu.vector_load %arg5[%swap3A_153] {strides = array<i32>} : memref<256xf32, #tpu.memory_space<vmem>>, vector<16xf32>,
    %swap3A_155 = vector.shape_cast %swap3A_154 : vector<16xf32> to vector<16xf32>
    %swap3A_156 = vector.shape_cast %broadcast_in_dim3A_152 : vector<16xf32> to vector<16xf32>
    tpu.vector_store %arg5[%swap3A_153], %swap3A_156 {strides = array<i32>} : memref<256xf32, #tpu.memory_space<vmem>>, vector<16xf32>,
    %broadcast_in_dim3A_157 = arith.constant 0 : i32
    %broadcast_in_dim3A_158 = vector.broadcast %broadcast_in_dim3A_157 : i32 to vector<16xi32>
    %swap3A_159 = arith.constant 160 : index
    %swap3A_160 = tpu.vector_load %arg6[%swap3A_159] {strides = array<i32>} : memref<256xi32, #tpu.memory_space<vmem>>, vector<16xi32>,
    %swap3A_161 = vector.shape_cast %swap3A_160 : vector<16xi32> to vector<16xi32>
    %swap3A_162 = vector.shape_cast %broadcast_in_dim3A_158 : vector<16xi32> to vector<16xi32>
    tpu.vector_store %arg6[%swap3A_159], %swap3A_162 {strides = array<i32>} : memref<256xi32, #tpu.memory_space<vmem>>, vector<16xi32>,
    %broadcast_in_dim3A_163 = arith.constant 0x7F800000 : f32
    %broadcast_in_dim3A_164 = vector.broadcast %broadcast_in_dim3A_163 : f32 to vector<16xf32>
    %swap3A_165 = arith.constant 176 : index
    %swap3A_166 = tpu.vector_load %arg5[%swap3A_165] {strides = array<i32>} : memref<256xf32, #tpu.memory_space<vmem>>, vector<16xf32>,
    %swap3A_167 = vector.shape_cast %swap3A_166 : vector<16xf32> to vector<16xf32>
    %swap3A_168 = vector.shape_cast %broadcast_in_dim3A_164 : vector<16xf32> to vector<16xf32>
    tpu.vector_store %arg5[%swap3A_165], %swap3A_168 {strides = array<i32>} : memref<256xf32, #tpu.memory_space<vmem>>, vector<16xf32>,
    %broadcast_in_dim3A_169 = arith.constant 0 : i32
    %broadcast_in_dim3A_170 = vector.broadcast %broadcast_in_dim3A_169 : i32 to vector<16xi32>
    %swap3A_171 = arith.constant 176 : index
    %swap3A_172 = tpu.vector_load %arg6[%swap3A_171] {strides = array<i32>} : memref<256xi32, #tpu.memory_space<vmem>>, vector<16xi32>,
    %swap3A_173 = vector.shape_cast %swap3A_172 : vector<16xi32> to vector<16xi32>
    %swap3A_174 = vector.shape_cast %broadcast_in_dim3A_170 : vector<16xi32> to vector<16xi32>
    tpu.vector_store %arg6[%swap3A_171], %swap3A_174 {strides = array<i32>} : memref<256xi32, #tpu.memory_space<vmem>>, vector<16xi32>,
    %broadcast_in_dim3A_175 = arith.constant 0x7F800000 : f32
    %broadcast_in_dim3A_176 = vector.broadcast %broadcast_in_dim3A_175 : f32 to vector<16xf32>
    %swap3A_177 = arith.constant 192 : index
    %swap3A_178 = tpu.vector_load %arg5[%swap3A_177] {strides = array<i32>} : memref<256xf32, #tpu.memory_space<vmem>>, vector<16xf32>,
    %swap3A_179 = vector.shape_cast %swap3A_178 : vector<16xf32> to vector<16xf32>
    %swap3A_180 = vector.shape_cast %broadcast_in_dim3A_176 : vector<16xf32> to vector<16xf32>
    tpu.vector_store %arg5[%swap3A_177], %swap3A_180 {strides = array<i32>} : memref<256xf32, #tpu.memory_space<vmem>>, vector<16xf32>,
    %broadcast_in_dim3A_181 = arith.constant 0 : i32
    %broadcast_in_dim3A_182 = vector.broadcast %broadcast_in_dim3A_181 : i32 to vector<16xi32>
    %swap3A_183 = arith.constant 192 : index
    %swap3A_184 = tpu.vector_load %arg6[%swap3A_183] {strides = array<i32>} : memref<256xi32, #tpu.memory_space<vmem>>, vector<16xi32>,
    %swap3A_185 = vector.shape_cast %swap3A_184 : vector<16xi32> to vector<16xi32>
    %swap3A_186 = vector.shape_cast %broadcast_in_dim3A_182 : vector<16xi32> to vector<16xi32>
    tpu.vector_store %arg6[%swap3A_183], %swap3A_186 {strides = array<i32>} : memref<256xi32, #tpu.memory_space<vmem>>, vector<16xi32>,
    %broadcast_in_dim3A_187 = arith.constant 0x7F800000 : f32
    %broadcast_in_dim3A_188 = vector.broadcast %broadcast_in_dim3A_187 : f32 to vector<16xf32>
    %swap3A_189 = arith.constant 208 : index
    %swap3A_190 = tpu.vector_load %arg5[%swap3A_189] {strides = array<i32>} : memref<256xf32, #tpu.memory_space<vmem>>, vector<16xf32>,
    %swap3A_191 = vector.shape_cast %swap3A_190 : vector<16xf32> to vector<16xf32>
    %swap3A_192 = vector.shape_cast %broadcast_in_dim3A_188 : vector<16xf32> to vector<16xf32>
    tpu.vector_store %arg5[%swap3A_189], %swap3A_192 {strides = array<i32>} : memref<256xf32, #tpu.memory_space<vmem>>, vector<16xf32>,
    %broadcast_in_dim3A_193 = arith.constant 0 : i32
    %broadcast_in_dim3A_194 = vector.broadcast %broadcast_in_dim3A_193 : i32 to vector<16xi32>
    %swap3A_195 = arith.constant 208 : index
    %swap3A_196 = tpu.vector_load %arg6[%swap3A_195] {strides = array<i32>} : memref<256xi32, #tpu.memory_space<vmem>>, vector<16xi32>,
    %swap3A_197 = vector.shape_cast %swap3A_196 : vector<16xi32> to vector<16xi32>
    %swap3A_198 = vector.shape_cast %broadcast_in_dim3A_194 : vector<16xi32> to vector<16xi32>
    tpu.vector_store %arg6[%swap3A_195], %swap3A_198 {strides = array<i32>} : memref<256xi32, #tpu.memory_space<vmem>>, vector<16xi32>,
    %broadcast_in_dim3A_199 = arith.constant 0x7F800000 : f32
    %broadcast_in_dim3A_200 = vector.broadcast %broadcast_in_dim3A_199 : f32 to vector<16xf32>
    %swap3A_201 = arith.constant 224 : index
    %swap3A_202 = tpu.vector_load %arg5[%swap3A_201] {strides = array<i32>} : memref<256xf32, #tpu.memory_space<vmem>>, vector<16xf32>,
    %swap3A_203 = vector.shape_cast %swap3A_202 : vector<16xf32> to vector<16xf32>
    %swap3A_204 = vector.shape_cast %broadcast_in_dim3A_200 : vector<16xf32> to vector<16xf32>
    tpu.vector_store %arg5[%swap3A_201], %swap3A_204 {strides = array<i32>} : memref<256xf32, #tpu.memory_space<vmem>>, vector<16xf32>,
    %broadcast_in_dim3A_205 = arith.constant 0 : i32
    %broadcast_in_dim3A_206 = vector.broadcast %broadcast_in_dim3A_205 : i32 to vector<16xi32>
    %swap3A_207 = arith.constant 224 : index
    %swap3A_208 = tpu.vector_load %arg6[%swap3A_207] {strides = array<i32>} : memref<256xi32, #tpu.memory_space<vmem>>, vector<16xi32>,
    %swap3A_209 = vector.shape_cast %swap3A_208 : vector<16xi32> to vector<16xi32>
    %swap3A_210 = vector.shape_cast %broadcast_in_dim3A_206 : vector<16xi32> to vector<16xi32>
    tpu.vector_store %arg6[%swap3A_207], %swap3A_210 {strides = array<i32>} : memref<256xi32, #tpu.memory_space<vmem>>, vector<16xi32>,
    %broadcast_in_dim3A_211 = arith.constant 0x7F800000 : f32
    %broadcast_in_dim3A_212 = vector.broadcast %broadcast_in_dim3A_211 : f32 to vector<16xf32>
    %swap3A_213 = arith.constant 240 : index
    %swap3A_214 = tpu.vector_load %arg5[%swap3A_213] {strides = array<i32>} : memref<256xf32, #tpu.memory_space<vmem>>, vector<16xf32>,
    %swap3A_215 = vector.shape_cast %swap3A_214 : vector<16xf32> to vector<16xf32>
    %swap3A_216 = vector.shape_cast %broadcast_in_dim3A_212 : vector<16xf32> to vector<16xf32>
    tpu.vector_store %arg5[%swap3A_213], %swap3A_216 {strides = array<i32>} : memref<256xf32, #tpu.memory_space<vmem>>, vector<16xf32>,
    %broadcast_in_dim3A_217 = arith.constant 0 : i32
    %broadcast_in_dim3A_218 = vector.broadcast %broadcast_in_dim3A_217 : i32 to vector<16xi32>
    %swap3A_219 = arith.constant 240 : index
    %swap3A_220 = tpu.vector_load %arg6[%swap3A_219] {strides = array<i32>} : memref<256xi32, #tpu.memory_space<vmem>>, vector<16xi32>,
    %swap3A_221 = vector.shape_cast %swap3A_220 : vector<16xi32> to vector<16xi32>
    %swap3A_222 = vector.shape_cast %broadcast_in_dim3A_218 : vector<16xi32> to vector<16xi32>
    tpu.vector_store %arg6[%swap3A_219], %swap3A_222 {strides = array<i32>} : memref<256xi32, #tpu.memory_space<vmem>>, vector<16xi32>,
    %dma_start3A = arith.constant 0 : i32
    %dma_start3A_223 = arith.constant 0 : i32
    %dma_start3A_224 = arith.constant 0 : i32
    %dma_start3A_225 = tpu.memref_slice %arg4[%dma_start3A, %dma_start3A_223, %dma_start3A_224] : memref<2x64x256xf32, #tpu.memory_space<vmem>> -> memref<1x64x256xf32, #tpu.memory_space<vmem>>
    %dma_start3A_226 = tpu.memref_squeeze %dma_start3A_225 : memref<1x64x256xf32, #tpu.memory_space<vmem>> -> memref<64x256xf32, #tpu.memory_space<vmem>>
    %dma_start3A_227 = arith.constant 0 : i32
    %dma_start3A_228 = tpu.memref_slice %arg2[%select_n3A, %dma_start3A_227, %mul3A_32] : memref<64x2048x512xf32, #tpu.memory_space<hbm>> -> memref<1x64x256xf32, #tpu.memory_space<hbm>>
    %dma_start3A_229 = tpu.memref_squeeze %dma_start3A_228 : memref<1x64x256xf32, #tpu.memory_space<hbm>> -> memref<64x256xf32, #tpu.memory_space<hbm>>
    %dma_start3A_230 = arith.constant 0 : i32
    %dma_start3A_231 = arith.constant 0 : i32
    %dma_start3A_232 = tpu.memref_slice %arg4[%dma_start3A, %dma_start3A_230, %dma_start3A_231] : memref<2x64x256xf32, #tpu.memory_space<vmem>> -> memref<1x64x256xf32, #tpu.memory_space<vmem>>
    %dma_start3A_233 = tpu.memref_squeeze %dma_start3A_232 : memref<1x64x256xf32, #tpu.memory_space<vmem>> -> memref<64x256xf32, #tpu.memory_space<vmem>>
    %dma_start3A_234 = arith.constant 0 : i32
    %dma_start3A_235 = tpu.memref_slice %arg2[%select_n3A, %dma_start3A_234, %mul3A_32] : memref<64x2048x512xf32, #tpu.memory_space<hbm>> -> memref<1x64x256xf32, #tpu.memory_space<hbm>>
    %dma_start3A_236 = tpu.memref_squeeze %dma_start3A_235 : memref<1x64x256xf32, #tpu.memory_space<hbm>> -> memref<64x256xf32, #tpu.memory_space<hbm>>
    tpu.enqueue_dma source(%dma_start3A_236 : memref<64x256xf32, #tpu.memory_space<hbm>>) target(%dma_start3A_233 : memref<64x256xf32, #tpu.memory_space<vmem>>) target_semaphore(%arg7 : memref<!tpu.dma_semaphore, #tpu.memory_space<semaphore_mem>>)
    %scan3A = arith.constant 0 : i32
    %scan3A_237 = arith.constant 0 : i32
    %scan3A_238 = arith.constant 16 : i32
    %scan3A_239 = arith.addi %scan3A_237, %scan3A_238 : i32
    %scan3A_240 = arith.constant 1 : i32
    %scan3A_241 = scf.for %scan3A_243 = %scan3A_237 to %scan3A_239 step %scan3A_240 iter_args(%scan3A_244 = %scan3A) -> (i32)  : i32 {
      %mul3A_245 = arith.constant 2 : i32
      %mul3A_246 = arith.muli %scan3A_243, %mul3A_245 : i32
      %add3A_247 = arith.constant 1 : i32
      %add3A_248 = arith.addi %mul3A_246, %add3A_247 : i32
      %mul3A_249 = arith.constant 64 : i32
      %mul3A_250 = arith.muli %add3A_248, %mul3A_249 : i32
      %dma_start3A_251 = arith.constant 1 : i32
      %dma_start3A_252 = arith.constant 0 : i32
      %dma_start3A_253 = arith.constant 0 : i32
      %dma_start3A_254 = tpu.memref_slice %arg4[%dma_start3A_251, %dma_start3A_252, %dma_start3A_253] : memref<2x64x256xf32, #tpu.memory_space<vmem>> -> memref<1x64x256xf32, #tpu.memory_space<vmem>>
      %dma_start3A_255 = tpu.memref_squeeze %dma_start3A_254 : memref<1x64x256xf32, #tpu.memory_space<vmem>> -> memref<64x256xf32, #tpu.memory_space<vmem>>
      %dma_start3A_256 = tpu.memref_slice %arg2[%select_n3A, %mul3A_250, %mul3A_32] : memref<64x2048x512xf32, #tpu.memory_space<hbm>> -> memref<1x64x256xf32, #tpu.memory_space<hbm>>
      %dma_start3A_257 = tpu.memref_squeeze %dma_start3A_256 : memref<1x64x256xf32, #tpu.memory_space<hbm>> -> memref<64x256xf32, #tpu.memory_space<hbm>>
      %dma_start3A_258 = arith.constant 0 : i32
      %dma_start3A_259 = arith.constant 0 : i32
      %dma_start3A_260 = tpu.memref_slice %arg4[%dma_start3A_251, %dma_start3A_258, %dma_start3A_259] : memref<2x64x256xf32, #tpu.memory_space<vmem>> -> memref<1x64x256xf32, #tpu.memory_space<vmem>>
      %dma_start3A_261 = tpu.memref_squeeze %dma_start3A_260 : memref<1x64x256xf32, #tpu.memory_space<vmem>> -> memref<64x256xf32, #tpu.memory_space<vmem>>
      %dma_start3A_262 = tpu.memref_slice %arg2[%select_n3A, %mul3A_250, %mul3A_32] : memref<64x2048x512xf32, #tpu.memory_space<hbm>> -> memref<1x64x256xf32, #tpu.memory_space<hbm>>
      %dma_start3A_263 = tpu.memref_squeeze %dma_start3A_262 : memref<1x64x256xf32, #tpu.memory_space<hbm>> -> memref<64x256xf32, #tpu.memory_space<hbm>>
      tpu.enqueue_dma source(%dma_start3A_263 : memref<64x256xf32, #tpu.memory_space<hbm>>) target(%dma_start3A_261 : memref<64x256xf32, #tpu.memory_space<vmem>>) target_semaphore(%arg8 : memref<!tpu.dma_semaphore, #tpu.memory_space<semaphore_mem>>)
      %mul3A_264 = arith.constant 64 : i32
      %mul3A_265 = arith.muli %mul3A_246, %mul3A_264 : i32
      %dma_wait3A = arith.constant 0 : i32
      %dma_wait3A_266 = arith.constant 0 : i32
      %dma_wait3A_267 = arith.constant 0 : i32
      %dma_wait3A_268 = tpu.memref_slice %arg4[%dma_wait3A, %dma_wait3A_266, %dma_wait3A_267] : memref<2x64x256xf32, #tpu.memory_space<vmem>> -> memref<1x64x256xf32, #tpu.memory_space<vmem>>
      %dma_wait3A_269 = tpu.memref_squeeze %dma_wait3A_268 : memref<1x64x256xf32, #tpu.memory_space<vmem>> -> memref<64x256xf32, #tpu.memory_space<vmem>>
      %dma_wait3A_270 = tpu.memref_slice %arg2[%select_n3A, %mul3A_265, %mul3A_32] : memref<64x2048x512xf32, #tpu.memory_space<hbm>> -> memref<1x64x256xf32, #tpu.memory_space<hbm>>
      %dma_wait3A_271 = tpu.memref_squeeze %dma_wait3A_270 : memref<1x64x256xf32, #tpu.memory_space<hbm>> -> memref<64x256xf32, #tpu.memory_space<hbm>>
      %dma_wait3A_272 = arith.constant 0 : i32
      %dma_wait3A_273 = arith.constant 0 : i32
      %dma_wait3A_274 = tpu.memref_slice %arg4[%dma_wait3A, %dma_wait3A_272, %dma_wait3A_273] : memref<2x64x256xf32, #tpu.memory_space<vmem>> -> memref<1x64x256xf32, #tpu.memory_space<vmem>>
      %dma_wait3A_275 = tpu.memref_squeeze %dma_wait3A_274 : memref<1x64x256xf32, #tpu.memory_space<vmem>> -> memref<64x256xf32, #tpu.memory_space<vmem>>
      %dma_wait3A_276 = tpu.memref_slice %arg2[%select_n3A, %mul3A_265, %mul3A_32] : memref<64x2048x512xf32, #tpu.memory_space<hbm>> -> memref<1x64x256xf32, #tpu.memory_space<hbm>>
      %dma_wait3A_277 = tpu.memref_squeeze %dma_wait3A_276 : memref<1x64x256xf32, #tpu.memory_space<hbm>> -> memref<64x256xf32, #tpu.memory_space<hbm>>
      tpu.wait_dma2 semaphore(%arg7 : memref<!tpu.dma_semaphore, #tpu.memory_space<semaphore_mem>>) src(%dma_wait3A_277 : memref<64x256xf32, #tpu.memory_space<hbm>>) dst(%dma_wait3A_275 : memref<64x256xf32, #tpu.memory_space<vmem>>)
      %mul3A_278 = arith.constant 64 : i32
      %mul3A_279 = arith.muli %mul3A_246, %mul3A_278 : i32
      %broadcast_in_dim3A_280 = vector.broadcast %mul3A_279 : i32 to vector<16xi32>
      %get3A = arith.constant 0 : index
      %get3A_281 = tpu.vector_load %arg5[%get3A] {strides = array<i32>} : memref<256xf32, #tpu.memory_space<vmem>>, vector<16xf32>,
      %get3A_282 = vector.shape_cast %get3A_281 : vector<16xf32> to vector<16xf32>
      %get3A_283 = arith.constant 0 : index
      %get3A_284 = tpu.vector_load %arg6[%get3A_283] {strides = array<i32>} : memref<256xi32, #tpu.memory_space<vmem>>, vector<16xi32>,
      %get3A_285 = vector.shape_cast %get3A_284 : vector<16xi32> to vector<16xi32>
      %scan3A_286 = arith.constant 0 : i32
      %scan3A_287 = arith.constant 64 : i32
      %scan3A_288 = arith.addi %scan3A_286, %scan3A_287 : i32
      %scan3A_289 = arith.constant 8 : i32
      %scan3A_290:3 = scf.for %scan3A_948 = %scan3A_286 to %scan3A_288 step %scan3A_289 iter_args(%scan3A_949 = %get3A_282, %scan3A_950 = %get3A_285, %scan3A_951 = %broadcast_in_dim3A_280) -> (vector<16xf32>, vector<16xi32>, vector<16xi32>)  : i32 {
        %get3A_952 = arith.constant 0 : i32
        %get3A_953 = arith.index_cast %get3A_952 : i32 to index
        %get3A_954 = arith.index_cast %scan3A_948 : i32 to index
        %get3A_955 = arith.constant 0 : index
        %get3A_956 = tpu.vector_load %arg4[%get3A_953, %get3A_954, %get3A_955] {strides = array<i32>} : memref<2x64x256xf32, #tpu.memory_space<vmem>>, vector<1x1x16xf32>,
        %get3A_957 = vector.shape_cast %get3A_956 : vector<1x1x16xf32> to vector<16xf32>
        %lt3A_958 = arith.cmpf olt, %get3A_957, %scan3A_949 : vector<16xf32>
        %select_n3A_959 = arith.select %lt3A_958, %get3A_957, %scan3A_949 : vector<16xi1>, vector<16xf32>
        %select_n3A_960 = arith.select %lt3A_958, %scan3A_951, %scan3A_950 : vector<16xi1>, vector<16xi32>
        %add3A_961 = arith.constant 1 : i32
        %add3A_962 = vector.broadcast %add3A_961 : i32 to vector<16xi32>
        %add3A_963 = arith.addi %scan3A_951, %add3A_962 : vector<16xi32>
        %scan3A_964 = arith.constant 1 : i32
        %scan3A_965 = arith.addi %scan3A_948, %scan3A_964 : i32
        %get3A_966 = arith.constant 0 : i32
        %get3A_967 = arith.index_cast %get3A_966 : i32 to index
        %get3A_968 = arith.index_cast %scan3A_965 : i32 to index
        %get3A_969 = arith.constant 0 : index
        %get3A_970 = tpu.vector_load %arg4[%get3A_967, %get3A_968, %get3A_969] {strides = array<i32>} : memref<2x64x256xf32, #tpu.memory_space<vmem>>, vector<1x1x16xf32>,
        %get3A_971 = vector.shape_cast %get3A_970 : vector<1x1x16xf32> to vector<16xf32>
        %lt3A_972 = arith.cmpf olt, %get3A_971, %select_n3A_959 : vector<16xf32>
        %select_n3A_973 = arith.select %lt3A_972, %get3A_971, %select_n3A_959 : vector<16xi1>, vector<16xf32>
        %select_n3A_974 = arith.select %lt3A_972, %add3A_963, %select_n3A_960 : vector<16xi1>, vector<16xi32>
        %add3A_975 = arith.constant 1 : i32
        %add3A_976 = vector.broadcast %add3A_975 : i32 to vector<16xi32>
        %add3A_977 = arith.addi %add3A_963, %add3A_976 : vector<16xi32>
        %scan3A_978 = arith.constant 2 : i32
        %scan3A_979 = arith.addi %scan3A_948, %scan3A_978 : i32
        %get3A_980 = arith.constant 0 : i32
        %get3A_981 = arith.index_cast %get3A_980 : i32 to index
        %get3A_982 = arith.index_cast %scan3A_979 : i32 to index
        %get3A_983 = arith.constant 0 : index
        %get3A_984 = tpu.vector_load %arg4[%get3A_981, %get3A_982, %get3A_983] {strides = array<i32>} : memref<2x64x256xf32, #tpu.memory_space<vmem>>, vector<1x1x16xf32>,
        %get3A_985 = vector.shape_cast %get3A_984 : vector<1x1x16xf32> to vector<16xf32>
        %lt3A_986 = arith.cmpf olt, %get3A_985, %select_n3A_973 : vector<16xf32>
        %select_n3A_987 = arith.select %lt3A_986, %get3A_985, %select_n3A_973 : vector<16xi1>, vector<16xf32>
        %select_n3A_988 = arith.select %lt3A_986, %add3A_977, %select_n3A_974 : vector<16xi1>, vector<16xi32>
        %add3A_989 = arith.constant 1 : i32
        %add3A_990 = vector.broadcast %add3A_989 : i32 to vector<16xi32>
        %add3A_991 = arith.addi %add3A_977, %add3A_990 : vector<16xi32>
        %scan3A_992 = arith.constant 3 : i32
        %scan3A_993 = arith.addi %scan3A_948, %scan3A_992 : i32
        %get3A_994 = arith.constant 0 : i32
        %get3A_995 = arith.index_cast %get3A_994 : i32 to index
        %get3A_996 = arith.index_cast %scan3A_993 : i32 to index
        %get3A_997 = arith.constant 0 : index
        %get3A_998 = tpu.vector_load %arg4[%get3A_995, %get3A_996, %get3A_997] {strides = array<i32>} : memref<2x64x256xf32, #tpu.memory_space<vmem>>, vector<1x1x16xf32>,
        %get3A_999 = vector.shape_cast %get3A_998 : vector<1x1x16xf32> to vector<16xf32>
        %lt3A_1000 = arith.cmpf olt, %get3A_999, %select_n3A_987 : vector<16xf32>
        %select_n3A_1001 = arith.select %lt3A_1000, %get3A_999, %select_n3A_987 : vector<16xi1>, vector<16xf32>
        %select_n3A_1002 = arith.select %lt3A_1000, %add3A_991, %select_n3A_988 : vector<16xi1>, vector<16xi32>
        %add3A_1003 = arith.constant 1 : i32
        %add3A_1004 = vector.broadcast %add3A_1003 : i32 to vector<16xi32>
        %add3A_1005 = arith.addi %add3A_991, %add3A_1004 : vector<16xi32>
        %scan3A_1006 = arith.constant 4 : i32
        %scan3A_1007 = arith.addi %scan3A_948, %scan3A_1006 : i32
        %get3A_1008 = arith.constant 0 : i32
        %get3A_1009 = arith.index_cast %get3A_1008 : i32 to index
        %get3A_1010 = arith.index_cast %scan3A_1007 : i32 to index
        %get3A_1011 = arith.constant 0 : index
        %get3A_1012 = tpu.vector_load %arg4[%get3A_1009, %get3A_1010, %get3A_1011] {strides = array<i32>} : memref<2x64x256xf32, #tpu.memory_space<vmem>>, vector<1x1x16xf32>,
        %get3A_1013 = vector.shape_cast %get3A_1012 : vector<1x1x16xf32> to vector<16xf32>
        %lt3A_1014 = arith.cmpf olt, %get3A_1013, %select_n3A_1001 : vector<16xf32>
        %select_n3A_1015 = arith.select %lt3A_1014, %get3A_1013, %select_n3A_1001 : vector<16xi1>, vector<16xf32>
        %select_n3A_1016 = arith.select %lt3A_1014, %add3A_1005, %select_n3A_1002 : vector<16xi1>, vector<16xi32>
        %add3A_1017 = arith.constant 1 : i32
        %add3A_1018 = vector.broadcast %add3A_1017 : i32 to vector<16xi32>
        %add3A_1019 = arith.addi %add3A_1005, %add3A_1018 : vector<16xi32>
        %scan3A_1020 = arith.constant 5 : i32
        %scan3A_1021 = arith.addi %scan3A_948, %scan3A_1020 : i32
        %get3A_1022 = arith.constant 0 : i32
        %get3A_1023 = arith.index_cast %get3A_1022 : i32 to index
        %get3A_1024 = arith.index_cast %scan3A_1021 : i32 to index
        %get3A_1025 = arith.constant 0 : index
        %get3A_1026 = tpu.vector_load %arg4[%get3A_1023, %get3A_1024, %get3A_1025] {strides = array<i32>} : memref<2x64x256xf32, #tpu.memory_space<vmem>>, vector<1x1x16xf32>,
        %get3A_1027 = vector.shape_cast %get3A_1026 : vector<1x1x16xf32> to vector<16xf32>
        %lt3A_1028 = arith.cmpf olt, %get3A_1027, %select_n3A_1015 : vector<16xf32>
        %select_n3A_1029 = arith.select %lt3A_1028, %get3A_1027, %select_n3A_1015 : vector<16xi1>, vector<16xf32>
        %select_n3A_1030 = arith.select %lt3A_1028, %add3A_1019, %select_n3A_1016 : vector<16xi1>, vector<16xi32>
        %add3A_1031 = arith.constant 1 : i32
        %add3A_1032 = vector.broadcast %add3A_1031 : i32 to vector<16xi32>
        %add3A_1033 = arith.addi %add3A_1019, %add3A_1032 : vector<16xi32>
        %scan3A_1034 = arith.constant 6 : i32
        %scan3A_1035 = arith.addi %scan3A_948, %scan3A_1034 : i32
        %get3A_1036 = arith.constant 0 : i32
        %get3A_1037 = arith.index_cast %get3A_1036 : i32 to index
        %get3A_1038 = arith.index_cast %scan3A_1035 : i32 to index
        %get3A_1039 = arith.constant 0 : index
        %get3A_1040 = tpu.vector_load %arg4[%get3A_1037, %get3A_1038, %get3A_1039] {strides = array<i32>} : memref<2x64x256xf32, #tpu.memory_space<vmem>>, vector<1x1x16xf32>,
        %get3A_1041 = vector.shape_cast %get3A_1040 : vector<1x1x16xf32> to vector<16xf32>
        %lt3A_1042 = arith.cmpf olt, %get3A_1041, %select_n3A_1029 : vector<16xf32>
        %select_n3A_1043 = arith.select %lt3A_1042, %get3A_1041, %select_n3A_1029 : vector<16xi1>, vector<16xf32>
        %select_n3A_1044 = arith.select %lt3A_1042, %add3A_1033, %select_n3A_1030 : vector<16xi1>, vector<16xi32>
        %add3A_1045 = arith.constant 1 : i32
        %add3A_1046 = vector.broadcast %add3A_1045 : i32 to vector<16xi32>
        %add3A_1047 = arith.addi %add3A_1033, %add3A_1046 : vector<16xi32>
        %scan3A_1048 = arith.constant 7 : i32
        %scan3A_1049 = arith.addi %scan3A_948, %scan3A_1048 : i32
        %get3A_1050 = arith.constant 0 : i32
        %get3A_1051 = arith.index_cast %get3A_1050 : i32 to index
        %get3A_1052 = arith.index_cast %scan3A_1049 : i32 to index
        %get3A_1053 = arith.constant 0 : index
        %get3A_1054 = tpu.vector_load %arg4[%get3A_1051, %get3A_1052, %get3A_1053] {strides = array<i32>} : memref<2x64x256xf32, #tpu.memory_space<vmem>>, vector<1x1x16xf32>,
        %get3A_1055 = vector.shape_cast %get3A_1054 : vector<1x1x16xf32> to vector<16xf32>
        %lt3A_1056 = arith.cmpf olt, %get3A_1055, %select_n3A_1043 : vector<16xf32>
        %select_n3A_1057 = arith.select %lt3A_1056, %get3A_1055, %select_n3A_1043 : vector<16xi1>, vector<16xf32>
        %select_n3A_1058 = arith.select %lt3A_1056, %add3A_1047, %select_n3A_1044 : vector<16xi1>, vector<16xi32>
        %add3A_1059 = arith.constant 1 : i32
        %add3A_1060 = vector.broadcast %add3A_1059 : i32 to vector<16xi32>
        %add3A_1061 = arith.addi %add3A_1047, %add3A_1060 : vector<16xi32>
        scf.yield %select_n3A_1057, %select_n3A_1058, %add3A_1061 : vector<16xf32>, vector<16xi32>, vector<16xi32>
      }
      %scan3A_291 = arith.constant 64 : i32
      %swap3A_292 = arith.constant 0 : index
      %swap3A_293 = tpu.vector_load %arg5[%swap3A_292] {strides = array<i32>} : memref<256xf32, #tpu.memory_space<vmem>>, vector<16xf32>,
      %swap3A_294 = vector.shape_cast %swap3A_293 : vector<16xf32> to vector<16xf32>
      %swap3A_295 = vector.shape_cast %scan3A_290#0 : vector<16xf32> to vector<16xf32>
      tpu.vector_store %arg5[%swap3A_292], %swap3A_295 {strides = array<i32>} : memref<256xf32, #tpu.memory_space<vmem>>, vector<16xf32>,
      %swap3A_296 = arith.constant 0 : index
      %swap3A_297 = tpu.vector_load %arg6[%swap3A_296] {strides = array<i32>} : memref<256xi32, #tpu.memory_space<vmem>>, vector<16xi32>,
      %swap3A_298 = vector.shape_cast %swap3A_297 : vector<16xi32> to vector<16xi32>
      %swap3A_299 = vector.shape_cast %scan3A_290#1 : vector<16xi32> to vector<16xi32>
      tpu.vector_store %arg6[%swap3A_296], %swap3A_299 {strides = array<i32>} : memref<256xi32, #tpu.memory_space<vmem>>, vector<16xi32>,
      %get3A_300 = arith.constant 16 : index
      %get3A_301 = tpu.vector_load %arg5[%get3A_300] {strides = array<i32>} : memref<256xf32, #tpu.memory_space<vmem>>, vector<16xf32>,
      %get3A_302 = vector.shape_cast %get3A_301 : vector<16xf32> to vector<16xf32>
      %get3A_303 = arith.constant 16 : index
      %get3A_304 = tpu.vector_load %arg6[%get3A_303] {strides = array<i32>} : memref<256xi32, #tpu.memory_space<vmem>>, vector<16xi32>,
      %get3A_305 = vector.shape_cast %get3A_304 : vector<16xi32> to vector<16xi32>
      %scan3A_306 = arith.constant 0 : i32
      %scan3A_307 = arith.constant 64 : i32
      %scan3A_308 = arith.addi %scan3A_306, %scan3A_307 : i32
      %scan3A_309 = arith.constant 8 : i32
      %scan3A_310:3 = scf.for %scan3A_948 = %scan3A_306 to %scan3A_308 step %scan3A_309 iter_args(%scan3A_949 = %get3A_302, %scan3A_950 = %get3A_305, %scan3A_951 = %broadcast_in_dim3A_280) -> (vector<16xf32>, vector<16xi32>, vector<16xi32>)  : i32 {
        %get3A_952 = arith.constant 0 : i32
        %get3A_953 = arith.index_cast %get3A_952 : i32 to index
        %get3A_954 = arith.index_cast %scan3A_948 : i32 to index
        %get3A_955 = arith.constant 16 : index
        %get3A_956 = tpu.vector_load %arg4[%get3A_953, %get3A_954, %get3A_955] {strides = array<i32>} : memref<2x64x256xf32, #tpu.memory_space<vmem>>, vector<1x1x16xf32>,
        %get3A_957 = vector.shape_cast %get3A_956 : vector<1x1x16xf32> to vector<16xf32>
        %lt3A_958 = arith.cmpf olt, %get3A_957, %scan3A_949 : vector<16xf32>
        %select_n3A_959 = arith.select %lt3A_958, %get3A_957, %scan3A_949 : vector<16xi1>, vector<16xf32>
        %select_n3A_960 = arith.select %lt3A_958, %scan3A_951, %scan3A_950 : vector<16xi1>, vector<16xi32>
        %add3A_961 = arith.constant 1 : i32
        %add3A_962 = vector.broadcast %add3A_961 : i32 to vector<16xi32>
        %add3A_963 = arith.addi %scan3A_951, %add3A_962 : vector<16xi32>
        %scan3A_964 = arith.constant 1 : i32
        %scan3A_965 = arith.addi %scan3A_948, %scan3A_964 : i32
        %get3A_966 = arith.constant 0 : i32
        %get3A_967 = arith.index_cast %get3A_966 : i32 to index
        %get3A_968 = arith.index_cast %scan3A_965 : i32 to index
        %get3A_969 = arith.constant 16 : index
        %get3A_970 = tpu.vector_load %arg4[%get3A_967, %get3A_968, %get3A_969] {strides = array<i32>} : memref<2x64x256xf32, #tpu.memory_space<vmem>>, vector<1x1x16xf32>,
        %get3A_971 = vector.shape_cast %get3A_970 : vector<1x1x16xf32> to vector<16xf32>
        %lt3A_972 = arith.cmpf olt, %get3A_971, %select_n3A_959 : vector<16xf32>
        %select_n3A_973 = arith.select %lt3A_972, %get3A_971, %select_n3A_959 : vector<16xi1>, vector<16xf32>
        %select_n3A_974 = arith.select %lt3A_972, %add3A_963, %select_n3A_960 : vector<16xi1>, vector<16xi32>
        %add3A_975 = arith.constant 1 : i32
        %add3A_976 = vector.broadcast %add3A_975 : i32 to vector<16xi32>
        %add3A_977 = arith.addi %add3A_963, %add3A_976 : vector<16xi32>
        %scan3A_978 = arith.constant 2 : i32
        %scan3A_979 = arith.addi %scan3A_948, %scan3A_978 : i32
        %get3A_980 = arith.constant 0 : i32
        %get3A_981 = arith.index_cast %get3A_980 : i32 to index
        %get3A_982 = arith.index_cast %scan3A_979 : i32 to index
        %get3A_983 = arith.constant 16 : index
        %get3A_984 = tpu.vector_load %arg4[%get3A_981, %get3A_982, %get3A_983] {strides = array<i32>} : memref<2x64x256xf32, #tpu.memory_space<vmem>>, vector<1x1x16xf32>,
        %get3A_985 = vector.shape_cast %get3A_984 : vector<1x1x16xf32> to vector<16xf32>
        %lt3A_986 = arith.cmpf olt, %get3A_985, %select_n3A_973 : vector<16xf32>
        %select_n3A_987 = arith.select %lt3A_986, %get3A_985, %select_n3A_973 : vector<16xi1>, vector<16xf32>
        %select_n3A_988 = arith.select %lt3A_986, %add3A_977, %select_n3A_974 : vector<16xi1>, vector<16xi32>
        %add3A_989 = arith.constant 1 : i32
        %add3A_990 = vector.broadcast %add3A_989 : i32 to vector<16xi32>
        %add3A_991 = arith.addi %add3A_977, %add3A_990 : vector<16xi32>
        %scan3A_992 = arith.constant 3 : i32
        %scan3A_993 = arith.addi %scan3A_948, %scan3A_992 : i32
        %get3A_994 = arith.constant 0 : i32
        %get3A_995 = arith.index_cast %get3A_994 : i32 to index
        %get3A_996 = arith.index_cast %scan3A_993 : i32 to index
        %get3A_997 = arith.constant 16 : index
        %get3A_998 = tpu.vector_load %arg4[%get3A_995, %get3A_996, %get3A_997] {strides = array<i32>} : memref<2x64x256xf32, #tpu.memory_space<vmem>>, vector<1x1x16xf32>,
        %get3A_999 = vector.shape_cast %get3A_998 : vector<1x1x16xf32> to vector<16xf32>
        %lt3A_1000 = arith.cmpf olt, %get3A_999, %select_n3A_987 : vector<16xf32>
        %select_n3A_1001 = arith.select %lt3A_1000, %get3A_999, %select_n3A_987 : vector<16xi1>, vector<16xf32>
        %select_n3A_1002 = arith.select %lt3A_1000, %add3A_991, %select_n3A_988 : vector<16xi1>, vector<16xi32>
        %add3A_1003 = arith.constant 1 : i32
        %add3A_1004 = vector.broadcast %add3A_1003 : i32 to vector<16xi32>
        %add3A_1005 = arith.addi %add3A_991, %add3A_1004 : vector<16xi32>
        %scan3A_1006 = arith.constant 4 : i32
        %scan3A_1007 = arith.addi %scan3A_948, %scan3A_1006 : i32
        %get3A_1008 = arith.constant 0 : i32
        %get3A_1009 = arith.index_cast %get3A_1008 : i32 to index
        %get3A_1010 = arith.index_cast %scan3A_1007 : i32 to index
        %get3A_1011 = arith.constant 16 : index
        %get3A_1012 = tpu.vector_load %arg4[%get3A_1009, %get3A_1010, %get3A_1011] {strides = array<i32>} : memref<2x64x256xf32, #tpu.memory_space<vmem>>, vector<1x1x16xf32>,
        %get3A_1013 = vector.shape_cast %get3A_1012 : vector<1x1x16xf32> to vector<16xf32>
        %lt3A_1014 = arith.cmpf olt, %get3A_1013, %select_n3A_1001 : vector<16xf32>
        %select_n3A_1015 = arith.select %lt3A_1014, %get3A_1013, %select_n3A_1001 : vector<16xi1>, vector<16xf32>
        %select_n3A_1016 = arith.select %lt3A_1014, %add3A_1005, %select_n3A_1002 : vector<16xi1>, vector<16xi32>
        %add3A_1017 = arith.constant 1 : i32
        %add3A_1018 = vector.broadcast %add3A_1017 : i32 to vector<16xi32>
        %add3A_1019 = arith.addi %add3A_1005, %add3A_1018 : vector<16xi32>
        %scan3A_1020 = arith.constant 5 : i32
        %scan3A_1021 = arith.addi %scan3A_948, %scan3A_1020 : i32
        %get3A_1022 = arith.constant 0 : i32
        %get3A_1023 = arith.index_cast %get3A_1022 : i32 to index
        %get3A_1024 = arith.index_cast %scan3A_1021 : i32 to index
        %get3A_1025 = arith.constant 16 : index
        %get3A_1026 = tpu.vector_load %arg4[%get3A_1023, %get3A_1024, %get3A_1025] {strides = array<i32>} : memref<2x64x256xf32, #tpu.memory_space<vmem>>, vector<1x1x16xf32>,
        %get3A_1027 = vector.shape_cast %get3A_1026 : vector<1x1x16xf32> to vector<16xf32>
        %lt3A_1028 = arith.cmpf olt, %get3A_1027, %select_n3A_1015 : vector<16xf32>
        %select_n3A_1029 = arith.select %lt3A_1028, %get3A_1027, %select_n3A_1015 : vector<16xi1>, vector<16xf32>
        %select_n3A_1030 = arith.select %lt3A_1028, %add3A_1019, %select_n3A_1016 : vector<16xi1>, vector<16xi32>
        %add3A_1031 = arith.constant 1 : i32
        %add3A_1032 = vector.broadcast %add3A_1031 : i32 to vector<16xi32>
        %add3A_1033 = arith.addi %add3A_1019, %add3A_1032 : vector<16xi32>
        %scan3A_1034 = arith.constant 6 : i32
        %scan3A_1035 = arith.addi %scan3A_948, %scan3A_1034 : i32
        %get3A_1036 = arith.constant 0 : i32
        %get3A_1037 = arith.index_cast %get3A_1036 : i32 to index
        %get3A_1038 = arith.index_cast %scan3A_1035 : i32 to index
        %get3A_1039 = arith.constant 16 : index
        %get3A_1040 = tpu.vector_load %arg4[%get3A_1037, %get3A_1038, %get3A_1039] {strides = array<i32>} : memref<2x64x256xf32, #tpu.memory_space<vmem>>, vector<1x1x16xf32>,
        %get3A_1041 = vector.shape_cast %get3A_1040 : vector<1x1x16xf32> to vector<16xf32>
        %lt3A_1042 = arith.cmpf olt, %get3A_1041, %select_n3A_1029 : vector<16xf32>
        %select_n3A_1043 = arith.select %lt3A_1042, %get3A_1041, %select_n3A_1029 : vector<16xi1>, vector<16xf32>
        %select_n3A_1044 = arith.select %lt3A_1042, %add3A_1033, %select_n3A_1030 : vector<16xi1>, vector<16xi32>
        %add3A_1045 = arith.constant 1 : i32
        %add3A_1046 = vector.broadcast %add3A_1045 : i32 to vector<16xi32>
        %add3A_1047 = arith.addi %add3A_1033, %add3A_1046 : vector<16xi32>
        %scan3A_1048 = arith.constant 7 : i32
        %scan3A_1049 = arith.addi %scan3A_948, %scan3A_1048 : i32
        %get3A_1050 = arith.constant 0 : i32
        %get3A_1051 = arith.index_cast %get3A_1050 : i32 to index
        %get3A_1052 = arith.index_cast %scan3A_1049 : i32 to index
        %get3A_1053 = arith.constant 16 : index
        %get3A_1054 = tpu.vector_load %arg4[%get3A_1051, %get3A_1052, %get3A_1053] {strides = array<i32>} : memref<2x64x256xf32, #tpu.memory_space<vmem>>, vector<1x1x16xf32>,
        %get3A_1055 = vector.shape_cast %get3A_1054 : vector<1x1x16xf32> to vector<16xf32>
        %lt3A_1056 = arith.cmpf olt, %get3A_1055, %select_n3A_1043 : vector<16xf32>
        %select_n3A_1057 = arith.select %lt3A_1056, %get3A_1055, %select_n3A_1043 : vector<16xi1>, vector<16xf32>
        %select_n3A_1058 = arith.select %lt3A_1056, %add3A_1047, %select_n3A_1044 : vector<16xi1>, vector<16xi32>
        %add3A_1059 = arith.constant 1 : i32
        %add3A_1060 = vector.broadcast %add3A_1059 : i32 to vector<16xi32>
        %add3A_1061 = arith.addi %add3A_1047, %add3A_1060 : vector<16xi32>
        scf.yield %select_n3A_1057, %select_n3A_1058, %add3A_1061 : vector<16xf32>, vector<16xi32>, vector<16xi32>
      }
      %scan3A_311 = arith.constant 64 : i32
      %swap3A_312 = arith.constant 16 : index
      %swap3A_313 = tpu.vector_load %arg5[%swap3A_312] {strides = array<i32>} : memref<256xf32, #tpu.memory_space<vmem>>, vector<16xf32>,
      %swap3A_314 = vector.shape_cast %swap3A_313 : vector<16xf32> to vector<16xf32>
      %swap3A_315 = vector.shape_cast %scan3A_310#0 : vector<16xf32> to vector<16xf32>
      tpu.vector_store %arg5[%swap3A_312], %swap3A_315 {strides = array<i32>} : memref<256xf32, #tpu.memory_space<vmem>>, vector<16xf32>,
      %swap3A_316 = arith.constant 16 : index
      %swap3A_317 = tpu.vector_load %arg6[%swap3A_316] {strides = array<i32>} : memref<256xi32, #tpu.memory_space<vmem>>, vector<16xi32>,
      %swap3A_318 = vector.shape_cast %swap3A_317 : vector<16xi32> to vector<16xi32>
      %swap3A_319 = vector.shape_cast %scan3A_310#1 : vector<16xi32> to vector<16xi32>
      tpu.vector_store %arg6[%swap3A_316], %swap3A_319 {strides = array<i32>} : memref<256xi32, #tpu.memory_space<vmem>>, vector<16xi32>,
      %get3A_320 = arith.constant 32 : index
      %get3A_321 = tpu.vector_load %arg5[%get3A_320] {strides = array<i32>} : memref<256xf32, #tpu.memory_space<vmem>>, vector<16xf32>,
      %get3A_322 = vector.shape_cast %get3A_321 : vector<16xf32> to vector<16xf32>
      %get3A_323 = arith.constant 32 : index
      %get3A_324 = tpu.vector_load %arg6[%get3A_323] {strides = array<i32>} : memref<256xi32, #tpu.memory_space<vmem>>, vector<16xi32>,
      %get3A_325 = vector.shape_cast %get3A_324 : vector<16xi32> to vector<16xi32>
      %scan3A_326 = arith.constant 0 : i32
      %scan3A_327 = arith.constant 64 : i32
      %scan3A_328 = arith.addi %scan3A_326, %scan3A_327 : i32
      %scan3A_329 = arith.constant 8 : i32
      %scan3A_330:3 = scf.for %scan3A_948 = %scan3A_326 to %scan3A_328 step %scan3A_329 iter_args(%scan3A_949 = %get3A_322, %scan3A_950 = %get3A_325, %scan3A_951 = %broadcast_in_dim3A_280) -> (vector<16xf32>, vector<16xi32>, vector<16xi32>)  : i32 {
        %get3A_952 = arith.constant 0 : i32
        %get3A_953 = arith.index_cast %get3A_952 : i32 to index
        %get3A_954 = arith.index_cast %scan3A_948 : i32 to index
        %get3A_955 = arith.constant 32 : index
        %get3A_956 = tpu.vector_load %arg4[%get3A_953, %get3A_954, %get3A_955] {strides = array<i32>} : memref<2x64x256xf32, #tpu.memory_space<vmem>>, vector<1x1x16xf32>,
        %get3A_957 = vector.shape_cast %get3A_956 : vector<1x1x16xf32> to vector<16xf32>
        %lt3A_958 = arith.cmpf olt, %get3A_957, %scan3A_949 : vector<16xf32>
        %select_n3A_959 = arith.select %lt3A_958, %get3A_957, %scan3A_949 : vector<16xi1>, vector<16xf32>
        %select_n3A_960 = arith.select %lt3A_958, %scan3A_951, %scan3A_950 : vector<16xi1>, vector<16xi32>
        %add3A_961 = arith.constant 1 : i32
        %add3A_962 = vector.broadcast %add3A_961 : i32 to vector<16xi32>
        %add3A_963 = arith.addi %scan3A_951, %add3A_962 : vector<16xi32>
        %scan3A_964 = arith.constant 1 : i32
        %scan3A_965 = arith.addi %scan3A_948, %scan3A_964 : i32
        %get3A_966 = arith.constant 0 : i32
        %get3A_967 = arith.index_cast %get3A_966 : i32 to index
        %get3A_968 = arith.index_cast %scan3A_965 : i32 to index
        %get3A_969 = arith.constant 32 : index
        %get3A_970 = tpu.vector_load %arg4[%get3A_967, %get3A_968, %get3A_969] {strides = array<i32>} : memref<2x64x256xf32, #tpu.memory_space<vmem>>, vector<1x1x16xf32>,
        %get3A_971 = vector.shape_cast %get3A_970 : vector<1x1x16xf32> to vector<16xf32>
        %lt3A_972 = arith.cmpf olt, %get3A_971, %select_n3A_959 : vector<16xf32>
        %select_n3A_973 = arith.select %lt3A_972, %get3A_971, %select_n3A_959 : vector<16xi1>, vector<16xf32>
        %select_n3A_974 = arith.select %lt3A_972, %add3A_963, %select_n3A_960 : vector<16xi1>, vector<16xi32>
        %add3A_975 = arith.constant 1 : i32
        %add3A_976 = vector.broadcast %add3A_975 : i32 to vector<16xi32>
        %add3A_977 = arith.addi %add3A_963, %add3A_976 : vector<16xi32>
        %scan3A_978 = arith.constant 2 : i32
        %scan3A_979 = arith.addi %scan3A_948, %scan3A_978 : i32
        %get3A_980 = arith.constant 0 : i32
        %get3A_981 = arith.index_cast %get3A_980 : i32 to index
        %get3A_982 = arith.index_cast %scan3A_979 : i32 to index
        %get3A_983 = arith.constant 32 : index
        %get3A_984 = tpu.vector_load %arg4[%get3A_981, %get3A_982, %get3A_983] {strides = array<i32>} : memref<2x64x256xf32, #tpu.memory_space<vmem>>, vector<1x1x16xf32>,
        %get3A_985 = vector.shape_cast %get3A_984 : vector<1x1x16xf32> to vector<16xf32>
        %lt3A_986 = arith.cmpf olt, %get3A_985, %select_n3A_973 : vector<16xf32>
        %select_n3A_987 = arith.select %lt3A_986, %get3A_985, %select_n3A_973 : vector<16xi1>, vector<16xf32>
        %select_n3A_988 = arith.select %lt3A_986, %add3A_977, %select_n3A_974 : vector<16xi1>, vector<16xi32>
        %add3A_989 = arith.constant 1 : i32
        %add3A_990 = vector.broadcast %add3A_989 : i32 to vector<16xi32>
        %add3A_991 = arith.addi %add3A_977, %add3A_990 : vector<16xi32>
        %scan3A_992 = arith.constant 3 : i32
        %scan3A_993 = arith.addi %scan3A_948, %scan3A_992 : i32
        %get3A_994 = arith.constant 0 : i32
        %get3A_995 = arith.index_cast %get3A_994 : i32 to index
        %get3A_996 = arith.index_cast %scan3A_993 : i32 to index
        %get3A_997 = arith.constant 32 : index
        %get3A_998 = tpu.vector_load %arg4[%get3A_995, %get3A_996, %get3A_997] {strides = array<i32>} : memref<2x64x256xf32, #tpu.memory_space<vmem>>, vector<1x1x16xf32>,
        %get3A_999 = vector.shape_cast %get3A_998 : vector<1x1x16xf32> to vector<16xf32>
        %lt3A_1000 = arith.cmpf olt, %get3A_999, %select_n3A_987 : vector<16xf32>
        %select_n3A_1001 = arith.select %lt3A_1000, %get3A_999, %select_n3A_987 : vector<16xi1>, vector<16xf32>
        %select_n3A_1002 = arith.select %lt3A_1000, %add3A_991, %select_n3A_988 : vector<16xi1>, vector<16xi32>
        %add3A_1003 = arith.constant 1 : i32
        %add3A_1004 = vector.broadcast %add3A_1003 : i32 to vector<16xi32>
        %add3A_1005 = arith.addi %add3A_991, %add3A_1004 : vector<16xi32>
        %scan3A_1006 = arith.constant 4 : i32
        %scan3A_1007 = arith.addi %scan3A_948, %scan3A_1006 : i32
        %get3A_1008 = arith.constant 0 : i32
        %get3A_1009 = arith.index_cast %get3A_1008 : i32 to index
        %get3A_1010 = arith.index_cast %scan3A_1007 : i32 to index
        %get3A_1011 = arith.constant 32 : index
        %get3A_1012 = tpu.vector_load %arg4[%get3A_1009, %get3A_1010, %get3A_1011] {strides = array<i32>} : memref<2x64x256xf32, #tpu.memory_space<vmem>>, vector<1x1x16xf32>,
        %get3A_1013 = vector.shape_cast %get3A_1012 : vector<1x1x16xf32> to vector<16xf32>
        %lt3A_1014 = arith.cmpf olt, %get3A_1013, %select_n3A_1001 : vector<16xf32>
        %select_n3A_1015 = arith.select %lt3A_1014, %get3A_1013, %select_n3A_1001 : vector<16xi1>, vector<16xf32>
        %select_n3A_1016 = arith.select %lt3A_1014, %add3A_1005, %select_n3A_1002 : vector<16xi1>, vector<16xi32>
        %add3A_1017 = arith.constant 1 : i32
        %add3A_1018 = vector.broadcast %add3A_1017 : i32 to vector<16xi32>
        %add3A_1019 = arith.addi %add3A_1005, %add3A_1018 : vector<16xi32>
        %scan3A_1020 = arith.constant 5 : i32
        %scan3A_1021 = arith.addi %scan3A_948, %scan3A_1020 : i32
        %get3A_1022 = arith.constant 0 : i32
        %get3A_1023 = arith.index_cast %get3A_1022 : i32 to index
        %get3A_1024 = arith.index_cast %scan3A_1021 : i32 to index
        %get3A_1025 = arith.constant 32 : index
        %get3A_1026 = tpu.vector_load %arg4[%get3A_1023, %get3A_1024, %get3A_1025] {strides = array<i32>} : memref<2x64x256xf32, #tpu.memory_space<vmem>>, vector<1x1x16xf32>,
        %get3A_1027 = vector.shape_cast %get3A_1026 : vector<1x1x16xf32> to vector<16xf32>
        %lt3A_1028 = arith.cmpf olt, %get3A_1027, %select_n3A_1015 : vector<16xf32>
        %select_n3A_1029 = arith.select %lt3A_1028, %get3A_1027, %select_n3A_1015 : vector<16xi1>, vector<16xf32>
        %select_n3A_1030 = arith.select %lt3A_1028, %add3A_1019, %select_n3A_1016 : vector<16xi1>, vector<16xi32>
        %add3A_1031 = arith.constant 1 : i32
        %add3A_1032 = vector.broadcast %add3A_1031 : i32 to vector<16xi32>
        %add3A_1033 = arith.addi %add3A_1019, %add3A_1032 : vector<16xi32>
        %scan3A_1034 = arith.constant 6 : i32
        %scan3A_1035 = arith.addi %scan3A_948, %scan3A_1034 : i32
        %get3A_1036 = arith.constant 0 : i32
        %get3A_1037 = arith.index_cast %get3A_1036 : i32 to index
        %get3A_1038 = arith.index_cast %scan3A_1035 : i32 to index
        %get3A_1039 = arith.constant 32 : index
        %get3A_1040 = tpu.vector_load %arg4[%get3A_1037, %get3A_1038, %get3A_1039] {strides = array<i32>} : memref<2x64x256xf32, #tpu.memory_space<vmem>>, vector<1x1x16xf32>,
        %get3A_1041 = vector.shape_cast %get3A_1040 : vector<1x1x16xf32> to vector<16xf32>
        %lt3A_1042 = arith.cmpf olt, %get3A_1041, %select_n3A_1029 : vector<16xf32>
        %select_n3A_1043 = arith.select %lt3A_1042, %get3A_1041, %select_n3A_1029 : vector<16xi1>, vector<16xf32>
        %select_n3A_1044 = arith.select %lt3A_1042, %add3A_1033, %select_n3A_1030 : vector<16xi1>, vector<16xi32>
        %add3A_1045 = arith.constant 1 : i32
        %add3A_1046 = vector.broadcast %add3A_1045 : i32 to vector<16xi32>
        %add3A_1047 = arith.addi %add3A_1033, %add3A_1046 : vector<16xi32>
        %scan3A_1048 = arith.constant 7 : i32
        %scan3A_1049 = arith.addi %scan3A_948, %scan3A_1048 : i32
        %get3A_1050 = arith.constant 0 : i32
        %get3A_1051 = arith.index_cast %get3A_1050 : i32 to index
        %get3A_1052 = arith.index_cast %scan3A_1049 : i32 to index
        %get3A_1053 = arith.constant 32 : index
        %get3A_1054 = tpu.vector_load %arg4[%get3A_1051, %get3A_1052, %get3A_1053] {strides = array<i32>} : memref<2x64x256xf32, #tpu.memory_space<vmem>>, vector<1x1x16xf32>,
        %get3A_1055 = vector.shape_cast %get3A_1054 : vector<1x1x16xf32> to vector<16xf32>
        %lt3A_1056 = arith.cmpf olt, %get3A_1055, %select_n3A_1043 : vector<16xf32>
        %select_n3A_1057 = arith.select %lt3A_1056, %get3A_1055, %select_n3A_1043 : vector<16xi1>, vector<16xf32>
        %select_n3A_1058 = arith.select %lt3A_1056, %add3A_1047, %select_n3A_1044 : vector<16xi1>, vector<16xi32>
        %add3A_1059 = arith.constant 1 : i32
        %add3A_1060 = vector.broadcast %add3A_1059 : i32 to vector<16xi32>
        %add3A_1061 = arith.addi %add3A_1047, %add3A_1060 : vector<16xi32>
        scf.yield %select_n3A_1057, %select_n3A_1058, %add3A_1061 : vector<16xf32>, vector<16xi32>, vector<16xi32>
      }
      %scan3A_331 = arith.constant 64 : i32
      %swap3A_332 = arith.constant 32 : index
      %swap3A_333 = tpu.vector_load %arg5[%swap3A_332] {strides = array<i32>} : memref<256xf32, #tpu.memory_space<vmem>>, vector<16xf32>,
      %swap3A_334 = vector.shape_cast %swap3A_333 : vector<16xf32> to vector<16xf32>
      %swap3A_335 = vector.shape_cast %scan3A_330#0 : vector<16xf32> to vector<16xf32>
      tpu.vector_store %arg5[%swap3A_332], %swap3A_335 {strides = array<i32>} : memref<256xf32, #tpu.memory_space<vmem>>, vector<16xf32>,
      %swap3A_336 = arith.constant 32 : index
      %swap3A_337 = tpu.vector_load %arg6[%swap3A_336] {strides = array<i32>} : memref<256xi32, #tpu.memory_space<vmem>>, vector<16xi32>,
      %swap3A_338 = vector.shape_cast %swap3A_337 : vector<16xi32> to vector<16xi32>
      %swap3A_339 = vector.shape_cast %scan3A_330#1 : vector<16xi32> to vector<16xi32>
      tpu.vector_store %arg6[%swap3A_336], %swap3A_339 {strides = array<i32>} : memref<256xi32, #tpu.memory_space<vmem>>, vector<16xi32>,
      %get3A_340 = arith.constant 48 : index
      %get3A_341 = tpu.vector_load %arg5[%get3A_340] {strides = array<i32>} : memref<256xf32, #tpu.memory_space<vmem>>, vector<16xf32>,
      %get3A_342 = vector.shape_cast %get3A_341 : vector<16xf32> to vector<16xf32>
      %get3A_343 = arith.constant 48 : index
      %get3A_344 = tpu.vector_load %arg6[%get3A_343] {strides = array<i32>} : memref<256xi32, #tpu.memory_space<vmem>>, vector<16xi32>,
      %get3A_345 = vector.shape_cast %get3A_344 : vector<16xi32> to vector<16xi32>
      %scan3A_346 = arith.constant 0 : i32
      %scan3A_347 = arith.constant 64 : i32
      %scan3A_348 = arith.addi %scan3A_346, %scan3A_347 : i32
      %scan3A_349 = arith.constant 8 : i32
      %scan3A_350:3 = scf.for %scan3A_948 = %scan3A_346 to %scan3A_348 step %scan3A_349 iter_args(%scan3A_949 = %get3A_342, %scan3A_950 = %get3A_345, %scan3A_951 = %broadcast_in_dim3A_280) -> (vector<16xf32>, vector<16xi32>, vector<16xi32>)  : i32 {
        %get3A_952 = arith.constant 0 : i32
        %get3A_953 = arith.index_cast %get3A_952 : i32 to index
        %get3A_954 = arith.index_cast %scan3A_948 : i32 to index
        %get3A_955 = arith.constant 48 : index
        %get3A_956 = tpu.vector_load %arg4[%get3A_953, %get3A_954, %get3A_955] {strides = array<i32>} : memref<2x64x256xf32, #tpu.memory_space<vmem>>, vector<1x1x16xf32>,
        %get3A_957 = vector.shape_cast %get3A_956 : vector<1x1x16xf32> to vector<16xf32>
        %lt3A_958 = arith.cmpf olt, %get3A_957, %scan3A_949 : vector<16xf32>
        %select_n3A_959 = arith.select %lt3A_958, %get3A_957, %scan3A_949 : vector<16xi1>, vector<16xf32>
        %select_n3A_960 = arith.select %lt3A_958, %scan3A_951, %scan3A_950 : vector<16xi1>, vector<16xi32>
        %add3A_961 = arith.constant 1 : i32
        %add3A_962 = vector.broadcast %add3A_961 : i32 to vector<16xi32>
        %add3A_963 = arith.addi %scan3A_951, %add3A_962 : vector<16xi32>
        %scan3A_964 = arith.constant 1 : i32
        %scan3A_965 = arith.addi %scan3A_948, %scan3A_964 : i32
        %get3A_966 = arith.constant 0 : i32
        %get3A_967 = arith.index_cast %get3A_966 : i32 to index
        %get3A_968 = arith.index_cast %scan3A_965 : i32 to index
        %get3A_969 = arith.constant 48 : index
        %get3A_970 = tpu.vector_load %arg4[%get3A_967, %get3A_968, %get3A_969] {strides = array<i32>} : memref<2x64x256xf32, #tpu.memory_space<vmem>>, vector<1x1x16xf32>,
        %get3A_971 = vector.shape_cast %get3A_970 : vector<1x1x16xf32> to vector<16xf32>
        %lt3A_972 = arith.cmpf olt, %get3A_971, %select_n3A_959 : vector<16xf32>
        %select_n3A_973 = arith.select %lt3A_972, %get3A_971, %select_n3A_959 : vector<16xi1>, vector<16xf32>
        %select_n3A_974 = arith.select %lt3A_972, %add3A_963, %select_n3A_960 : vector<16xi1>, vector<16xi32>
        %add3A_975 = arith.constant 1 : i32
        %add3A_976 = vector.broadcast %add3A_975 : i32 to vector<16xi32>
        %add3A_977 = arith.addi %add3A_963, %add3A_976 : vector<16xi32>
        %scan3A_978 = arith.constant 2 : i32
        %scan3A_979 = arith.addi %scan3A_948, %scan3A_978 : i32
        %get3A_980 = arith.constant 0 : i32
        %get3A_981 = arith.index_cast %get3A_980 : i32 to index
        %get3A_982 = arith.index_cast %scan3A_979 : i32 to index
        %get3A_983 = arith.constant 48 : index
        %get3A_984 = tpu.vector_load %arg4[%get3A_981, %get3A_982, %get3A_983] {strides = array<i32>} : memref<2x64x256xf32, #tpu.memory_space<vmem>>, vector<1x1x16xf32>,
        %get3A_985 = vector.shape_cast %get3A_984 : vector<1x1x16xf32> to vector<16xf32>
        %lt3A_986 = arith.cmpf olt, %get3A_985, %select_n3A_973 : vector<16xf32>
        %select_n3A_987 = arith.select %lt3A_986, %get3A_985, %select_n3A_973 : vector<16xi1>, vector<16xf32>
        %select_n3A_988 = arith.select %lt3A_986, %add3A_977, %select_n3A_974 : vector<16xi1>, vector<16xi32>
        %add3A_989 = arith.constant 1 : i32
        %add3A_990 = vector.broadcast %add3A_989 : i32 to vector<16xi32>
        %add3A_991 = arith.addi %add3A_977, %add3A_990 : vector<16xi32>
        %scan3A_992 = arith.constant 3 : i32
        %scan3A_993 = arith.addi %scan3A_948, %scan3A_992 : i32
        %get3A_994 = arith.constant 0 : i32
        %get3A_995 = arith.index_cast %get3A_994 : i32 to index
        %get3A_996 = arith.index_cast %scan3A_993 : i32 to index
        %get3A_997 = arith.constant 48 : index
        %get3A_998 = tpu.vector_load %arg4[%get3A_995, %get3A_996, %get3A_997] {strides = array<i32>} : memref<2x64x256xf32, #tpu.memory_space<vmem>>, vector<1x1x16xf32>,
        %get3A_999 = vector.shape_cast %get3A_998 : vector<1x1x16xf32> to vector<16xf32>
        %lt3A_1000 = arith.cmpf olt, %get3A_999, %select_n3A_987 : vector<16xf32>
        %select_n3A_1001 = arith.select %lt3A_1000, %get3A_999, %select_n3A_987 : vector<16xi1>, vector<16xf32>
        %select_n3A_1002 = arith.select %lt3A_1000, %add3A_991, %select_n3A_988 : vector<16xi1>, vector<16xi32>
        %add3A_1003 = arith.constant 1 : i32
        %add3A_1004 = vector.broadcast %add3A_1003 : i32 to vector<16xi32>
        %add3A_1005 = arith.addi %add3A_991, %add3A_1004 : vector<16xi32>
        %scan3A_1006 = arith.constant 4 : i32
        %scan3A_1007 = arith.addi %scan3A_948, %scan3A_1006 : i32
        %get3A_1008 = arith.constant 0 : i32
        %get3A_1009 = arith.index_cast %get3A_1008 : i32 to index
        %get3A_1010 = arith.index_cast %scan3A_1007 : i32 to index
        %get3A_1011 = arith.constant 48 : index
        %get3A_1012 = tpu.vector_load %arg4[%get3A_1009, %get3A_1010, %get3A_1011] {strides = array<i32>} : memref<2x64x256xf32, #tpu.memory_space<vmem>>, vector<1x1x16xf32>,
        %get3A_1013 = vector.shape_cast %get3A_1012 : vector<1x1x16xf32> to vector<16xf32>
        %lt3A_1014 = arith.cmpf olt, %get3A_1013, %select_n3A_1001 : vector<16xf32>
        %select_n3A_1015 = arith.select %lt3A_1014, %get3A_1013, %select_n3A_1001 : vector<16xi1>, vector<16xf32>
        %select_n3A_1016 = arith.select %lt3A_1014, %add3A_1005, %select_n3A_1002 : vector<16xi1>, vector<16xi32>
        %add3A_1017 = arith.constant 1 : i32
        %add3A_1018 = vector.broadcast %add3A_1017 : i32 to vector<16xi32>
        %add3A_1019 = arith.addi %add3A_1005, %add3A_1018 : vector<16xi32>
        %scan3A_1020 = arith.constant 5 : i32
        %scan3A_1021 = arith.addi %scan3A_948, %scan3A_1020 : i32
        %get3A_1022 = arith.constant 0 : i32
        %get3A_1023 = arith.index_cast %get3A_1022 : i32 to index
        %get3A_1024 = arith.index_cast %scan3A_1021 : i32 to index
        %get3A_1025 = arith.constant 48 : index
        %get3A_1026 = tpu.vector_load %arg4[%get3A_1023, %get3A_1024, %get3A_1025] {strides = array<i32>} : memref<2x64x256xf32, #tpu.memory_space<vmem>>, vector<1x1x16xf32>,
        %get3A_1027 = vector.shape_cast %get3A_1026 : vector<1x1x16xf32> to vector<16xf32>
        %lt3A_1028 = arith.cmpf olt, %get3A_1027, %select_n3A_1015 : vector<16xf32>
        %select_n3A_1029 = arith.select %lt3A_1028, %get3A_1027, %select_n3A_1015 : vector<16xi1>, vector<16xf32>
        %select_n3A_1030 = arith.select %lt3A_1028, %add3A_1019, %select_n3A_1016 : vector<16xi1>, vector<16xi32>
        %add3A_1031 = arith.constant 1 : i32
        %add3A_1032 = vector.broadcast %add3A_1031 : i32 to vector<16xi32>
        %add3A_1033 = arith.addi %add3A_1019, %add3A_1032 : vector<16xi32>
        %scan3A_1034 = arith.constant 6 : i32
        %scan3A_1035 = arith.addi %scan3A_948, %scan3A_1034 : i32
        %get3A_1036 = arith.constant 0 : i32
        %get3A_1037 = arith.index_cast %get3A_1036 : i32 to index
        %get3A_1038 = arith.index_cast %scan3A_1035 : i32 to index
        %get3A_1039 = arith.constant 48 : index
        %get3A_1040 = tpu.vector_load %arg4[%get3A_1037, %get3A_1038, %get3A_1039] {strides = array<i32>} : memref<2x64x256xf32, #tpu.memory_space<vmem>>, vector<1x1x16xf32>,
        %get3A_1041 = vector.shape_cast %get3A_1040 : vector<1x1x16xf32> to vector<16xf32>
        %lt3A_1042 = arith.cmpf olt, %get3A_1041, %select_n3A_1029 : vector<16xf32>
        %select_n3A_1043 = arith.select %lt3A_1042, %get3A_1041, %select_n3A_1029 : vector<16xi1>, vector<16xf32>
        %select_n3A_1044 = arith.select %lt3A_1042, %add3A_1033, %select_n3A_1030 : vector<16xi1>, vector<16xi32>
        %add3A_1045 = arith.constant 1 : i32
        %add3A_1046 = vector.broadcast %add3A_1045 : i32 to vector<16xi32>
        %add3A_1047 = arith.addi %add3A_1033, %add3A_1046 : vector<16xi32>
        %scan3A_1048 = arith.constant 7 : i32
        %scan3A_1049 = arith.addi %scan3A_948, %scan3A_1048 : i32
        %get3A_1050 = arith.constant 0 : i32
        %get3A_1051 = arith.index_cast %get3A_1050 : i32 to index
        %get3A_1052 = arith.index_cast %scan3A_1049 : i32 to index
        %get3A_1053 = arith.constant 48 : index
        %get3A_1054 = tpu.vector_load %arg4[%get3A_1051, %get3A_1052, %get3A_1053] {strides = array<i32>} : memref<2x64x256xf32, #tpu.memory_space<vmem>>, vector<1x1x16xf32>,
        %get3A_1055 = vector.shape_cast %get3A_1054 : vector<1x1x16xf32> to vector<16xf32>
        %lt3A_1056 = arith.cmpf olt, %get3A_1055, %select_n3A_1043 : vector<16xf32>
        %select_n3A_1057 = arith.select %lt3A_1056, %get3A_1055, %select_n3A_1043 : vector<16xi1>, vector<16xf32>
        %select_n3A_1058 = arith.select %lt3A_1056, %add3A_1047, %select_n3A_1044 : vector<16xi1>, vector<16xi32>
        %add3A_1059 = arith.constant 1 : i32
        %add3A_1060 = vector.broadcast %add3A_1059 : i32 to vector<16xi32>
        %add3A_1061 = arith.addi %add3A_1047, %add3A_1060 : vector<16xi32>
        scf.yield %select_n3A_1057, %select_n3A_1058, %add3A_1061 : vector<16xf32>, vector<16xi32>, vector<16xi32>
      }
      %scan3A_351 = arith.constant 64 : i32
      %swap3A_352 = arith.constant 48 : index
      %swap3A_353 = tpu.vector_load %arg5[%swap3A_352] {strides = array<i32>} : memref<256xf32, #tpu.memory_space<vmem>>, vector<16xf32>,
      %swap3A_354 = vector.shape_cast %swap3A_353 : vector<16xf32> to vector<16xf32>
      %swap3A_355 = vector.shape_cast %scan3A_350#0 : vector<16xf32> to vector<16xf32>
      tpu.vector_store %arg5[%swap3A_352], %swap3A_355 {strides = array<i32>} : memref<256xf32, #tpu.memory_space<vmem>>, vector<16xf32>,
      %swap3A_356 = arith.constant 48 : index
      %swap3A_357 = tpu.vector_load %arg6[%swap3A_356] {strides = array<i32>} : memref<256xi32, #tpu.memory_space<vmem>>, vector<16xi32>,
      %swap3A_358 = vector.shape_cast %swap3A_357 : vector<16xi32> to vector<16xi32>
      %swap3A_359 = vector.shape_cast %scan3A_350#1 : vector<16xi32> to vector<16xi32>
      tpu.vector_store %arg6[%swap3A_356], %swap3A_359 {strides = array<i32>} : memref<256xi32, #tpu.memory_space<vmem>>, vector<16xi32>,
      %get3A_360 = arith.constant 64 : index
      %get3A_361 = tpu.vector_load %arg5[%get3A_360] {strides = array<i32>} : memref<256xf32, #tpu.memory_space<vmem>>, vector<16xf32>,
      %get3A_362 = vector.shape_cast %get3A_361 : vector<16xf32> to vector<16xf32>
      %get3A_363 = arith.constant 64 : index
      %get3A_364 = tpu.vector_load %arg6[%get3A_363] {strides = array<i32>} : memref<256xi32, #tpu.memory_space<vmem>>, vector<16xi32>,
      %get3A_365 = vector.shape_cast %get3A_364 : vector<16xi32> to vector<16xi32>
      %scan3A_366 = arith.constant 0 : i32
      %scan3A_367 = arith.constant 64 : i32
      %scan3A_368 = arith.addi %scan3A_366, %scan3A_367 : i32
      %scan3A_369 = arith.constant 8 : i32
      %scan3A_370:3 = scf.for %scan3A_948 = %scan3A_366 to %scan3A_368 step %scan3A_369 iter_args(%scan3A_949 = %get3A_362, %scan3A_950 = %get3A_365, %scan3A_951 = %broadcast_in_dim3A_280) -> (vector<16xf32>, vector<16xi32>, vector<16xi32>)  : i32 {
        %get3A_952 = arith.constant 0 : i32
        %get3A_953 = arith.index_cast %get3A_952 : i32 to index
        %get3A_954 = arith.index_cast %scan3A_948 : i32 to index
        %get3A_955 = arith.constant 64 : index
        %get3A_956 = tpu.vector_load %arg4[%get3A_953, %get3A_954, %get3A_955] {strides = array<i32>} : memref<2x64x256xf32, #tpu.memory_space<vmem>>, vector<1x1x16xf32>,
        %get3A_957 = vector.shape_cast %get3A_956 : vector<1x1x16xf32> to vector<16xf32>
        %lt3A_958 = arith.cmpf olt, %get3A_957, %scan3A_949 : vector<16xf32>
        %select_n3A_959 = arith.select %lt3A_958, %get3A_957, %scan3A_949 : vector<16xi1>, vector<16xf32>
        %select_n3A_960 = arith.select %lt3A_958, %scan3A_951, %scan3A_950 : vector<16xi1>, vector<16xi32>
        %add3A_961 = arith.constant 1 : i32
        %add3A_962 = vector.broadcast %add3A_961 : i32 to vector<16xi32>
        %add3A_963 = arith.addi %scan3A_951, %add3A_962 : vector<16xi32>
        %scan3A_964 = arith.constant 1 : i32
        %scan3A_965 = arith.addi %scan3A_948, %scan3A_964 : i32
        %get3A_966 = arith.constant 0 : i32
        %get3A_967 = arith.index_cast %get3A_966 : i32 to index
        %get3A_968 = arith.index_cast %scan3A_965 : i32 to index
        %get3A_969 = arith.constant 64 : index
        %get3A_970 = tpu.vector_load %arg4[%get3A_967, %get3A_968, %get3A_969] {strides = array<i32>} : memref<2x64x256xf32, #tpu.memory_space<vmem>>, vector<1x1x16xf32>,
        %get3A_971 = vector.shape_cast %get3A_970 : vector<1x1x16xf32> to vector<16xf32>
        %lt3A_972 = arith.cmpf olt, %get3A_971, %select_n3A_959 : vector<16xf32>
        %select_n3A_973 = arith.select %lt3A_972, %get3A_971, %select_n3A_959 : vector<16xi1>, vector<16xf32>
        %select_n3A_974 = arith.select %lt3A_972, %add3A_963, %select_n3A_960 : vector<16xi1>, vector<16xi32>
        %add3A_975 = arith.constant 1 : i32
        %add3A_976 = vector.broadcast %add3A_975 : i32 to vector<16xi32>
        %add3A_977 = arith.addi %add3A_963, %add3A_976 : vector<16xi32>
        %scan3A_978 = arith.constant 2 : i32
        %scan3A_979 = arith.addi %scan3A_948, %scan3A_978 : i32
        %get3A_980 = arith.constant 0 : i32
        %get3A_981 = arith.index_cast %get3A_980 : i32 to index
        %get3A_982 = arith.index_cast %scan3A_979 : i32 to index
        %get3A_983 = arith.constant 64 : index
        %get3A_984 = tpu.vector_load %arg4[%get3A_981, %get3A_982, %get3A_983] {strides = array<i32>} : memref<2x64x256xf32, #tpu.memory_space<vmem>>, vector<1x1x16xf32>,
        %get3A_985 = vector.shape_cast %get3A_984 : vector<1x1x16xf32> to vector<16xf32>
        %lt3A_986 = arith.cmpf olt, %get3A_985, %select_n3A_973 : vector<16xf32>
        %select_n3A_987 = arith.select %lt3A_986, %get3A_985, %select_n3A_973 : vector<16xi1>, vector<16xf32>
        %select_n3A_988 = arith.select %lt3A_986, %add3A_977, %select_n3A_974 : vector<16xi1>, vector<16xi32>
        %add3A_989 = arith.constant 1 : i32
        %add3A_990 = vector.broadcast %add3A_989 : i32 to vector<16xi32>
        %add3A_991 = arith.addi %add3A_977, %add3A_990 : vector<16xi32>
        %scan3A_992 = arith.constant 3 : i32
        %scan3A_993 = arith.addi %scan3A_948, %scan3A_992 : i32
        %get3A_994 = arith.constant 0 : i32
        %get3A_995 = arith.index_cast %get3A_994 : i32 to index
        %get3A_996 = arith.index_cast %scan3A_993 : i32 to index
        %get3A_997 = arith.constant 64 : index
        %get3A_998 = tpu.vector_load %arg4[%get3A_995, %get3A_996, %get3A_997] {strides = array<i32>} : memref<2x64x256xf32, #tpu.memory_space<vmem>>, vector<1x1x16xf32>,
        %get3A_999 = vector.shape_cast %get3A_998 : vector<1x1x16xf32> to vector<16xf32>
        %lt3A_1000 = arith.cmpf olt, %get3A_999, %select_n3A_987 : vector<16xf32>
        %select_n3A_1001 = arith.select %lt3A_1000, %get3A_999, %select_n3A_987 : vector<16xi1>, vector<16xf32>
        %select_n3A_1002 = arith.select %lt3A_1000, %add3A_991, %select_n3A_988 : vector<16xi1>, vector<16xi32>
        %add3A_1003 = arith.constant 1 : i32
        %add3A_1004 = vector.broadcast %add3A_1003 : i32 to vector<16xi32>
        %add3A_1005 = arith.addi %add3A_991, %add3A_1004 : vector<16xi32>
        %scan3A_1006 = arith.constant 4 : i32
        %scan3A_1007 = arith.addi %scan3A_948, %scan3A_1006 : i32
        %get3A_1008 = arith.constant 0 : i32
        %get3A_1009 = arith.index_cast %get3A_1008 : i32 to index
        %get3A_1010 = arith.index_cast %scan3A_1007 : i32 to index
        %get3A_1011 = arith.constant 64 : index
        %get3A_1012 = tpu.vector_load %arg4[%get3A_1009, %get3A_1010, %get3A_1011] {strides = array<i32>} : memref<2x64x256xf32, #tpu.memory_space<vmem>>, vector<1x1x16xf32>,
        %get3A_1013 = vector.shape_cast %get3A_1012 : vector<1x1x16xf32> to vector<16xf32>
        %lt3A_1014 = arith.cmpf olt, %get3A_1013, %select_n3A_1001 : vector<16xf32>
        %select_n3A_1015 = arith.select %lt3A_1014, %get3A_1013, %select_n3A_1001 : vector<16xi1>, vector<16xf32>
        %select_n3A_1016 = arith.select %lt3A_1014, %add3A_1005, %select_n3A_1002 : vector<16xi1>, vector<16xi32>
        %add3A_1017 = arith.constant 1 : i32
        %add3A_1018 = vector.broadcast %add3A_1017 : i32 to vector<16xi32>
        %add3A_1019 = arith.addi %add3A_1005, %add3A_1018 : vector<16xi32>
        %scan3A_1020 = arith.constant 5 : i32
        %scan3A_1021 = arith.addi %scan3A_948, %scan3A_1020 : i32
        %get3A_1022 = arith.constant 0 : i32
        %get3A_1023 = arith.index_cast %get3A_1022 : i32 to index
        %get3A_1024 = arith.index_cast %scan3A_1021 : i32 to index
        %get3A_1025 = arith.constant 64 : index
        %get3A_1026 = tpu.vector_load %arg4[%get3A_1023, %get3A_1024, %get3A_1025] {strides = array<i32>} : memref<2x64x256xf32, #tpu.memory_space<vmem>>, vector<1x1x16xf32>,
        %get3A_1027 = vector.shape_cast %get3A_1026 : vector<1x1x16xf32> to vector<16xf32>
        %lt3A_1028 = arith.cmpf olt, %get3A_1027, %select_n3A_1015 : vector<16xf32>
        %select_n3A_1029 = arith.select %lt3A_1028, %get3A_1027, %select_n3A_1015 : vector<16xi1>, vector<16xf32>
        %select_n3A_1030 = arith.select %lt3A_1028, %add3A_1019, %select_n3A_1016 : vector<16xi1>, vector<16xi32>
        %add3A_1031 = arith.constant 1 : i32
        %add3A_1032 = vector.broadcast %add3A_1031 : i32 to vector<16xi32>
        %add3A_1033 = arith.addi %add3A_1019, %add3A_1032 : vector<16xi32>
        %scan3A_1034 = arith.constant 6 : i32
        %scan3A_1035 = arith.addi %scan3A_948, %scan3A_1034 : i32
        %get3A_1036 = arith.constant 0 : i32
        %get3A_1037 = arith.index_cast %get3A_1036 : i32 to index
        %get3A_1038 = arith.index_cast %scan3A_1035 : i32 to index
        %get3A_1039 = arith.constant 64 : index
        %get3A_1040 = tpu.vector_load %arg4[%get3A_1037, %get3A_1038, %get3A_1039] {strides = array<i32>} : memref<2x64x256xf32, #tpu.memory_space<vmem>>, vector<1x1x16xf32>,
        %get3A_1041 = vector.shape_cast %get3A_1040 : vector<1x1x16xf32> to vector<16xf32>
        %lt3A_1042 = arith.cmpf olt, %get3A_1041, %select_n3A_1029 : vector<16xf32>
        %select_n3A_1043 = arith.select %lt3A_1042, %get3A_1041, %select_n3A_1029 : vector<16xi1>, vector<16xf32>
        %select_n3A_1044 = arith.select %lt3A_1042, %add3A_1033, %select_n3A_1030 : vector<16xi1>, vector<16xi32>
        %add3A_1045 = arith.constant 1 : i32
        %add3A_1046 = vector.broadcast %add3A_1045 : i32 to vector<16xi32>
        %add3A_1047 = arith.addi %add3A_1033, %add3A_1046 : vector<16xi32>
        %scan3A_1048 = arith.constant 7 : i32
        %scan3A_1049 = arith.addi %scan3A_948, %scan3A_1048 : i32
        %get3A_1050 = arith.constant 0 : i32
        %get3A_1051 = arith.index_cast %get3A_1050 : i32 to index
        %get3A_1052 = arith.index_cast %scan3A_1049 : i32 to index
        %get3A_1053 = arith.constant 64 : index
        %get3A_1054 = tpu.vector_load %arg4[%get3A_1051, %get3A_1052, %get3A_1053] {strides = array<i32>} : memref<2x64x256xf32, #tpu.memory_space<vmem>>, vector<1x1x16xf32>,
        %get3A_1055 = vector.shape_cast %get3A_1054 : vector<1x1x16xf32> to vector<16xf32>
        %lt3A_1056 = arith.cmpf olt, %get3A_1055, %select_n3A_1043 : vector<16xf32>
        %select_n3A_1057 = arith.select %lt3A_1056, %get3A_1055, %select_n3A_1043 : vector<16xi1>, vector<16xf32>
        %select_n3A_1058 = arith.select %lt3A_1056, %add3A_1047, %select_n3A_1044 : vector<16xi1>, vector<16xi32>
        %add3A_1059 = arith.constant 1 : i32
        %add3A_1060 = vector.broadcast %add3A_1059 : i32 to vector<16xi32>
        %add3A_1061 = arith.addi %add3A_1047, %add3A_1060 : vector<16xi32>
        scf.yield %select_n3A_1057, %select_n3A_1058, %add3A_1061 : vector<16xf32>, vector<16xi32>, vector<16xi32>
      }
      %scan3A_371 = arith.constant 64 : i32
      %swap3A_372 = arith.constant 64 : index
      %swap3A_373 = tpu.vector_load %arg5[%swap3A_372] {strides = array<i32>} : memref<256xf32, #tpu.memory_space<vmem>>, vector<16xf32>,
      %swap3A_374 = vector.shape_cast %swap3A_373 : vector<16xf32> to vector<16xf32>
      %swap3A_375 = vector.shape_cast %scan3A_370#0 : vector<16xf32> to vector<16xf32>
      tpu.vector_store %arg5[%swap3A_372], %swap3A_375 {strides = array<i32>} : memref<256xf32, #tpu.memory_space<vmem>>, vector<16xf32>,
      %swap3A_376 = arith.constant 64 : index
      %swap3A_377 = tpu.vector_load %arg6[%swap3A_376] {strides = array<i32>} : memref<256xi32, #tpu.memory_space<vmem>>, vector<16xi32>,
      %swap3A_378 = vector.shape_cast %swap3A_377 : vector<16xi32> to vector<16xi32>
      %swap3A_379 = vector.shape_cast %scan3A_370#1 : vector<16xi32> to vector<16xi32>
      tpu.vector_store %arg6[%swap3A_376], %swap3A_379 {strides = array<i32>} : memref<256xi32, #tpu.memory_space<vmem>>, vector<16xi32>,
      %get3A_380 = arith.constant 80 : index
      %get3A_381 = tpu.vector_load %arg5[%get3A_380] {strides = array<i32>} : memref<256xf32, #tpu.memory_space<vmem>>, vector<16xf32>,
      %get3A_382 = vector.shape_cast %get3A_381 : vector<16xf32> to vector<16xf32>
      %get3A_383 = arith.constant 80 : index
      %get3A_384 = tpu.vector_load %arg6[%get3A_383] {strides = array<i32>} : memref<256xi32, #tpu.memory_space<vmem>>, vector<16xi32>,
      %get3A_385 = vector.shape_cast %get3A_384 : vector<16xi32> to vector<16xi32>
      %scan3A_386 = arith.constant 0 : i32
      %scan3A_387 = arith.constant 64 : i32
      %scan3A_388 = arith.addi %scan3A_386, %scan3A_387 : i32
      %scan3A_389 = arith.constant 8 : i32
      %scan3A_390:3 = scf.for %scan3A_948 = %scan3A_386 to %scan3A_388 step %scan3A_389 iter_args(%scan3A_949 = %get3A_382, %scan3A_950 = %get3A_385, %scan3A_951 = %broadcast_in_dim3A_280) -> (vector<16xf32>, vector<16xi32>, vector<16xi32>)  : i32 {
        %get3A_952 = arith.constant 0 : i32
        %get3A_953 = arith.index_cast %get3A_952 : i32 to index
        %get3A_954 = arith.index_cast %scan3A_948 : i32 to index
        %get3A_955 = arith.constant 80 : index
        %get3A_956 = tpu.vector_load %arg4[%get3A_953, %get3A_954, %get3A_955] {strides = array<i32>} : memref<2x64x256xf32, #tpu.memory_space<vmem>>, vector<1x1x16xf32>,
        %get3A_957 = vector.shape_cast %get3A_956 : vector<1x1x16xf32> to vector<16xf32>
        %lt3A_958 = arith.cmpf olt, %get3A_957, %scan3A_949 : vector<16xf32>
        %select_n3A_959 = arith.select %lt3A_958, %get3A_957, %scan3A_949 : vector<16xi1>, vector<16xf32>
        %select_n3A_960 = arith.select %lt3A_958, %scan3A_951, %scan3A_950 : vector<16xi1>, vector<16xi32>
        %add3A_961 = arith.constant 1 : i32
        %add3A_962 = vector.broadcast %add3A_961 : i32 to vector<16xi32>
        %add3A_963 = arith.addi %scan3A_951, %add3A_962 : vector<16xi32>
        %scan3A_964 = arith.constant 1 : i32
        %scan3A_965 = arith.addi %scan3A_948, %scan3A_964 : i32
        %get3A_966 = arith.constant 0 : i32
        %get3A_967 = arith.index_cast %get3A_966 : i32 to index
        %get3A_968 = arith.index_cast %scan3A_965 : i32 to index
        %get3A_969 = arith.constant 80 : index
        %get3A_970 = tpu.vector_load %arg4[%get3A_967, %get3A_968, %get3A_969] {strides = array<i32>} : memref<2x64x256xf32, #tpu.memory_space<vmem>>, vector<1x1x16xf32>,
        %get3A_971 = vector.shape_cast %get3A_970 : vector<1x1x16xf32> to vector<16xf32>
        %lt3A_972 = arith.cmpf olt, %get3A_971, %select_n3A_959 : vector<16xf32>
        %select_n3A_973 = arith.select %lt3A_972, %get3A_971, %select_n3A_959 : vector<16xi1>, vector<16xf32>
        %select_n3A_974 = arith.select %lt3A_972, %add3A_963, %select_n3A_960 : vector<16xi1>, vector<16xi32>
        %add3A_975 = arith.constant 1 : i32
        %add3A_976 = vector.broadcast %add3A_975 : i32 to vector<16xi32>
        %add3A_977 = arith.addi %add3A_963, %add3A_976 : vector<16xi32>
        %scan3A_978 = arith.constant 2 : i32
        %scan3A_979 = arith.addi %scan3A_948, %scan3A_978 : i32
        %get3A_980 = arith.constant 0 : i32
        %get3A_981 = arith.index_cast %get3A_980 : i32 to index
        %get3A_982 = arith.index_cast %scan3A_979 : i32 to index
        %get3A_983 = arith.constant 80 : index
        %get3A_984 = tpu.vector_load %arg4[%get3A_981, %get3A_982, %get3A_983] {strides = array<i32>} : memref<2x64x256xf32, #tpu.memory_space<vmem>>, vector<1x1x16xf32>,
        %get3A_985 = vector.shape_cast %get3A_984 : vector<1x1x16xf32> to vector<16xf32>
        %lt3A_986 = arith.cmpf olt, %get3A_985, %select_n3A_973 : vector<16xf32>
        %select_n3A_987 = arith.select %lt3A_986, %get3A_985, %select_n3A_973 : vector<16xi1>, vector<16xf32>
        %select_n3A_988 = arith.select %lt3A_986, %add3A_977, %select_n3A_974 : vector<16xi1>, vector<16xi32>
        %add3A_989 = arith.constant 1 : i32
        %add3A_990 = vector.broadcast %add3A_989 : i32 to vector<16xi32>
        %add3A_991 = arith.addi %add3A_977, %add3A_990 : vector<16xi32>
        %scan3A_992 = arith.constant 3 : i32
        %scan3A_993 = arith.addi %scan3A_948, %scan3A_992 : i32
        %get3A_994 = arith.constant 0 : i32
        %get3A_995 = arith.index_cast %get3A_994 : i32 to index
        %get3A_996 = arith.index_cast %scan3A_993 : i32 to index
        %get3A_997 = arith.constant 80 : index
        %get3A_998 = tpu.vector_load %arg4[%get3A_995, %get3A_996, %get3A_997] {strides = array<i32>} : memref<2x64x256xf32, #tpu.memory_space<vmem>>, vector<1x1x16xf32>,
        %get3A_999 = vector.shape_cast %get3A_998 : vector<1x1x16xf32> to vector<16xf32>
        %lt3A_1000 = arith.cmpf olt, %get3A_999, %select_n3A_987 : vector<16xf32>
        %select_n3A_1001 = arith.select %lt3A_1000, %get3A_999, %select_n3A_987 : vector<16xi1>, vector<16xf32>
        %select_n3A_1002 = arith.select %lt3A_1000, %add3A_991, %select_n3A_988 : vector<16xi1>, vector<16xi32>
        %add3A_1003 = arith.constant 1 : i32
        %add3A_1004 = vector.broadcast %add3A_1003 : i32 to vector<16xi32>
        %add3A_1005 = arith.addi %add3A_991, %add3A_1004 : vector<16xi32>
        %scan3A_1006 = arith.constant 4 : i32
        %scan3A_1007 = arith.addi %scan3A_948, %scan3A_1006 : i32
        %get3A_1008 = arith.constant 0 : i32
        %get3A_1009 = arith.index_cast %get3A_1008 : i32 to index
        %get3A_1010 = arith.index_cast %scan3A_1007 : i32 to index
        %get3A_1011 = arith.constant 80 : index
        %get3A_1012 = tpu.vector_load %arg4[%get3A_1009, %get3A_1010, %get3A_1011] {strides = array<i32>} : memref<2x64x256xf32, #tpu.memory_space<vmem>>, vector<1x1x16xf32>,
        %get3A_1013 = vector.shape_cast %get3A_1012 : vector<1x1x16xf32> to vector<16xf32>
        %lt3A_1014 = arith.cmpf olt, %get3A_1013, %select_n3A_1001 : vector<16xf32>
        %select_n3A_1015 = arith.select %lt3A_1014, %get3A_1013, %select_n3A_1001 : vector<16xi1>, vector<16xf32>
        %select_n3A_1016 = arith.select %lt3A_1014, %add3A_1005, %select_n3A_1002 : vector<16xi1>, vector<16xi32>
        %add3A_1017 = arith.constant 1 : i32
        %add3A_1018 = vector.broadcast %add3A_1017 : i32 to vector<16xi32>
        %add3A_1019 = arith.addi %add3A_1005, %add3A_1018 : vector<16xi32>
        %scan3A_1020 = arith.constant 5 : i32
        %scan3A_1021 = arith.addi %scan3A_948, %scan3A_1020 : i32
        %get3A_1022 = arith.constant 0 : i32
        %get3A_1023 = arith.index_cast %get3A_1022 : i32 to index
        %get3A_1024 = arith.index_cast %scan3A_1021 : i32 to index
        %get3A_1025 = arith.constant 80 : index
        %get3A_1026 = tpu.vector_load %arg4[%get3A_1023, %get3A_1024, %get3A_1025] {strides = array<i32>} : memref<2x64x256xf32, #tpu.memory_space<vmem>>, vector<1x1x16xf32>,
        %get3A_1027 = vector.shape_cast %get3A_1026 : vector<1x1x16xf32> to vector<16xf32>
        %lt3A_1028 = arith.cmpf olt, %get3A_1027, %select_n3A_1015 : vector<16xf32>
        %select_n3A_1029 = arith.select %lt3A_1028, %get3A_1027, %select_n3A_1015 : vector<16xi1>, vector<16xf32>
        %select_n3A_1030 = arith.select %lt3A_1028, %add3A_1019, %select_n3A_1016 : vector<16xi1>, vector<16xi32>
        %add3A_1031 = arith.constant 1 : i32
        %add3A_1032 = vector.broadcast %add3A_1031 : i32 to vector<16xi32>
        %add3A_1033 = arith.addi %add3A_1019, %add3A_1032 : vector<16xi32>
        %scan3A_1034 = arith.constant 6 : i32
        %scan3A_1035 = arith.addi %scan3A_948, %scan3A_1034 : i32
        %get3A_1036 = arith.constant 0 : i32
        %get3A_1037 = arith.index_cast %get3A_1036 : i32 to index
        %get3A_1038 = arith.index_cast %scan3A_1035 : i32 to index
        %get3A_1039 = arith.constant 80 : index
        %get3A_1040 = tpu.vector_load %arg4[%get3A_1037, %get3A_1038, %get3A_1039] {strides = array<i32>} : memref<2x64x256xf32, #tpu.memory_space<vmem>>, vector<1x1x16xf32>,
        %get3A_1041 = vector.shape_cast %get3A_1040 : vector<1x1x16xf32> to vector<16xf32>
        %lt3A_1042 = arith.cmpf olt, %get3A_1041, %select_n3A_1029 : vector<16xf32>
        %select_n3A_1043 = arith.select %lt3A_1042, %get3A_1041, %select_n3A_1029 : vector<16xi1>, vector<16xf32>
        %select_n3A_1044 = arith.select %lt3A_1042, %add3A_1033, %select_n3A_1030 : vector<16xi1>, vector<16xi32>
        %add3A_1045 = arith.constant 1 : i32
        %add3A_1046 = vector.broadcast %add3A_1045 : i32 to vector<16xi32>
        %add3A_1047 = arith.addi %add3A_1033, %add3A_1046 : vector<16xi32>
        %scan3A_1048 = arith.constant 7 : i32
        %scan3A_1049 = arith.addi %scan3A_948, %scan3A_1048 : i32
        %get3A_1050 = arith.constant 0 : i32
        %get3A_1051 = arith.index_cast %get3A_1050 : i32 to index
        %get3A_1052 = arith.index_cast %scan3A_1049 : i32 to index
        %get3A_1053 = arith.constant 80 : index
        %get3A_1054 = tpu.vector_load %arg4[%get3A_1051, %get3A_1052, %get3A_1053] {strides = array<i32>} : memref<2x64x256xf32, #tpu.memory_space<vmem>>, vector<1x1x16xf32>,
        %get3A_1055 = vector.shape_cast %get3A_1054 : vector<1x1x16xf32> to vector<16xf32>
        %lt3A_1056 = arith.cmpf olt, %get3A_1055, %select_n3A_1043 : vector<16xf32>
        %select_n3A_1057 = arith.select %lt3A_1056, %get3A_1055, %select_n3A_1043 : vector<16xi1>, vector<16xf32>
        %select_n3A_1058 = arith.select %lt3A_1056, %add3A_1047, %select_n3A_1044 : vector<16xi1>, vector<16xi32>
        %add3A_1059 = arith.constant 1 : i32
        %add3A_1060 = vector.broadcast %add3A_1059 : i32 to vector<16xi32>
        %add3A_1061 = arith.addi %add3A_1047, %add3A_1060 : vector<16xi32>
        scf.yield %select_n3A_1057, %select_n3A_1058, %add3A_1061 : vector<16xf32>, vector<16xi32>, vector<16xi32>
      }
      %scan3A_391 = arith.constant 64 : i32
      %swap3A_392 = arith.constant 80 : index
      %swap3A_393 = tpu.vector_load %arg5[%swap3A_392] {strides = array<i32>} : memref<256xf32, #tpu.memory_space<vmem>>, vector<16xf32>,
      %swap3A_394 = vector.shape_cast %swap3A_393 : vector<16xf32> to vector<16xf32>
      %swap3A_395 = vector.shape_cast %scan3A_390#0 : vector<16xf32> to vector<16xf32>
      tpu.vector_store %arg5[%swap3A_392], %swap3A_395 {strides = array<i32>} : memref<256xf32, #tpu.memory_space<vmem>>, vector<16xf32>,
      %swap3A_396 = arith.constant 80 : index
      %swap3A_397 = tpu.vector_load %arg6[%swap3A_396] {strides = array<i32>} : memref<256xi32, #tpu.memory_space<vmem>>, vector<16xi32>,
      %swap3A_398 = vector.shape_cast %swap3A_397 : vector<16xi32> to vector<16xi32>
      %swap3A_399 = vector.shape_cast %scan3A_390#1 : vector<16xi32> to vector<16xi32>
      tpu.vector_store %arg6[%swap3A_396], %swap3A_399 {strides = array<i32>} : memref<256xi32, #tpu.memory_space<vmem>>, vector<16xi32>,
      %get3A_400 = arith.constant 96 : index
      %get3A_401 = tpu.vector_load %arg5[%get3A_400] {strides = array<i32>} : memref<256xf32, #tpu.memory_space<vmem>>, vector<16xf32>,
      %get3A_402 = vector.shape_cast %get3A_401 : vector<16xf32> to vector<16xf32>
      %get3A_403 = arith.constant 96 : index
      %get3A_404 = tpu.vector_load %arg6[%get3A_403] {strides = array<i32>} : memref<256xi32, #tpu.memory_space<vmem>>, vector<16xi32>,
      %get3A_405 = vector.shape_cast %get3A_404 : vector<16xi32> to vector<16xi32>
      %scan3A_406 = arith.constant 0 : i32
      %scan3A_407 = arith.constant 64 : i32
      %scan3A_408 = arith.addi %scan3A_406, %scan3A_407 : i32
      %scan3A_409 = arith.constant 8 : i32
      %scan3A_410:3 = scf.for %scan3A_948 = %scan3A_406 to %scan3A_408 step %scan3A_409 iter_args(%scan3A_949 = %get3A_402, %scan3A_950 = %get3A_405, %scan3A_951 = %broadcast_in_dim3A_280) -> (vector<16xf32>, vector<16xi32>, vector<16xi32>)  : i32 {
        %get3A_952 = arith.constant 0 : i32
        %get3A_953 = arith.index_cast %get3A_952 : i32 to index
        %get3A_954 = arith.index_cast %scan3A_948 : i32 to index
        %get3A_955 = arith.constant 96 : index
        %get3A_956 = tpu.vector_load %arg4[%get3A_953, %get3A_954, %get3A_955] {strides = array<i32>} : memref<2x64x256xf32, #tpu.memory_space<vmem>>, vector<1x1x16xf32>,
        %get3A_957 = vector.shape_cast %get3A_956 : vector<1x1x16xf32> to vector<16xf32>
        %lt3A_958 = arith.cmpf olt, %get3A_957, %scan3A_949 : vector<16xf32>
        %select_n3A_959 = arith.select %lt3A_958, %get3A_957, %scan3A_949 : vector<16xi1>, vector<16xf32>
        %select_n3A_960 = arith.select %lt3A_958, %scan3A_951, %scan3A_950 : vector<16xi1>, vector<16xi32>
        %add3A_961 = arith.constant 1 : i32
        %add3A_962 = vector.broadcast %add3A_961 : i32 to vector<16xi32>
        %add3A_963 = arith.addi %scan3A_951, %add3A_962 : vector<16xi32>
        %scan3A_964 = arith.constant 1 : i32
        %scan3A_965 = arith.addi %scan3A_948, %scan3A_964 : i32
        %get3A_966 = arith.constant 0 : i32
        %get3A_967 = arith.index_cast %get3A_966 : i32 to index
        %get3A_968 = arith.index_cast %scan3A_965 : i32 to index
        %get3A_969 = arith.constant 96 : index
        %get3A_970 = tpu.vector_load %arg4[%get3A_967, %get3A_968, %get3A_969] {strides = array<i32>} : memref<2x64x256xf32, #tpu.memory_space<vmem>>, vector<1x1x16xf32>,
        %get3A_971 = vector.shape_cast %get3A_970 : vector<1x1x16xf32> to vector<16xf32>
        %lt3A_972 = arith.cmpf olt, %get3A_971, %select_n3A_959 : vector<16xf32>
        %select_n3A_973 = arith.select %lt3A_972, %get3A_971, %select_n3A_959 : vector<16xi1>, vector<16xf32>
        %select_n3A_974 = arith.select %lt3A_972, %add3A_963, %select_n3A_960 : vector<16xi1>, vector<16xi32>
        %add3A_975 = arith.constant 1 : i32
        %add3A_976 = vector.broadcast %add3A_975 : i32 to vector<16xi32>
        %add3A_977 = arith.addi %add3A_963, %add3A_976 : vector<16xi32>
        %scan3A_978 = arith.constant 2 : i32
        %scan3A_979 = arith.addi %scan3A_948, %scan3A_978 : i32
        %get3A_980 = arith.constant 0 : i32
        %get3A_981 = arith.index_cast %get3A_980 : i32 to index
        %get3A_982 = arith.index_cast %scan3A_979 : i32 to index
        %get3A_983 = arith.constant 96 : index
        %get3A_984 = tpu.vector_load %arg4[%get3A_981, %get3A_982, %get3A_983] {strides = array<i32>} : memref<2x64x256xf32, #tpu.memory_space<vmem>>, vector<1x1x16xf32>,
        %get3A_985 = vector.shape_cast %get3A_984 : vector<1x1x16xf32> to vector<16xf32>
        %lt3A_986 = arith.cmpf olt, %get3A_985, %select_n3A_973 : vector<16xf32>
        %select_n3A_987 = arith.select %lt3A_986, %get3A_985, %select_n3A_973 : vector<16xi1>, vector<16xf32>
        %select_n3A_988 = arith.select %lt3A_986, %add3A_977, %select_n3A_974 : vector<16xi1>, vector<16xi32>
        %add3A_989 = arith.constant 1 : i32
        %add3A_990 = vector.broadcast %add3A_989 : i32 to vector<16xi32>
        %add3A_991 = arith.addi %add3A_977, %add3A_990 : vector<16xi32>
        %scan3A_992 = arith.constant 3 : i32
        %scan3A_993 = arith.addi %scan3A_948, %scan3A_992 : i32
        %get3A_994 = arith.constant 0 : i32
        %get3A_995 = arith.index_cast %get3A_994 : i32 to index
        %get3A_996 = arith.index_cast %scan3A_993 : i32 to index
        %get3A_997 = arith.constant 96 : index
        %get3A_998 = tpu.vector_load %arg4[%get3A_995, %get3A_996, %get3A_997] {strides = array<i32>} : memref<2x64x256xf32, #tpu.memory_space<vmem>>, vector<1x1x16xf32>,
        %get3A_999 = vector.shape_cast %get3A_998 : vector<1x1x16xf32> to vector<16xf32>
        %lt3A_1000 = arith.cmpf olt, %get3A_999, %select_n3A_987 : vector<16xf32>
        %select_n3A_1001 = arith.select %lt3A_1000, %get3A_999, %select_n3A_987 : vector<16xi1>, vector<16xf32>
        %select_n3A_1002 = arith.select %lt3A_1000, %add3A_991, %select_n3A_988 : vector<16xi1>, vector<16xi32>
        %add3A_1003 = arith.constant 1 : i32
        %add3A_1004 = vector.broadcast %add3A_1003 : i32 to vector<16xi32>
        %add3A_1005 = arith.addi %add3A_991, %add3A_1004 : vector<16xi32>
        %scan3A_1006 = arith.constant 4 : i32
        %scan3A_1007 = arith.addi %scan3A_948, %scan3A_1006 : i32
        %get3A_1008 = arith.constant 0 : i32
        %get3A_1009 = arith.index_cast %get3A_1008 : i32 to index
        %get3A_1010 = arith.index_cast %scan3A_1007 : i32 to index
        %get3A_1011 = arith.constant 96 : index
        %get3A_1012 = tpu.vector_load %arg4[%get3A_1009, %get3A_1010, %get3A_1011] {strides = array<i32>} : memref<2x64x256xf32, #tpu.memory_space<vmem>>, vector<1x1x16xf32>,
        %get3A_1013 = vector.shape_cast %get3A_1012 : vector<1x1x16xf32> to vector<16xf32>
        %lt3A_1014 = arith.cmpf olt, %get3A_1013, %select_n3A_1001 : vector<16xf32>
        %select_n3A_1015 = arith.select %lt3A_1014, %get3A_1013, %select_n3A_1001 : vector<16xi1>, vector<16xf32>
        %select_n3A_1016 = arith.select %lt3A_1014, %add3A_1005, %select_n3A_1002 : vector<16xi1>, vector<16xi32>
        %add3A_1017 = arith.constant 1 : i32
        %add3A_1018 = vector.broadcast %add3A_1017 : i32 to vector<16xi32>
        %add3A_1019 = arith.addi %add3A_1005, %add3A_1018 : vector<16xi32>
        %scan3A_1020 = arith.constant 5 : i32
        %scan3A_1021 = arith.addi %scan3A_948, %scan3A_1020 : i32
        %get3A_1022 = arith.constant 0 : i32
        %get3A_1023 = arith.index_cast %get3A_1022 : i32 to index
        %get3A_1024 = arith.index_cast %scan3A_1021 : i32 to index
        %get3A_1025 = arith.constant 96 : index
        %get3A_1026 = tpu.vector_load %arg4[%get3A_1023, %get3A_1024, %get3A_1025] {strides = array<i32>} : memref<2x64x256xf32, #tpu.memory_space<vmem>>, vector<1x1x16xf32>,
        %get3A_1027 = vector.shape_cast %get3A_1026 : vector<1x1x16xf32> to vector<16xf32>
        %lt3A_1028 = arith.cmpf olt, %get3A_1027, %select_n3A_1015 : vector<16xf32>
        %select_n3A_1029 = arith.select %lt3A_1028, %get3A_1027, %select_n3A_1015 : vector<16xi1>, vector<16xf32>
        %select_n3A_1030 = arith.select %lt3A_1028, %add3A_1019, %select_n3A_1016 : vector<16xi1>, vector<16xi32>
        %add3A_1031 = arith.constant 1 : i32
        %add3A_1032 = vector.broadcast %add3A_1031 : i32 to vector<16xi32>
        %add3A_1033 = arith.addi %add3A_1019, %add3A_1032 : vector<16xi32>
        %scan3A_1034 = arith.constant 6 : i32
        %scan3A_1035 = arith.addi %scan3A_948, %scan3A_1034 : i32
        %get3A_1036 = arith.constant 0 : i32
        %get3A_1037 = arith.index_cast %get3A_1036 : i32 to index
        %get3A_1038 = arith.index_cast %scan3A_1035 : i32 to index
        %get3A_1039 = arith.constant 96 : index
        %get3A_1040 = tpu.vector_load %arg4[%get3A_1037, %get3A_1038, %get3A_1039] {strides = array<i32>} : memref<2x64x256xf32, #tpu.memory_space<vmem>>, vector<1x1x16xf32>,
        %get3A_1041 = vector.shape_cast %get3A_1040 : vector<1x1x16xf32> to vector<16xf32>
        %lt3A_1042 = arith.cmpf olt, %get3A_1041, %select_n3A_1029 : vector<16xf32>
        %select_n3A_1043 = arith.select %lt3A_1042, %get3A_1041, %select_n3A_1029 : vector<16xi1>, vector<16xf32>
        %select_n3A_1044 = arith.select %lt3A_1042, %add3A_1033, %select_n3A_1030 : vector<16xi1>, vector<16xi32>
        %add3A_1045 = arith.constant 1 : i32
        %add3A_1046 = vector.broadcast %add3A_1045 : i32 to vector<16xi32>
        %add3A_1047 = arith.addi %add3A_1033, %add3A_1046 : vector<16xi32>
        %scan3A_1048 = arith.constant 7 : i32
        %scan3A_1049 = arith.addi %scan3A_948, %scan3A_1048 : i32
        %get3A_1050 = arith.constant 0 : i32
        %get3A_1051 = arith.index_cast %get3A_1050 : i32 to index
        %get3A_1052 = arith.index_cast %scan3A_1049 : i32 to index
        %get3A_1053 = arith.constant 96 : index
        %get3A_1054 = tpu.vector_load %arg4[%get3A_1051, %get3A_1052, %get3A_1053] {strides = array<i32>} : memref<2x64x256xf32, #tpu.memory_space<vmem>>, vector<1x1x16xf32>,
        %get3A_1055 = vector.shape_cast %get3A_1054 : vector<1x1x16xf32> to vector<16xf32>
        %lt3A_1056 = arith.cmpf olt, %get3A_1055, %select_n3A_1043 : vector<16xf32>
        %select_n3A_1057 = arith.select %lt3A_1056, %get3A_1055, %select_n3A_1043 : vector<16xi1>, vector<16xf32>
        %select_n3A_1058 = arith.select %lt3A_1056, %add3A_1047, %select_n3A_1044 : vector<16xi1>, vector<16xi32>
        %add3A_1059 = arith.constant 1 : i32
        %add3A_1060 = vector.broadcast %add3A_1059 : i32 to vector<16xi32>
        %add3A_1061 = arith.addi %add3A_1047, %add3A_1060 : vector<16xi32>
        scf.yield %select_n3A_1057, %select_n3A_1058, %add3A_1061 : vector<16xf32>, vector<16xi32>, vector<16xi32>
      }
      %scan3A_411 = arith.constant 64 : i32
      %swap3A_412 = arith.constant 96 : index
      %swap3A_413 = tpu.vector_load %arg5[%swap3A_412] {strides = array<i32>} : memref<256xf32, #tpu.memory_space<vmem>>, vector<16xf32>,
      %swap3A_414 = vector.shape_cast %swap3A_413 : vector<16xf32> to vector<16xf32>
      %swap3A_415 = vector.shape_cast %scan3A_410#0 : vector<16xf32> to vector<16xf32>
      tpu.vector_store %arg5[%swap3A_412], %swap3A_415 {strides = array<i32>} : memref<256xf32, #tpu.memory_space<vmem>>, vector<16xf32>,
      %swap3A_416 = arith.constant 96 : index
      %swap3A_417 = tpu.vector_load %arg6[%swap3A_416] {strides = array<i32>} : memref<256xi32, #tpu.memory_space<vmem>>, vector<16xi32>,
      %swap3A_418 = vector.shape_cast %swap3A_417 : vector<16xi32> to vector<16xi32>
      %swap3A_419 = vector.shape_cast %scan3A_410#1 : vector<16xi32> to vector<16xi32>
      tpu.vector_store %arg6[%swap3A_416], %swap3A_419 {strides = array<i32>} : memref<256xi32, #tpu.memory_space<vmem>>, vector<16xi32>,
      %get3A_420 = arith.constant 112 : index
      %get3A_421 = tpu.vector_load %arg5[%get3A_420] {strides = array<i32>} : memref<256xf32, #tpu.memory_space<vmem>>, vector<16xf32>,
      %get3A_422 = vector.shape_cast %get3A_421 : vector<16xf32> to vector<16xf32>
      %get3A_423 = arith.constant 112 : index
      %get3A_424 = tpu.vector_load %arg6[%get3A_423] {strides = array<i32>} : memref<256xi32, #tpu.memory_space<vmem>>, vector<16xi32>,
      %get3A_425 = vector.shape_cast %get3A_424 : vector<16xi32> to vector<16xi32>
      %scan3A_426 = arith.constant 0 : i32
      %scan3A_427 = arith.constant 64 : i32
      %scan3A_428 = arith.addi %scan3A_426, %scan3A_427 : i32
      %scan3A_429 = arith.constant 8 : i32
      %scan3A_430:3 = scf.for %scan3A_948 = %scan3A_426 to %scan3A_428 step %scan3A_429 iter_args(%scan3A_949 = %get3A_422, %scan3A_950 = %get3A_425, %scan3A_951 = %broadcast_in_dim3A_280) -> (vector<16xf32>, vector<16xi32>, vector<16xi32>)  : i32 {
        %get3A_952 = arith.constant 0 : i32
        %get3A_953 = arith.index_cast %get3A_952 : i32 to index
        %get3A_954 = arith.index_cast %scan3A_948 : i32 to index
        %get3A_955 = arith.constant 112 : index
        %get3A_956 = tpu.vector_load %arg4[%get3A_953, %get3A_954, %get3A_955] {strides = array<i32>} : memref<2x64x256xf32, #tpu.memory_space<vmem>>, vector<1x1x16xf32>,
        %get3A_957 = vector.shape_cast %get3A_956 : vector<1x1x16xf32> to vector<16xf32>
        %lt3A_958 = arith.cmpf olt, %get3A_957, %scan3A_949 : vector<16xf32>
        %select_n3A_959 = arith.select %lt3A_958, %get3A_957, %scan3A_949 : vector<16xi1>, vector<16xf32>
        %select_n3A_960 = arith.select %lt3A_958, %scan3A_951, %scan3A_950 : vector<16xi1>, vector<16xi32>
        %add3A_961 = arith.constant 1 : i32
        %add3A_962 = vector.broadcast %add3A_961 : i32 to vector<16xi32>
        %add3A_963 = arith.addi %scan3A_951, %add3A_962 : vector<16xi32>
        %scan3A_964 = arith.constant 1 : i32
        %scan3A_965 = arith.addi %scan3A_948, %scan3A_964 : i32
        %get3A_966 = arith.constant 0 : i32
        %get3A_967 = arith.index_cast %get3A_966 : i32 to index
        %get3A_968 = arith.index_cast %scan3A_965 : i32 to index
        %get3A_969 = arith.constant 112 : index
        %get3A_970 = tpu.vector_load %arg4[%get3A_967, %get3A_968, %get3A_969] {strides = array<i32>} : memref<2x64x256xf32, #tpu.memory_space<vmem>>, vector<1x1x16xf32>,
        %get3A_971 = vector.shape_cast %get3A_970 : vector<1x1x16xf32> to vector<16xf32>
        %lt3A_972 = arith.cmpf olt, %get3A_971, %select_n3A_959 : vector<16xf32>
        %select_n3A_973 = arith.select %lt3A_972, %get3A_971, %select_n3A_959 : vector<16xi1>, vector<16xf32>
        %select_n3A_974 = arith.select %lt3A_972, %add3A_963, %select_n3A_960 : vector<16xi1>, vector<16xi32>
        %add3A_975 = arith.constant 1 : i32
        %add3A_976 = vector.broadcast %add3A_975 : i32 to vector<16xi32>
        %add3A_977 = arith.addi %add3A_963, %add3A_976 : vector<16xi32>
        %scan3A_978 = arith.constant 2 : i32
        %scan3A_979 = arith.addi %scan3A_948, %scan3A_978 : i32
        %get3A_980 = arith.constant 0 : i32
        %get3A_981 = arith.index_cast %get3A_980 : i32 to index
        %get3A_982 = arith.index_cast %scan3A_979 : i32 to index
        %get3A_983 = arith.constant 112 : index
        %get3A_984 = tpu.vector_load %arg4[%get3A_981, %get3A_982, %get3A_983] {strides = array<i32>} : memref<2x64x256xf32, #tpu.memory_space<vmem>>, vector<1x1x16xf32>,
        %get3A_985 = vector.shape_cast %get3A_984 : vector<1x1x16xf32> to vector<16xf32>
        %lt3A_986 = arith.cmpf olt, %get3A_985, %select_n3A_973 : vector<16xf32>
        %select_n3A_987 = arith.select %lt3A_986, %get3A_985, %select_n3A_973 : vector<16xi1>, vector<16xf32>
        %select_n3A_988 = arith.select %lt3A_986, %add3A_977, %select_n3A_974 : vector<16xi1>, vector<16xi32>
        %add3A_989 = arith.constant 1 : i32
        %add3A_990 = vector.broadcast %add3A_989 : i32 to vector<16xi32>
        %add3A_991 = arith.addi %add3A_977, %add3A_990 : vector<16xi32>
        %scan3A_992 = arith.constant 3 : i32
        %scan3A_993 = arith.addi %scan3A_948, %scan3A_992 : i32
        %get3A_994 = arith.constant 0 : i32
        %get3A_995 = arith.index_cast %get3A_994 : i32 to index
        %get3A_996 = arith.index_cast %scan3A_993 : i32 to index
        %get3A_997 = arith.constant 112 : index
        %get3A_998 = tpu.vector_load %arg4[%get3A_995, %get3A_996, %get3A_997] {strides = array<i32>} : memref<2x64x256xf32, #tpu.memory_space<vmem>>, vector<1x1x16xf32>,
        %get3A_999 = vector.shape_cast %get3A_998 : vector<1x1x16xf32> to vector<16xf32>
        %lt3A_1000 = arith.cmpf olt, %get3A_999, %select_n3A_987 : vector<16xf32>
        %select_n3A_1001 = arith.select %lt3A_1000, %get3A_999, %select_n3A_987 : vector<16xi1>, vector<16xf32>
        %select_n3A_1002 = arith.select %lt3A_1000, %add3A_991, %select_n3A_988 : vector<16xi1>, vector<16xi32>
        %add3A_1003 = arith.constant 1 : i32
        %add3A_1004 = vector.broadcast %add3A_1003 : i32 to vector<16xi32>
        %add3A_1005 = arith.addi %add3A_991, %add3A_1004 : vector<16xi32>
        %scan3A_1006 = arith.constant 4 : i32
        %scan3A_1007 = arith.addi %scan3A_948, %scan3A_1006 : i32
        %get3A_1008 = arith.constant 0 : i32
        %get3A_1009 = arith.index_cast %get3A_1008 : i32 to index
        %get3A_1010 = arith.index_cast %scan3A_1007 : i32 to index
        %get3A_1011 = arith.constant 112 : index
        %get3A_1012 = tpu.vector_load %arg4[%get3A_1009, %get3A_1010, %get3A_1011] {strides = array<i32>} : memref<2x64x256xf32, #tpu.memory_space<vmem>>, vector<1x1x16xf32>,
        %get3A_1013 = vector.shape_cast %get3A_1012 : vector<1x1x16xf32> to vector<16xf32>
        %lt3A_1014 = arith.cmpf olt, %get3A_1013, %select_n3A_1001 : vector<16xf32>
        %select_n3A_1015 = arith.select %lt3A_1014, %get3A_1013, %select_n3A_1001 : vector<16xi1>, vector<16xf32>
        %select_n3A_1016 = arith.select %lt3A_1014, %add3A_1005, %select_n3A_1002 : vector<16xi1>, vector<16xi32>
        %add3A_1017 = arith.constant 1 : i32
        %add3A_1018 = vector.broadcast %add3A_1017 : i32 to vector<16xi32>
        %add3A_1019 = arith.addi %add3A_1005, %add3A_1018 : vector<16xi32>
        %scan3A_1020 = arith.constant 5 : i32
        %scan3A_1021 = arith.addi %scan3A_948, %scan3A_1020 : i32
        %get3A_1022 = arith.constant 0 : i32
        %get3A_1023 = arith.index_cast %get3A_1022 : i32 to index
        %get3A_1024 = arith.index_cast %scan3A_1021 : i32 to index
        %get3A_1025 = arith.constant 112 : index
        %get3A_1026 = tpu.vector_load %arg4[%get3A_1023, %get3A_1024, %get3A_1025] {strides = array<i32>} : memref<2x64x256xf32, #tpu.memory_space<vmem>>, vector<1x1x16xf32>,
        %get3A_1027 = vector.shape_cast %get3A_1026 : vector<1x1x16xf32> to vector<16xf32>
        %lt3A_1028 = arith.cmpf olt, %get3A_1027, %select_n3A_1015 : vector<16xf32>
        %select_n3A_1029 = arith.select %lt3A_1028, %get3A_1027, %select_n3A_1015 : vector<16xi1>, vector<16xf32>
        %select_n3A_1030 = arith.select %lt3A_1028, %add3A_1019, %select_n3A_1016 : vector<16xi1>, vector<16xi32>
        %add3A_1031 = arith.constant 1 : i32
        %add3A_1032 = vector.broadcast %add3A_1031 : i32 to vector<16xi32>
        %add3A_1033 = arith.addi %add3A_1019, %add3A_1032 : vector<16xi32>
        %scan3A_1034 = arith.constant 6 : i32
        %scan3A_1035 = arith.addi %scan3A_948, %scan3A_1034 : i32
        %get3A_1036 = arith.constant 0 : i32
        %get3A_1037 = arith.index_cast %get3A_1036 : i32 to index
        %get3A_1038 = arith.index_cast %scan3A_1035 : i32 to index
        %get3A_1039 = arith.constant 112 : index
        %get3A_1040 = tpu.vector_load %arg4[%get3A_1037, %get3A_1038, %get3A_1039] {strides = array<i32>} : memref<2x64x256xf32, #tpu.memory_space<vmem>>, vector<1x1x16xf32>,
        %get3A_1041 = vector.shape_cast %get3A_1040 : vector<1x1x16xf32> to vector<16xf32>
        %lt3A_1042 = arith.cmpf olt, %get3A_1041, %select_n3A_1029 : vector<16xf32>
        %select_n3A_1043 = arith.select %lt3A_1042, %get3A_1041, %select_n3A_1029 : vector<16xi1>, vector<16xf32>
        %select_n3A_1044 = arith.select %lt3A_1042, %add3A_1033, %select_n3A_1030 : vector<16xi1>, vector<16xi32>
        %add3A_1045 = arith.constant 1 : i32
        %add3A_1046 = vector.broadcast %add3A_1045 : i32 to vector<16xi32>
        %add3A_1047 = arith.addi %add3A_1033, %add3A_1046 : vector<16xi32>
        %scan3A_1048 = arith.constant 7 : i32
        %scan3A_1049 = arith.addi %scan3A_948, %scan3A_1048 : i32
        %get3A_1050 = arith.constant 0 : i32
        %get3A_1051 = arith.index_cast %get3A_1050 : i32 to index
        %get3A_1052 = arith.index_cast %scan3A_1049 : i32 to index
        %get3A_1053 = arith.constant 112 : index
        %get3A_1054 = tpu.vector_load %arg4[%get3A_1051, %get3A_1052, %get3A_1053] {strides = array<i32>} : memref<2x64x256xf32, #tpu.memory_space<vmem>>, vector<1x1x16xf32>,
        %get3A_1055 = vector.shape_cast %get3A_1054 : vector<1x1x16xf32> to vector<16xf32>
        %lt3A_1056 = arith.cmpf olt, %get3A_1055, %select_n3A_1043 : vector<16xf32>
        %select_n3A_1057 = arith.select %lt3A_1056, %get3A_1055, %select_n3A_1043 : vector<16xi1>, vector<16xf32>
        %select_n3A_1058 = arith.select %lt3A_1056, %add3A_1047, %select_n3A_1044 : vector<16xi1>, vector<16xi32>
        %add3A_1059 = arith.constant 1 : i32
        %add3A_1060 = vector.broadcast %add3A_1059 : i32 to vector<16xi32>
        %add3A_1061 = arith.addi %add3A_1047, %add3A_1060 : vector<16xi32>
        scf.yield %select_n3A_1057, %select_n3A_1058, %add3A_1061 : vector<16xf32>, vector<16xi32>, vector<16xi32>
      }
      %scan3A_431 = arith.constant 64 : i32
      %swap3A_432 = arith.constant 112 : index
      %swap3A_433 = tpu.vector_load %arg5[%swap3A_432] {strides = array<i32>} : memref<256xf32, #tpu.memory_space<vmem>>, vector<16xf32>,
      %swap3A_434 = vector.shape_cast %swap3A_433 : vector<16xf32> to vector<16xf32>
      %swap3A_435 = vector.shape_cast %scan3A_430#0 : vector<16xf32> to vector<16xf32>
      tpu.vector_store %arg5[%swap3A_432], %swap3A_435 {strides = array<i32>} : memref<256xf32, #tpu.memory_space<vmem>>, vector<16xf32>,
      %swap3A_436 = arith.constant 112 : index
      %swap3A_437 = tpu.vector_load %arg6[%swap3A_436] {strides = array<i32>} : memref<256xi32, #tpu.memory_space<vmem>>, vector<16xi32>,
      %swap3A_438 = vector.shape_cast %swap3A_437 : vector<16xi32> to vector<16xi32>
      %swap3A_439 = vector.shape_cast %scan3A_430#1 : vector<16xi32> to vector<16xi32>
      tpu.vector_store %arg6[%swap3A_436], %swap3A_439 {strides = array<i32>} : memref<256xi32, #tpu.memory_space<vmem>>, vector<16xi32>,
      %get3A_440 = arith.constant 128 : index
      %get3A_441 = tpu.vector_load %arg5[%get3A_440] {strides = array<i32>} : memref<256xf32, #tpu.memory_space<vmem>>, vector<16xf32>,
      %get3A_442 = vector.shape_cast %get3A_441 : vector<16xf32> to vector<16xf32>
      %get3A_443 = arith.constant 128 : index
      %get3A_444 = tpu.vector_load %arg6[%get3A_443] {strides = array<i32>} : memref<256xi32, #tpu.memory_space<vmem>>, vector<16xi32>,
      %get3A_445 = vector.shape_cast %get3A_444 : vector<16xi32> to vector<16xi32>
      %scan3A_446 = arith.constant 0 : i32
      %scan3A_447 = arith.constant 64 : i32
      %scan3A_448 = arith.addi %scan3A_446, %scan3A_447 : i32
      %scan3A_449 = arith.constant 8 : i32
      %scan3A_450:3 = scf.for %scan3A_948 = %scan3A_446 to %scan3A_448 step %scan3A_449 iter_args(%scan3A_949 = %get3A_442, %scan3A_950 = %get3A_445, %scan3A_951 = %broadcast_in_dim3A_280) -> (vector<16xf32>, vector<16xi32>, vector<16xi32>)  : i32 {
        %get3A_952 = arith.constant 0 : i32
        %get3A_953 = arith.index_cast %get3A_952 : i32 to index
        %get3A_954 = arith.index_cast %scan3A_948 : i32 to index
        %get3A_955 = arith.constant 128 : index
        %get3A_956 = tpu.vector_load %arg4[%get3A_953, %get3A_954, %get3A_955] {strides = array<i32>} : memref<2x64x256xf32, #tpu.memory_space<vmem>>, vector<1x1x16xf32>,
        %get3A_957 = vector.shape_cast %get3A_956 : vector<1x1x16xf32> to vector<16xf32>
        %lt3A_958 = arith.cmpf olt, %get3A_957, %scan3A_949 : vector<16xf32>
        %select_n3A_959 = arith.select %lt3A_958, %get3A_957, %scan3A_949 : vector<16xi1>, vector<16xf32>
        %select_n3A_960 = arith.select %lt3A_958, %scan3A_951, %scan3A_950 : vector<16xi1>, vector<16xi32>
        %add3A_961 = arith.constant 1 : i32
        %add3A_962 = vector.broadcast %add3A_961 : i32 to vector<16xi32>
        %add3A_963 = arith.addi %scan3A_951, %add3A_962 : vector<16xi32>
        %scan3A_964 = arith.constant 1 : i32
        %scan3A_965 = arith.addi %scan3A_948, %scan3A_964 : i32
        %get3A_966 = arith.constant 0 : i32
        %get3A_967 = arith.index_cast %get3A_966 : i32 to index
        %get3A_968 = arith.index_cast %scan3A_965 : i32 to index
        %get3A_969 = arith.constant 128 : index
        %get3A_970 = tpu.vector_load %arg4[%get3A_967, %get3A_968, %get3A_969] {strides = array<i32>} : memref<2x64x256xf32, #tpu.memory_space<vmem>>, vector<1x1x16xf32>,
        %get3A_971 = vector.shape_cast %get3A_970 : vector<1x1x16xf32> to vector<16xf32>
        %lt3A_972 = arith.cmpf olt, %get3A_971, %select_n3A_959 : vector<16xf32>
        %select_n3A_973 = arith.select %lt3A_972, %get3A_971, %select_n3A_959 : vector<16xi1>, vector<16xf32>
        %select_n3A_974 = arith.select %lt3A_972, %add3A_963, %select_n3A_960 : vector<16xi1>, vector<16xi32>
        %add3A_975 = arith.constant 1 : i32
        %add3A_976 = vector.broadcast %add3A_975 : i32 to vector<16xi32>
        %add3A_977 = arith.addi %add3A_963, %add3A_976 : vector<16xi32>
        %scan3A_978 = arith.constant 2 : i32
        %scan3A_979 = arith.addi %scan3A_948, %scan3A_978 : i32
        %get3A_980 = arith.constant 0 : i32
        %get3A_981 = arith.index_cast %get3A_980 : i32 to index
        %get3A_982 = arith.index_cast %scan3A_979 : i32 to index
        %get3A_983 = arith.constant 128 : index
        %get3A_984 = tpu.vector_load %arg4[%get3A_981, %get3A_982, %get3A_983] {strides = array<i32>} : memref<2x64x256xf32, #tpu.memory_space<vmem>>, vector<1x1x16xf32>,
        %get3A_985 = vector.shape_cast %get3A_984 : vector<1x1x16xf32> to vector<16xf32>
        %lt3A_986 = arith.cmpf olt, %get3A_985, %select_n3A_973 : vector<16xf32>
        %select_n3A_987 = arith.select %lt3A_986, %get3A_985, %select_n3A_973 : vector<16xi1>, vector<16xf32>
        %select_n3A_988 = arith.select %lt3A_986, %add3A_977, %select_n3A_974 : vector<16xi1>, vector<16xi32>
        %add3A_989 = arith.constant 1 : i32
        %add3A_990 = vector.broadcast %add3A_989 : i32 to vector<16xi32>
        %add3A_991 = arith.addi %add3A_977, %add3A_990 : vector<16xi32>
        %scan3A_992 = arith.constant 3 : i32
        %scan3A_993 = arith.addi %scan3A_948, %scan3A_992 : i32
        %get3A_994 = arith.constant 0 : i32
        %get3A_995 = arith.index_cast %get3A_994 : i32 to index
        %get3A_996 = arith.index_cast %scan3A_993 : i32 to index
        %get3A_997 = arith.constant 128 : index
        %get3A_998 = tpu.vector_load %arg4[%get3A_995, %get3A_996, %get3A_997] {strides = array<i32>} : memref<2x64x256xf32, #tpu.memory_space<vmem>>, vector<1x1x16xf32>,
        %get3A_999 = vector.shape_cast %get3A_998 : vector<1x1x16xf32> to vector<16xf32>
        %lt3A_1000 = arith.cmpf olt, %get3A_999, %select_n3A_987 : vector<16xf32>
        %select_n3A_1001 = arith.select %lt3A_1000, %get3A_999, %select_n3A_987 : vector<16xi1>, vector<16xf32>
        %select_n3A_1002 = arith.select %lt3A_1000, %add3A_991, %select_n3A_988 : vector<16xi1>, vector<16xi32>
        %add3A_1003 = arith.constant 1 : i32
        %add3A_1004 = vector.broadcast %add3A_1003 : i32 to vector<16xi32>
        %add3A_1005 = arith.addi %add3A_991, %add3A_1004 : vector<16xi32>
        %scan3A_1006 = arith.constant 4 : i32
        %scan3A_1007 = arith.addi %scan3A_948, %scan3A_1006 : i32
        %get3A_1008 = arith.constant 0 : i32
        %get3A_1009 = arith.index_cast %get3A_1008 : i32 to index
        %get3A_1010 = arith.index_cast %scan3A_1007 : i32 to index
        %get3A_1011 = arith.constant 128 : index
        %get3A_1012 = tpu.vector_load %arg4[%get3A_1009, %get3A_1010, %get3A_1011] {strides = array<i32>} : memref<2x64x256xf32, #tpu.memory_space<vmem>>, vector<1x1x16xf32>,
        %get3A_1013 = vector.shape_cast %get3A_1012 : vector<1x1x16xf32> to vector<16xf32>
        %lt3A_1014 = arith.cmpf olt, %get3A_1013, %select_n3A_1001 : vector<16xf32>
        %select_n3A_1015 = arith.select %lt3A_1014, %get3A_1013, %select_n3A_1001 : vector<16xi1>, vector<16xf32>
        %select_n3A_1016 = arith.select %lt3A_1014, %add3A_1005, %select_n3A_1002 : vector<16xi1>, vector<16xi32>
        %add3A_1017 = arith.constant 1 : i32
        %add3A_1018 = vector.broadcast %add3A_1017 : i32 to vector<16xi32>
        %add3A_1019 = arith.addi %add3A_1005, %add3A_1018 : vector<16xi32>
        %scan3A_1020 = arith.constant 5 : i32
        %scan3A_1021 = arith.addi %scan3A_948, %scan3A_1020 : i32
        %get3A_1022 = arith.constant 0 : i32
        %get3A_1023 = arith.index_cast %get3A_1022 : i32 to index
        %get3A_1024 = arith.index_cast %scan3A_1021 : i32 to index
        %get3A_1025 = arith.constant 128 : index
        %get3A_1026 = tpu.vector_load %arg4[%get3A_1023, %get3A_1024, %get3A_1025] {strides = array<i32>} : memref<2x64x256xf32, #tpu.memory_space<vmem>>, vector<1x1x16xf32>,
        %get3A_1027 = vector.shape_cast %get3A_1026 : vector<1x1x16xf32> to vector<16xf32>
        %lt3A_1028 = arith.cmpf olt, %get3A_1027, %select_n3A_1015 : vector<16xf32>
        %select_n3A_1029 = arith.select %lt3A_1028, %get3A_1027, %select_n3A_1015 : vector<16xi1>, vector<16xf32>
        %select_n3A_1030 = arith.select %lt3A_1028, %add3A_1019, %select_n3A_1016 : vector<16xi1>, vector<16xi32>
        %add3A_1031 = arith.constant 1 : i32
        %add3A_1032 = vector.broadcast %add3A_1031 : i32 to vector<16xi32>
        %add3A_1033 = arith.addi %add3A_1019, %add3A_1032 : vector<16xi32>
        %scan3A_1034 = arith.constant 6 : i32
        %scan3A_1035 = arith.addi %scan3A_948, %scan3A_1034 : i32
        %get3A_1036 = arith.constant 0 : i32
        %get3A_1037 = arith.index_cast %get3A_1036 : i32 to index
        %get3A_1038 = arith.index_cast %scan3A_1035 : i32 to index
        %get3A_1039 = arith.constant 128 : index
        %get3A_1040 = tpu.vector_load %arg4[%get3A_1037, %get3A_1038, %get3A_1039] {strides = array<i32>} : memref<2x64x256xf32, #tpu.memory_space<vmem>>, vector<1x1x16xf32>,
        %get3A_1041 = vector.shape_cast %get3A_1040 : vector<1x1x16xf32> to vector<16xf32>
        %lt3A_1042 = arith.cmpf olt, %get3A_1041, %select_n3A_1029 : vector<16xf32>
        %select_n3A_1043 = arith.select %lt3A_1042, %get3A_1041, %select_n3A_1029 : vector<16xi1>, vector<16xf32>
        %select_n3A_1044 = arith.select %lt3A_1042, %add3A_1033, %select_n3A_1030 : vector<16xi1>, vector<16xi32>
        %add3A_1045 = arith.constant 1 : i32
        %add3A_1046 = vector.broadcast %add3A_1045 : i32 to vector<16xi32>
        %add3A_1047 = arith.addi %add3A_1033, %add3A_1046 : vector<16xi32>
        %scan3A_1048 = arith.constant 7 : i32
        %scan3A_1049 = arith.addi %scan3A_948, %scan3A_1048 : i32
        %get3A_1050 = arith.constant 0 : i32
        %get3A_1051 = arith.index_cast %get3A_1050 : i32 to index
        %get3A_1052 = arith.index_cast %scan3A_1049 : i32 to index
        %get3A_1053 = arith.constant 128 : index
        %get3A_1054 = tpu.vector_load %arg4[%get3A_1051, %get3A_1052, %get3A_1053] {strides = array<i32>} : memref<2x64x256xf32, #tpu.memory_space<vmem>>, vector<1x1x16xf32>,
        %get3A_1055 = vector.shape_cast %get3A_1054 : vector<1x1x16xf32> to vector<16xf32>
        %lt3A_1056 = arith.cmpf olt, %get3A_1055, %select_n3A_1043 : vector<16xf32>
        %select_n3A_1057 = arith.select %lt3A_1056, %get3A_1055, %select_n3A_1043 : vector<16xi1>, vector<16xf32>
        %select_n3A_1058 = arith.select %lt3A_1056, %add3A_1047, %select_n3A_1044 : vector<16xi1>, vector<16xi32>
        %add3A_1059 = arith.constant 1 : i32
        %add3A_1060 = vector.broadcast %add3A_1059 : i32 to vector<16xi32>
        %add3A_1061 = arith.addi %add3A_1047, %add3A_1060 : vector<16xi32>
        scf.yield %select_n3A_1057, %select_n3A_1058, %add3A_1061 : vector<16xf32>, vector<16xi32>, vector<16xi32>
      }
      %scan3A_451 = arith.constant 64 : i32
      %swap3A_452 = arith.constant 128 : index
      %swap3A_453 = tpu.vector_load %arg5[%swap3A_452] {strides = array<i32>} : memref<256xf32, #tpu.memory_space<vmem>>, vector<16xf32>,
      %swap3A_454 = vector.shape_cast %swap3A_453 : vector<16xf32> to vector<16xf32>
      %swap3A_455 = vector.shape_cast %scan3A_450#0 : vector<16xf32> to vector<16xf32>
      tpu.vector_store %arg5[%swap3A_452], %swap3A_455 {strides = array<i32>} : memref<256xf32, #tpu.memory_space<vmem>>, vector<16xf32>,
      %swap3A_456 = arith.constant 128 : index
      %swap3A_457 = tpu.vector_load %arg6[%swap3A_456] {strides = array<i32>} : memref<256xi32, #tpu.memory_space<vmem>>, vector<16xi32>,
      %swap3A_458 = vector.shape_cast %swap3A_457 : vector<16xi32> to vector<16xi32>
      %swap3A_459 = vector.shape_cast %scan3A_450#1 : vector<16xi32> to vector<16xi32>
      tpu.vector_store %arg6[%swap3A_456], %swap3A_459 {strides = array<i32>} : memref<256xi32, #tpu.memory_space<vmem>>, vector<16xi32>,
      %get3A_460 = arith.constant 144 : index
      %get3A_461 = tpu.vector_load %arg5[%get3A_460] {strides = array<i32>} : memref<256xf32, #tpu.memory_space<vmem>>, vector<16xf32>,
      %get3A_462 = vector.shape_cast %get3A_461 : vector<16xf32> to vector<16xf32>
      %get3A_463 = arith.constant 144 : index
      %get3A_464 = tpu.vector_load %arg6[%get3A_463] {strides = array<i32>} : memref<256xi32, #tpu.memory_space<vmem>>, vector<16xi32>,
      %get3A_465 = vector.shape_cast %get3A_464 : vector<16xi32> to vector<16xi32>
      %scan3A_466 = arith.constant 0 : i32
      %scan3A_467 = arith.constant 64 : i32
      %scan3A_468 = arith.addi %scan3A_466, %scan3A_467 : i32
      %scan3A_469 = arith.constant 8 : i32
      %scan3A_470:3 = scf.for %scan3A_948 = %scan3A_466 to %scan3A_468 step %scan3A_469 iter_args(%scan3A_949 = %get3A_462, %scan3A_950 = %get3A_465, %scan3A_951 = %broadcast_in_dim3A_280) -> (vector<16xf32>, vector<16xi32>, vector<16xi32>)  : i32 {
        %get3A_952 = arith.constant 0 : i32
        %get3A_953 = arith.index_cast %get3A_952 : i32 to index
        %get3A_954 = arith.index_cast %scan3A_948 : i32 to index
        %get3A_955 = arith.constant 144 : index
        %get3A_956 = tpu.vector_load %arg4[%get3A_953, %get3A_954, %get3A_955] {strides = array<i32>} : memref<2x64x256xf32, #tpu.memory_space<vmem>>, vector<1x1x16xf32>,
        %get3A_957 = vector.shape_cast %get3A_956 : vector<1x1x16xf32> to vector<16xf32>
        %lt3A_958 = arith.cmpf olt, %get3A_957, %scan3A_949 : vector<16xf32>
        %select_n3A_959 = arith.select %lt3A_958, %get3A_957, %scan3A_949 : vector<16xi1>, vector<16xf32>
        %select_n3A_960 = arith.select %lt3A_958, %scan3A_951, %scan3A_950 : vector<16xi1>, vector<16xi32>
        %add3A_961 = arith.constant 1 : i32
        %add3A_962 = vector.broadcast %add3A_961 : i32 to vector<16xi32>
        %add3A_963 = arith.addi %scan3A_951, %add3A_962 : vector<16xi32>
        %scan3A_964 = arith.constant 1 : i32
        %scan3A_965 = arith.addi %scan3A_948, %scan3A_964 : i32
        %get3A_966 = arith.constant 0 : i32
        %get3A_967 = arith.index_cast %get3A_966 : i32 to index
        %get3A_968 = arith.index_cast %scan3A_965 : i32 to index
        %get3A_969 = arith.constant 144 : index
        %get3A_970 = tpu.vector_load %arg4[%get3A_967, %get3A_968, %get3A_969] {strides = array<i32>} : memref<2x64x256xf32, #tpu.memory_space<vmem>>, vector<1x1x16xf32>,
        %get3A_971 = vector.shape_cast %get3A_970 : vector<1x1x16xf32> to vector<16xf32>
        %lt3A_972 = arith.cmpf olt, %get3A_971, %select_n3A_959 : vector<16xf32>
        %select_n3A_973 = arith.select %lt3A_972, %get3A_971, %select_n3A_959 : vector<16xi1>, vector<16xf32>
        %select_n3A_974 = arith.select %lt3A_972, %add3A_963, %select_n3A_960 : vector<16xi1>, vector<16xi32>
        %add3A_975 = arith.constant 1 : i32
        %add3A_976 = vector.broadcast %add3A_975 : i32 to vector<16xi32>
        %add3A_977 = arith.addi %add3A_963, %add3A_976 : vector<16xi32>
        %scan3A_978 = arith.constant 2 : i32
        %scan3A_979 = arith.addi %scan3A_948, %scan3A_978 : i32
        %get3A_980 = arith.constant 0 : i32
        %get3A_981 = arith.index_cast %get3A_980 : i32 to index
        %get3A_982 = arith.index_cast %scan3A_979 : i32 to index
        %get3A_983 = arith.constant 144 : index
        %get3A_984 = tpu.vector_load %arg4[%get3A_981, %get3A_982, %get3A_983] {strides = array<i32>} : memref<2x64x256xf32, #tpu.memory_space<vmem>>, vector<1x1x16xf32>,
        %get3A_985 = vector.shape_cast %get3A_984 : vector<1x1x16xf32> to vector<16xf32>
        %lt3A_986 = arith.cmpf olt, %get3A_985, %select_n3A_973 : vector<16xf32>
        %select_n3A_987 = arith.select %lt3A_986, %get3A_985, %select_n3A_973 : vector<16xi1>, vector<16xf32>
        %select_n3A_988 = arith.select %lt3A_986, %add3A_977, %select_n3A_974 : vector<16xi1>, vector<16xi32>
        %add3A_989 = arith.constant 1 : i32
        %add3A_990 = vector.broadcast %add3A_989 : i32 to vector<16xi32>
        %add3A_991 = arith.addi %add3A_977, %add3A_990 : vector<16xi32>
        %scan3A_992 = arith.constant 3 : i32
        %scan3A_993 = arith.addi %scan3A_948, %scan3A_992 : i32
        %get3A_994 = arith.constant 0 : i32
        %get3A_995 = arith.index_cast %get3A_994 : i32 to index
        %get3A_996 = arith.index_cast %scan3A_993 : i32 to index
        %get3A_997 = arith.constant 144 : index
        %get3A_998 = tpu.vector_load %arg4[%get3A_995, %get3A_996, %get3A_997] {strides = array<i32>} : memref<2x64x256xf32, #tpu.memory_space<vmem>>, vector<1x1x16xf32>,
        %get3A_999 = vector.shape_cast %get3A_998 : vector<1x1x16xf32> to vector<16xf32>
        %lt3A_1000 = arith.cmpf olt, %get3A_999, %select_n3A_987 : vector<16xf32>
        %select_n3A_1001 = arith.select %lt3A_1000, %get3A_999, %select_n3A_987 : vector<16xi1>, vector<16xf32>
        %select_n3A_1002 = arith.select %lt3A_1000, %add3A_991, %select_n3A_988 : vector<16xi1>, vector<16xi32>
        %add3A_1003 = arith.constant 1 : i32
        %add3A_1004 = vector.broadcast %add3A_1003 : i32 to vector<16xi32>
        %add3A_1005 = arith.addi %add3A_991, %add3A_1004 : vector<16xi32>
        %scan3A_1006 = arith.constant 4 : i32
        %scan3A_1007 = arith.addi %scan3A_948, %scan3A_1006 : i32
        %get3A_1008 = arith.constant 0 : i32
        %get3A_1009 = arith.index_cast %get3A_1008 : i32 to index
        %get3A_1010 = arith.index_cast %scan3A_1007 : i32 to index
        %get3A_1011 = arith.constant 144 : index
        %get3A_1012 = tpu.vector_load %arg4[%get3A_1009, %get3A_1010, %get3A_1011] {strides = array<i32>} : memref<2x64x256xf32, #tpu.memory_space<vmem>>, vector<1x1x16xf32>,
        %get3A_1013 = vector.shape_cast %get3A_1012 : vector<1x1x16xf32> to vector<16xf32>
        %lt3A_1014 = arith.cmpf olt, %get3A_1013, %select_n3A_1001 : vector<16xf32>
        %select_n3A_1015 = arith.select %lt3A_1014, %get3A_1013, %select_n3A_1001 : vector<16xi1>, vector<16xf32>
        %select_n3A_1016 = arith.select %lt3A_1014, %add3A_1005, %select_n3A_1002 : vector<16xi1>, vector<16xi32>
        %add3A_1017 = arith.constant 1 : i32
        %add3A_1018 = vector.broadcast %add3A_1017 : i32 to vector<16xi32>
        %add3A_1019 = arith.addi %add3A_1005, %add3A_1018 : vector<16xi32>
        %scan3A_1020 = arith.constant 5 : i32
        %scan3A_1021 = arith.addi %scan3A_948, %scan3A_1020 : i32
        %get3A_1022 = arith.constant 0 : i32
        %get3A_1023 = arith.index_cast %get3A_1022 : i32 to index
        %get3A_1024 = arith.index_cast %scan3A_1021 : i32 to index
        %get3A_1025 = arith.constant 144 : index
        %get3A_1026 = tpu.vector_load %arg4[%get3A_1023, %get3A_1024, %get3A_1025] {strides = array<i32>} : memref<2x64x256xf32, #tpu.memory_space<vmem>>, vector<1x1x16xf32>,
        %get3A_1027 = vector.shape_cast %get3A_1026 : vector<1x1x16xf32> to vector<16xf32>
        %lt3A_1028 = arith.cmpf olt, %get3A_1027, %select_n3A_1015 : vector<16xf32>
        %select_n3A_1029 = arith.select %lt3A_1028, %get3A_1027, %select_n3A_1015 : vector<16xi1>, vector<16xf32>
        %select_n3A_1030 = arith.select %lt3A_1028, %add3A_1019, %select_n3A_1016 : vector<16xi1>, vector<16xi32>
        %add3A_1031 = arith.constant 1 : i32
        %add3A_1032 = vector.broadcast %add3A_1031 : i32 to vector<16xi32>
        %add3A_1033 = arith.addi %add3A_1019, %add3A_1032 : vector<16xi32>
        %scan3A_1034 = arith.constant 6 : i32
        %scan3A_1035 = arith.addi %scan3A_948, %scan3A_1034 : i32
        %get3A_1036 = arith.constant 0 : i32
        %get3A_1037 = arith.index_cast %get3A_1036 : i32 to index
        %get3A_1038 = arith.index_cast %scan3A_1035 : i32 to index
        %get3A_1039 = arith.constant 144 : index
        %get3A_1040 = tpu.vector_load %arg4[%get3A_1037, %get3A_1038, %get3A_1039] {strides = array<i32>} : memref<2x64x256xf32, #tpu.memory_space<vmem>>, vector<1x1x16xf32>,
        %get3A_1041 = vector.shape_cast %get3A_1040 : vector<1x1x16xf32> to vector<16xf32>
        %lt3A_1042 = arith.cmpf olt, %get3A_1041, %select_n3A_1029 : vector<16xf32>
        %select_n3A_1043 = arith.select %lt3A_1042, %get3A_1041, %select_n3A_1029 : vector<16xi1>, vector<16xf32>
        %select_n3A_1044 = arith.select %lt3A_1042, %add3A_1033, %select_n3A_1030 : vector<16xi1>, vector<16xi32>
        %add3A_1045 = arith.constant 1 : i32
        %add3A_1046 = vector.broadcast %add3A_1045 : i32 to vector<16xi32>
        %add3A_1047 = arith.addi %add3A_1033, %add3A_1046 : vector<16xi32>
        %scan3A_1048 = arith.constant 7 : i32
        %scan3A_1049 = arith.addi %scan3A_948, %scan3A_1048 : i32
        %get3A_1050 = arith.constant 0 : i32
        %get3A_1051 = arith.index_cast %get3A_1050 : i32 to index
        %get3A_1052 = arith.index_cast %scan3A_1049 : i32 to index
        %get3A_1053 = arith.constant 144 : index
        %get3A_1054 = tpu.vector_load %arg4[%get3A_1051, %get3A_1052, %get3A_1053] {strides = array<i32>} : memref<2x64x256xf32, #tpu.memory_space<vmem>>, vector<1x1x16xf32>,
        %get3A_1055 = vector.shape_cast %get3A_1054 : vector<1x1x16xf32> to vector<16xf32>
        %lt3A_1056 = arith.cmpf olt, %get3A_1055, %select_n3A_1043 : vector<16xf32>
        %select_n3A_1057 = arith.select %lt3A_1056, %get3A_1055, %select_n3A_1043 : vector<16xi1>, vector<16xf32>
        %select_n3A_1058 = arith.select %lt3A_1056, %add3A_1047, %select_n3A_1044 : vector<16xi1>, vector<16xi32>
        %add3A_1059 = arith.constant 1 : i32
        %add3A_1060 = vector.broadcast %add3A_1059 : i32 to vector<16xi32>
        %add3A_1061 = arith.addi %add3A_1047, %add3A_1060 : vector<16xi32>
        scf.yield %select_n3A_1057, %select_n3A_1058, %add3A_1061 : vector<16xf32>, vector<16xi32>, vector<16xi32>
      }
      %scan3A_471 = arith.constant 64 : i32
      %swap3A_472 = arith.constant 144 : index
      %swap3A_473 = tpu.vector_load %arg5[%swap3A_472] {strides = array<i32>} : memref<256xf32, #tpu.memory_space<vmem>>, vector<16xf32>,
      %swap3A_474 = vector.shape_cast %swap3A_473 : vector<16xf32> to vector<16xf32>
      %swap3A_475 = vector.shape_cast %scan3A_470#0 : vector<16xf32> to vector<16xf32>
      tpu.vector_store %arg5[%swap3A_472], %swap3A_475 {strides = array<i32>} : memref<256xf32, #tpu.memory_space<vmem>>, vector<16xf32>,
      %swap3A_476 = arith.constant 144 : index
      %swap3A_477 = tpu.vector_load %arg6[%swap3A_476] {strides = array<i32>} : memref<256xi32, #tpu.memory_space<vmem>>, vector<16xi32>,
      %swap3A_478 = vector.shape_cast %swap3A_477 : vector<16xi32> to vector<16xi32>
      %swap3A_479 = vector.shape_cast %scan3A_470#1 : vector<16xi32> to vector<16xi32>
      tpu.vector_store %arg6[%swap3A_476], %swap3A_479 {strides = array<i32>} : memref<256xi32, #tpu.memory_space<vmem>>, vector<16xi32>,
      %get3A_480 = arith.constant 160 : index
      %get3A_481 = tpu.vector_load %arg5[%get3A_480] {strides = array<i32>} : memref<256xf32, #tpu.memory_space<vmem>>, vector<16xf32>,
      %get3A_482 = vector.shape_cast %get3A_481 : vector<16xf32> to vector<16xf32>
      %get3A_483 = arith.constant 160 : index
      %get3A_484 = tpu.vector_load %arg6[%get3A_483] {strides = array<i32>} : memref<256xi32, #tpu.memory_space<vmem>>, vector<16xi32>,
      %get3A_485 = vector.shape_cast %get3A_484 : vector<16xi32> to vector<16xi32>
      %scan3A_486 = arith.constant 0 : i32
      %scan3A_487 = arith.constant 64 : i32
      %scan3A_488 = arith.addi %scan3A_486, %scan3A_487 : i32
      %scan3A_489 = arith.constant 8 : i32
      %scan3A_490:3 = scf.for %scan3A_948 = %scan3A_486 to %scan3A_488 step %scan3A_489 iter_args(%scan3A_949 = %get3A_482, %scan3A_950 = %get3A_485, %scan3A_951 = %broadcast_in_dim3A_280) -> (vector<16xf32>, vector<16xi32>, vector<16xi32>)  : i32 {
        %get3A_952 = arith.constant 0 : i32
        %get3A_953 = arith.index_cast %get3A_952 : i32 to index
        %get3A_954 = arith.index_cast %scan3A_948 : i32 to index
        %get3A_955 = arith.constant 160 : index
        %get3A_956 = tpu.vector_load %arg4[%get3A_953, %get3A_954, %get3A_955] {strides = array<i32>} : memref<2x64x256xf32, #tpu.memory_space<vmem>>, vector<1x1x16xf32>,
        %get3A_957 = vector.shape_cast %get3A_956 : vector<1x1x16xf32> to vector<16xf32>
        %lt3A_958 = arith.cmpf olt, %get3A_957, %scan3A_949 : vector<16xf32>
        %select_n3A_959 = arith.select %lt3A_958, %get3A_957, %scan3A_949 : vector<16xi1>, vector<16xf32>
        %select_n3A_960 = arith.select %lt3A_958, %scan3A_951, %scan3A_950 : vector<16xi1>, vector<16xi32>
        %add3A_961 = arith.constant 1 : i32
        %add3A_962 = vector.broadcast %add3A_961 : i32 to vector<16xi32>
        %add3A_963 = arith.addi %scan3A_951, %add3A_962 : vector<16xi32>
        %scan3A_964 = arith.constant 1 : i32
        %scan3A_965 = arith.addi %scan3A_948, %scan3A_964 : i32
        %get3A_966 = arith.constant 0 : i32
        %get3A_967 = arith.index_cast %get3A_966 : i32 to index
        %get3A_968 = arith.index_cast %scan3A_965 : i32 to index
        %get3A_969 = arith.constant 160 : index
        %get3A_970 = tpu.vector_load %arg4[%get3A_967, %get3A_968, %get3A_969] {strides = array<i32>} : memref<2x64x256xf32, #tpu.memory_space<vmem>>, vector<1x1x16xf32>,
        %get3A_971 = vector.shape_cast %get3A_970 : vector<1x1x16xf32> to vector<16xf32>
        %lt3A_972 = arith.cmpf olt, %get3A_971, %select_n3A_959 : vector<16xf32>
        %select_n3A_973 = arith.select %lt3A_972, %get3A_971, %select_n3A_959 : vector<16xi1>, vector<16xf32>
        %select_n3A_974 = arith.select %lt3A_972, %add3A_963, %select_n3A_960 : vector<16xi1>, vector<16xi32>
        %add3A_975 = arith.constant 1 : i32
        %add3A_976 = vector.broadcast %add3A_975 : i32 to vector<16xi32>
        %add3A_977 = arith.addi %add3A_963, %add3A_976 : vector<16xi32>
        %scan3A_978 = arith.constant 2 : i32
        %scan3A_979 = arith.addi %scan3A_948, %scan3A_978 : i32
        %get3A_980 = arith.constant 0 : i32
        %get3A_981 = arith.index_cast %get3A_980 : i32 to index
        %get3A_982 = arith.index_cast %scan3A_979 : i32 to index
        %get3A_983 = arith.constant 160 : index
        %get3A_984 = tpu.vector_load %arg4[%get3A_981, %get3A_982, %get3A_983] {strides = array<i32>} : memref<2x64x256xf32, #tpu.memory_space<vmem>>, vector<1x1x16xf32>,
        %get3A_985 = vector.shape_cast %get3A_984 : vector<1x1x16xf32> to vector<16xf32>
        %lt3A_986 = arith.cmpf olt, %get3A_985, %select_n3A_973 : vector<16xf32>
        %select_n3A_987 = arith.select %lt3A_986, %get3A_985, %select_n3A_973 : vector<16xi1>, vector<16xf32>
        %select_n3A_988 = arith.select %lt3A_986, %add3A_977, %select_n3A_974 : vector<16xi1>, vector<16xi32>
        %add3A_989 = arith.constant 1 : i32
        %add3A_990 = vector.broadcast %add3A_989 : i32 to vector<16xi32>
        %add3A_991 = arith.addi %add3A_977, %add3A_990 : vector<16xi32>
        %scan3A_992 = arith.constant 3 : i32
        %scan3A_993 = arith.addi %scan3A_948, %scan3A_992 : i32
        %get3A_994 = arith.constant 0 : i32
        %get3A_995 = arith.index_cast %get3A_994 : i32 to index
        %get3A_996 = arith.index_cast %scan3A_993 : i32 to index
        %get3A_997 = arith.constant 160 : index
        %get3A_998 = tpu.vector_load %arg4[%get3A_995, %get3A_996, %get3A_997] {strides = array<i32>} : memref<2x64x256xf32, #tpu.memory_space<vmem>>, vector<1x1x16xf32>,
        %get3A_999 = vector.shape_cast %get3A_998 : vector<1x1x16xf32> to vector<16xf32>
        %lt3A_1000 = arith.cmpf olt, %get3A_999, %select_n3A_987 : vector<16xf32>
        %select_n3A_1001 = arith.select %lt3A_1000, %get3A_999, %select_n3A_987 : vector<16xi1>, vector<16xf32>
        %select_n3A_1002 = arith.select %lt3A_1000, %add3A_991, %select_n3A_988 : vector<16xi1>, vector<16xi32>
        %add3A_1003 = arith.constant 1 : i32
        %add3A_1004 = vector.broadcast %add3A_1003 : i32 to vector<16xi32>
        %add3A_1005 = arith.addi %add3A_991, %add3A_1004 : vector<16xi32>
        %scan3A_1006 = arith.constant 4 : i32
        %scan3A_1007 = arith.addi %scan3A_948, %scan3A_1006 : i32
        %get3A_1008 = arith.constant 0 : i32
        %get3A_1009 = arith.index_cast %get3A_1008 : i32 to index
        %get3A_1010 = arith.index_cast %scan3A_1007 : i32 to index
        %get3A_1011 = arith.constant 160 : index
        %get3A_1012 = tpu.vector_load %arg4[%get3A_1009, %get3A_1010, %get3A_1011] {strides = array<i32>} : memref<2x64x256xf32, #tpu.memory_space<vmem>>, vector<1x1x16xf32>,
        %get3A_1013 = vector.shape_cast %get3A_1012 : vector<1x1x16xf32> to vector<16xf32>
        %lt3A_1014 = arith.cmpf olt, %get3A_1013, %select_n3A_1001 : vector<16xf32>
        %select_n3A_1015 = arith.select %lt3A_1014, %get3A_1013, %select_n3A_1001 : vector<16xi1>, vector<16xf32>
        %select_n3A_1016 = arith.select %lt3A_1014, %add3A_1005, %select_n3A_1002 : vector<16xi1>, vector<16xi32>
        %add3A_1017 = arith.constant 1 : i32
        %add3A_1018 = vector.broadcast %add3A_1017 : i32 to vector<16xi32>
        %add3A_1019 = arith.addi %add3A_1005, %add3A_1018 : vector<16xi32>
        %scan3A_1020 = arith.constant 5 : i32
        %scan3A_1021 = arith.addi %scan3A_948, %scan3A_1020 : i32
        %get3A_1022 = arith.constant 0 : i32
        %get3A_1023 = arith.index_cast %get3A_1022 : i32 to index
        %get3A_1024 = arith.index_cast %scan3A_1021 : i32 to index
        %get3A_1025 = arith.constant 160 : index
        %get3A_1026 = tpu.vector_load %arg4[%get3A_1023, %get3A_1024, %get3A_1025] {strides = array<i32>} : memref<2x64x256xf32, #tpu.memory_space<vmem>>, vector<1x1x16xf32>,
        %get3A_1027 = vector.shape_cast %get3A_1026 : vector<1x1x16xf32> to vector<16xf32>
        %lt3A_1028 = arith.cmpf olt, %get3A_1027, %select_n3A_1015 : vector<16xf32>
        %select_n3A_1029 = arith.select %lt3A_1028, %get3A_1027, %select_n3A_1015 : vector<16xi1>, vector<16xf32>
        %select_n3A_1030 = arith.select %lt3A_1028, %add3A_1019, %select_n3A_1016 : vector<16xi1>, vector<16xi32>
        %add3A_1031 = arith.constant 1 : i32
        %add3A_1032 = vector.broadcast %add3A_1031 : i32 to vector<16xi32>
        %add3A_1033 = arith.addi %add3A_1019, %add3A_1032 : vector<16xi32>
        %scan3A_1034 = arith.constant 6 : i32
        %scan3A_1035 = arith.addi %scan3A_948, %scan3A_1034 : i32
        %get3A_1036 = arith.constant 0 : i32
        %get3A_1037 = arith.index_cast %get3A_1036 : i32 to index
        %get3A_1038 = arith.index_cast %scan3A_1035 : i32 to index
        %get3A_1039 = arith.constant 160 : index
        %get3A_1040 = tpu.vector_load %arg4[%get3A_1037, %get3A_1038, %get3A_1039] {strides = array<i32>} : memref<2x64x256xf32, #tpu.memory_space<vmem>>, vector<1x1x16xf32>,
        %get3A_1041 = vector.shape_cast %get3A_1040 : vector<1x1x16xf32> to vector<16xf32>
        %lt3A_1042 = arith.cmpf olt, %get3A_1041, %select_n3A_1029 : vector<16xf32>
        %select_n3A_1043 = arith.select %lt3A_1042, %get3A_1041, %select_n3A_1029 : vector<16xi1>, vector<16xf32>
        %select_n3A_1044 = arith.select %lt3A_1042, %add3A_1033, %select_n3A_1030 : vector<16xi1>, vector<16xi32>
        %add3A_1045 = arith.constant 1 : i32
        %add3A_1046 = vector.broadcast %add3A_1045 : i32 to vector<16xi32>
        %add3A_1047 = arith.addi %add3A_1033, %add3A_1046 : vector<16xi32>
        %scan3A_1048 = arith.constant 7 : i32
        %scan3A_1049 = arith.addi %scan3A_948, %scan3A_1048 : i32
        %get3A_1050 = arith.constant 0 : i32
        %get3A_1051 = arith.index_cast %get3A_1050 : i32 to index
        %get3A_1052 = arith.index_cast %scan3A_1049 : i32 to index
        %get3A_1053 = arith.constant 160 : index
        %get3A_1054 = tpu.vector_load %arg4[%get3A_1051, %get3A_1052, %get3A_1053] {strides = array<i32>} : memref<2x64x256xf32, #tpu.memory_space<vmem>>, vector<1x1x16xf32>,
        %get3A_1055 = vector.shape_cast %get3A_1054 : vector<1x1x16xf32> to vector<16xf32>
        %lt3A_1056 = arith.cmpf olt, %get3A_1055, %select_n3A_1043 : vector<16xf32>
        %select_n3A_1057 = arith.select %lt3A_1056, %get3A_1055, %select_n3A_1043 : vector<16xi1>, vector<16xf32>
        %select_n3A_1058 = arith.select %lt3A_1056, %add3A_1047, %select_n3A_1044 : vector<16xi1>, vector<16xi32>
        %add3A_1059 = arith.constant 1 : i32
        %add3A_1060 = vector.broadcast %add3A_1059 : i32 to vector<16xi32>
        %add3A_1061 = arith.addi %add3A_1047, %add3A_1060 : vector<16xi32>
        scf.yield %select_n3A_1057, %select_n3A_1058, %add3A_1061 : vector<16xf32>, vector<16xi32>, vector<16xi32>
      }
      %scan3A_491 = arith.constant 64 : i32
      %swap3A_492 = arith.constant 160 : index
      %swap3A_493 = tpu.vector_load %arg5[%swap3A_492] {strides = array<i32>} : memref<256xf32, #tpu.memory_space<vmem>>, vector<16xf32>,
      %swap3A_494 = vector.shape_cast %swap3A_493 : vector<16xf32> to vector<16xf32>
      %swap3A_495 = vector.shape_cast %scan3A_490#0 : vector<16xf32> to vector<16xf32>
      tpu.vector_store %arg5[%swap3A_492], %swap3A_495 {strides = array<i32>} : memref<256xf32, #tpu.memory_space<vmem>>, vector<16xf32>,
      %swap3A_496 = arith.constant 160 : index
      %swap3A_497 = tpu.vector_load %arg6[%swap3A_496] {strides = array<i32>} : memref<256xi32, #tpu.memory_space<vmem>>, vector<16xi32>,
      %swap3A_498 = vector.shape_cast %swap3A_497 : vector<16xi32> to vector<16xi32>
      %swap3A_499 = vector.shape_cast %scan3A_490#1 : vector<16xi32> to vector<16xi32>
      tpu.vector_store %arg6[%swap3A_496], %swap3A_499 {strides = array<i32>} : memref<256xi32, #tpu.memory_space<vmem>>, vector<16xi32>,
      %get3A_500 = arith.constant 176 : index
      %get3A_501 = tpu.vector_load %arg5[%get3A_500] {strides = array<i32>} : memref<256xf32, #tpu.memory_space<vmem>>, vector<16xf32>,
      %get3A_502 = vector.shape_cast %get3A_501 : vector<16xf32> to vector<16xf32>
      %get3A_503 = arith.constant 176 : index
      %get3A_504 = tpu.vector_load %arg6[%get3A_503] {strides = array<i32>} : memref<256xi32, #tpu.memory_space<vmem>>, vector<16xi32>,
      %get3A_505 = vector.shape_cast %get3A_504 : vector<16xi32> to vector<16xi32>
      %scan3A_506 = arith.constant 0 : i32
      %scan3A_507 = arith.constant 64 : i32
      %scan3A_508 = arith.addi %scan3A_506, %scan3A_507 : i32
      %scan3A_509 = arith.constant 8 : i32
      %scan3A_510:3 = scf.for %scan3A_948 = %scan3A_506 to %scan3A_508 step %scan3A_509 iter_args(%scan3A_949 = %get3A_502, %scan3A_950 = %get3A_505, %scan3A_951 = %broadcast_in_dim3A_280) -> (vector<16xf32>, vector<16xi32>, vector<16xi32>)  : i32 {
        %get3A_952 = arith.constant 0 : i32
        %get3A_953 = arith.index_cast %get3A_952 : i32 to index
        %get3A_954 = arith.index_cast %scan3A_948 : i32 to index
        %get3A_955 = arith.constant 176 : index
        %get3A_956 = tpu.vector_load %arg4[%get3A_953, %get3A_954, %get3A_955] {strides = array<i32>} : memref<2x64x256xf32, #tpu.memory_space<vmem>>, vector<1x1x16xf32>,
        %get3A_957 = vector.shape_cast %get3A_956 : vector<1x1x16xf32> to vector<16xf32>
        %lt3A_958 = arith.cmpf olt, %get3A_957, %scan3A_949 : vector<16xf32>
        %select_n3A_959 = arith.select %lt3A_958, %get3A_957, %scan3A_949 : vector<16xi1>, vector<16xf32>
        %select_n3A_960 = arith.select %lt3A_958, %scan3A_951, %scan3A_950 : vector<16xi1>, vector<16xi32>
        %add3A_961 = arith.constant 1 : i32
        %add3A_962 = vector.broadcast %add3A_961 : i32 to vector<16xi32>
        %add3A_963 = arith.addi %scan3A_951, %add3A_962 : vector<16xi32>
        %scan3A_964 = arith.constant 1 : i32
        %scan3A_965 = arith.addi %scan3A_948, %scan3A_964 : i32
        %get3A_966 = arith.constant 0 : i32
        %get3A_967 = arith.index_cast %get3A_966 : i32 to index
        %get3A_968 = arith.index_cast %scan3A_965 : i32 to index
        %get3A_969 = arith.constant 176 : index
        %get3A_970 = tpu.vector_load %arg4[%get3A_967, %get3A_968, %get3A_969] {strides = array<i32>} : memref<2x64x256xf32, #tpu.memory_space<vmem>>, vector<1x1x16xf32>,
        %get3A_971 = vector.shape_cast %get3A_970 : vector<1x1x16xf32> to vector<16xf32>
        %lt3A_972 = arith.cmpf olt, %get3A_971, %select_n3A_959 : vector<16xf32>
        %select_n3A_973 = arith.select %lt3A_972, %get3A_971, %select_n3A_959 : vector<16xi1>, vector<16xf32>
        %select_n3A_974 = arith.select %lt3A_972, %add3A_963, %select_n3A_960 : vector<16xi1>, vector<16xi32>
        %add3A_975 = arith.constant 1 : i32
        %add3A_976 = vector.broadcast %add3A_975 : i32 to vector<16xi32>
        %add3A_977 = arith.addi %add3A_963, %add3A_976 : vector<16xi32>
        %scan3A_978 = arith.constant 2 : i32
        %scan3A_979 = arith.addi %scan3A_948, %scan3A_978 : i32
        %get3A_980 = arith.constant 0 : i32
        %get3A_981 = arith.index_cast %get3A_980 : i32 to index
        %get3A_982 = arith.index_cast %scan3A_979 : i32 to index
        %get3A_983 = arith.constant 176 : index
        %get3A_984 = tpu.vector_load %arg4[%get3A_981, %get3A_982, %get3A_983] {strides = array<i32>} : memref<2x64x256xf32, #tpu.memory_space<vmem>>, vector<1x1x16xf32>,
        %get3A_985 = vector.shape_cast %get3A_984 : vector<1x1x16xf32> to vector<16xf32>
        %lt3A_986 = arith.cmpf olt, %get3A_985, %select_n3A_973 : vector<16xf32>
        %select_n3A_987 = arith.select %lt3A_986, %get3A_985, %select_n3A_973 : vector<16xi1>, vector<16xf32>
        %select_n3A_988 = arith.select %lt3A_986, %add3A_977, %select_n3A_974 : vector<16xi1>, vector<16xi32>
        %add3A_989 = arith.constant 1 : i32
        %add3A_990 = vector.broadcast %add3A_989 : i32 to vector<16xi32>
        %add3A_991 = arith.addi %add3A_977, %add3A_990 : vector<16xi32>
        %scan3A_992 = arith.constant 3 : i32
        %scan3A_993 = arith.addi %scan3A_948, %scan3A_992 : i32
        %get3A_994 = arith.constant 0 : i32
        %get3A_995 = arith.index_cast %get3A_994 : i32 to index
        %get3A_996 = arith.index_cast %scan3A_993 : i32 to index
        %get3A_997 = arith.constant 176 : index
        %get3A_998 = tpu.vector_load %arg4[%get3A_995, %get3A_996, %get3A_997] {strides = array<i32>} : memref<2x64x256xf32, #tpu.memory_space<vmem>>, vector<1x1x16xf32>,
        %get3A_999 = vector.shape_cast %get3A_998 : vector<1x1x16xf32> to vector<16xf32>
        %lt3A_1000 = arith.cmpf olt, %get3A_999, %select_n3A_987 : vector<16xf32>
        %select_n3A_1001 = arith.select %lt3A_1000, %get3A_999, %select_n3A_987 : vector<16xi1>, vector<16xf32>
        %select_n3A_1002 = arith.select %lt3A_1000, %add3A_991, %select_n3A_988 : vector<16xi1>, vector<16xi32>
        %add3A_1003 = arith.constant 1 : i32
        %add3A_1004 = vector.broadcast %add3A_1003 : i32 to vector<16xi32>
        %add3A_1005 = arith.addi %add3A_991, %add3A_1004 : vector<16xi32>
        %scan3A_1006 = arith.constant 4 : i32
        %scan3A_1007 = arith.addi %scan3A_948, %scan3A_1006 : i32
        %get3A_1008 = arith.constant 0 : i32
        %get3A_1009 = arith.index_cast %get3A_1008 : i32 to index
        %get3A_1010 = arith.index_cast %scan3A_1007 : i32 to index
        %get3A_1011 = arith.constant 176 : index
        %get3A_1012 = tpu.vector_load %arg4[%get3A_1009, %get3A_1010, %get3A_1011] {strides = array<i32>} : memref<2x64x256xf32, #tpu.memory_space<vmem>>, vector<1x1x16xf32>,
        %get3A_1013 = vector.shape_cast %get3A_1012 : vector<1x1x16xf32> to vector<16xf32>
        %lt3A_1014 = arith.cmpf olt, %get3A_1013, %select_n3A_1001 : vector<16xf32>
        %select_n3A_1015 = arith.select %lt3A_1014, %get3A_1013, %select_n3A_1001 : vector<16xi1>, vector<16xf32>
        %select_n3A_1016 = arith.select %lt3A_1014, %add3A_1005, %select_n3A_1002 : vector<16xi1>, vector<16xi32>
        %add3A_1017 = arith.constant 1 : i32
        %add3A_1018 = vector.broadcast %add3A_1017 : i32 to vector<16xi32>
        %add3A_1019 = arith.addi %add3A_1005, %add3A_1018 : vector<16xi32>
        %scan3A_1020 = arith.constant 5 : i32
        %scan3A_1021 = arith.addi %scan3A_948, %scan3A_1020 : i32
        %get3A_1022 = arith.constant 0 : i32
        %get3A_1023 = arith.index_cast %get3A_1022 : i32 to index
        %get3A_1024 = arith.index_cast %scan3A_1021 : i32 to index
        %get3A_1025 = arith.constant 176 : index
        %get3A_1026 = tpu.vector_load %arg4[%get3A_1023, %get3A_1024, %get3A_1025] {strides = array<i32>} : memref<2x64x256xf32, #tpu.memory_space<vmem>>, vector<1x1x16xf32>,
        %get3A_1027 = vector.shape_cast %get3A_1026 : vector<1x1x16xf32> to vector<16xf32>
        %lt3A_1028 = arith.cmpf olt, %get3A_1027, %select_n3A_1015 : vector<16xf32>
        %select_n3A_1029 = arith.select %lt3A_1028, %get3A_1027, %select_n3A_1015 : vector<16xi1>, vector<16xf32>
        %select_n3A_1030 = arith.select %lt3A_1028, %add3A_1019, %select_n3A_1016 : vector<16xi1>, vector<16xi32>
        %add3A_1031 = arith.constant 1 : i32
        %add3A_1032 = vector.broadcast %add3A_1031 : i32 to vector<16xi32>
        %add3A_1033 = arith.addi %add3A_1019, %add3A_1032 : vector<16xi32>
        %scan3A_1034 = arith.constant 6 : i32
        %scan3A_1035 = arith.addi %scan3A_948, %scan3A_1034 : i32
        %get3A_1036 = arith.constant 0 : i32
        %get3A_1037 = arith.index_cast %get3A_1036 : i32 to index
        %get3A_1038 = arith.index_cast %scan3A_1035 : i32 to index
        %get3A_1039 = arith.constant 176 : index
        %get3A_1040 = tpu.vector_load %arg4[%get3A_1037, %get3A_1038, %get3A_1039] {strides = array<i32>} : memref<2x64x256xf32, #tpu.memory_space<vmem>>, vector<1x1x16xf32>,
        %get3A_1041 = vector.shape_cast %get3A_1040 : vector<1x1x16xf32> to vector<16xf32>
        %lt3A_1042 = arith.cmpf olt, %get3A_1041, %select_n3A_1029 : vector<16xf32>
        %select_n3A_1043 = arith.select %lt3A_1042, %get3A_1041, %select_n3A_1029 : vector<16xi1>, vector<16xf32>
        %select_n3A_1044 = arith.select %lt3A_1042, %add3A_1033, %select_n3A_1030 : vector<16xi1>, vector<16xi32>
        %add3A_1045 = arith.constant 1 : i32
        %add3A_1046 = vector.broadcast %add3A_1045 : i32 to vector<16xi32>
        %add3A_1047 = arith.addi %add3A_1033, %add3A_1046 : vector<16xi32>
        %scan3A_1048 = arith.constant 7 : i32
        %scan3A_1049 = arith.addi %scan3A_948, %scan3A_1048 : i32
        %get3A_1050 = arith.constant 0 : i32
        %get3A_1051 = arith.index_cast %get3A_1050 : i32 to index
        %get3A_1052 = arith.index_cast %scan3A_1049 : i32 to index
        %get3A_1053 = arith.constant 176 : index
        %get3A_1054 = tpu.vector_load %arg4[%get3A_1051, %get3A_1052, %get3A_1053] {strides = array<i32>} : memref<2x64x256xf32, #tpu.memory_space<vmem>>, vector<1x1x16xf32>,
        %get3A_1055 = vector.shape_cast %get3A_1054 : vector<1x1x16xf32> to vector<16xf32>
        %lt3A_1056 = arith.cmpf olt, %get3A_1055, %select_n3A_1043 : vector<16xf32>
        %select_n3A_1057 = arith.select %lt3A_1056, %get3A_1055, %select_n3A_1043 : vector<16xi1>, vector<16xf32>
        %select_n3A_1058 = arith.select %lt3A_1056, %add3A_1047, %select_n3A_1044 : vector<16xi1>, vector<16xi32>
        %add3A_1059 = arith.constant 1 : i32
        %add3A_1060 = vector.broadcast %add3A_1059 : i32 to vector<16xi32>
        %add3A_1061 = arith.addi %add3A_1047, %add3A_1060 : vector<16xi32>
        scf.yield %select_n3A_1057, %select_n3A_1058, %add3A_1061 : vector<16xf32>, vector<16xi32>, vector<16xi32>
      }
      %scan3A_511 = arith.constant 64 : i32
      %swap3A_512 = arith.constant 176 : index
      %swap3A_513 = tpu.vector_load %arg5[%swap3A_512] {strides = array<i32>} : memref<256xf32, #tpu.memory_space<vmem>>, vector<16xf32>,
      %swap3A_514 = vector.shape_cast %swap3A_513 : vector<16xf32> to vector<16xf32>
      %swap3A_515 = vector.shape_cast %scan3A_510#0 : vector<16xf32> to vector<16xf32>
      tpu.vector_store %arg5[%swap3A_512], %swap3A_515 {strides = array<i32>} : memref<256xf32, #tpu.memory_space<vmem>>, vector<16xf32>,
      %swap3A_516 = arith.constant 176 : index
      %swap3A_517 = tpu.vector_load %arg6[%swap3A_516] {strides = array<i32>} : memref<256xi32, #tpu.memory_space<vmem>>, vector<16xi32>,
      %swap3A_518 = vector.shape_cast %swap3A_517 : vector<16xi32> to vector<16xi32>
      %swap3A_519 = vector.shape_cast %scan3A_510#1 : vector<16xi32> to vector<16xi32>
      tpu.vector_store %arg6[%swap3A_516], %swap3A_519 {strides = array<i32>} : memref<256xi32, #tpu.memory_space<vmem>>, vector<16xi32>,
      %get3A_520 = arith.constant 192 : index
      %get3A_521 = tpu.vector_load %arg5[%get3A_520] {strides = array<i32>} : memref<256xf32, #tpu.memory_space<vmem>>, vector<16xf32>,
      %get3A_522 = vector.shape_cast %get3A_521 : vector<16xf32> to vector<16xf32>
      %get3A_523 = arith.constant 192 : index
      %get3A_524 = tpu.vector_load %arg6[%get3A_523] {strides = array<i32>} : memref<256xi32, #tpu.memory_space<vmem>>, vector<16xi32>,
      %get3A_525 = vector.shape_cast %get3A_524 : vector<16xi32> to vector<16xi32>
      %scan3A_526 = arith.constant 0 : i32
      %scan3A_527 = arith.constant 64 : i32
      %scan3A_528 = arith.addi %scan3A_526, %scan3A_527 : i32
      %scan3A_529 = arith.constant 8 : i32
      %scan3A_530:3 = scf.for %scan3A_948 = %scan3A_526 to %scan3A_528 step %scan3A_529 iter_args(%scan3A_949 = %get3A_522, %scan3A_950 = %get3A_525, %scan3A_951 = %broadcast_in_dim3A_280) -> (vector<16xf32>, vector<16xi32>, vector<16xi32>)  : i32 {
        %get3A_952 = arith.constant 0 : i32
        %get3A_953 = arith.index_cast %get3A_952 : i32 to index
        %get3A_954 = arith.index_cast %scan3A_948 : i32 to index
        %get3A_955 = arith.constant 192 : index
        %get3A_956 = tpu.vector_load %arg4[%get3A_953, %get3A_954, %get3A_955] {strides = array<i32>} : memref<2x64x256xf32, #tpu.memory_space<vmem>>, vector<1x1x16xf32>,
        %get3A_957 = vector.shape_cast %get3A_956 : vector<1x1x16xf32> to vector<16xf32>
        %lt3A_958 = arith.cmpf olt, %get3A_957, %scan3A_949 : vector<16xf32>
        %select_n3A_959 = arith.select %lt3A_958, %get3A_957, %scan3A_949 : vector<16xi1>, vector<16xf32>
        %select_n3A_960 = arith.select %lt3A_958, %scan3A_951, %scan3A_950 : vector<16xi1>, vector<16xi32>
        %add3A_961 = arith.constant 1 : i32
        %add3A_962 = vector.broadcast %add3A_961 : i32 to vector<16xi32>
        %add3A_963 = arith.addi %scan3A_951, %add3A_962 : vector<16xi32>
        %scan3A_964 = arith.constant 1 : i32
        %scan3A_965 = arith.addi %scan3A_948, %scan3A_964 : i32
        %get3A_966 = arith.constant 0 : i32
        %get3A_967 = arith.index_cast %get3A_966 : i32 to index
        %get3A_968 = arith.index_cast %scan3A_965 : i32 to index
        %get3A_969 = arith.constant 192 : index
        %get3A_970 = tpu.vector_load %arg4[%get3A_967, %get3A_968, %get3A_969] {strides = array<i32>} : memref<2x64x256xf32, #tpu.memory_space<vmem>>, vector<1x1x16xf32>,
        %get3A_971 = vector.shape_cast %get3A_970 : vector<1x1x16xf32> to vector<16xf32>
        %lt3A_972 = arith.cmpf olt, %get3A_971, %select_n3A_959 : vector<16xf32>
        %select_n3A_973 = arith.select %lt3A_972, %get3A_971, %select_n3A_959 : vector<16xi1>, vector<16xf32>
        %select_n3A_974 = arith.select %lt3A_972, %add3A_963, %select_n3A_960 : vector<16xi1>, vector<16xi32>
        %add3A_975 = arith.constant 1 : i32
        %add3A_976 = vector.broadcast %add3A_975 : i32 to vector<16xi32>
        %add3A_977 = arith.addi %add3A_963, %add3A_976 : vector<16xi32>
        %scan3A_978 = arith.constant 2 : i32
        %scan3A_979 = arith.addi %scan3A_948, %scan3A_978 : i32
        %get3A_980 = arith.constant 0 : i32
        %get3A_981 = arith.index_cast %get3A_980 : i32 to index
        %get3A_982 = arith.index_cast %scan3A_979 : i32 to index
        %get3A_983 = arith.constant 192 : index
        %get3A_984 = tpu.vector_load %arg4[%get3A_981, %get3A_982, %get3A_983] {strides = array<i32>} : memref<2x64x256xf32, #tpu.memory_space<vmem>>, vector<1x1x16xf32>,
        %get3A_985 = vector.shape_cast %get3A_984 : vector<1x1x16xf32> to vector<16xf32>
        %lt3A_986 = arith.cmpf olt, %get3A_985, %select_n3A_973 : vector<16xf32>
        %select_n3A_987 = arith.select %lt3A_986, %get3A_985, %select_n3A_973 : vector<16xi1>, vector<16xf32>
        %select_n3A_988 = arith.select %lt3A_986, %add3A_977, %select_n3A_974 : vector<16xi1>, vector<16xi32>
        %add3A_989 = arith.constant 1 : i32
        %add3A_990 = vector.broadcast %add3A_989 : i32 to vector<16xi32>
        %add3A_991 = arith.addi %add3A_977, %add3A_990 : vector<16xi32>
        %scan3A_992 = arith.constant 3 : i32
        %scan3A_993 = arith.addi %scan3A_948, %scan3A_992 : i32
        %get3A_994 = arith.constant 0 : i32
        %get3A_995 = arith.index_cast %get3A_994 : i32 to index
        %get3A_996 = arith.index_cast %scan3A_993 : i32 to index
        %get3A_997 = arith.constant 192 : index
        %get3A_998 = tpu.vector_load %arg4[%get3A_995, %get3A_996, %get3A_997] {strides = array<i32>} : memref<2x64x256xf32, #tpu.memory_space<vmem>>, vector<1x1x16xf32>,
        %get3A_999 = vector.shape_cast %get3A_998 : vector<1x1x16xf32> to vector<16xf32>
        %lt3A_1000 = arith.cmpf olt, %get3A_999, %select_n3A_987 : vector<16xf32>
        %select_n3A_1001 = arith.select %lt3A_1000, %get3A_999, %select_n3A_987 : vector<16xi1>, vector<16xf32>
        %select_n3A_1002 = arith.select %lt3A_1000, %add3A_991, %select_n3A_988 : vector<16xi1>, vector<16xi32>
        %add3A_1003 = arith.constant 1 : i32
        %add3A_1004 = vector.broadcast %add3A_1003 : i32 to vector<16xi32>
        %add3A_1005 = arith.addi %add3A_991, %add3A_1004 : vector<16xi32>
        %scan3A_1006 = arith.constant 4 : i32
        %scan3A_1007 = arith.addi %scan3A_948, %scan3A_1006 : i32
        %get3A_1008 = arith.constant 0 : i32
        %get3A_1009 = arith.index_cast %get3A_1008 : i32 to index
        %get3A_1010 = arith.index_cast %scan3A_1007 : i32 to index
        %get3A_1011 = arith.constant 192 : index
        %get3A_1012 = tpu.vector_load %arg4[%get3A_1009, %get3A_1010, %get3A_1011] {strides = array<i32>} : memref<2x64x256xf32, #tpu.memory_space<vmem>>, vector<1x1x16xf32>,
        %get3A_1013 = vector.shape_cast %get3A_1012 : vector<1x1x16xf32> to vector<16xf32>
        %lt3A_1014 = arith.cmpf olt, %get3A_1013, %select_n3A_1001 : vector<16xf32>
        %select_n3A_1015 = arith.select %lt3A_1014, %get3A_1013, %select_n3A_1001 : vector<16xi1>, vector<16xf32>
        %select_n3A_1016 = arith.select %lt3A_1014, %add3A_1005, %select_n3A_1002 : vector<16xi1>, vector<16xi32>
        %add3A_1017 = arith.constant 1 : i32
        %add3A_1018 = vector.broadcast %add3A_1017 : i32 to vector<16xi32>
        %add3A_1019 = arith.addi %add3A_1005, %add3A_1018 : vector<16xi32>
        %scan3A_1020 = arith.constant 5 : i32
        %scan3A_1021 = arith.addi %scan3A_948, %scan3A_1020 : i32
        %get3A_1022 = arith.constant 0 : i32
        %get3A_1023 = arith.index_cast %get3A_1022 : i32 to index
        %get3A_1024 = arith.index_cast %scan3A_1021 : i32 to index
        %get3A_1025 = arith.constant 192 : index
        %get3A_1026 = tpu.vector_load %arg4[%get3A_1023, %get3A_1024, %get3A_1025] {strides = array<i32>} : memref<2x64x256xf32, #tpu.memory_space<vmem>>, vector<1x1x16xf32>,
        %get3A_1027 = vector.shape_cast %get3A_1026 : vector<1x1x16xf32> to vector<16xf32>
        %lt3A_1028 = arith.cmpf olt, %get3A_1027, %select_n3A_1015 : vector<16xf32>
        %select_n3A_1029 = arith.select %lt3A_1028, %get3A_1027, %select_n3A_1015 : vector<16xi1>, vector<16xf32>
        %select_n3A_1030 = arith.select %lt3A_1028, %add3A_1019, %select_n3A_1016 : vector<16xi1>, vector<16xi32>
        %add3A_1031 = arith.constant 1 : i32
        %add3A_1032 = vector.broadcast %add3A_1031 : i32 to vector<16xi32>
        %add3A_1033 = arith.addi %add3A_1019, %add3A_1032 : vector<16xi32>
        %scan3A_1034 = arith.constant 6 : i32
        %scan3A_1035 = arith.addi %scan3A_948, %scan3A_1034 : i32
        %get3A_1036 = arith.constant 0 : i32
        %get3A_1037 = arith.index_cast %get3A_1036 : i32 to index
        %get3A_1038 = arith.index_cast %scan3A_1035 : i32 to index
        %get3A_1039 = arith.constant 192 : index
        %get3A_1040 = tpu.vector_load %arg4[%get3A_1037, %get3A_1038, %get3A_1039] {strides = array<i32>} : memref<2x64x256xf32, #tpu.memory_space<vmem>>, vector<1x1x16xf32>,
        %get3A_1041 = vector.shape_cast %get3A_1040 : vector<1x1x16xf32> to vector<16xf32>
        %lt3A_1042 = arith.cmpf olt, %get3A_1041, %select_n3A_1029 : vector<16xf32>
        %select_n3A_1043 = arith.select %lt3A_1042, %get3A_1041, %select_n3A_1029 : vector<16xi1>, vector<16xf32>
        %select_n3A_1044 = arith.select %lt3A_1042, %add3A_1033, %select_n3A_1030 : vector<16xi1>, vector<16xi32>
        %add3A_1045 = arith.constant 1 : i32
        %add3A_1046 = vector.broadcast %add3A_1045 : i32 to vector<16xi32>
        %add3A_1047 = arith.addi %add3A_1033, %add3A_1046 : vector<16xi32>
        %scan3A_1048 = arith.constant 7 : i32
        %scan3A_1049 = arith.addi %scan3A_948, %scan3A_1048 : i32
        %get3A_1050 = arith.constant 0 : i32
        %get3A_1051 = arith.index_cast %get3A_1050 : i32 to index
        %get3A_1052 = arith.index_cast %scan3A_1049 : i32 to index
        %get3A_1053 = arith.constant 192 : index
        %get3A_1054 = tpu.vector_load %arg4[%get3A_1051, %get3A_1052, %get3A_1053] {strides = array<i32>} : memref<2x64x256xf32, #tpu.memory_space<vmem>>, vector<1x1x16xf32>,
        %get3A_1055 = vector.shape_cast %get3A_1054 : vector<1x1x16xf32> to vector<16xf32>
        %lt3A_1056 = arith.cmpf olt, %get3A_1055, %select_n3A_1043 : vector<16xf32>
        %select_n3A_1057 = arith.select %lt3A_1056, %get3A_1055, %select_n3A_1043 : vector<16xi1>, vector<16xf32>
        %select_n3A_1058 = arith.select %lt3A_1056, %add3A_1047, %select_n3A_1044 : vector<16xi1>, vector<16xi32>
        %add3A_1059 = arith.constant 1 : i32
        %add3A_1060 = vector.broadcast %add3A_1059 : i32 to vector<16xi32>
        %add3A_1061 = arith.addi %add3A_1047, %add3A_1060 : vector<16xi32>
        scf.yield %select_n3A_1057, %select_n3A_1058, %add3A_1061 : vector<16xf32>, vector<16xi32>, vector<16xi32>
      }
      %scan3A_531 = arith.constant 64 : i32
      %swap3A_532 = arith.constant 192 : index
      %swap3A_533 = tpu.vector_load %arg5[%swap3A_532] {strides = array<i32>} : memref<256xf32, #tpu.memory_space<vmem>>, vector<16xf32>,
      %swap3A_534 = vector.shape_cast %swap3A_533 : vector<16xf32> to vector<16xf32>
      %swap3A_535 = vector.shape_cast %scan3A_530#0 : vector<16xf32> to vector<16xf32>
      tpu.vector_store %arg5[%swap3A_532], %swap3A_535 {strides = array<i32>} : memref<256xf32, #tpu.memory_space<vmem>>, vector<16xf32>,
      %swap3A_536 = arith.constant 192 : index
      %swap3A_537 = tpu.vector_load %arg6[%swap3A_536] {strides = array<i32>} : memref<256xi32, #tpu.memory_space<vmem>>, vector<16xi32>,
      %swap3A_538 = vector.shape_cast %swap3A_537 : vector<16xi32> to vector<16xi32>
      %swap3A_539 = vector.shape_cast %scan3A_530#1 : vector<16xi32> to vector<16xi32>
      tpu.vector_store %arg6[%swap3A_536], %swap3A_539 {strides = array<i32>} : memref<256xi32, #tpu.memory_space<vmem>>, vector<16xi32>,
      %get3A_540 = arith.constant 208 : index
      %get3A_541 = tpu.vector_load %arg5[%get3A_540] {strides = array<i32>} : memref<256xf32, #tpu.memory_space<vmem>>, vector<16xf32>,
      %get3A_542 = vector.shape_cast %get3A_541 : vector<16xf32> to vector<16xf32>
      %get3A_543 = arith.constant 208 : index
      %get3A_544 = tpu.vector_load %arg6[%get3A_543] {strides = array<i32>} : memref<256xi32, #tpu.memory_space<vmem>>, vector<16xi32>,
      %get3A_545 = vector.shape_cast %get3A_544 : vector<16xi32> to vector<16xi32>
      %scan3A_546 = arith.constant 0 : i32
      %scan3A_547 = arith.constant 64 : i32
      %scan3A_548 = arith.addi %scan3A_546, %scan3A_547 : i32
      %scan3A_549 = arith.constant 8 : i32
      %scan3A_550:3 = scf.for %scan3A_948 = %scan3A_546 to %scan3A_548 step %scan3A_549 iter_args(%scan3A_949 = %get3A_542, %scan3A_950 = %get3A_545, %scan3A_951 = %broadcast_in_dim3A_280) -> (vector<16xf32>, vector<16xi32>, vector<16xi32>)  : i32 {
        %get3A_952 = arith.constant 0 : i32
        %get3A_953 = arith.index_cast %get3A_952 : i32 to index
        %get3A_954 = arith.index_cast %scan3A_948 : i32 to index
        %get3A_955 = arith.constant 208 : index
        %get3A_956 = tpu.vector_load %arg4[%get3A_953, %get3A_954, %get3A_955] {strides = array<i32>} : memref<2x64x256xf32, #tpu.memory_space<vmem>>, vector<1x1x16xf32>,
        %get3A_957 = vector.shape_cast %get3A_956 : vector<1x1x16xf32> to vector<16xf32>
        %lt3A_958 = arith.cmpf olt, %get3A_957, %scan3A_949 : vector<16xf32>
        %select_n3A_959 = arith.select %lt3A_958, %get3A_957, %scan3A_949 : vector<16xi1>, vector<16xf32>
        %select_n3A_960 = arith.select %lt3A_958, %scan3A_951, %scan3A_950 : vector<16xi1>, vector<16xi32>
        %add3A_961 = arith.constant 1 : i32
        %add3A_962 = vector.broadcast %add3A_961 : i32 to vector<16xi32>
        %add3A_963 = arith.addi %scan3A_951, %add3A_962 : vector<16xi32>
        %scan3A_964 = arith.constant 1 : i32
        %scan3A_965 = arith.addi %scan3A_948, %scan3A_964 : i32
        %get3A_966 = arith.constant 0 : i32
        %get3A_967 = arith.index_cast %get3A_966 : i32 to index
        %get3A_968 = arith.index_cast %scan3A_965 : i32 to index
        %get3A_969 = arith.constant 208 : index
        %get3A_970 = tpu.vector_load %arg4[%get3A_967, %get3A_968, %get3A_969] {strides = array<i32>} : memref<2x64x256xf32, #tpu.memory_space<vmem>>, vector<1x1x16xf32>,
        %get3A_971 = vector.shape_cast %get3A_970 : vector<1x1x16xf32> to vector<16xf32>
        %lt3A_972 = arith.cmpf olt, %get3A_971, %select_n3A_959 : vector<16xf32>
        %select_n3A_973 = arith.select %lt3A_972, %get3A_971, %select_n3A_959 : vector<16xi1>, vector<16xf32>
        %select_n3A_974 = arith.select %lt3A_972, %add3A_963, %select_n3A_960 : vector<16xi1>, vector<16xi32>
        %add3A_975 = arith.constant 1 : i32
        %add3A_976 = vector.broadcast %add3A_975 : i32 to vector<16xi32>
        %add3A_977 = arith.addi %add3A_963, %add3A_976 : vector<16xi32>
        %scan3A_978 = arith.constant 2 : i32
        %scan3A_979 = arith.addi %scan3A_948, %scan3A_978 : i32
        %get3A_980 = arith.constant 0 : i32
        %get3A_981 = arith.index_cast %get3A_980 : i32 to index
        %get3A_982 = arith.index_cast %scan3A_979 : i32 to index
        %get3A_983 = arith.constant 208 : index
        %get3A_984 = tpu.vector_load %arg4[%get3A_981, %get3A_982, %get3A_983] {strides = array<i32>} : memref<2x64x256xf32, #tpu.memory_space<vmem>>, vector<1x1x16xf32>,
        %get3A_985 = vector.shape_cast %get3A_984 : vector<1x1x16xf32> to vector<16xf32>
        %lt3A_986 = arith.cmpf olt, %get3A_985, %select_n3A_973 : vector<16xf32>
        %select_n3A_987 = arith.select %lt3A_986, %get3A_985, %select_n3A_973 : vector<16xi1>, vector<16xf32>
        %select_n3A_988 = arith.select %lt3A_986, %add3A_977, %select_n3A_974 : vector<16xi1>, vector<16xi32>
        %add3A_989 = arith.constant 1 : i32
        %add3A_990 = vector.broadcast %add3A_989 : i32 to vector<16xi32>
        %add3A_991 = arith.addi %add3A_977, %add3A_990 : vector<16xi32>
        %scan3A_992 = arith.constant 3 : i32
        %scan3A_993 = arith.addi %scan3A_948, %scan3A_992 : i32
        %get3A_994 = arith.constant 0 : i32
        %get3A_995 = arith.index_cast %get3A_994 : i32 to index
        %get3A_996 = arith.index_cast %scan3A_993 : i32 to index
        %get3A_997 = arith.constant 208 : index
        %get3A_998 = tpu.vector_load %arg4[%get3A_995, %get3A_996, %get3A_997] {strides = array<i32>} : memref<2x64x256xf32, #tpu.memory_space<vmem>>, vector<1x1x16xf32>,
        %get3A_999 = vector.shape_cast %get3A_998 : vector<1x1x16xf32> to vector<16xf32>
        %lt3A_1000 = arith.cmpf olt, %get3A_999, %select_n3A_987 : vector<16xf32>
        %select_n3A_1001 = arith.select %lt3A_1000, %get3A_999, %select_n3A_987 : vector<16xi1>, vector<16xf32>
        %select_n3A_1002 = arith.select %lt3A_1000, %add3A_991, %select_n3A_988 : vector<16xi1>, vector<16xi32>
        %add3A_1003 = arith.constant 1 : i32
        %add3A_1004 = vector.broadcast %add3A_1003 : i32 to vector<16xi32>
        %add3A_1005 = arith.addi %add3A_991, %add3A_1004 : vector<16xi32>
        %scan3A_1006 = arith.constant 4 : i32
        %scan3A_1007 = arith.addi %scan3A_948, %scan3A_1006 : i32
        %get3A_1008 = arith.constant 0 : i32
        %get3A_1009 = arith.index_cast %get3A_1008 : i32 to index
        %get3A_1010 = arith.index_cast %scan3A_1007 : i32 to index
        %get3A_1011 = arith.constant 208 : index
        %get3A_1012 = tpu.vector_load %arg4[%get3A_1009, %get3A_1010, %get3A_1011] {strides = array<i32>} : memref<2x64x256xf32, #tpu.memory_space<vmem>>, vector<1x1x16xf32>,
        %get3A_1013 = vector.shape_cast %get3A_1012 : vector<1x1x16xf32> to vector<16xf32>
        %lt3A_1014 = arith.cmpf olt, %get3A_1013, %select_n3A_1001 : vector<16xf32>
        %select_n3A_1015 = arith.select %lt3A_1014, %get3A_1013, %select_n3A_1001 : vector<16xi1>, vector<16xf32>
        %select_n3A_1016 = arith.select %lt3A_1014, %add3A_1005, %select_n3A_1002 : vector<16xi1>, vector<16xi32>
        %add3A_1017 = arith.constant 1 : i32
        %add3A_1018 = vector.broadcast %add3A_1017 : i32 to vector<16xi32>
        %add3A_1019 = arith.addi %add3A_1005, %add3A_1018 : vector<16xi32>
        %scan3A_1020 = arith.constant 5 : i32
        %scan3A_1021 = arith.addi %scan3A_948, %scan3A_1020 : i32
        %get3A_1022 = arith.constant 0 : i32
        %get3A_1023 = arith.index_cast %get3A_1022 : i32 to index
        %get3A_1024 = arith.index_cast %scan3A_1021 : i32 to index
        %get3A_1025 = arith.constant 208 : index
        %get3A_1026 = tpu.vector_load %arg4[%get3A_1023, %get3A_1024, %get3A_1025] {strides = array<i32>} : memref<2x64x256xf32, #tpu.memory_space<vmem>>, vector<1x1x16xf32>,
        %get3A_1027 = vector.shape_cast %get3A_1026 : vector<1x1x16xf32> to vector<16xf32>
        %lt3A_1028 = arith.cmpf olt, %get3A_1027, %select_n3A_1015 : vector<16xf32>
        %select_n3A_1029 = arith.select %lt3A_1028, %get3A_1027, %select_n3A_1015 : vector<16xi1>, vector<16xf32>
        %select_n3A_1030 = arith.select %lt3A_1028, %add3A_1019, %select_n3A_1016 : vector<16xi1>, vector<16xi32>
        %add3A_1031 = arith.constant 1 : i32
        %add3A_1032 = vector.broadcast %add3A_1031 : i32 to vector<16xi32>
        %add3A_1033 = arith.addi %add3A_1019, %add3A_1032 : vector<16xi32>
        %scan3A_1034 = arith.constant 6 : i32
        %scan3A_1035 = arith.addi %scan3A_948, %scan3A_1034 : i32
        %get3A_1036 = arith.constant 0 : i32
        %get3A_1037 = arith.index_cast %get3A_1036 : i32 to index
        %get3A_1038 = arith.index_cast %scan3A_1035 : i32 to index
        %get3A_1039 = arith.constant 208 : index
        %get3A_1040 = tpu.vector_load %arg4[%get3A_1037, %get3A_1038, %get3A_1039] {strides = array<i32>} : memref<2x64x256xf32, #tpu.memory_space<vmem>>, vector<1x1x16xf32>,
        %get3A_1041 = vector.shape_cast %get3A_1040 : vector<1x1x16xf32> to vector<16xf32>
        %lt3A_1042 = arith.cmpf olt, %get3A_1041, %select_n3A_1029 : vector<16xf32>
        %select_n3A_1043 = arith.select %lt3A_1042, %get3A_1041, %select_n3A_1029 : vector<16xi1>, vector<16xf32>
        %select_n3A_1044 = arith.select %lt3A_1042, %add3A_1033, %select_n3A_1030 : vector<16xi1>, vector<16xi32>
        %add3A_1045 = arith.constant 1 : i32
        %add3A_1046 = vector.broadcast %add3A_1045 : i32 to vector<16xi32>
        %add3A_1047 = arith.addi %add3A_1033, %add3A_1046 : vector<16xi32>
        %scan3A_1048 = arith.constant 7 : i32
        %scan3A_1049 = arith.addi %scan3A_948, %scan3A_1048 : i32
        %get3A_1050 = arith.constant 0 : i32
        %get3A_1051 = arith.index_cast %get3A_1050 : i32 to index
        %get3A_1052 = arith.index_cast %scan3A_1049 : i32 to index
        %get3A_1053 = arith.constant 208 : index
        %get3A_1054 = tpu.vector_load %arg4[%get3A_1051, %get3A_1052, %get3A_1053] {strides = array<i32>} : memref<2x64x256xf32, #tpu.memory_space<vmem>>, vector<1x1x16xf32>,
        %get3A_1055 = vector.shape_cast %get3A_1054 : vector<1x1x16xf32> to vector<16xf32>
        %lt3A_1056 = arith.cmpf olt, %get3A_1055, %select_n3A_1043 : vector<16xf32>
        %select_n3A_1057 = arith.select %lt3A_1056, %get3A_1055, %select_n3A_1043 : vector<16xi1>, vector<16xf32>
        %select_n3A_1058 = arith.select %lt3A_1056, %add3A_1047, %select_n3A_1044 : vector<16xi1>, vector<16xi32>
        %add3A_1059 = arith.constant 1 : i32
        %add3A_1060 = vector.broadcast %add3A_1059 : i32 to vector<16xi32>
        %add3A_1061 = arith.addi %add3A_1047, %add3A_1060 : vector<16xi32>
        scf.yield %select_n3A_1057, %select_n3A_1058, %add3A_1061 : vector<16xf32>, vector<16xi32>, vector<16xi32>
      }
      %scan3A_551 = arith.constant 64 : i32
      %swap3A_552 = arith.constant 208 : index
      %swap3A_553 = tpu.vector_load %arg5[%swap3A_552] {strides = array<i32>} : memref<256xf32, #tpu.memory_space<vmem>>, vector<16xf32>,
      %swap3A_554 = vector.shape_cast %swap3A_553 : vector<16xf32> to vector<16xf32>
      %swap3A_555 = vector.shape_cast %scan3A_550#0 : vector<16xf32> to vector<16xf32>
      tpu.vector_store %arg5[%swap3A_552], %swap3A_555 {strides = array<i32>} : memref<256xf32, #tpu.memory_space<vmem>>, vector<16xf32>,
      %swap3A_556 = arith.constant 208 : index
      %swap3A_557 = tpu.vector_load %arg6[%swap3A_556] {strides = array<i32>} : memref<256xi32, #tpu.memory_space<vmem>>, vector<16xi32>,
      %swap3A_558 = vector.shape_cast %swap3A_557 : vector<16xi32> to vector<16xi32>
      %swap3A_559 = vector.shape_cast %scan3A_550#1 : vector<16xi32> to vector<16xi32>
      tpu.vector_store %arg6[%swap3A_556], %swap3A_559 {strides = array<i32>} : memref<256xi32, #tpu.memory_space<vmem>>, vector<16xi32>,
      %get3A_560 = arith.constant 224 : index
      %get3A_561 = tpu.vector_load %arg5[%get3A_560] {strides = array<i32>} : memref<256xf32, #tpu.memory_space<vmem>>, vector<16xf32>,
      %get3A_562 = vector.shape_cast %get3A_561 : vector<16xf32> to vector<16xf32>
      %get3A_563 = arith.constant 224 : index
      %get3A_564 = tpu.vector_load %arg6[%get3A_563] {strides = array<i32>} : memref<256xi32, #tpu.memory_space<vmem>>, vector<16xi32>,
      %get3A_565 = vector.shape_cast %get3A_564 : vector<16xi32> to vector<16xi32>
      %scan3A_566 = arith.constant 0 : i32
      %scan3A_567 = arith.constant 64 : i32
      %scan3A_568 = arith.addi %scan3A_566, %scan3A_567 : i32
      %scan3A_569 = arith.constant 8 : i32
      %scan3A_570:3 = scf.for %scan3A_948 = %scan3A_566 to %scan3A_568 step %scan3A_569 iter_args(%scan3A_949 = %get3A_562, %scan3A_950 = %get3A_565, %scan3A_951 = %broadcast_in_dim3A_280) -> (vector<16xf32>, vector<16xi32>, vector<16xi32>)  : i32 {
        %get3A_952 = arith.constant 0 : i32
        %get3A_953 = arith.index_cast %get3A_952 : i32 to index
        %get3A_954 = arith.index_cast %scan3A_948 : i32 to index
        %get3A_955 = arith.constant 224 : index
        %get3A_956 = tpu.vector_load %arg4[%get3A_953, %get3A_954, %get3A_955] {strides = array<i32>} : memref<2x64x256xf32, #tpu.memory_space<vmem>>, vector<1x1x16xf32>,
        %get3A_957 = vector.shape_cast %get3A_956 : vector<1x1x16xf32> to vector<16xf32>
        %lt3A_958 = arith.cmpf olt, %get3A_957, %scan3A_949 : vector<16xf32>
        %select_n3A_959 = arith.select %lt3A_958, %get3A_957, %scan3A_949 : vector<16xi1>, vector<16xf32>
        %select_n3A_960 = arith.select %lt3A_958, %scan3A_951, %scan3A_950 : vector<16xi1>, vector<16xi32>
        %add3A_961 = arith.constant 1 : i32
        %add3A_962 = vector.broadcast %add3A_961 : i32 to vector<16xi32>
        %add3A_963 = arith.addi %scan3A_951, %add3A_962 : vector<16xi32>
        %scan3A_964 = arith.constant 1 : i32
        %scan3A_965 = arith.addi %scan3A_948, %scan3A_964 : i32
        %get3A_966 = arith.constant 0 : i32
        %get3A_967 = arith.index_cast %get3A_966 : i32 to index
        %get3A_968 = arith.index_cast %scan3A_965 : i32 to index
        %get3A_969 = arith.constant 224 : index
        %get3A_970 = tpu.vector_load %arg4[%get3A_967, %get3A_968, %get3A_969] {strides = array<i32>} : memref<2x64x256xf32, #tpu.memory_space<vmem>>, vector<1x1x16xf32>,
        %get3A_971 = vector.shape_cast %get3A_970 : vector<1x1x16xf32> to vector<16xf32>
        %lt3A_972 = arith.cmpf olt, %get3A_971, %select_n3A_959 : vector<16xf32>
        %select_n3A_973 = arith.select %lt3A_972, %get3A_971, %select_n3A_959 : vector<16xi1>, vector<16xf32>
        %select_n3A_974 = arith.select %lt3A_972, %add3A_963, %select_n3A_960 : vector<16xi1>, vector<16xi32>
        %add3A_975 = arith.constant 1 : i32
        %add3A_976 = vector.broadcast %add3A_975 : i32 to vector<16xi32>
        %add3A_977 = arith.addi %add3A_963, %add3A_976 : vector<16xi32>
        %scan3A_978 = arith.constant 2 : i32
        %scan3A_979 = arith.addi %scan3A_948, %scan3A_978 : i32
        %get3A_980 = arith.constant 0 : i32
        %get3A_981 = arith.index_cast %get3A_980 : i32 to index
        %get3A_982 = arith.index_cast %scan3A_979 : i32 to index
        %get3A_983 = arith.constant 224 : index
        %get3A_984 = tpu.vector_load %arg4[%get3A_981, %get3A_982, %get3A_983] {strides = array<i32>} : memref<2x64x256xf32, #tpu.memory_space<vmem>>, vector<1x1x16xf32>,
        %get3A_985 = vector.shape_cast %get3A_984 : vector<1x1x16xf32> to vector<16xf32>
        %lt3A_986 = arith.cmpf olt, %get3A_985, %select_n3A_973 : vector<16xf32>
        %select_n3A_987 = arith.select %lt3A_986, %get3A_985, %select_n3A_973 : vector<16xi1>, vector<16xf32>
        %select_n3A_988 = arith.select %lt3A_986, %add3A_977, %select_n3A_974 : vector<16xi1>, vector<16xi32>
        %add3A_989 = arith.constant 1 : i32
        %add3A_990 = vector.broadcast %add3A_989 : i32 to vector<16xi32>
        %add3A_991 = arith.addi %add3A_977, %add3A_990 : vector<16xi32>
        %scan3A_992 = arith.constant 3 : i32
        %scan3A_993 = arith.addi %scan3A_948, %scan3A_992 : i32
        %get3A_994 = arith.constant 0 : i32
        %get3A_995 = arith.index_cast %get3A_994 : i32 to index
        %get3A_996 = arith.index_cast %scan3A_993 : i32 to index
        %get3A_997 = arith.constant 224 : index
        %get3A_998 = tpu.vector_load %arg4[%get3A_995, %get3A_996, %get3A_997] {strides = array<i32>} : memref<2x64x256xf32, #tpu.memory_space<vmem>>, vector<1x1x16xf32>,
        %get3A_999 = vector.shape_cast %get3A_998 : vector<1x1x16xf32> to vector<16xf32>
        %lt3A_1000 = arith.cmpf olt, %get3A_999, %select_n3A_987 : vector<16xf32>
        %select_n3A_1001 = arith.select %lt3A_1000, %get3A_999, %select_n3A_987 : vector<16xi1>, vector<16xf32>
        %select_n3A_1002 = arith.select %lt3A_1000, %add3A_991, %select_n3A_988 : vector<16xi1>, vector<16xi32>
        %add3A_1003 = arith.constant 1 : i32
        %add3A_1004 = vector.broadcast %add3A_1003 : i32 to vector<16xi32>
        %add3A_1005 = arith.addi %add3A_991, %add3A_1004 : vector<16xi32>
        %scan3A_1006 = arith.constant 4 : i32
        %scan3A_1007 = arith.addi %scan3A_948, %scan3A_1006 : i32
        %get3A_1008 = arith.constant 0 : i32
        %get3A_1009 = arith.index_cast %get3A_1008 : i32 to index
        %get3A_1010 = arith.index_cast %scan3A_1007 : i32 to index
        %get3A_1011 = arith.constant 224 : index
        %get3A_1012 = tpu.vector_load %arg4[%get3A_1009, %get3A_1010, %get3A_1011] {strides = array<i32>} : memref<2x64x256xf32, #tpu.memory_space<vmem>>, vector<1x1x16xf32>,
        %get3A_1013 = vector.shape_cast %get3A_1012 : vector<1x1x16xf32> to vector<16xf32>
        %lt3A_1014 = arith.cmpf olt, %get3A_1013, %select_n3A_1001 : vector<16xf32>
        %select_n3A_1015 = arith.select %lt3A_1014, %get3A_1013, %select_n3A_1001 : vector<16xi1>, vector<16xf32>
        %select_n3A_1016 = arith.select %lt3A_1014, %add3A_1005, %select_n3A_1002 : vector<16xi1>, vector<16xi32>
        %add3A_1017 = arith.constant 1 : i32
        %add3A_1018 = vector.broadcast %add3A_1017 : i32 to vector<16xi32>
        %add3A_1019 = arith.addi %add3A_1005, %add3A_1018 : vector<16xi32>
        %scan3A_1020 = arith.constant 5 : i32
        %scan3A_1021 = arith.addi %scan3A_948, %scan3A_1020 : i32
        %get3A_1022 = arith.constant 0 : i32
        %get3A_1023 = arith.index_cast %get3A_1022 : i32 to index
        %get3A_1024 = arith.index_cast %scan3A_1021 : i32 to index
        %get3A_1025 = arith.constant 224 : index
        %get3A_1026 = tpu.vector_load %arg4[%get3A_1023, %get3A_1024, %get3A_1025] {strides = array<i32>} : memref<2x64x256xf32, #tpu.memory_space<vmem>>, vector<1x1x16xf32>,
        %get3A_1027 = vector.shape_cast %get3A_1026 : vector<1x1x16xf32> to vector<16xf32>
        %lt3A_1028 = arith.cmpf olt, %get3A_1027, %select_n3A_1015 : vector<16xf32>
        %select_n3A_1029 = arith.select %lt3A_1028, %get3A_1027, %select_n3A_1015 : vector<16xi1>, vector<16xf32>
        %select_n3A_1030 = arith.select %lt3A_1028, %add3A_1019, %select_n3A_1016 : vector<16xi1>, vector<16xi32>
        %add3A_1031 = arith.constant 1 : i32
        %add3A_1032 = vector.broadcast %add3A_1031 : i32 to vector<16xi32>
        %add3A_1033 = arith.addi %add3A_1019, %add3A_1032 : vector<16xi32>
        %scan3A_1034 = arith.constant 6 : i32
        %scan3A_1035 = arith.addi %scan3A_948, %scan3A_1034 : i32
        %get3A_1036 = arith.constant 0 : i32
        %get3A_1037 = arith.index_cast %get3A_1036 : i32 to index
        %get3A_1038 = arith.index_cast %scan3A_1035 : i32 to index
        %get3A_1039 = arith.constant 224 : index
        %get3A_1040 = tpu.vector_load %arg4[%get3A_1037, %get3A_1038, %get3A_1039] {strides = array<i32>} : memref<2x64x256xf32, #tpu.memory_space<vmem>>, vector<1x1x16xf32>,
        %get3A_1041 = vector.shape_cast %get3A_1040 : vector<1x1x16xf32> to vector<16xf32>
        %lt3A_1042 = arith.cmpf olt, %get3A_1041, %select_n3A_1029 : vector<16xf32>
        %select_n3A_1043 = arith.select %lt3A_1042, %get3A_1041, %select_n3A_1029 : vector<16xi1>, vector<16xf32>
        %select_n3A_1044 = arith.select %lt3A_1042, %add3A_1033, %select_n3A_1030 : vector<16xi1>, vector<16xi32>
        %add3A_1045 = arith.constant 1 : i32
        %add3A_1046 = vector.broadcast %add3A_1045 : i32 to vector<16xi32>
        %add3A_1047 = arith.addi %add3A_1033, %add3A_1046 : vector<16xi32>
        %scan3A_1048 = arith.constant 7 : i32
        %scan3A_1049 = arith.addi %scan3A_948, %scan3A_1048 : i32
        %get3A_1050 = arith.constant 0 : i32
        %get3A_1051 = arith.index_cast %get3A_1050 : i32 to index
        %get3A_1052 = arith.index_cast %scan3A_1049 : i32 to index
        %get3A_1053 = arith.constant 224 : index
        %get3A_1054 = tpu.vector_load %arg4[%get3A_1051, %get3A_1052, %get3A_1053] {strides = array<i32>} : memref<2x64x256xf32, #tpu.memory_space<vmem>>, vector<1x1x16xf32>,
        %get3A_1055 = vector.shape_cast %get3A_1054 : vector<1x1x16xf32> to vector<16xf32>
        %lt3A_1056 = arith.cmpf olt, %get3A_1055, %select_n3A_1043 : vector<16xf32>
        %select_n3A_1057 = arith.select %lt3A_1056, %get3A_1055, %select_n3A_1043 : vector<16xi1>, vector<16xf32>
        %select_n3A_1058 = arith.select %lt3A_1056, %add3A_1047, %select_n3A_1044 : vector<16xi1>, vector<16xi32>
        %add3A_1059 = arith.constant 1 : i32
        %add3A_1060 = vector.broadcast %add3A_1059 : i32 to vector<16xi32>
        %add3A_1061 = arith.addi %add3A_1047, %add3A_1060 : vector<16xi32>
        scf.yield %select_n3A_1057, %select_n3A_1058, %add3A_1061 : vector<16xf32>, vector<16xi32>, vector<16xi32>
      }
      %scan3A_571 = arith.constant 64 : i32
      %swap3A_572 = arith.constant 224 : index
      %swap3A_573 = tpu.vector_load %arg5[%swap3A_572] {strides = array<i32>} : memref<256xf32, #tpu.memory_space<vmem>>, vector<16xf32>,
      %swap3A_574 = vector.shape_cast %swap3A_573 : vector<16xf32> to vector<16xf32>
      %swap3A_575 = vector.shape_cast %scan3A_570#0 : vector<16xf32> to vector<16xf32>
      tpu.vector_store %arg5[%swap3A_572], %swap3A_575 {strides = array<i32>} : memref<256xf32, #tpu.memory_space<vmem>>, vector<16xf32>,
      %swap3A_576 = arith.constant 224 : index
      %swap3A_577 = tpu.vector_load %arg6[%swap3A_576] {strides = array<i32>} : memref<256xi32, #tpu.memory_space<vmem>>, vector<16xi32>,
      %swap3A_578 = vector.shape_cast %swap3A_577 : vector<16xi32> to vector<16xi32>
      %swap3A_579 = vector.shape_cast %scan3A_570#1 : vector<16xi32> to vector<16xi32>
      tpu.vector_store %arg6[%swap3A_576], %swap3A_579 {strides = array<i32>} : memref<256xi32, #tpu.memory_space<vmem>>, vector<16xi32>,
      %get3A_580 = arith.constant 240 : index
      %get3A_581 = tpu.vector_load %arg5[%get3A_580] {strides = array<i32>} : memref<256xf32, #tpu.memory_space<vmem>>, vector<16xf32>,
      %get3A_582 = vector.shape_cast %get3A_581 : vector<16xf32> to vector<16xf32>
      %get3A_583 = arith.constant 240 : index
      %get3A_584 = tpu.vector_load %arg6[%get3A_583] {strides = array<i32>} : memref<256xi32, #tpu.memory_space<vmem>>, vector<16xi32>,
      %get3A_585 = vector.shape_cast %get3A_584 : vector<16xi32> to vector<16xi32>
      %scan3A_586 = arith.constant 0 : i32
      %scan3A_587 = arith.constant 64 : i32
      %scan3A_588 = arith.addi %scan3A_586, %scan3A_587 : i32
      %scan3A_589 = arith.constant 8 : i32
      %scan3A_590:3 = scf.for %scan3A_948 = %scan3A_586 to %scan3A_588 step %scan3A_589 iter_args(%scan3A_949 = %get3A_582, %scan3A_950 = %get3A_585, %scan3A_951 = %broadcast_in_dim3A_280) -> (vector<16xf32>, vector<16xi32>, vector<16xi32>)  : i32 {
        %get3A_952 = arith.constant 0 : i32
        %get3A_953 = arith.index_cast %get3A_952 : i32 to index
        %get3A_954 = arith.index_cast %scan3A_948 : i32 to index
        %get3A_955 = arith.constant 240 : index
        %get3A_956 = tpu.vector_load %arg4[%get3A_953, %get3A_954, %get3A_955] {strides = array<i32>} : memref<2x64x256xf32, #tpu.memory_space<vmem>>, vector<1x1x16xf32>,
        %get3A_957 = vector.shape_cast %get3A_956 : vector<1x1x16xf32> to vector<16xf32>
        %lt3A_958 = arith.cmpf olt, %get3A_957, %scan3A_949 : vector<16xf32>
        %select_n3A_959 = arith.select %lt3A_958, %get3A_957, %scan3A_949 : vector<16xi1>, vector<16xf32>
        %select_n3A_960 = arith.select %lt3A_958, %scan3A_951, %scan3A_950 : vector<16xi1>, vector<16xi32>
        %add3A_961 = arith.constant 1 : i32
        %add3A_962 = vector.broadcast %add3A_961 : i32 to vector<16xi32>
        %add3A_963 = arith.addi %scan3A_951, %add3A_962 : vector<16xi32>
        %scan3A_964 = arith.constant 1 : i32
        %scan3A_965 = arith.addi %scan3A_948, %scan3A_964 : i32
        %get3A_966 = arith.constant 0 : i32
        %get3A_967 = arith.index_cast %get3A_966 : i32 to index
        %get3A_968 = arith.index_cast %scan3A_965 : i32 to index
        %get3A_969 = arith.constant 240 : index
        %get3A_970 = tpu.vector_load %arg4[%get3A_967, %get3A_968, %get3A_969] {strides = array<i32>} : memref<2x64x256xf32, #tpu.memory_space<vmem>>, vector<1x1x16xf32>,
        %get3A_971 = vector.shape_cast %get3A_970 : vector<1x1x16xf32> to vector<16xf32>
        %lt3A_972 = arith.cmpf olt, %get3A_971, %select_n3A_959 : vector<16xf32>
        %select_n3A_973 = arith.select %lt3A_972, %get3A_971, %select_n3A_959 : vector<16xi1>, vector<16xf32>
        %select_n3A_974 = arith.select %lt3A_972, %add3A_963, %select_n3A_960 : vector<16xi1>, vector<16xi32>
        %add3A_975 = arith.constant 1 : i32
        %add3A_976 = vector.broadcast %add3A_975 : i32 to vector<16xi32>
        %add3A_977 = arith.addi %add3A_963, %add3A_976 : vector<16xi32>
        %scan3A_978 = arith.constant 2 : i32
        %scan3A_979 = arith.addi %scan3A_948, %scan3A_978 : i32
        %get3A_980 = arith.constant 0 : i32
        %get3A_981 = arith.index_cast %get3A_980 : i32 to index
        %get3A_982 = arith.index_cast %scan3A_979 : i32 to index
        %get3A_983 = arith.constant 240 : index
        %get3A_984 = tpu.vector_load %arg4[%get3A_981, %get3A_982, %get3A_983] {strides = array<i32>} : memref<2x64x256xf32, #tpu.memory_space<vmem>>, vector<1x1x16xf32>,
        %get3A_985 = vector.shape_cast %get3A_984 : vector<1x1x16xf32> to vector<16xf32>
        %lt3A_986 = arith.cmpf olt, %get3A_985, %select_n3A_973 : vector<16xf32>
        %select_n3A_987 = arith.select %lt3A_986, %get3A_985, %select_n3A_973 : vector<16xi1>, vector<16xf32>
        %select_n3A_988 = arith.select %lt3A_986, %add3A_977, %select_n3A_974 : vector<16xi1>, vector<16xi32>
        %add3A_989 = arith.constant 1 : i32
        %add3A_990 = vector.broadcast %add3A_989 : i32 to vector<16xi32>
        %add3A_991 = arith.addi %add3A_977, %add3A_990 : vector<16xi32>
        %scan3A_992 = arith.constant 3 : i32
        %scan3A_993 = arith.addi %scan3A_948, %scan3A_992 : i32
        %get3A_994 = arith.constant 0 : i32
        %get3A_995 = arith.index_cast %get3A_994 : i32 to index
        %get3A_996 = arith.index_cast %scan3A_993 : i32 to index
        %get3A_997 = arith.constant 240 : index
        %get3A_998 = tpu.vector_load %arg4[%get3A_995, %get3A_996, %get3A_997] {strides = array<i32>} : memref<2x64x256xf32, #tpu.memory_space<vmem>>, vector<1x1x16xf32>,
        %get3A_999 = vector.shape_cast %get3A_998 : vector<1x1x16xf32> to vector<16xf32>
        %lt3A_1000 = arith.cmpf olt, %get3A_999, %select_n3A_987 : vector<16xf32>
        %select_n3A_1001 = arith.select %lt3A_1000, %get3A_999, %select_n3A_987 : vector<16xi1>, vector<16xf32>
        %select_n3A_1002 = arith.select %lt3A_1000, %add3A_991, %select_n3A_988 : vector<16xi1>, vector<16xi32>
        %add3A_1003 = arith.constant 1 : i32
        %add3A_1004 = vector.broadcast %add3A_1003 : i32 to vector<16xi32>
        %add3A_1005 = arith.addi %add3A_991, %add3A_1004 : vector<16xi32>
        %scan3A_1006 = arith.constant 4 : i32
        %scan3A_1007 = arith.addi %scan3A_948, %scan3A_1006 : i32
        %get3A_1008 = arith.constant 0 : i32
        %get3A_1009 = arith.index_cast %get3A_1008 : i32 to index
        %get3A_1010 = arith.index_cast %scan3A_1007 : i32 to index
        %get3A_1011 = arith.constant 240 : index
        %get3A_1012 = tpu.vector_load %arg4[%get3A_1009, %get3A_1010, %get3A_1011] {strides = array<i32>} : memref<2x64x256xf32, #tpu.memory_space<vmem>>, vector<1x1x16xf32>,
        %get3A_1013 = vector.shape_cast %get3A_1012 : vector<1x1x16xf32> to vector<16xf32>
        %lt3A_1014 = arith.cmpf olt, %get3A_1013, %select_n3A_1001 : vector<16xf32>
        %select_n3A_1015 = arith.select %lt3A_1014, %get3A_1013, %select_n3A_1001 : vector<16xi1>, vector<16xf32>
        %select_n3A_1016 = arith.select %lt3A_1014, %add3A_1005, %select_n3A_1002 : vector<16xi1>, vector<16xi32>
        %add3A_1017 = arith.constant 1 : i32
        %add3A_1018 = vector.broadcast %add3A_1017 : i32 to vector<16xi32>
        %add3A_1019 = arith.addi %add3A_1005, %add3A_1018 : vector<16xi32>
        %scan3A_1020 = arith.constant 5 : i32
        %scan3A_1021 = arith.addi %scan3A_948, %scan3A_1020 : i32
        %get3A_1022 = arith.constant 0 : i32
        %get3A_1023 = arith.index_cast %get3A_1022 : i32 to index
        %get3A_1024 = arith.index_cast %scan3A_1021 : i32 to index
        %get3A_1025 = arith.constant 240 : index
        %get3A_1026 = tpu.vector_load %arg4[%get3A_1023, %get3A_1024, %get3A_1025] {strides = array<i32>} : memref<2x64x256xf32, #tpu.memory_space<vmem>>, vector<1x1x16xf32>,
        %get3A_1027 = vector.shape_cast %get3A_1026 : vector<1x1x16xf32> to vector<16xf32>
        %lt3A_1028 = arith.cmpf olt, %get3A_1027, %select_n3A_1015 : vector<16xf32>
        %select_n3A_1029 = arith.select %lt3A_1028, %get3A_1027, %select_n3A_1015 : vector<16xi1>, vector<16xf32>
        %select_n3A_1030 = arith.select %lt3A_1028, %add3A_1019, %select_n3A_1016 : vector<16xi1>, vector<16xi32>
        %add3A_1031 = arith.constant 1 : i32
        %add3A_1032 = vector.broadcast %add3A_1031 : i32 to vector<16xi32>
        %add3A_1033 = arith.addi %add3A_1019, %add3A_1032 : vector<16xi32>
        %scan3A_1034 = arith.constant 6 : i32
        %scan3A_1035 = arith.addi %scan3A_948, %scan3A_1034 : i32
        %get3A_1036 = arith.constant 0 : i32
        %get3A_1037 = arith.index_cast %get3A_1036 : i32 to index
        %get3A_1038 = arith.index_cast %scan3A_1035 : i32 to index
        %get3A_1039 = arith.constant 240 : index
        %get3A_1040 = tpu.vector_load %arg4[%get3A_1037, %get3A_1038, %get3A_1039] {strides = array<i32>} : memref<2x64x256xf32, #tpu.memory_space<vmem>>, vector<1x1x16xf32>,
        %get3A_1041 = vector.shape_cast %get3A_1040 : vector<1x1x16xf32> to vector<16xf32>
        %lt3A_1042 = arith.cmpf olt, %get3A_1041, %select_n3A_1029 : vector<16xf32>
        %select_n3A_1043 = arith.select %lt3A_1042, %get3A_1041, %select_n3A_1029 : vector<16xi1>, vector<16xf32>
        %select_n3A_1044 = arith.select %lt3A_1042, %add3A_1033, %select_n3A_1030 : vector<16xi1>, vector<16xi32>
        %add3A_1045 = arith.constant 1 : i32
        %add3A_1046 = vector.broadcast %add3A_1045 : i32 to vector<16xi32>
        %add3A_1047 = arith.addi %add3A_1033, %add3A_1046 : vector<16xi32>
        %scan3A_1048 = arith.constant 7 : i32
        %scan3A_1049 = arith.addi %scan3A_948, %scan3A_1048 : i32
        %get3A_1050 = arith.constant 0 : i32
        %get3A_1051 = arith.index_cast %get3A_1050 : i32 to index
        %get3A_1052 = arith.index_cast %scan3A_1049 : i32 to index
        %get3A_1053 = arith.constant 240 : index
        %get3A_1054 = tpu.vector_load %arg4[%get3A_1051, %get3A_1052, %get3A_1053] {strides = array<i32>} : memref<2x64x256xf32, #tpu.memory_space<vmem>>, vector<1x1x16xf32>,
        %get3A_1055 = vector.shape_cast %get3A_1054 : vector<1x1x16xf32> to vector<16xf32>
        %lt3A_1056 = arith.cmpf olt, %get3A_1055, %select_n3A_1043 : vector<16xf32>
        %select_n3A_1057 = arith.select %lt3A_1056, %get3A_1055, %select_n3A_1043 : vector<16xi1>, vector<16xf32>
        %select_n3A_1058 = arith.select %lt3A_1056, %add3A_1047, %select_n3A_1044 : vector<16xi1>, vector<16xi32>
        %add3A_1059 = arith.constant 1 : i32
        %add3A_1060 = vector.broadcast %add3A_1059 : i32 to vector<16xi32>
        %add3A_1061 = arith.addi %add3A_1047, %add3A_1060 : vector<16xi32>
        scf.yield %select_n3A_1057, %select_n3A_1058, %add3A_1061 : vector<16xf32>, vector<16xi32>, vector<16xi32>
      }
      %scan3A_591 = arith.constant 64 : i32
      %swap3A_592 = arith.constant 240 : index
      %swap3A_593 = tpu.vector_load %arg5[%swap3A_592] {strides = array<i32>} : memref<256xf32, #tpu.memory_space<vmem>>, vector<16xf32>,
      %swap3A_594 = vector.shape_cast %swap3A_593 : vector<16xf32> to vector<16xf32>
      %swap3A_595 = vector.shape_cast %scan3A_590#0 : vector<16xf32> to vector<16xf32>
      tpu.vector_store %arg5[%swap3A_592], %swap3A_595 {strides = array<i32>} : memref<256xf32, #tpu.memory_space<vmem>>, vector<16xf32>,
      %swap3A_596 = arith.constant 240 : index
      %swap3A_597 = tpu.vector_load %arg6[%swap3A_596] {strides = array<i32>} : memref<256xi32, #tpu.memory_space<vmem>>, vector<16xi32>,
      %swap3A_598 = vector.shape_cast %swap3A_597 : vector<16xi32> to vector<16xi32>
      %swap3A_599 = vector.shape_cast %scan3A_590#1 : vector<16xi32> to vector<16xi32>
      tpu.vector_store %arg6[%swap3A_596], %swap3A_599 {strides = array<i32>} : memref<256xi32, #tpu.memory_space<vmem>>, vector<16xi32>,
      %add3A_600 = arith.constant 2 : i32
      %add3A_601 = arith.addi %mul3A_246, %add3A_600 : i32
      %lt3A_602 = arith.constant 32 : i32
      %lt3A_603 = arith.cmpi slt, %add3A_601, %lt3A_602 : i32
      %convert_element_type3A = arith.extui %lt3A_603 : i1 to i32
      %cond3A = arith.constant 0 : i32
      %cond3A_604 = arith.cmpi ne, %convert_element_type3A, %cond3A : i32
      scf.if %cond3A_604 {
        %add3A_948 = arith.constant 2 : i32
        %add3A_949 = arith.addi %mul3A_246, %add3A_948 : i32
        %mul3A_950 = arith.constant 64 : i32
        %mul3A_951 = arith.muli %add3A_949, %mul3A_950 : i32
        %dma_start3A_952 = arith.constant 0 : i32
        %dma_start3A_953 = arith.constant 0 : i32
        %dma_start3A_954 = arith.constant 0 : i32
        %dma_start3A_955 = tpu.memref_slice %arg4[%dma_start3A_952, %dma_start3A_953, %dma_start3A_954] : memref<2x64x256xf32, #tpu.memory_space<vmem>> -> memref<1x64x256xf32, #tpu.memory_space<vmem>>
        %dma_start3A_956 = tpu.memref_squeeze %dma_start3A_955 : memref<1x64x256xf32, #tpu.memory_space<vmem>> -> memref<64x256xf32, #tpu.memory_space<vmem>>
        %dma_start3A_957 = tpu.memref_slice %arg2[%select_n3A, %mul3A_951, %mul3A_32] : memref<64x2048x512xf32, #tpu.memory_space<hbm>> -> memref<1x64x256xf32, #tpu.memory_space<hbm>>
        %dma_start3A_958 = tpu.memref_squeeze %dma_start3A_957 : memref<1x64x256xf32, #tpu.memory_space<hbm>> -> memref<64x256xf32, #tpu.memory_space<hbm>>
        %dma_start3A_959 = arith.constant 0 : i32
        %dma_start3A_960 = arith.constant 0 : i32
        %dma_start3A_961 = tpu.memref_slice %arg4[%dma_start3A_952, %dma_start3A_959, %dma_start3A_960] : memref<2x64x256xf32, #tpu.memory_space<vmem>> -> memref<1x64x256xf32, #tpu.memory_space<vmem>>
        %dma_start3A_962 = tpu.memref_squeeze %dma_start3A_961 : memref<1x64x256xf32, #tpu.memory_space<vmem>> -> memref<64x256xf32, #tpu.memory_space<vmem>>
        %dma_start3A_963 = tpu.memref_slice %arg2[%select_n3A, %mul3A_951, %mul3A_32] : memref<64x2048x512xf32, #tpu.memory_space<hbm>> -> memref<1x64x256xf32, #tpu.memory_space<hbm>>
        %dma_start3A_964 = tpu.memref_squeeze %dma_start3A_963 : memref<1x64x256xf32, #tpu.memory_space<hbm>> -> memref<64x256xf32, #tpu.memory_space<hbm>>
        tpu.enqueue_dma source(%dma_start3A_964 : memref<64x256xf32, #tpu.memory_space<hbm>>) target(%dma_start3A_962 : memref<64x256xf32, #tpu.memory_space<vmem>>) target_semaphore(%arg7 : memref<!tpu.dma_semaphore, #tpu.memory_space<semaphore_mem>>)
      } else {
      }
      %add3A_605 = arith.constant 1 : i32
      %add3A_606 = arith.addi %mul3A_246, %add3A_605 : i32
      %mul3A_607 = arith.constant 64 : i32
      %mul3A_608 = arith.muli %add3A_606, %mul3A_607 : i32
      %dma_wait3A_609 = arith.constant 1 : i32
      %dma_wait3A_610 = arith.constant 0 : i32
      %dma_wait3A_611 = arith.constant 0 : i32
      %dma_wait3A_612 = tpu.memref_slice %arg4[%dma_wait3A_609, %dma_wait3A_610, %dma_wait3A_611] : memref<2x64x256xf32, #tpu.memory_space<vmem>> -> memref<1x64x256xf32, #tpu.memory_space<vmem>>
      %dma_wait3A_613 = tpu.memref_squeeze %dma_wait3A_612 : memref<1x64x256xf32, #tpu.memory_space<vmem>> -> memref<64x256xf32, #tpu.memory_space<vmem>>
      %dma_wait3A_614 = tpu.memref_slice %arg2[%select_n3A, %mul3A_608, %mul3A_32] : memref<64x2048x512xf32, #tpu.memory_space<hbm>> -> memref<1x64x256xf32, #tpu.memory_space<hbm>>
      %dma_wait3A_615 = tpu.memref_squeeze %dma_wait3A_614 : memref<1x64x256xf32, #tpu.memory_space<hbm>> -> memref<64x256xf32, #tpu.memory_space<hbm>>
      %dma_wait3A_616 = arith.constant 0 : i32
      %dma_wait3A_617 = arith.constant 0 : i32
      %dma_wait3A_618 = tpu.memref_slice %arg4[%dma_wait3A_609, %dma_wait3A_616, %dma_wait3A_617] : memref<2x64x256xf32, #tpu.memory_space<vmem>> -> memref<1x64x256xf32, #tpu.memory_space<vmem>>
      %dma_wait3A_619 = tpu.memref_squeeze %dma_wait3A_618 : memref<1x64x256xf32, #tpu.memory_space<vmem>> -> memref<64x256xf32, #tpu.memory_space<vmem>>
      %dma_wait3A_620 = tpu.memref_slice %arg2[%select_n3A, %mul3A_608, %mul3A_32] : memref<64x2048x512xf32, #tpu.memory_space<hbm>> -> memref<1x64x256xf32, #tpu.memory_space<hbm>>
      %dma_wait3A_621 = tpu.memref_squeeze %dma_wait3A_620 : memref<1x64x256xf32, #tpu.memory_space<hbm>> -> memref<64x256xf32, #tpu.memory_space<hbm>>
      tpu.wait_dma2 semaphore(%arg8 : memref<!tpu.dma_semaphore, #tpu.memory_space<semaphore_mem>>) src(%dma_wait3A_621 : memref<64x256xf32, #tpu.memory_space<hbm>>) dst(%dma_wait3A_619 : memref<64x256xf32, #tpu.memory_space<vmem>>)
      %add3A_622 = arith.constant 1 : i32
      %add3A_623 = arith.addi %mul3A_246, %add3A_622 : i32
      %mul3A_624 = arith.constant 64 : i32
      %mul3A_625 = arith.muli %add3A_623, %mul3A_624 : i32
      %broadcast_in_dim3A_626 = vector.broadcast %mul3A_625 : i32 to vector<16xi32>
      %get3A_627 = arith.constant 0 : index
      %get3A_628 = tpu.vector_load %arg5[%get3A_627] {strides = array<i32>} : memref<256xf32, #tpu.memory_space<vmem>>, vector<16xf32>,
      %get3A_629 = vector.shape_cast %get3A_628 : vector<16xf32> to vector<16xf32>
      %get3A_630 = arith.constant 0 : index
      %get3A_631 = tpu.vector_load %arg6[%get3A_630] {strides = array<i32>} : memref<256xi32, #tpu.memory_space<vmem>>, vector<16xi32>,
      %get3A_632 = vector.shape_cast %get3A_631 : vector<16xi32> to vector<16xi32>
      %scan3A_633 = arith.constant 0 : i32
      %scan3A_634 = arith.constant 64 : i32
      %scan3A_635 = arith.addi %scan3A_633, %scan3A_634 : i32
      %scan3A_636 = arith.constant 8 : i32
      %scan3A_637:3 = scf.for %scan3A_948 = %scan3A_633 to %scan3A_635 step %scan3A_636 iter_args(%scan3A_949 = %get3A_629, %scan3A_950 = %get3A_632, %scan3A_951 = %broadcast_in_dim3A_626) -> (vector<16xf32>, vector<16xi32>, vector<16xi32>)  : i32 {
        %get3A_952 = arith.constant 1 : i32
        %get3A_953 = arith.index_cast %get3A_952 : i32 to index
        %get3A_954 = arith.index_cast %scan3A_948 : i32 to index
        %get3A_955 = arith.constant 0 : index
        %get3A_956 = tpu.vector_load %arg4[%get3A_953, %get3A_954, %get3A_955] {strides = array<i32>} : memref<2x64x256xf32, #tpu.memory_space<vmem>>, vector<1x1x16xf32>,
        %get3A_957 = vector.shape_cast %get3A_956 : vector<1x1x16xf32> to vector<16xf32>
        %lt3A_958 = arith.cmpf olt, %get3A_957, %scan3A_949 : vector<16xf32>
        %select_n3A_959 = arith.select %lt3A_958, %get3A_957, %scan3A_949 : vector<16xi1>, vector<16xf32>
        %select_n3A_960 = arith.select %lt3A_958, %scan3A_951, %scan3A_950 : vector<16xi1>, vector<16xi32>
        %add3A_961 = arith.constant 1 : i32
        %add3A_962 = vector.broadcast %add3A_961 : i32 to vector<16xi32>
        %add3A_963 = arith.addi %scan3A_951, %add3A_962 : vector<16xi32>
        %scan3A_964 = arith.constant 1 : i32
        %scan3A_965 = arith.addi %scan3A_948, %scan3A_964 : i32
        %get3A_966 = arith.constant 1 : i32
        %get3A_967 = arith.index_cast %get3A_966 : i32 to index
        %get3A_968 = arith.index_cast %scan3A_965 : i32 to index
        %get3A_969 = arith.constant 0 : index
        %get3A_970 = tpu.vector_load %arg4[%get3A_967, %get3A_968, %get3A_969] {strides = array<i32>} : memref<2x64x256xf32, #tpu.memory_space<vmem>>, vector<1x1x16xf32>,
        %get3A_971 = vector.shape_cast %get3A_970 : vector<1x1x16xf32> to vector<16xf32>
        %lt3A_972 = arith.cmpf olt, %get3A_971, %select_n3A_959 : vector<16xf32>
        %select_n3A_973 = arith.select %lt3A_972, %get3A_971, %select_n3A_959 : vector<16xi1>, vector<16xf32>
        %select_n3A_974 = arith.select %lt3A_972, %add3A_963, %select_n3A_960 : vector<16xi1>, vector<16xi32>
        %add3A_975 = arith.constant 1 : i32
        %add3A_976 = vector.broadcast %add3A_975 : i32 to vector<16xi32>
        %add3A_977 = arith.addi %add3A_963, %add3A_976 : vector<16xi32>
        %scan3A_978 = arith.constant 2 : i32
        %scan3A_979 = arith.addi %scan3A_948, %scan3A_978 : i32
        %get3A_980 = arith.constant 1 : i32
        %get3A_981 = arith.index_cast %get3A_980 : i32 to index
        %get3A_982 = arith.index_cast %scan3A_979 : i32 to index
        %get3A_983 = arith.constant 0 : index
        %get3A_984 = tpu.vector_load %arg4[%get3A_981, %get3A_982, %get3A_983] {strides = array<i32>} : memref<2x64x256xf32, #tpu.memory_space<vmem>>, vector<1x1x16xf32>,
        %get3A_985 = vector.shape_cast %get3A_984 : vector<1x1x16xf32> to vector<16xf32>
        %lt3A_986 = arith.cmpf olt, %get3A_985, %select_n3A_973 : vector<16xf32>
        %select_n3A_987 = arith.select %lt3A_986, %get3A_985, %select_n3A_973 : vector<16xi1>, vector<16xf32>
        %select_n3A_988 = arith.select %lt3A_986, %add3A_977, %select_n3A_974 : vector<16xi1>, vector<16xi32>
        %add3A_989 = arith.constant 1 : i32
        %add3A_990 = vector.broadcast %add3A_989 : i32 to vector<16xi32>
        %add3A_991 = arith.addi %add3A_977, %add3A_990 : vector<16xi32>
        %scan3A_992 = arith.constant 3 : i32
        %scan3A_993 = arith.addi %scan3A_948, %scan3A_992 : i32
        %get3A_994 = arith.constant 1 : i32
        %get3A_995 = arith.index_cast %get3A_994 : i32 to index
        %get3A_996 = arith.index_cast %scan3A_993 : i32 to index
        %get3A_997 = arith.constant 0 : index
        %get3A_998 = tpu.vector_load %arg4[%get3A_995, %get3A_996, %get3A_997] {strides = array<i32>} : memref<2x64x256xf32, #tpu.memory_space<vmem>>, vector<1x1x16xf32>,
        %get3A_999 = vector.shape_cast %get3A_998 : vector<1x1x16xf32> to vector<16xf32>
        %lt3A_1000 = arith.cmpf olt, %get3A_999, %select_n3A_987 : vector<16xf32>
        %select_n3A_1001 = arith.select %lt3A_1000, %get3A_999, %select_n3A_987 : vector<16xi1>, vector<16xf32>
        %select_n3A_1002 = arith.select %lt3A_1000, %add3A_991, %select_n3A_988 : vector<16xi1>, vector<16xi32>
        %add3A_1003 = arith.constant 1 : i32
        %add3A_1004 = vector.broadcast %add3A_1003 : i32 to vector<16xi32>
        %add3A_1005 = arith.addi %add3A_991, %add3A_1004 : vector<16xi32>
        %scan3A_1006 = arith.constant 4 : i32
        %scan3A_1007 = arith.addi %scan3A_948, %scan3A_1006 : i32
        %get3A_1008 = arith.constant 1 : i32
        %get3A_1009 = arith.index_cast %get3A_1008 : i32 to index
        %get3A_1010 = arith.index_cast %scan3A_1007 : i32 to index
        %get3A_1011 = arith.constant 0 : index
        %get3A_1012 = tpu.vector_load %arg4[%get3A_1009, %get3A_1010, %get3A_1011] {strides = array<i32>} : memref<2x64x256xf32, #tpu.memory_space<vmem>>, vector<1x1x16xf32>,
        %get3A_1013 = vector.shape_cast %get3A_1012 : vector<1x1x16xf32> to vector<16xf32>
        %lt3A_1014 = arith.cmpf olt, %get3A_1013, %select_n3A_1001 : vector<16xf32>
        %select_n3A_1015 = arith.select %lt3A_1014, %get3A_1013, %select_n3A_1001 : vector<16xi1>, vector<16xf32>
        %select_n3A_1016 = arith.select %lt3A_1014, %add3A_1005, %select_n3A_1002 : vector<16xi1>, vector<16xi32>
        %add3A_1017 = arith.constant 1 : i32
        %add3A_1018 = vector.broadcast %add3A_1017 : i32 to vector<16xi32>
        %add3A_1019 = arith.addi %add3A_1005, %add3A_1018 : vector<16xi32>
        %scan3A_1020 = arith.constant 5 : i32
        %scan3A_1021 = arith.addi %scan3A_948, %scan3A_1020 : i32
        %get3A_1022 = arith.constant 1 : i32
        %get3A_1023 = arith.index_cast %get3A_1022 : i32 to index
        %get3A_1024 = arith.index_cast %scan3A_1021 : i32 to index
        %get3A_1025 = arith.constant 0 : index
        %get3A_1026 = tpu.vector_load %arg4[%get3A_1023, %get3A_1024, %get3A_1025] {strides = array<i32>} : memref<2x64x256xf32, #tpu.memory_space<vmem>>, vector<1x1x16xf32>,
        %get3A_1027 = vector.shape_cast %get3A_1026 : vector<1x1x16xf32> to vector<16xf32>
        %lt3A_1028 = arith.cmpf olt, %get3A_1027, %select_n3A_1015 : vector<16xf32>
        %select_n3A_1029 = arith.select %lt3A_1028, %get3A_1027, %select_n3A_1015 : vector<16xi1>, vector<16xf32>
        %select_n3A_1030 = arith.select %lt3A_1028, %add3A_1019, %select_n3A_1016 : vector<16xi1>, vector<16xi32>
        %add3A_1031 = arith.constant 1 : i32
        %add3A_1032 = vector.broadcast %add3A_1031 : i32 to vector<16xi32>
        %add3A_1033 = arith.addi %add3A_1019, %add3A_1032 : vector<16xi32>
        %scan3A_1034 = arith.constant 6 : i32
        %scan3A_1035 = arith.addi %scan3A_948, %scan3A_1034 : i32
        %get3A_1036 = arith.constant 1 : i32
        %get3A_1037 = arith.index_cast %get3A_1036 : i32 to index
        %get3A_1038 = arith.index_cast %scan3A_1035 : i32 to index
        %get3A_1039 = arith.constant 0 : index
        %get3A_1040 = tpu.vector_load %arg4[%get3A_1037, %get3A_1038, %get3A_1039] {strides = array<i32>} : memref<2x64x256xf32, #tpu.memory_space<vmem>>, vector<1x1x16xf32>,
        %get3A_1041 = vector.shape_cast %get3A_1040 : vector<1x1x16xf32> to vector<16xf32>
        %lt3A_1042 = arith.cmpf olt, %get3A_1041, %select_n3A_1029 : vector<16xf32>
        %select_n3A_1043 = arith.select %lt3A_1042, %get3A_1041, %select_n3A_1029 : vector<16xi1>, vector<16xf32>
        %select_n3A_1044 = arith.select %lt3A_1042, %add3A_1033, %select_n3A_1030 : vector<16xi1>, vector<16xi32>
        %add3A_1045 = arith.constant 1 : i32
        %add3A_1046 = vector.broadcast %add3A_1045 : i32 to vector<16xi32>
        %add3A_1047 = arith.addi %add3A_1033, %add3A_1046 : vector<16xi32>
        %scan3A_1048 = arith.constant 7 : i32
        %scan3A_1049 = arith.addi %scan3A_948, %scan3A_1048 : i32
        %get3A_1050 = arith.constant 1 : i32
        %get3A_1051 = arith.index_cast %get3A_1050 : i32 to index
        %get3A_1052 = arith.index_cast %scan3A_1049 : i32 to index
        %get3A_1053 = arith.constant 0 : index
        %get3A_1054 = tpu.vector_load %arg4[%get3A_1051, %get3A_1052, %get3A_1053] {strides = array<i32>} : memref<2x64x256xf32, #tpu.memory_space<vmem>>, vector<1x1x16xf32>,
        %get3A_1055 = vector.shape_cast %get3A_1054 : vector<1x1x16xf32> to vector<16xf32>
        %lt3A_1056 = arith.cmpf olt, %get3A_1055, %select_n3A_1043 : vector<16xf32>
        %select_n3A_1057 = arith.select %lt3A_1056, %get3A_1055, %select_n3A_1043 : vector<16xi1>, vector<16xf32>
        %select_n3A_1058 = arith.select %lt3A_1056, %add3A_1047, %select_n3A_1044 : vector<16xi1>, vector<16xi32>
        %add3A_1059 = arith.constant 1 : i32
        %add3A_1060 = vector.broadcast %add3A_1059 : i32 to vector<16xi32>
        %add3A_1061 = arith.addi %add3A_1047, %add3A_1060 : vector<16xi32>
        scf.yield %select_n3A_1057, %select_n3A_1058, %add3A_1061 : vector<16xf32>, vector<16xi32>, vector<16xi32>
      }
      %scan3A_638 = arith.constant 64 : i32
      %swap3A_639 = arith.constant 0 : index
      %swap3A_640 = tpu.vector_load %arg5[%swap3A_639] {strides = array<i32>} : memref<256xf32, #tpu.memory_space<vmem>>, vector<16xf32>,
      %swap3A_641 = vector.shape_cast %swap3A_640 : vector<16xf32> to vector<16xf32>
      %swap3A_642 = vector.shape_cast %scan3A_637#0 : vector<16xf32> to vector<16xf32>
      tpu.vector_store %arg5[%swap3A_639], %swap3A_642 {strides = array<i32>} : memref<256xf32, #tpu.memory_space<vmem>>, vector<16xf32>,
      %swap3A_643 = arith.constant 0 : index
      %swap3A_644 = tpu.vector_load %arg6[%swap3A_643] {strides = array<i32>} : memref<256xi32, #tpu.memory_space<vmem>>, vector<16xi32>,
      %swap3A_645 = vector.shape_cast %swap3A_644 : vector<16xi32> to vector<16xi32>
      %swap3A_646 = vector.shape_cast %scan3A_637#1 : vector<16xi32> to vector<16xi32>
      tpu.vector_store %arg6[%swap3A_643], %swap3A_646 {strides = array<i32>} : memref<256xi32, #tpu.memory_space<vmem>>, vector<16xi32>,
      %get3A_647 = arith.constant 16 : index
      %get3A_648 = tpu.vector_load %arg5[%get3A_647] {strides = array<i32>} : memref<256xf32, #tpu.memory_space<vmem>>, vector<16xf32>,
      %get3A_649 = vector.shape_cast %get3A_648 : vector<16xf32> to vector<16xf32>
      %get3A_650 = arith.constant 16 : index
      %get3A_651 = tpu.vector_load %arg6[%get3A_650] {strides = array<i32>} : memref<256xi32, #tpu.memory_space<vmem>>, vector<16xi32>,
      %get3A_652 = vector.shape_cast %get3A_651 : vector<16xi32> to vector<16xi32>
      %scan3A_653 = arith.constant 0 : i32
      %scan3A_654 = arith.constant 64 : i32
      %scan3A_655 = arith.addi %scan3A_653, %scan3A_654 : i32
      %scan3A_656 = arith.constant 8 : i32
      %scan3A_657:3 = scf.for %scan3A_948 = %scan3A_653 to %scan3A_655 step %scan3A_656 iter_args(%scan3A_949 = %get3A_649, %scan3A_950 = %get3A_652, %scan3A_951 = %broadcast_in_dim3A_626) -> (vector<16xf32>, vector<16xi32>, vector<16xi32>)  : i32 {
        %get3A_952 = arith.constant 1 : i32
        %get3A_953 = arith.index_cast %get3A_952 : i32 to index
        %get3A_954 = arith.index_cast %scan3A_948 : i32 to index
        %get3A_955 = arith.constant 16 : index
        %get3A_956 = tpu.vector_load %arg4[%get3A_953, %get3A_954, %get3A_955] {strides = array<i32>} : memref<2x64x256xf32, #tpu.memory_space<vmem>>, vector<1x1x16xf32>,
        %get3A_957 = vector.shape_cast %get3A_956 : vector<1x1x16xf32> to vector<16xf32>
        %lt3A_958 = arith.cmpf olt, %get3A_957, %scan3A_949 : vector<16xf32>
        %select_n3A_959 = arith.select %lt3A_958, %get3A_957, %scan3A_949 : vector<16xi1>, vector<16xf32>
        %select_n3A_960 = arith.select %lt3A_958, %scan3A_951, %scan3A_950 : vector<16xi1>, vector<16xi32>
        %add3A_961 = arith.constant 1 : i32
        %add3A_962 = vector.broadcast %add3A_961 : i32 to vector<16xi32>
        %add3A_963 = arith.addi %scan3A_951, %add3A_962 : vector<16xi32>
        %scan3A_964 = arith.constant 1 : i32
        %scan3A_965 = arith.addi %scan3A_948, %scan3A_964 : i32
        %get3A_966 = arith.constant 1 : i32
        %get3A_967 = arith.index_cast %get3A_966 : i32 to index
        %get3A_968 = arith.index_cast %scan3A_965 : i32 to index
        %get3A_969 = arith.constant 16 : index
        %get3A_970 = tpu.vector_load %arg4[%get3A_967, %get3A_968, %get3A_969] {strides = array<i32>} : memref<2x64x256xf32, #tpu.memory_space<vmem>>, vector<1x1x16xf32>,
        %get3A_971 = vector.shape_cast %get3A_970 : vector<1x1x16xf32> to vector<16xf32>
        %lt3A_972 = arith.cmpf olt, %get3A_971, %select_n3A_959 : vector<16xf32>
        %select_n3A_973 = arith.select %lt3A_972, %get3A_971, %select_n3A_959 : vector<16xi1>, vector<16xf32>
        %select_n3A_974 = arith.select %lt3A_972, %add3A_963, %select_n3A_960 : vector<16xi1>, vector<16xi32>
        %add3A_975 = arith.constant 1 : i32
        %add3A_976 = vector.broadcast %add3A_975 : i32 to vector<16xi32>
        %add3A_977 = arith.addi %add3A_963, %add3A_976 : vector<16xi32>
        %scan3A_978 = arith.constant 2 : i32
        %scan3A_979 = arith.addi %scan3A_948, %scan3A_978 : i32
        %get3A_980 = arith.constant 1 : i32
        %get3A_981 = arith.index_cast %get3A_980 : i32 to index
        %get3A_982 = arith.index_cast %scan3A_979 : i32 to index
        %get3A_983 = arith.constant 16 : index
        %get3A_984 = tpu.vector_load %arg4[%get3A_981, %get3A_982, %get3A_983] {strides = array<i32>} : memref<2x64x256xf32, #tpu.memory_space<vmem>>, vector<1x1x16xf32>,
        %get3A_985 = vector.shape_cast %get3A_984 : vector<1x1x16xf32> to vector<16xf32>
        %lt3A_986 = arith.cmpf olt, %get3A_985, %select_n3A_973 : vector<16xf32>
        %select_n3A_987 = arith.select %lt3A_986, %get3A_985, %select_n3A_973 : vector<16xi1>, vector<16xf32>
        %select_n3A_988 = arith.select %lt3A_986, %add3A_977, %select_n3A_974 : vector<16xi1>, vector<16xi32>
        %add3A_989 = arith.constant 1 : i32
        %add3A_990 = vector.broadcast %add3A_989 : i32 to vector<16xi32>
        %add3A_991 = arith.addi %add3A_977, %add3A_990 : vector<16xi32>
        %scan3A_992 = arith.constant 3 : i32
        %scan3A_993 = arith.addi %scan3A_948, %scan3A_992 : i32
        %get3A_994 = arith.constant 1 : i32
        %get3A_995 = arith.index_cast %get3A_994 : i32 to index
        %get3A_996 = arith.index_cast %scan3A_993 : i32 to index
        %get3A_997 = arith.constant 16 : index
        %get3A_998 = tpu.vector_load %arg4[%get3A_995, %get3A_996, %get3A_997] {strides = array<i32>} : memref<2x64x256xf32, #tpu.memory_space<vmem>>, vector<1x1x16xf32>,
        %get3A_999 = vector.shape_cast %get3A_998 : vector<1x1x16xf32> to vector<16xf32>
        %lt3A_1000 = arith.cmpf olt, %get3A_999, %select_n3A_987 : vector<16xf32>
        %select_n3A_1001 = arith.select %lt3A_1000, %get3A_999, %select_n3A_987 : vector<16xi1>, vector<16xf32>
        %select_n3A_1002 = arith.select %lt3A_1000, %add3A_991, %select_n3A_988 : vector<16xi1>, vector<16xi32>
        %add3A_1003 = arith.constant 1 : i32
        %add3A_1004 = vector.broadcast %add3A_1003 : i32 to vector<16xi32>
        %add3A_1005 = arith.addi %add3A_991, %add3A_1004 : vector<16xi32>
        %scan3A_1006 = arith.constant 4 : i32
        %scan3A_1007 = arith.addi %scan3A_948, %scan3A_1006 : i32
        %get3A_1008 = arith.constant 1 : i32
        %get3A_1009 = arith.index_cast %get3A_1008 : i32 to index
        %get3A_1010 = arith.index_cast %scan3A_1007 : i32 to index
        %get3A_1011 = arith.constant 16 : index
        %get3A_1012 = tpu.vector_load %arg4[%get3A_1009, %get3A_1010, %get3A_1011] {strides = array<i32>} : memref<2x64x256xf32, #tpu.memory_space<vmem>>, vector<1x1x16xf32>,
        %get3A_1013 = vector.shape_cast %get3A_1012 : vector<1x1x16xf32> to vector<16xf32>
        %lt3A_1014 = arith.cmpf olt, %get3A_1013, %select_n3A_1001 : vector<16xf32>
        %select_n3A_1015 = arith.select %lt3A_1014, %get3A_1013, %select_n3A_1001 : vector<16xi1>, vector<16xf32>
        %select_n3A_1016 = arith.select %lt3A_1014, %add3A_1005, %select_n3A_1002 : vector<16xi1>, vector<16xi32>
        %add3A_1017 = arith.constant 1 : i32
        %add3A_1018 = vector.broadcast %add3A_1017 : i32 to vector<16xi32>
        %add3A_1019 = arith.addi %add3A_1005, %add3A_1018 : vector<16xi32>
        %scan3A_1020 = arith.constant 5 : i32
        %scan3A_1021 = arith.addi %scan3A_948, %scan3A_1020 : i32
        %get3A_1022 = arith.constant 1 : i32
        %get3A_1023 = arith.index_cast %get3A_1022 : i32 to index
        %get3A_1024 = arith.index_cast %scan3A_1021 : i32 to index
        %get3A_1025 = arith.constant 16 : index
        %get3A_1026 = tpu.vector_load %arg4[%get3A_1023, %get3A_1024, %get3A_1025] {strides = array<i32>} : memref<2x64x256xf32, #tpu.memory_space<vmem>>, vector<1x1x16xf32>,
        %get3A_1027 = vector.shape_cast %get3A_1026 : vector<1x1x16xf32> to vector<16xf32>
        %lt3A_1028 = arith.cmpf olt, %get3A_1027, %select_n3A_1015 : vector<16xf32>
        %select_n3A_1029 = arith.select %lt3A_1028, %get3A_1027, %select_n3A_1015 : vector<16xi1>, vector<16xf32>
        %select_n3A_1030 = arith.select %lt3A_1028, %add3A_1019, %select_n3A_1016 : vector<16xi1>, vector<16xi32>
        %add3A_1031 = arith.constant 1 : i32
        %add3A_1032 = vector.broadcast %add3A_1031 : i32 to vector<16xi32>
        %add3A_1033 = arith.addi %add3A_1019, %add3A_1032 : vector<16xi32>
        %scan3A_1034 = arith.constant 6 : i32
        %scan3A_1035 = arith.addi %scan3A_948, %scan3A_1034 : i32
        %get3A_1036 = arith.constant 1 : i32
        %get3A_1037 = arith.index_cast %get3A_1036 : i32 to index
        %get3A_1038 = arith.index_cast %scan3A_1035 : i32 to index
        %get3A_1039 = arith.constant 16 : index
        %get3A_1040 = tpu.vector_load %arg4[%get3A_1037, %get3A_1038, %get3A_1039] {strides = array<i32>} : memref<2x64x256xf32, #tpu.memory_space<vmem>>, vector<1x1x16xf32>,
        %get3A_1041 = vector.shape_cast %get3A_1040 : vector<1x1x16xf32> to vector<16xf32>
        %lt3A_1042 = arith.cmpf olt, %get3A_1041, %select_n3A_1029 : vector<16xf32>
        %select_n3A_1043 = arith.select %lt3A_1042, %get3A_1041, %select_n3A_1029 : vector<16xi1>, vector<16xf32>
        %select_n3A_1044 = arith.select %lt3A_1042, %add3A_1033, %select_n3A_1030 : vector<16xi1>, vector<16xi32>
        %add3A_1045 = arith.constant 1 : i32
        %add3A_1046 = vector.broadcast %add3A_1045 : i32 to vector<16xi32>
        %add3A_1047 = arith.addi %add3A_1033, %add3A_1046 : vector<16xi32>
        %scan3A_1048 = arith.constant 7 : i32
        %scan3A_1049 = arith.addi %scan3A_948, %scan3A_1048 : i32
        %get3A_1050 = arith.constant 1 : i32
        %get3A_1051 = arith.index_cast %get3A_1050 : i32 to index
        %get3A_1052 = arith.index_cast %scan3A_1049 : i32 to index
        %get3A_1053 = arith.constant 16 : index
        %get3A_1054 = tpu.vector_load %arg4[%get3A_1051, %get3A_1052, %get3A_1053] {strides = array<i32>} : memref<2x64x256xf32, #tpu.memory_space<vmem>>, vector<1x1x16xf32>,
        %get3A_1055 = vector.shape_cast %get3A_1054 : vector<1x1x16xf32> to vector<16xf32>
        %lt3A_1056 = arith.cmpf olt, %get3A_1055, %select_n3A_1043 : vector<16xf32>
        %select_n3A_1057 = arith.select %lt3A_1056, %get3A_1055, %select_n3A_1043 : vector<16xi1>, vector<16xf32>
        %select_n3A_1058 = arith.select %lt3A_1056, %add3A_1047, %select_n3A_1044 : vector<16xi1>, vector<16xi32>
        %add3A_1059 = arith.constant 1 : i32
        %add3A_1060 = vector.broadcast %add3A_1059 : i32 to vector<16xi32>
        %add3A_1061 = arith.addi %add3A_1047, %add3A_1060 : vector<16xi32>
        scf.yield %select_n3A_1057, %select_n3A_1058, %add3A_1061 : vector<16xf32>, vector<16xi32>, vector<16xi32>
      }
      %scan3A_658 = arith.constant 64 : i32
      %swap3A_659 = arith.constant 16 : index
      %swap3A_660 = tpu.vector_load %arg5[%swap3A_659] {strides = array<i32>} : memref<256xf32, #tpu.memory_space<vmem>>, vector<16xf32>,
      %swap3A_661 = vector.shape_cast %swap3A_660 : vector<16xf32> to vector<16xf32>
      %swap3A_662 = vector.shape_cast %scan3A_657#0 : vector<16xf32> to vector<16xf32>
      tpu.vector_store %arg5[%swap3A_659], %swap3A_662 {strides = array<i32>} : memref<256xf32, #tpu.memory_space<vmem>>, vector<16xf32>,
      %swap3A_663 = arith.constant 16 : index
      %swap3A_664 = tpu.vector_load %arg6[%swap3A_663] {strides = array<i32>} : memref<256xi32, #tpu.memory_space<vmem>>, vector<16xi32>,
      %swap3A_665 = vector.shape_cast %swap3A_664 : vector<16xi32> to vector<16xi32>
      %swap3A_666 = vector.shape_cast %scan3A_657#1 : vector<16xi32> to vector<16xi32>
      tpu.vector_store %arg6[%swap3A_663], %swap3A_666 {strides = array<i32>} : memref<256xi32, #tpu.memory_space<vmem>>, vector<16xi32>,
      %get3A_667 = arith.constant 32 : index
      %get3A_668 = tpu.vector_load %arg5[%get3A_667] {strides = array<i32>} : memref<256xf32, #tpu.memory_space<vmem>>, vector<16xf32>,
      %get3A_669 = vector.shape_cast %get3A_668 : vector<16xf32> to vector<16xf32>
      %get3A_670 = arith.constant 32 : index
      %get3A_671 = tpu.vector_load %arg6[%get3A_670] {strides = array<i32>} : memref<256xi32, #tpu.memory_space<vmem>>, vector<16xi32>,
      %get3A_672 = vector.shape_cast %get3A_671 : vector<16xi32> to vector<16xi32>
      %scan3A_673 = arith.constant 0 : i32
      %scan3A_674 = arith.constant 64 : i32
      %scan3A_675 = arith.addi %scan3A_673, %scan3A_674 : i32
      %scan3A_676 = arith.constant 8 : i32
      %scan3A_677:3 = scf.for %scan3A_948 = %scan3A_673 to %scan3A_675 step %scan3A_676 iter_args(%scan3A_949 = %get3A_669, %scan3A_950 = %get3A_672, %scan3A_951 = %broadcast_in_dim3A_626) -> (vector<16xf32>, vector<16xi32>, vector<16xi32>)  : i32 {
        %get3A_952 = arith.constant 1 : i32
        %get3A_953 = arith.index_cast %get3A_952 : i32 to index
        %get3A_954 = arith.index_cast %scan3A_948 : i32 to index
        %get3A_955 = arith.constant 32 : index
        %get3A_956 = tpu.vector_load %arg4[%get3A_953, %get3A_954, %get3A_955] {strides = array<i32>} : memref<2x64x256xf32, #tpu.memory_space<vmem>>, vector<1x1x16xf32>,
        %get3A_957 = vector.shape_cast %get3A_956 : vector<1x1x16xf32> to vector<16xf32>
        %lt3A_958 = arith.cmpf olt, %get3A_957, %scan3A_949 : vector<16xf32>
        %select_n3A_959 = arith.select %lt3A_958, %get3A_957, %scan3A_949 : vector<16xi1>, vector<16xf32>
        %select_n3A_960 = arith.select %lt3A_958, %scan3A_951, %scan3A_950 : vector<16xi1>, vector<16xi32>
        %add3A_961 = arith.constant 1 : i32
        %add3A_962 = vector.broadcast %add3A_961 : i32 to vector<16xi32>
        %add3A_963 = arith.addi %scan3A_951, %add3A_962 : vector<16xi32>
        %scan3A_964 = arith.constant 1 : i32
        %scan3A_965 = arith.addi %scan3A_948, %scan3A_964 : i32
        %get3A_966 = arith.constant 1 : i32
        %get3A_967 = arith.index_cast %get3A_966 : i32 to index
        %get3A_968 = arith.index_cast %scan3A_965 : i32 to index
        %get3A_969 = arith.constant 32 : index
        %get3A_970 = tpu.vector_load %arg4[%get3A_967, %get3A_968, %get3A_969] {strides = array<i32>} : memref<2x64x256xf32, #tpu.memory_space<vmem>>, vector<1x1x16xf32>,
        %get3A_971 = vector.shape_cast %get3A_970 : vector<1x1x16xf32> to vector<16xf32>
        %lt3A_972 = arith.cmpf olt, %get3A_971, %select_n3A_959 : vector<16xf32>
        %select_n3A_973 = arith.select %lt3A_972, %get3A_971, %select_n3A_959 : vector<16xi1>, vector<16xf32>
        %select_n3A_974 = arith.select %lt3A_972, %add3A_963, %select_n3A_960 : vector<16xi1>, vector<16xi32>
        %add3A_975 = arith.constant 1 : i32
        %add3A_976 = vector.broadcast %add3A_975 : i32 to vector<16xi32>
        %add3A_977 = arith.addi %add3A_963, %add3A_976 : vector<16xi32>
        %scan3A_978 = arith.constant 2 : i32
        %scan3A_979 = arith.addi %scan3A_948, %scan3A_978 : i32
        %get3A_980 = arith.constant 1 : i32
        %get3A_981 = arith.index_cast %get3A_980 : i32 to index
        %get3A_982 = arith.index_cast %scan3A_979 : i32 to index
        %get3A_983 = arith.constant 32 : index
        %get3A_984 = tpu.vector_load %arg4[%get3A_981, %get3A_982, %get3A_983] {strides = array<i32>} : memref<2x64x256xf32, #tpu.memory_space<vmem>>, vector<1x1x16xf32>,
        %get3A_985 = vector.shape_cast %get3A_984 : vector<1x1x16xf32> to vector<16xf32>
        %lt3A_986 = arith.cmpf olt, %get3A_985, %select_n3A_973 : vector<16xf32>
        %select_n3A_987 = arith.select %lt3A_986, %get3A_985, %select_n3A_973 : vector<16xi1>, vector<16xf32>
        %select_n3A_988 = arith.select %lt3A_986, %add3A_977, %select_n3A_974 : vector<16xi1>, vector<16xi32>
        %add3A_989 = arith.constant 1 : i32
        %add3A_990 = vector.broadcast %add3A_989 : i32 to vector<16xi32>
        %add3A_991 = arith.addi %add3A_977, %add3A_990 : vector<16xi32>
        %scan3A_992 = arith.constant 3 : i32
        %scan3A_993 = arith.addi %scan3A_948, %scan3A_992 : i32
        %get3A_994 = arith.constant 1 : i32
        %get3A_995 = arith.index_cast %get3A_994 : i32 to index
        %get3A_996 = arith.index_cast %scan3A_993 : i32 to index
        %get3A_997 = arith.constant 32 : index
        %get3A_998 = tpu.vector_load %arg4[%get3A_995, %get3A_996, %get3A_997] {strides = array<i32>} : memref<2x64x256xf32, #tpu.memory_space<vmem>>, vector<1x1x16xf32>,
        %get3A_999 = vector.shape_cast %get3A_998 : vector<1x1x16xf32> to vector<16xf32>
        %lt3A_1000 = arith.cmpf olt, %get3A_999, %select_n3A_987 : vector<16xf32>
        %select_n3A_1001 = arith.select %lt3A_1000, %get3A_999, %select_n3A_987 : vector<16xi1>, vector<16xf32>
        %select_n3A_1002 = arith.select %lt3A_1000, %add3A_991, %select_n3A_988 : vector<16xi1>, vector<16xi32>
        %add3A_1003 = arith.constant 1 : i32
        %add3A_1004 = vector.broadcast %add3A_1003 : i32 to vector<16xi32>
        %add3A_1005 = arith.addi %add3A_991, %add3A_1004 : vector<16xi32>
        %scan3A_1006 = arith.constant 4 : i32
        %scan3A_1007 = arith.addi %scan3A_948, %scan3A_1006 : i32
        %get3A_1008 = arith.constant 1 : i32
        %get3A_1009 = arith.index_cast %get3A_1008 : i32 to index
        %get3A_1010 = arith.index_cast %scan3A_1007 : i32 to index
        %get3A_1011 = arith.constant 32 : index
        %get3A_1012 = tpu.vector_load %arg4[%get3A_1009, %get3A_1010, %get3A_1011] {strides = array<i32>} : memref<2x64x256xf32, #tpu.memory_space<vmem>>, vector<1x1x16xf32>,
        %get3A_1013 = vector.shape_cast %get3A_1012 : vector<1x1x16xf32> to vector<16xf32>
        %lt3A_1014 = arith.cmpf olt, %get3A_1013, %select_n3A_1001 : vector<16xf32>
        %select_n3A_1015 = arith.select %lt3A_1014, %get3A_1013, %select_n3A_1001 : vector<16xi1>, vector<16xf32>
        %select_n3A_1016 = arith.select %lt3A_1014, %add3A_1005, %select_n3A_1002 : vector<16xi1>, vector<16xi32>
        %add3A_1017 = arith.constant 1 : i32
        %add3A_1018 = vector.broadcast %add3A_1017 : i32 to vector<16xi32>
        %add3A_1019 = arith.addi %add3A_1005, %add3A_1018 : vector<16xi32>
        %scan3A_1020 = arith.constant 5 : i32
        %scan3A_1021 = arith.addi %scan3A_948, %scan3A_1020 : i32
        %get3A_1022 = arith.constant 1 : i32
        %get3A_1023 = arith.index_cast %get3A_1022 : i32 to index
        %get3A_1024 = arith.index_cast %scan3A_1021 : i32 to index
        %get3A_1025 = arith.constant 32 : index
        %get3A_1026 = tpu.vector_load %arg4[%get3A_1023, %get3A_1024, %get3A_1025] {strides = array<i32>} : memref<2x64x256xf32, #tpu.memory_space<vmem>>, vector<1x1x16xf32>,
        %get3A_1027 = vector.shape_cast %get3A_1026 : vector<1x1x16xf32> to vector<16xf32>
        %lt3A_1028 = arith.cmpf olt, %get3A_1027, %select_n3A_1015 : vector<16xf32>
        %select_n3A_1029 = arith.select %lt3A_1028, %get3A_1027, %select_n3A_1015 : vector<16xi1>, vector<16xf32>
        %select_n3A_1030 = arith.select %lt3A_1028, %add3A_1019, %select_n3A_1016 : vector<16xi1>, vector<16xi32>
        %add3A_1031 = arith.constant 1 : i32
        %add3A_1032 = vector.broadcast %add3A_1031 : i32 to vector<16xi32>
        %add3A_1033 = arith.addi %add3A_1019, %add3A_1032 : vector<16xi32>
        %scan3A_1034 = arith.constant 6 : i32
        %scan3A_1035 = arith.addi %scan3A_948, %scan3A_1034 : i32
        %get3A_1036 = arith.constant 1 : i32
        %get3A_1037 = arith.index_cast %get3A_1036 : i32 to index
        %get3A_1038 = arith.index_cast %scan3A_1035 : i32 to index
        %get3A_1039 = arith.constant 32 : index
        %get3A_1040 = tpu.vector_load %arg4[%get3A_1037, %get3A_1038, %get3A_1039] {strides = array<i32>} : memref<2x64x256xf32, #tpu.memory_space<vmem>>, vector<1x1x16xf32>,
        %get3A_1041 = vector.shape_cast %get3A_1040 : vector<1x1x16xf32> to vector<16xf32>
        %lt3A_1042 = arith.cmpf olt, %get3A_1041, %select_n3A_1029 : vector<16xf32>
        %select_n3A_1043 = arith.select %lt3A_1042, %get3A_1041, %select_n3A_1029 : vector<16xi1>, vector<16xf32>
        %select_n3A_1044 = arith.select %lt3A_1042, %add3A_1033, %select_n3A_1030 : vector<16xi1>, vector<16xi32>
        %add3A_1045 = arith.constant 1 : i32
        %add3A_1046 = vector.broadcast %add3A_1045 : i32 to vector<16xi32>
        %add3A_1047 = arith.addi %add3A_1033, %add3A_1046 : vector<16xi32>
        %scan3A_1048 = arith.constant 7 : i32
        %scan3A_1049 = arith.addi %scan3A_948, %scan3A_1048 : i32
        %get3A_1050 = arith.constant 1 : i32
        %get3A_1051 = arith.index_cast %get3A_1050 : i32 to index
        %get3A_1052 = arith.index_cast %scan3A_1049 : i32 to index
        %get3A_1053 = arith.constant 32 : index
        %get3A_1054 = tpu.vector_load %arg4[%get3A_1051, %get3A_1052, %get3A_1053] {strides = array<i32>} : memref<2x64x256xf32, #tpu.memory_space<vmem>>, vector<1x1x16xf32>,
        %get3A_1055 = vector.shape_cast %get3A_1054 : vector<1x1x16xf32> to vector<16xf32>
        %lt3A_1056 = arith.cmpf olt, %get3A_1055, %select_n3A_1043 : vector<16xf32>
        %select_n3A_1057 = arith.select %lt3A_1056, %get3A_1055, %select_n3A_1043 : vector<16xi1>, vector<16xf32>
        %select_n3A_1058 = arith.select %lt3A_1056, %add3A_1047, %select_n3A_1044 : vector<16xi1>, vector<16xi32>
        %add3A_1059 = arith.constant 1 : i32
        %add3A_1060 = vector.broadcast %add3A_1059 : i32 to vector<16xi32>
        %add3A_1061 = arith.addi %add3A_1047, %add3A_1060 : vector<16xi32>
        scf.yield %select_n3A_1057, %select_n3A_1058, %add3A_1061 : vector<16xf32>, vector<16xi32>, vector<16xi32>
      }
      %scan3A_678 = arith.constant 64 : i32
      %swap3A_679 = arith.constant 32 : index
      %swap3A_680 = tpu.vector_load %arg5[%swap3A_679] {strides = array<i32>} : memref<256xf32, #tpu.memory_space<vmem>>, vector<16xf32>,
      %swap3A_681 = vector.shape_cast %swap3A_680 : vector<16xf32> to vector<16xf32>
      %swap3A_682 = vector.shape_cast %scan3A_677#0 : vector<16xf32> to vector<16xf32>
      tpu.vector_store %arg5[%swap3A_679], %swap3A_682 {strides = array<i32>} : memref<256xf32, #tpu.memory_space<vmem>>, vector<16xf32>,
      %swap3A_683 = arith.constant 32 : index
      %swap3A_684 = tpu.vector_load %arg6[%swap3A_683] {strides = array<i32>} : memref<256xi32, #tpu.memory_space<vmem>>, vector<16xi32>,
      %swap3A_685 = vector.shape_cast %swap3A_684 : vector<16xi32> to vector<16xi32>
      %swap3A_686 = vector.shape_cast %scan3A_677#1 : vector<16xi32> to vector<16xi32>
      tpu.vector_store %arg6[%swap3A_683], %swap3A_686 {strides = array<i32>} : memref<256xi32, #tpu.memory_space<vmem>>, vector<16xi32>,
      %get3A_687 = arith.constant 48 : index
      %get3A_688 = tpu.vector_load %arg5[%get3A_687] {strides = array<i32>} : memref<256xf32, #tpu.memory_space<vmem>>, vector<16xf32>,
      %get3A_689 = vector.shape_cast %get3A_688 : vector<16xf32> to vector<16xf32>
      %get3A_690 = arith.constant 48 : index
      %get3A_691 = tpu.vector_load %arg6[%get3A_690] {strides = array<i32>} : memref<256xi32, #tpu.memory_space<vmem>>, vector<16xi32>,
      %get3A_692 = vector.shape_cast %get3A_691 : vector<16xi32> to vector<16xi32>
      %scan3A_693 = arith.constant 0 : i32
      %scan3A_694 = arith.constant 64 : i32
      %scan3A_695 = arith.addi %scan3A_693, %scan3A_694 : i32
      %scan3A_696 = arith.constant 8 : i32
      %scan3A_697:3 = scf.for %scan3A_948 = %scan3A_693 to %scan3A_695 step %scan3A_696 iter_args(%scan3A_949 = %get3A_689, %scan3A_950 = %get3A_692, %scan3A_951 = %broadcast_in_dim3A_626) -> (vector<16xf32>, vector<16xi32>, vector<16xi32>)  : i32 {
        %get3A_952 = arith.constant 1 : i32
        %get3A_953 = arith.index_cast %get3A_952 : i32 to index
        %get3A_954 = arith.index_cast %scan3A_948 : i32 to index
        %get3A_955 = arith.constant 48 : index
        %get3A_956 = tpu.vector_load %arg4[%get3A_953, %get3A_954, %get3A_955] {strides = array<i32>} : memref<2x64x256xf32, #tpu.memory_space<vmem>>, vector<1x1x16xf32>,
        %get3A_957 = vector.shape_cast %get3A_956 : vector<1x1x16xf32> to vector<16xf32>
        %lt3A_958 = arith.cmpf olt, %get3A_957, %scan3A_949 : vector<16xf32>
        %select_n3A_959 = arith.select %lt3A_958, %get3A_957, %scan3A_949 : vector<16xi1>, vector<16xf32>
        %select_n3A_960 = arith.select %lt3A_958, %scan3A_951, %scan3A_950 : vector<16xi1>, vector<16xi32>
        %add3A_961 = arith.constant 1 : i32
        %add3A_962 = vector.broadcast %add3A_961 : i32 to vector<16xi32>
        %add3A_963 = arith.addi %scan3A_951, %add3A_962 : vector<16xi32>
        %scan3A_964 = arith.constant 1 : i32
        %scan3A_965 = arith.addi %scan3A_948, %scan3A_964 : i32
        %get3A_966 = arith.constant 1 : i32
        %get3A_967 = arith.index_cast %get3A_966 : i32 to index
        %get3A_968 = arith.index_cast %scan3A_965 : i32 to index
        %get3A_969 = arith.constant 48 : index
        %get3A_970 = tpu.vector_load %arg4[%get3A_967, %get3A_968, %get3A_969] {strides = array<i32>} : memref<2x64x256xf32, #tpu.memory_space<vmem>>, vector<1x1x16xf32>,
        %get3A_971 = vector.shape_cast %get3A_970 : vector<1x1x16xf32> to vector<16xf32>
        %lt3A_972 = arith.cmpf olt, %get3A_971, %select_n3A_959 : vector<16xf32>
        %select_n3A_973 = arith.select %lt3A_972, %get3A_971, %select_n3A_959 : vector<16xi1>, vector<16xf32>
        %select_n3A_974 = arith.select %lt3A_972, %add3A_963, %select_n3A_960 : vector<16xi1>, vector<16xi32>
        %add3A_975 = arith.constant 1 : i32
        %add3A_976 = vector.broadcast %add3A_975 : i32 to vector<16xi32>
        %add3A_977 = arith.addi %add3A_963, %add3A_976 : vector<16xi32>
        %scan3A_978 = arith.constant 2 : i32
        %scan3A_979 = arith.addi %scan3A_948, %scan3A_978 : i32
        %get3A_980 = arith.constant 1 : i32
        %get3A_981 = arith.index_cast %get3A_980 : i32 to index
        %get3A_982 = arith.index_cast %scan3A_979 : i32 to index
        %get3A_983 = arith.constant 48 : index
        %get3A_984 = tpu.vector_load %arg4[%get3A_981, %get3A_982, %get3A_983] {strides = array<i32>} : memref<2x64x256xf32, #tpu.memory_space<vmem>>, vector<1x1x16xf32>,
        %get3A_985 = vector.shape_cast %get3A_984 : vector<1x1x16xf32> to vector<16xf32>
        %lt3A_986 = arith.cmpf olt, %get3A_985, %select_n3A_973 : vector<16xf32>
        %select_n3A_987 = arith.select %lt3A_986, %get3A_985, %select_n3A_973 : vector<16xi1>, vector<16xf32>
        %select_n3A_988 = arith.select %lt3A_986, %add3A_977, %select_n3A_974 : vector<16xi1>, vector<16xi32>
        %add3A_989 = arith.constant 1 : i32
        %add3A_990 = vector.broadcast %add3A_989 : i32 to vector<16xi32>
        %add3A_991 = arith.addi %add3A_977, %add3A_990 : vector<16xi32>
        %scan3A_992 = arith.constant 3 : i32
        %scan3A_993 = arith.addi %scan3A_948, %scan3A_992 : i32
        %get3A_994 = arith.constant 1 : i32
        %get3A_995 = arith.index_cast %get3A_994 : i32 to index
        %get3A_996 = arith.index_cast %scan3A_993 : i32 to index
        %get3A_997 = arith.constant 48 : index
        %get3A_998 = tpu.vector_load %arg4[%get3A_995, %get3A_996, %get3A_997] {strides = array<i32>} : memref<2x64x256xf32, #tpu.memory_space<vmem>>, vector<1x1x16xf32>,
        %get3A_999 = vector.shape_cast %get3A_998 : vector<1x1x16xf32> to vector<16xf32>
        %lt3A_1000 = arith.cmpf olt, %get3A_999, %select_n3A_987 : vector<16xf32>
        %select_n3A_1001 = arith.select %lt3A_1000, %get3A_999, %select_n3A_987 : vector<16xi1>, vector<16xf32>
        %select_n3A_1002 = arith.select %lt3A_1000, %add3A_991, %select_n3A_988 : vector<16xi1>, vector<16xi32>
        %add3A_1003 = arith.constant 1 : i32
        %add3A_1004 = vector.broadcast %add3A_1003 : i32 to vector<16xi32>
        %add3A_1005 = arith.addi %add3A_991, %add3A_1004 : vector<16xi32>
        %scan3A_1006 = arith.constant 4 : i32
        %scan3A_1007 = arith.addi %scan3A_948, %scan3A_1006 : i32
        %get3A_1008 = arith.constant 1 : i32
        %get3A_1009 = arith.index_cast %get3A_1008 : i32 to index
        %get3A_1010 = arith.index_cast %scan3A_1007 : i32 to index
        %get3A_1011 = arith.constant 48 : index
        %get3A_1012 = tpu.vector_load %arg4[%get3A_1009, %get3A_1010, %get3A_1011] {strides = array<i32>} : memref<2x64x256xf32, #tpu.memory_space<vmem>>, vector<1x1x16xf32>,
        %get3A_1013 = vector.shape_cast %get3A_1012 : vector<1x1x16xf32> to vector<16xf32>
        %lt3A_1014 = arith.cmpf olt, %get3A_1013, %select_n3A_1001 : vector<16xf32>
        %select_n3A_1015 = arith.select %lt3A_1014, %get3A_1013, %select_n3A_1001 : vector<16xi1>, vector<16xf32>
        %select_n3A_1016 = arith.select %lt3A_1014, %add3A_1005, %select_n3A_1002 : vector<16xi1>, vector<16xi32>
        %add3A_1017 = arith.constant 1 : i32
        %add3A_1018 = vector.broadcast %add3A_1017 : i32 to vector<16xi32>
        %add3A_1019 = arith.addi %add3A_1005, %add3A_1018 : vector<16xi32>
        %scan3A_1020 = arith.constant 5 : i32
        %scan3A_1021 = arith.addi %scan3A_948, %scan3A_1020 : i32
        %get3A_1022 = arith.constant 1 : i32
        %get3A_1023 = arith.index_cast %get3A_1022 : i32 to index
        %get3A_1024 = arith.index_cast %scan3A_1021 : i32 to index
        %get3A_1025 = arith.constant 48 : index
        %get3A_1026 = tpu.vector_load %arg4[%get3A_1023, %get3A_1024, %get3A_1025] {strides = array<i32>} : memref<2x64x256xf32, #tpu.memory_space<vmem>>, vector<1x1x16xf32>,
        %get3A_1027 = vector.shape_cast %get3A_1026 : vector<1x1x16xf32> to vector<16xf32>
        %lt3A_1028 = arith.cmpf olt, %get3A_1027, %select_n3A_1015 : vector<16xf32>
        %select_n3A_1029 = arith.select %lt3A_1028, %get3A_1027, %select_n3A_1015 : vector<16xi1>, vector<16xf32>
        %select_n3A_1030 = arith.select %lt3A_1028, %add3A_1019, %select_n3A_1016 : vector<16xi1>, vector<16xi32>
        %add3A_1031 = arith.constant 1 : i32
        %add3A_1032 = vector.broadcast %add3A_1031 : i32 to vector<16xi32>
        %add3A_1033 = arith.addi %add3A_1019, %add3A_1032 : vector<16xi32>
        %scan3A_1034 = arith.constant 6 : i32
        %scan3A_1035 = arith.addi %scan3A_948, %scan3A_1034 : i32
        %get3A_1036 = arith.constant 1 : i32
        %get3A_1037 = arith.index_cast %get3A_1036 : i32 to index
        %get3A_1038 = arith.index_cast %scan3A_1035 : i32 to index
        %get3A_1039 = arith.constant 48 : index
        %get3A_1040 = tpu.vector_load %arg4[%get3A_1037, %get3A_1038, %get3A_1039] {strides = array<i32>} : memref<2x64x256xf32, #tpu.memory_space<vmem>>, vector<1x1x16xf32>,
        %get3A_1041 = vector.shape_cast %get3A_1040 : vector<1x1x16xf32> to vector<16xf32>
        %lt3A_1042 = arith.cmpf olt, %get3A_1041, %select_n3A_1029 : vector<16xf32>
        %select_n3A_1043 = arith.select %lt3A_1042, %get3A_1041, %select_n3A_1029 : vector<16xi1>, vector<16xf32>
        %select_n3A_1044 = arith.select %lt3A_1042, %add3A_1033, %select_n3A_1030 : vector<16xi1>, vector<16xi32>
        %add3A_1045 = arith.constant 1 : i32
        %add3A_1046 = vector.broadcast %add3A_1045 : i32 to vector<16xi32>
        %add3A_1047 = arith.addi %add3A_1033, %add3A_1046 : vector<16xi32>
        %scan3A_1048 = arith.constant 7 : i32
        %scan3A_1049 = arith.addi %scan3A_948, %scan3A_1048 : i32
        %get3A_1050 = arith.constant 1 : i32
        %get3A_1051 = arith.index_cast %get3A_1050 : i32 to index
        %get3A_1052 = arith.index_cast %scan3A_1049 : i32 to index
        %get3A_1053 = arith.constant 48 : index
        %get3A_1054 = tpu.vector_load %arg4[%get3A_1051, %get3A_1052, %get3A_1053] {strides = array<i32>} : memref<2x64x256xf32, #tpu.memory_space<vmem>>, vector<1x1x16xf32>,
        %get3A_1055 = vector.shape_cast %get3A_1054 : vector<1x1x16xf32> to vector<16xf32>
        %lt3A_1056 = arith.cmpf olt, %get3A_1055, %select_n3A_1043 : vector<16xf32>
        %select_n3A_1057 = arith.select %lt3A_1056, %get3A_1055, %select_n3A_1043 : vector<16xi1>, vector<16xf32>
        %select_n3A_1058 = arith.select %lt3A_1056, %add3A_1047, %select_n3A_1044 : vector<16xi1>, vector<16xi32>
        %add3A_1059 = arith.constant 1 : i32
        %add3A_1060 = vector.broadcast %add3A_1059 : i32 to vector<16xi32>
        %add3A_1061 = arith.addi %add3A_1047, %add3A_1060 : vector<16xi32>
        scf.yield %select_n3A_1057, %select_n3A_1058, %add3A_1061 : vector<16xf32>, vector<16xi32>, vector<16xi32>
      }
      %scan3A_698 = arith.constant 64 : i32
      %swap3A_699 = arith.constant 48 : index
      %swap3A_700 = tpu.vector_load %arg5[%swap3A_699] {strides = array<i32>} : memref<256xf32, #tpu.memory_space<vmem>>, vector<16xf32>,
      %swap3A_701 = vector.shape_cast %swap3A_700 : vector<16xf32> to vector<16xf32>
      %swap3A_702 = vector.shape_cast %scan3A_697#0 : vector<16xf32> to vector<16xf32>
      tpu.vector_store %arg5[%swap3A_699], %swap3A_702 {strides = array<i32>} : memref<256xf32, #tpu.memory_space<vmem>>, vector<16xf32>,
      %swap3A_703 = arith.constant 48 : index
      %swap3A_704 = tpu.vector_load %arg6[%swap3A_703] {strides = array<i32>} : memref<256xi32, #tpu.memory_space<vmem>>, vector<16xi32>,
      %swap3A_705 = vector.shape_cast %swap3A_704 : vector<16xi32> to vector<16xi32>
      %swap3A_706 = vector.shape_cast %scan3A_697#1 : vector<16xi32> to vector<16xi32>
      tpu.vector_store %arg6[%swap3A_703], %swap3A_706 {strides = array<i32>} : memref<256xi32, #tpu.memory_space<vmem>>, vector<16xi32>,
      %get3A_707 = arith.constant 64 : index
      %get3A_708 = tpu.vector_load %arg5[%get3A_707] {strides = array<i32>} : memref<256xf32, #tpu.memory_space<vmem>>, vector<16xf32>,
      %get3A_709 = vector.shape_cast %get3A_708 : vector<16xf32> to vector<16xf32>
      %get3A_710 = arith.constant 64 : index
      %get3A_711 = tpu.vector_load %arg6[%get3A_710] {strides = array<i32>} : memref<256xi32, #tpu.memory_space<vmem>>, vector<16xi32>,
      %get3A_712 = vector.shape_cast %get3A_711 : vector<16xi32> to vector<16xi32>
      %scan3A_713 = arith.constant 0 : i32
      %scan3A_714 = arith.constant 64 : i32
      %scan3A_715 = arith.addi %scan3A_713, %scan3A_714 : i32
      %scan3A_716 = arith.constant 8 : i32
      %scan3A_717:3 = scf.for %scan3A_948 = %scan3A_713 to %scan3A_715 step %scan3A_716 iter_args(%scan3A_949 = %get3A_709, %scan3A_950 = %get3A_712, %scan3A_951 = %broadcast_in_dim3A_626) -> (vector<16xf32>, vector<16xi32>, vector<16xi32>)  : i32 {
        %get3A_952 = arith.constant 1 : i32
        %get3A_953 = arith.index_cast %get3A_952 : i32 to index
        %get3A_954 = arith.index_cast %scan3A_948 : i32 to index
        %get3A_955 = arith.constant 64 : index
        %get3A_956 = tpu.vector_load %arg4[%get3A_953, %get3A_954, %get3A_955] {strides = array<i32>} : memref<2x64x256xf32, #tpu.memory_space<vmem>>, vector<1x1x16xf32>,
        %get3A_957 = vector.shape_cast %get3A_956 : vector<1x1x16xf32> to vector<16xf32>
        %lt3A_958 = arith.cmpf olt, %get3A_957, %scan3A_949 : vector<16xf32>
        %select_n3A_959 = arith.select %lt3A_958, %get3A_957, %scan3A_949 : vector<16xi1>, vector<16xf32>
        %select_n3A_960 = arith.select %lt3A_958, %scan3A_951, %scan3A_950 : vector<16xi1>, vector<16xi32>
        %add3A_961 = arith.constant 1 : i32
        %add3A_962 = vector.broadcast %add3A_961 : i32 to vector<16xi32>
        %add3A_963 = arith.addi %scan3A_951, %add3A_962 : vector<16xi32>
        %scan3A_964 = arith.constant 1 : i32
        %scan3A_965 = arith.addi %scan3A_948, %scan3A_964 : i32
        %get3A_966 = arith.constant 1 : i32
        %get3A_967 = arith.index_cast %get3A_966 : i32 to index
        %get3A_968 = arith.index_cast %scan3A_965 : i32 to index
        %get3A_969 = arith.constant 64 : index
        %get3A_970 = tpu.vector_load %arg4[%get3A_967, %get3A_968, %get3A_969] {strides = array<i32>} : memref<2x64x256xf32, #tpu.memory_space<vmem>>, vector<1x1x16xf32>,
        %get3A_971 = vector.shape_cast %get3A_970 : vector<1x1x16xf32> to vector<16xf32>
        %lt3A_972 = arith.cmpf olt, %get3A_971, %select_n3A_959 : vector<16xf32>
        %select_n3A_973 = arith.select %lt3A_972, %get3A_971, %select_n3A_959 : vector<16xi1>, vector<16xf32>
        %select_n3A_974 = arith.select %lt3A_972, %add3A_963, %select_n3A_960 : vector<16xi1>, vector<16xi32>
        %add3A_975 = arith.constant 1 : i32
        %add3A_976 = vector.broadcast %add3A_975 : i32 to vector<16xi32>
        %add3A_977 = arith.addi %add3A_963, %add3A_976 : vector<16xi32>
        %scan3A_978 = arith.constant 2 : i32
        %scan3A_979 = arith.addi %scan3A_948, %scan3A_978 : i32
        %get3A_980 = arith.constant 1 : i32
        %get3A_981 = arith.index_cast %get3A_980 : i32 to index
        %get3A_982 = arith.index_cast %scan3A_979 : i32 to index
        %get3A_983 = arith.constant 64 : index
        %get3A_984 = tpu.vector_load %arg4[%get3A_981, %get3A_982, %get3A_983] {strides = array<i32>} : memref<2x64x256xf32, #tpu.memory_space<vmem>>, vector<1x1x16xf32>,
        %get3A_985 = vector.shape_cast %get3A_984 : vector<1x1x16xf32> to vector<16xf32>
        %lt3A_986 = arith.cmpf olt, %get3A_985, %select_n3A_973 : vector<16xf32>
        %select_n3A_987 = arith.select %lt3A_986, %get3A_985, %select_n3A_973 : vector<16xi1>, vector<16xf32>
        %select_n3A_988 = arith.select %lt3A_986, %add3A_977, %select_n3A_974 : vector<16xi1>, vector<16xi32>
        %add3A_989 = arith.constant 1 : i32
        %add3A_990 = vector.broadcast %add3A_989 : i32 to vector<16xi32>
        %add3A_991 = arith.addi %add3A_977, %add3A_990 : vector<16xi32>
        %scan3A_992 = arith.constant 3 : i32
        %scan3A_993 = arith.addi %scan3A_948, %scan3A_992 : i32
        %get3A_994 = arith.constant 1 : i32
        %get3A_995 = arith.index_cast %get3A_994 : i32 to index
        %get3A_996 = arith.index_cast %scan3A_993 : i32 to index
        %get3A_997 = arith.constant 64 : index
        %get3A_998 = tpu.vector_load %arg4[%get3A_995, %get3A_996, %get3A_997] {strides = array<i32>} : memref<2x64x256xf32, #tpu.memory_space<vmem>>, vector<1x1x16xf32>,
        %get3A_999 = vector.shape_cast %get3A_998 : vector<1x1x16xf32> to vector<16xf32>
        %lt3A_1000 = arith.cmpf olt, %get3A_999, %select_n3A_987 : vector<16xf32>
        %select_n3A_1001 = arith.select %lt3A_1000, %get3A_999, %select_n3A_987 : vector<16xi1>, vector<16xf32>
        %select_n3A_1002 = arith.select %lt3A_1000, %add3A_991, %select_n3A_988 : vector<16xi1>, vector<16xi32>
        %add3A_1003 = arith.constant 1 : i32
        %add3A_1004 = vector.broadcast %add3A_1003 : i32 to vector<16xi32>
        %add3A_1005 = arith.addi %add3A_991, %add3A_1004 : vector<16xi32>
        %scan3A_1006 = arith.constant 4 : i32
        %scan3A_1007 = arith.addi %scan3A_948, %scan3A_1006 : i32
        %get3A_1008 = arith.constant 1 : i32
        %get3A_1009 = arith.index_cast %get3A_1008 : i32 to index
        %get3A_1010 = arith.index_cast %scan3A_1007 : i32 to index
        %get3A_1011 = arith.constant 64 : index
        %get3A_1012 = tpu.vector_load %arg4[%get3A_1009, %get3A_1010, %get3A_1011] {strides = array<i32>} : memref<2x64x256xf32, #tpu.memory_space<vmem>>, vector<1x1x16xf32>,
        %get3A_1013 = vector.shape_cast %get3A_1012 : vector<1x1x16xf32> to vector<16xf32>
        %lt3A_1014 = arith.cmpf olt, %get3A_1013, %select_n3A_1001 : vector<16xf32>
        %select_n3A_1015 = arith.select %lt3A_1014, %get3A_1013, %select_n3A_1001 : vector<16xi1>, vector<16xf32>
        %select_n3A_1016 = arith.select %lt3A_1014, %add3A_1005, %select_n3A_1002 : vector<16xi1>, vector<16xi32>
        %add3A_1017 = arith.constant 1 : i32
        %add3A_1018 = vector.broadcast %add3A_1017 : i32 to vector<16xi32>
        %add3A_1019 = arith.addi %add3A_1005, %add3A_1018 : vector<16xi32>
        %scan3A_1020 = arith.constant 5 : i32
        %scan3A_1021 = arith.addi %scan3A_948, %scan3A_1020 : i32
        %get3A_1022 = arith.constant 1 : i32
        %get3A_1023 = arith.index_cast %get3A_1022 : i32 to index
        %get3A_1024 = arith.index_cast %scan3A_1021 : i32 to index
        %get3A_1025 = arith.constant 64 : index
        %get3A_1026 = tpu.vector_load %arg4[%get3A_1023, %get3A_1024, %get3A_1025] {strides = array<i32>} : memref<2x64x256xf32, #tpu.memory_space<vmem>>, vector<1x1x16xf32>,
        %get3A_1027 = vector.shape_cast %get3A_1026 : vector<1x1x16xf32> to vector<16xf32>
        %lt3A_1028 = arith.cmpf olt, %get3A_1027, %select_n3A_1015 : vector<16xf32>
        %select_n3A_1029 = arith.select %lt3A_1028, %get3A_1027, %select_n3A_1015 : vector<16xi1>, vector<16xf32>
        %select_n3A_1030 = arith.select %lt3A_1028, %add3A_1019, %select_n3A_1016 : vector<16xi1>, vector<16xi32>
        %add3A_1031 = arith.constant 1 : i32
        %add3A_1032 = vector.broadcast %add3A_1031 : i32 to vector<16xi32>
        %add3A_1033 = arith.addi %add3A_1019, %add3A_1032 : vector<16xi32>
        %scan3A_1034 = arith.constant 6 : i32
        %scan3A_1035 = arith.addi %scan3A_948, %scan3A_1034 : i32
        %get3A_1036 = arith.constant 1 : i32
        %get3A_1037 = arith.index_cast %get3A_1036 : i32 to index
        %get3A_1038 = arith.index_cast %scan3A_1035 : i32 to index
        %get3A_1039 = arith.constant 64 : index
        %get3A_1040 = tpu.vector_load %arg4[%get3A_1037, %get3A_1038, %get3A_1039] {strides = array<i32>} : memref<2x64x256xf32, #tpu.memory_space<vmem>>, vector<1x1x16xf32>,
        %get3A_1041 = vector.shape_cast %get3A_1040 : vector<1x1x16xf32> to vector<16xf32>
        %lt3A_1042 = arith.cmpf olt, %get3A_1041, %select_n3A_1029 : vector<16xf32>
        %select_n3A_1043 = arith.select %lt3A_1042, %get3A_1041, %select_n3A_1029 : vector<16xi1>, vector<16xf32>
        %select_n3A_1044 = arith.select %lt3A_1042, %add3A_1033, %select_n3A_1030 : vector<16xi1>, vector<16xi32>
        %add3A_1045 = arith.constant 1 : i32
        %add3A_1046 = vector.broadcast %add3A_1045 : i32 to vector<16xi32>
        %add3A_1047 = arith.addi %add3A_1033, %add3A_1046 : vector<16xi32>
        %scan3A_1048 = arith.constant 7 : i32
        %scan3A_1049 = arith.addi %scan3A_948, %scan3A_1048 : i32
        %get3A_1050 = arith.constant 1 : i32
        %get3A_1051 = arith.index_cast %get3A_1050 : i32 to index
        %get3A_1052 = arith.index_cast %scan3A_1049 : i32 to index
        %get3A_1053 = arith.constant 64 : index
        %get3A_1054 = tpu.vector_load %arg4[%get3A_1051, %get3A_1052, %get3A_1053] {strides = array<i32>} : memref<2x64x256xf32, #tpu.memory_space<vmem>>, vector<1x1x16xf32>,
        %get3A_1055 = vector.shape_cast %get3A_1054 : vector<1x1x16xf32> to vector<16xf32>
        %lt3A_1056 = arith.cmpf olt, %get3A_1055, %select_n3A_1043 : vector<16xf32>
        %select_n3A_1057 = arith.select %lt3A_1056, %get3A_1055, %select_n3A_1043 : vector<16xi1>, vector<16xf32>
        %select_n3A_1058 = arith.select %lt3A_1056, %add3A_1047, %select_n3A_1044 : vector<16xi1>, vector<16xi32>
        %add3A_1059 = arith.constant 1 : i32
        %add3A_1060 = vector.broadcast %add3A_1059 : i32 to vector<16xi32>
        %add3A_1061 = arith.addi %add3A_1047, %add3A_1060 : vector<16xi32>
        scf.yield %select_n3A_1057, %select_n3A_1058, %add3A_1061 : vector<16xf32>, vector<16xi32>, vector<16xi32>
      }
      %scan3A_718 = arith.constant 64 : i32
      %swap3A_719 = arith.constant 64 : index
      %swap3A_720 = tpu.vector_load %arg5[%swap3A_719] {strides = array<i32>} : memref<256xf32, #tpu.memory_space<vmem>>, vector<16xf32>,
      %swap3A_721 = vector.shape_cast %swap3A_720 : vector<16xf32> to vector<16xf32>
      %swap3A_722 = vector.shape_cast %scan3A_717#0 : vector<16xf32> to vector<16xf32>
      tpu.vector_store %arg5[%swap3A_719], %swap3A_722 {strides = array<i32>} : memref<256xf32, #tpu.memory_space<vmem>>, vector<16xf32>,
      %swap3A_723 = arith.constant 64 : index
      %swap3A_724 = tpu.vector_load %arg6[%swap3A_723] {strides = array<i32>} : memref<256xi32, #tpu.memory_space<vmem>>, vector<16xi32>,
      %swap3A_725 = vector.shape_cast %swap3A_724 : vector<16xi32> to vector<16xi32>
      %swap3A_726 = vector.shape_cast %scan3A_717#1 : vector<16xi32> to vector<16xi32>
      tpu.vector_store %arg6[%swap3A_723], %swap3A_726 {strides = array<i32>} : memref<256xi32, #tpu.memory_space<vmem>>, vector<16xi32>,
      %get3A_727 = arith.constant 80 : index
      %get3A_728 = tpu.vector_load %arg5[%get3A_727] {strides = array<i32>} : memref<256xf32, #tpu.memory_space<vmem>>, vector<16xf32>,
      %get3A_729 = vector.shape_cast %get3A_728 : vector<16xf32> to vector<16xf32>
      %get3A_730 = arith.constant 80 : index
      %get3A_731 = tpu.vector_load %arg6[%get3A_730] {strides = array<i32>} : memref<256xi32, #tpu.memory_space<vmem>>, vector<16xi32>,
      %get3A_732 = vector.shape_cast %get3A_731 : vector<16xi32> to vector<16xi32>
      %scan3A_733 = arith.constant 0 : i32
      %scan3A_734 = arith.constant 64 : i32
      %scan3A_735 = arith.addi %scan3A_733, %scan3A_734 : i32
      %scan3A_736 = arith.constant 8 : i32
      %scan3A_737:3 = scf.for %scan3A_948 = %scan3A_733 to %scan3A_735 step %scan3A_736 iter_args(%scan3A_949 = %get3A_729, %scan3A_950 = %get3A_732, %scan3A_951 = %broadcast_in_dim3A_626) -> (vector<16xf32>, vector<16xi32>, vector<16xi32>)  : i32 {
        %get3A_952 = arith.constant 1 : i32
        %get3A_953 = arith.index_cast %get3A_952 : i32 to index
        %get3A_954 = arith.index_cast %scan3A_948 : i32 to index
        %get3A_955 = arith.constant 80 : index
        %get3A_956 = tpu.vector_load %arg4[%get3A_953, %get3A_954, %get3A_955] {strides = array<i32>} : memref<2x64x256xf32, #tpu.memory_space<vmem>>, vector<1x1x16xf32>,
        %get3A_957 = vector.shape_cast %get3A_956 : vector<1x1x16xf32> to vector<16xf32>
        %lt3A_958 = arith.cmpf olt, %get3A_957, %scan3A_949 : vector<16xf32>
        %select_n3A_959 = arith.select %lt3A_958, %get3A_957, %scan3A_949 : vector<16xi1>, vector<16xf32>
        %select_n3A_960 = arith.select %lt3A_958, %scan3A_951, %scan3A_950 : vector<16xi1>, vector<16xi32>
        %add3A_961 = arith.constant 1 : i32
        %add3A_962 = vector.broadcast %add3A_961 : i32 to vector<16xi32>
        %add3A_963 = arith.addi %scan3A_951, %add3A_962 : vector<16xi32>
        %scan3A_964 = arith.constant 1 : i32
        %scan3A_965 = arith.addi %scan3A_948, %scan3A_964 : i32
        %get3A_966 = arith.constant 1 : i32
        %get3A_967 = arith.index_cast %get3A_966 : i32 to index
        %get3A_968 = arith.index_cast %scan3A_965 : i32 to index
        %get3A_969 = arith.constant 80 : index
        %get3A_970 = tpu.vector_load %arg4[%get3A_967, %get3A_968, %get3A_969] {strides = array<i32>} : memref<2x64x256xf32, #tpu.memory_space<vmem>>, vector<1x1x16xf32>,
        %get3A_971 = vector.shape_cast %get3A_970 : vector<1x1x16xf32> to vector<16xf32>
        %lt3A_972 = arith.cmpf olt, %get3A_971, %select_n3A_959 : vector<16xf32>
        %select_n3A_973 = arith.select %lt3A_972, %get3A_971, %select_n3A_959 : vector<16xi1>, vector<16xf32>
        %select_n3A_974 = arith.select %lt3A_972, %add3A_963, %select_n3A_960 : vector<16xi1>, vector<16xi32>
        %add3A_975 = arith.constant 1 : i32
        %add3A_976 = vector.broadcast %add3A_975 : i32 to vector<16xi32>
        %add3A_977 = arith.addi %add3A_963, %add3A_976 : vector<16xi32>
        %scan3A_978 = arith.constant 2 : i32
        %scan3A_979 = arith.addi %scan3A_948, %scan3A_978 : i32
        %get3A_980 = arith.constant 1 : i32
        %get3A_981 = arith.index_cast %get3A_980 : i32 to index
        %get3A_982 = arith.index_cast %scan3A_979 : i32 to index
        %get3A_983 = arith.constant 80 : index
        %get3A_984 = tpu.vector_load %arg4[%get3A_981, %get3A_982, %get3A_983] {strides = array<i32>} : memref<2x64x256xf32, #tpu.memory_space<vmem>>, vector<1x1x16xf32>,
        %get3A_985 = vector.shape_cast %get3A_984 : vector<1x1x16xf32> to vector<16xf32>
        %lt3A_986 = arith.cmpf olt, %get3A_985, %select_n3A_973 : vector<16xf32>
        %select_n3A_987 = arith.select %lt3A_986, %get3A_985, %select_n3A_973 : vector<16xi1>, vector<16xf32>
        %select_n3A_988 = arith.select %lt3A_986, %add3A_977, %select_n3A_974 : vector<16xi1>, vector<16xi32>
        %add3A_989 = arith.constant 1 : i32
        %add3A_990 = vector.broadcast %add3A_989 : i32 to vector<16xi32>
        %add3A_991 = arith.addi %add3A_977, %add3A_990 : vector<16xi32>
        %scan3A_992 = arith.constant 3 : i32
        %scan3A_993 = arith.addi %scan3A_948, %scan3A_992 : i32
        %get3A_994 = arith.constant 1 : i32
        %get3A_995 = arith.index_cast %get3A_994 : i32 to index
        %get3A_996 = arith.index_cast %scan3A_993 : i32 to index
        %get3A_997 = arith.constant 80 : index
        %get3A_998 = tpu.vector_load %arg4[%get3A_995, %get3A_996, %get3A_997] {strides = array<i32>} : memref<2x64x256xf32, #tpu.memory_space<vmem>>, vector<1x1x16xf32>,
        %get3A_999 = vector.shape_cast %get3A_998 : vector<1x1x16xf32> to vector<16xf32>
        %lt3A_1000 = arith.cmpf olt, %get3A_999, %select_n3A_987 : vector<16xf32>
        %select_n3A_1001 = arith.select %lt3A_1000, %get3A_999, %select_n3A_987 : vector<16xi1>, vector<16xf32>
        %select_n3A_1002 = arith.select %lt3A_1000, %add3A_991, %select_n3A_988 : vector<16xi1>, vector<16xi32>
        %add3A_1003 = arith.constant 1 : i32
        %add3A_1004 = vector.broadcast %add3A_1003 : i32 to vector<16xi32>
        %add3A_1005 = arith.addi %add3A_991, %add3A_1004 : vector<16xi32>
        %scan3A_1006 = arith.constant 4 : i32
        %scan3A_1007 = arith.addi %scan3A_948, %scan3A_1006 : i32
        %get3A_1008 = arith.constant 1 : i32
        %get3A_1009 = arith.index_cast %get3A_1008 : i32 to index
        %get3A_1010 = arith.index_cast %scan3A_1007 : i32 to index
        %get3A_1011 = arith.constant 80 : index
        %get3A_1012 = tpu.vector_load %arg4[%get3A_1009, %get3A_1010, %get3A_1011] {strides = array<i32>} : memref<2x64x256xf32, #tpu.memory_space<vmem>>, vector<1x1x16xf32>,
        %get3A_1013 = vector.shape_cast %get3A_1012 : vector<1x1x16xf32> to vector<16xf32>
        %lt3A_1014 = arith.cmpf olt, %get3A_1013, %select_n3A_1001 : vector<16xf32>
        %select_n3A_1015 = arith.select %lt3A_1014, %get3A_1013, %select_n3A_1001 : vector<16xi1>, vector<16xf32>
        %select_n3A_1016 = arith.select %lt3A_1014, %add3A_1005, %select_n3A_1002 : vector<16xi1>, vector<16xi32>
        %add3A_1017 = arith.constant 1 : i32
        %add3A_1018 = vector.broadcast %add3A_1017 : i32 to vector<16xi32>
        %add3A_1019 = arith.addi %add3A_1005, %add3A_1018 : vector<16xi32>
        %scan3A_1020 = arith.constant 5 : i32
        %scan3A_1021 = arith.addi %scan3A_948, %scan3A_1020 : i32
        %get3A_1022 = arith.constant 1 : i32
        %get3A_1023 = arith.index_cast %get3A_1022 : i32 to index
        %get3A_1024 = arith.index_cast %scan3A_1021 : i32 to index
        %get3A_1025 = arith.constant 80 : index
        %get3A_1026 = tpu.vector_load %arg4[%get3A_1023, %get3A_1024, %get3A_1025] {strides = array<i32>} : memref<2x64x256xf32, #tpu.memory_space<vmem>>, vector<1x1x16xf32>,
        %get3A_1027 = vector.shape_cast %get3A_1026 : vector<1x1x16xf32> to vector<16xf32>
        %lt3A_1028 = arith.cmpf olt, %get3A_1027, %select_n3A_1015 : vector<16xf32>
        %select_n3A_1029 = arith.select %lt3A_1028, %get3A_1027, %select_n3A_1015 : vector<16xi1>, vector<16xf32>
        %select_n3A_1030 = arith.select %lt3A_1028, %add3A_1019, %select_n3A_1016 : vector<16xi1>, vector<16xi32>
        %add3A_1031 = arith.constant 1 : i32
        %add3A_1032 = vector.broadcast %add3A_1031 : i32 to vector<16xi32>
        %add3A_1033 = arith.addi %add3A_1019, %add3A_1032 : vector<16xi32>
        %scan3A_1034 = arith.constant 6 : i32
        %scan3A_1035 = arith.addi %scan3A_948, %scan3A_1034 : i32
        %get3A_1036 = arith.constant 1 : i32
        %get3A_1037 = arith.index_cast %get3A_1036 : i32 to index
        %get3A_1038 = arith.index_cast %scan3A_1035 : i32 to index
        %get3A_1039 = arith.constant 80 : index
        %get3A_1040 = tpu.vector_load %arg4[%get3A_1037, %get3A_1038, %get3A_1039] {strides = array<i32>} : memref<2x64x256xf32, #tpu.memory_space<vmem>>, vector<1x1x16xf32>,
        %get3A_1041 = vector.shape_cast %get3A_1040 : vector<1x1x16xf32> to vector<16xf32>
        %lt3A_1042 = arith.cmpf olt, %get3A_1041, %select_n3A_1029 : vector<16xf32>
        %select_n3A_1043 = arith.select %lt3A_1042, %get3A_1041, %select_n3A_1029 : vector<16xi1>, vector<16xf32>
        %select_n3A_1044 = arith.select %lt3A_1042, %add3A_1033, %select_n3A_1030 : vector<16xi1>, vector<16xi32>
        %add3A_1045 = arith.constant 1 : i32
        %add3A_1046 = vector.broadcast %add3A_1045 : i32 to vector<16xi32>
        %add3A_1047 = arith.addi %add3A_1033, %add3A_1046 : vector<16xi32>
        %scan3A_1048 = arith.constant 7 : i32
        %scan3A_1049 = arith.addi %scan3A_948, %scan3A_1048 : i32
        %get3A_1050 = arith.constant 1 : i32
        %get3A_1051 = arith.index_cast %get3A_1050 : i32 to index
        %get3A_1052 = arith.index_cast %scan3A_1049 : i32 to index
        %get3A_1053 = arith.constant 80 : index
        %get3A_1054 = tpu.vector_load %arg4[%get3A_1051, %get3A_1052, %get3A_1053] {strides = array<i32>} : memref<2x64x256xf32, #tpu.memory_space<vmem>>, vector<1x1x16xf32>,
        %get3A_1055 = vector.shape_cast %get3A_1054 : vector<1x1x16xf32> to vector<16xf32>
        %lt3A_1056 = arith.cmpf olt, %get3A_1055, %select_n3A_1043 : vector<16xf32>
        %select_n3A_1057 = arith.select %lt3A_1056, %get3A_1055, %select_n3A_1043 : vector<16xi1>, vector<16xf32>
        %select_n3A_1058 = arith.select %lt3A_1056, %add3A_1047, %select_n3A_1044 : vector<16xi1>, vector<16xi32>
        %add3A_1059 = arith.constant 1 : i32
        %add3A_1060 = vector.broadcast %add3A_1059 : i32 to vector<16xi32>
        %add3A_1061 = arith.addi %add3A_1047, %add3A_1060 : vector<16xi32>
        scf.yield %select_n3A_1057, %select_n3A_1058, %add3A_1061 : vector<16xf32>, vector<16xi32>, vector<16xi32>
      }
      %scan3A_738 = arith.constant 64 : i32
      %swap3A_739 = arith.constant 80 : index
      %swap3A_740 = tpu.vector_load %arg5[%swap3A_739] {strides = array<i32>} : memref<256xf32, #tpu.memory_space<vmem>>, vector<16xf32>,
      %swap3A_741 = vector.shape_cast %swap3A_740 : vector<16xf32> to vector<16xf32>
      %swap3A_742 = vector.shape_cast %scan3A_737#0 : vector<16xf32> to vector<16xf32>
      tpu.vector_store %arg5[%swap3A_739], %swap3A_742 {strides = array<i32>} : memref<256xf32, #tpu.memory_space<vmem>>, vector<16xf32>,
      %swap3A_743 = arith.constant 80 : index
      %swap3A_744 = tpu.vector_load %arg6[%swap3A_743] {strides = array<i32>} : memref<256xi32, #tpu.memory_space<vmem>>, vector<16xi32>,
      %swap3A_745 = vector.shape_cast %swap3A_744 : vector<16xi32> to vector<16xi32>
      %swap3A_746 = vector.shape_cast %scan3A_737#1 : vector<16xi32> to vector<16xi32>
      tpu.vector_store %arg6[%swap3A_743], %swap3A_746 {strides = array<i32>} : memref<256xi32, #tpu.memory_space<vmem>>, vector<16xi32>,
      %get3A_747 = arith.constant 96 : index
      %get3A_748 = tpu.vector_load %arg5[%get3A_747] {strides = array<i32>} : memref<256xf32, #tpu.memory_space<vmem>>, vector<16xf32>,
      %get3A_749 = vector.shape_cast %get3A_748 : vector<16xf32> to vector<16xf32>
      %get3A_750 = arith.constant 96 : index
      %get3A_751 = tpu.vector_load %arg6[%get3A_750] {strides = array<i32>} : memref<256xi32, #tpu.memory_space<vmem>>, vector<16xi32>,
      %get3A_752 = vector.shape_cast %get3A_751 : vector<16xi32> to vector<16xi32>
      %scan3A_753 = arith.constant 0 : i32
      %scan3A_754 = arith.constant 64 : i32
      %scan3A_755 = arith.addi %scan3A_753, %scan3A_754 : i32
      %scan3A_756 = arith.constant 8 : i32
      %scan3A_757:3 = scf.for %scan3A_948 = %scan3A_753 to %scan3A_755 step %scan3A_756 iter_args(%scan3A_949 = %get3A_749, %scan3A_950 = %get3A_752, %scan3A_951 = %broadcast_in_dim3A_626) -> (vector<16xf32>, vector<16xi32>, vector<16xi32>)  : i32 {
        %get3A_952 = arith.constant 1 : i32
        %get3A_953 = arith.index_cast %get3A_952 : i32 to index
        %get3A_954 = arith.index_cast %scan3A_948 : i32 to index
        %get3A_955 = arith.constant 96 : index
        %get3A_956 = tpu.vector_load %arg4[%get3A_953, %get3A_954, %get3A_955] {strides = array<i32>} : memref<2x64x256xf32, #tpu.memory_space<vmem>>, vector<1x1x16xf32>,
        %get3A_957 = vector.shape_cast %get3A_956 : vector<1x1x16xf32> to vector<16xf32>
        %lt3A_958 = arith.cmpf olt, %get3A_957, %scan3A_949 : vector<16xf32>
        %select_n3A_959 = arith.select %lt3A_958, %get3A_957, %scan3A_949 : vector<16xi1>, vector<16xf32>
        %select_n3A_960 = arith.select %lt3A_958, %scan3A_951, %scan3A_950 : vector<16xi1>, vector<16xi32>
        %add3A_961 = arith.constant 1 : i32
        %add3A_962 = vector.broadcast %add3A_961 : i32 to vector<16xi32>
        %add3A_963 = arith.addi %scan3A_951, %add3A_962 : vector<16xi32>
        %scan3A_964 = arith.constant 1 : i32
        %scan3A_965 = arith.addi %scan3A_948, %scan3A_964 : i32
        %get3A_966 = arith.constant 1 : i32
        %get3A_967 = arith.index_cast %get3A_966 : i32 to index
        %get3A_968 = arith.index_cast %scan3A_965 : i32 to index
        %get3A_969 = arith.constant 96 : index
        %get3A_970 = tpu.vector_load %arg4[%get3A_967, %get3A_968, %get3A_969] {strides = array<i32>} : memref<2x64x256xf32, #tpu.memory_space<vmem>>, vector<1x1x16xf32>,
        %get3A_971 = vector.shape_cast %get3A_970 : vector<1x1x16xf32> to vector<16xf32>
        %lt3A_972 = arith.cmpf olt, %get3A_971, %select_n3A_959 : vector<16xf32>
        %select_n3A_973 = arith.select %lt3A_972, %get3A_971, %select_n3A_959 : vector<16xi1>, vector<16xf32>
        %select_n3A_974 = arith.select %lt3A_972, %add3A_963, %select_n3A_960 : vector<16xi1>, vector<16xi32>
        %add3A_975 = arith.constant 1 : i32
        %add3A_976 = vector.broadcast %add3A_975 : i32 to vector<16xi32>
        %add3A_977 = arith.addi %add3A_963, %add3A_976 : vector<16xi32>
        %scan3A_978 = arith.constant 2 : i32
        %scan3A_979 = arith.addi %scan3A_948, %scan3A_978 : i32
        %get3A_980 = arith.constant 1 : i32
        %get3A_981 = arith.index_cast %get3A_980 : i32 to index
        %get3A_982 = arith.index_cast %scan3A_979 : i32 to index
        %get3A_983 = arith.constant 96 : index
        %get3A_984 = tpu.vector_load %arg4[%get3A_981, %get3A_982, %get3A_983] {strides = array<i32>} : memref<2x64x256xf32, #tpu.memory_space<vmem>>, vector<1x1x16xf32>,
        %get3A_985 = vector.shape_cast %get3A_984 : vector<1x1x16xf32> to vector<16xf32>
        %lt3A_986 = arith.cmpf olt, %get3A_985, %select_n3A_973 : vector<16xf32>
        %select_n3A_987 = arith.select %lt3A_986, %get3A_985, %select_n3A_973 : vector<16xi1>, vector<16xf32>
        %select_n3A_988 = arith.select %lt3A_986, %add3A_977, %select_n3A_974 : vector<16xi1>, vector<16xi32>
        %add3A_989 = arith.constant 1 : i32
        %add3A_990 = vector.broadcast %add3A_989 : i32 to vector<16xi32>
        %add3A_991 = arith.addi %add3A_977, %add3A_990 : vector<16xi32>
        %scan3A_992 = arith.constant 3 : i32
        %scan3A_993 = arith.addi %scan3A_948, %scan3A_992 : i32
        %get3A_994 = arith.constant 1 : i32
        %get3A_995 = arith.index_cast %get3A_994 : i32 to index
        %get3A_996 = arith.index_cast %scan3A_993 : i32 to index
        %get3A_997 = arith.constant 96 : index
        %get3A_998 = tpu.vector_load %arg4[%get3A_995, %get3A_996, %get3A_997] {strides = array<i32>} : memref<2x64x256xf32, #tpu.memory_space<vmem>>, vector<1x1x16xf32>,
        %get3A_999 = vector.shape_cast %get3A_998 : vector<1x1x16xf32> to vector<16xf32>
        %lt3A_1000 = arith.cmpf olt, %get3A_999, %select_n3A_987 : vector<16xf32>
        %select_n3A_1001 = arith.select %lt3A_1000, %get3A_999, %select_n3A_987 : vector<16xi1>, vector<16xf32>
        %select_n3A_1002 = arith.select %lt3A_1000, %add3A_991, %select_n3A_988 : vector<16xi1>, vector<16xi32>
        %add3A_1003 = arith.constant 1 : i32
        %add3A_1004 = vector.broadcast %add3A_1003 : i32 to vector<16xi32>
        %add3A_1005 = arith.addi %add3A_991, %add3A_1004 : vector<16xi32>
        %scan3A_1006 = arith.constant 4 : i32
        %scan3A_1007 = arith.addi %scan3A_948, %scan3A_1006 : i32
        %get3A_1008 = arith.constant 1 : i32
        %get3A_1009 = arith.index_cast %get3A_1008 : i32 to index
        %get3A_1010 = arith.index_cast %scan3A_1007 : i32 to index
        %get3A_1011 = arith.constant 96 : index
        %get3A_1012 = tpu.vector_load %arg4[%get3A_1009, %get3A_1010, %get3A_1011] {strides = array<i32>} : memref<2x64x256xf32, #tpu.memory_space<vmem>>, vector<1x1x16xf32>,
        %get3A_1013 = vector.shape_cast %get3A_1012 : vector<1x1x16xf32> to vector<16xf32>
        %lt3A_1014 = arith.cmpf olt, %get3A_1013, %select_n3A_1001 : vector<16xf32>
        %select_n3A_1015 = arith.select %lt3A_1014, %get3A_1013, %select_n3A_1001 : vector<16xi1>, vector<16xf32>
        %select_n3A_1016 = arith.select %lt3A_1014, %add3A_1005, %select_n3A_1002 : vector<16xi1>, vector<16xi32>
        %add3A_1017 = arith.constant 1 : i32
        %add3A_1018 = vector.broadcast %add3A_1017 : i32 to vector<16xi32>
        %add3A_1019 = arith.addi %add3A_1005, %add3A_1018 : vector<16xi32>
        %scan3A_1020 = arith.constant 5 : i32
        %scan3A_1021 = arith.addi %scan3A_948, %scan3A_1020 : i32
        %get3A_1022 = arith.constant 1 : i32
        %get3A_1023 = arith.index_cast %get3A_1022 : i32 to index
        %get3A_1024 = arith.index_cast %scan3A_1021 : i32 to index
        %get3A_1025 = arith.constant 96 : index
        %get3A_1026 = tpu.vector_load %arg4[%get3A_1023, %get3A_1024, %get3A_1025] {strides = array<i32>} : memref<2x64x256xf32, #tpu.memory_space<vmem>>, vector<1x1x16xf32>,
        %get3A_1027 = vector.shape_cast %get3A_1026 : vector<1x1x16xf32> to vector<16xf32>
        %lt3A_1028 = arith.cmpf olt, %get3A_1027, %select_n3A_1015 : vector<16xf32>
        %select_n3A_1029 = arith.select %lt3A_1028, %get3A_1027, %select_n3A_1015 : vector<16xi1>, vector<16xf32>
        %select_n3A_1030 = arith.select %lt3A_1028, %add3A_1019, %select_n3A_1016 : vector<16xi1>, vector<16xi32>
        %add3A_1031 = arith.constant 1 : i32
        %add3A_1032 = vector.broadcast %add3A_1031 : i32 to vector<16xi32>
        %add3A_1033 = arith.addi %add3A_1019, %add3A_1032 : vector<16xi32>
        %scan3A_1034 = arith.constant 6 : i32
        %scan3A_1035 = arith.addi %scan3A_948, %scan3A_1034 : i32
        %get3A_1036 = arith.constant 1 : i32
        %get3A_1037 = arith.index_cast %get3A_1036 : i32 to index
        %get3A_1038 = arith.index_cast %scan3A_1035 : i32 to index
        %get3A_1039 = arith.constant 96 : index
        %get3A_1040 = tpu.vector_load %arg4[%get3A_1037, %get3A_1038, %get3A_1039] {strides = array<i32>} : memref<2x64x256xf32, #tpu.memory_space<vmem>>, vector<1x1x16xf32>,
        %get3A_1041 = vector.shape_cast %get3A_1040 : vector<1x1x16xf32> to vector<16xf32>
        %lt3A_1042 = arith.cmpf olt, %get3A_1041, %select_n3A_1029 : vector<16xf32>
        %select_n3A_1043 = arith.select %lt3A_1042, %get3A_1041, %select_n3A_1029 : vector<16xi1>, vector<16xf32>
        %select_n3A_1044 = arith.select %lt3A_1042, %add3A_1033, %select_n3A_1030 : vector<16xi1>, vector<16xi32>
        %add3A_1045 = arith.constant 1 : i32
        %add3A_1046 = vector.broadcast %add3A_1045 : i32 to vector<16xi32>
        %add3A_1047 = arith.addi %add3A_1033, %add3A_1046 : vector<16xi32>
        %scan3A_1048 = arith.constant 7 : i32
        %scan3A_1049 = arith.addi %scan3A_948, %scan3A_1048 : i32
        %get3A_1050 = arith.constant 1 : i32
        %get3A_1051 = arith.index_cast %get3A_1050 : i32 to index
        %get3A_1052 = arith.index_cast %scan3A_1049 : i32 to index
        %get3A_1053 = arith.constant 96 : index
        %get3A_1054 = tpu.vector_load %arg4[%get3A_1051, %get3A_1052, %get3A_1053] {strides = array<i32>} : memref<2x64x256xf32, #tpu.memory_space<vmem>>, vector<1x1x16xf32>,
        %get3A_1055 = vector.shape_cast %get3A_1054 : vector<1x1x16xf32> to vector<16xf32>
        %lt3A_1056 = arith.cmpf olt, %get3A_1055, %select_n3A_1043 : vector<16xf32>
        %select_n3A_1057 = arith.select %lt3A_1056, %get3A_1055, %select_n3A_1043 : vector<16xi1>, vector<16xf32>
        %select_n3A_1058 = arith.select %lt3A_1056, %add3A_1047, %select_n3A_1044 : vector<16xi1>, vector<16xi32>
        %add3A_1059 = arith.constant 1 : i32
        %add3A_1060 = vector.broadcast %add3A_1059 : i32 to vector<16xi32>
        %add3A_1061 = arith.addi %add3A_1047, %add3A_1060 : vector<16xi32>
        scf.yield %select_n3A_1057, %select_n3A_1058, %add3A_1061 : vector<16xf32>, vector<16xi32>, vector<16xi32>
      }
      %scan3A_758 = arith.constant 64 : i32
      %swap3A_759 = arith.constant 96 : index
      %swap3A_760 = tpu.vector_load %arg5[%swap3A_759] {strides = array<i32>} : memref<256xf32, #tpu.memory_space<vmem>>, vector<16xf32>,
      %swap3A_761 = vector.shape_cast %swap3A_760 : vector<16xf32> to vector<16xf32>
      %swap3A_762 = vector.shape_cast %scan3A_757#0 : vector<16xf32> to vector<16xf32>
      tpu.vector_store %arg5[%swap3A_759], %swap3A_762 {strides = array<i32>} : memref<256xf32, #tpu.memory_space<vmem>>, vector<16xf32>,
      %swap3A_763 = arith.constant 96 : index
      %swap3A_764 = tpu.vector_load %arg6[%swap3A_763] {strides = array<i32>} : memref<256xi32, #tpu.memory_space<vmem>>, vector<16xi32>,
      %swap3A_765 = vector.shape_cast %swap3A_764 : vector<16xi32> to vector<16xi32>
      %swap3A_766 = vector.shape_cast %scan3A_757#1 : vector<16xi32> to vector<16xi32>
      tpu.vector_store %arg6[%swap3A_763], %swap3A_766 {strides = array<i32>} : memref<256xi32, #tpu.memory_space<vmem>>, vector<16xi32>,
      %get3A_767 = arith.constant 112 : index
      %get3A_768 = tpu.vector_load %arg5[%get3A_767] {strides = array<i32>} : memref<256xf32, #tpu.memory_space<vmem>>, vector<16xf32>,
      %get3A_769 = vector.shape_cast %get3A_768 : vector<16xf32> to vector<16xf32>
      %get3A_770 = arith.constant 112 : index
      %get3A_771 = tpu.vector_load %arg6[%get3A_770] {strides = array<i32>} : memref<256xi32, #tpu.memory_space<vmem>>, vector<16xi32>,
      %get3A_772 = vector.shape_cast %get3A_771 : vector<16xi32> to vector<16xi32>
      %scan3A_773 = arith.constant 0 : i32
      %scan3A_774 = arith.constant 64 : i32
      %scan3A_775 = arith.addi %scan3A_773, %scan3A_774 : i32
      %scan3A_776 = arith.constant 8 : i32
      %scan3A_777:3 = scf.for %scan3A_948 = %scan3A_773 to %scan3A_775 step %scan3A_776 iter_args(%scan3A_949 = %get3A_769, %scan3A_950 = %get3A_772, %scan3A_951 = %broadcast_in_dim3A_626) -> (vector<16xf32>, vector<16xi32>, vector<16xi32>)  : i32 {
        %get3A_952 = arith.constant 1 : i32
        %get3A_953 = arith.index_cast %get3A_952 : i32 to index
        %get3A_954 = arith.index_cast %scan3A_948 : i32 to index
        %get3A_955 = arith.constant 112 : index
        %get3A_956 = tpu.vector_load %arg4[%get3A_953, %get3A_954, %get3A_955] {strides = array<i32>} : memref<2x64x256xf32, #tpu.memory_space<vmem>>, vector<1x1x16xf32>,
        %get3A_957 = vector.shape_cast %get3A_956 : vector<1x1x16xf32> to vector<16xf32>
        %lt3A_958 = arith.cmpf olt, %get3A_957, %scan3A_949 : vector<16xf32>
        %select_n3A_959 = arith.select %lt3A_958, %get3A_957, %scan3A_949 : vector<16xi1>, vector<16xf32>
        %select_n3A_960 = arith.select %lt3A_958, %scan3A_951, %scan3A_950 : vector<16xi1>, vector<16xi32>
        %add3A_961 = arith.constant 1 : i32
        %add3A_962 = vector.broadcast %add3A_961 : i32 to vector<16xi32>
        %add3A_963 = arith.addi %scan3A_951, %add3A_962 : vector<16xi32>
        %scan3A_964 = arith.constant 1 : i32
        %scan3A_965 = arith.addi %scan3A_948, %scan3A_964 : i32
        %get3A_966 = arith.constant 1 : i32
        %get3A_967 = arith.index_cast %get3A_966 : i32 to index
        %get3A_968 = arith.index_cast %scan3A_965 : i32 to index
        %get3A_969 = arith.constant 112 : index
        %get3A_970 = tpu.vector_load %arg4[%get3A_967, %get3A_968, %get3A_969] {strides = array<i32>} : memref<2x64x256xf32, #tpu.memory_space<vmem>>, vector<1x1x16xf32>,
        %get3A_971 = vector.shape_cast %get3A_970 : vector<1x1x16xf32> to vector<16xf32>
        %lt3A_972 = arith.cmpf olt, %get3A_971, %select_n3A_959 : vector<16xf32>
        %select_n3A_973 = arith.select %lt3A_972, %get3A_971, %select_n3A_959 : vector<16xi1>, vector<16xf32>
        %select_n3A_974 = arith.select %lt3A_972, %add3A_963, %select_n3A_960 : vector<16xi1>, vector<16xi32>
        %add3A_975 = arith.constant 1 : i32
        %add3A_976 = vector.broadcast %add3A_975 : i32 to vector<16xi32>
        %add3A_977 = arith.addi %add3A_963, %add3A_976 : vector<16xi32>
        %scan3A_978 = arith.constant 2 : i32
        %scan3A_979 = arith.addi %scan3A_948, %scan3A_978 : i32
        %get3A_980 = arith.constant 1 : i32
        %get3A_981 = arith.index_cast %get3A_980 : i32 to index
        %get3A_982 = arith.index_cast %scan3A_979 : i32 to index
        %get3A_983 = arith.constant 112 : index
        %get3A_984 = tpu.vector_load %arg4[%get3A_981, %get3A_982, %get3A_983] {strides = array<i32>} : memref<2x64x256xf32, #tpu.memory_space<vmem>>, vector<1x1x16xf32>,
        %get3A_985 = vector.shape_cast %get3A_984 : vector<1x1x16xf32> to vector<16xf32>
        %lt3A_986 = arith.cmpf olt, %get3A_985, %select_n3A_973 : vector<16xf32>
        %select_n3A_987 = arith.select %lt3A_986, %get3A_985, %select_n3A_973 : vector<16xi1>, vector<16xf32>
        %select_n3A_988 = arith.select %lt3A_986, %add3A_977, %select_n3A_974 : vector<16xi1>, vector<16xi32>
        %add3A_989 = arith.constant 1 : i32
        %add3A_990 = vector.broadcast %add3A_989 : i32 to vector<16xi32>
        %add3A_991 = arith.addi %add3A_977, %add3A_990 : vector<16xi32>
        %scan3A_992 = arith.constant 3 : i32
        %scan3A_993 = arith.addi %scan3A_948, %scan3A_992 : i32
        %get3A_994 = arith.constant 1 : i32
        %get3A_995 = arith.index_cast %get3A_994 : i32 to index
        %get3A_996 = arith.index_cast %scan3A_993 : i32 to index
        %get3A_997 = arith.constant 112 : index
        %get3A_998 = tpu.vector_load %arg4[%get3A_995, %get3A_996, %get3A_997] {strides = array<i32>} : memref<2x64x256xf32, #tpu.memory_space<vmem>>, vector<1x1x16xf32>,
        %get3A_999 = vector.shape_cast %get3A_998 : vector<1x1x16xf32> to vector<16xf32>
        %lt3A_1000 = arith.cmpf olt, %get3A_999, %select_n3A_987 : vector<16xf32>
        %select_n3A_1001 = arith.select %lt3A_1000, %get3A_999, %select_n3A_987 : vector<16xi1>, vector<16xf32>
        %select_n3A_1002 = arith.select %lt3A_1000, %add3A_991, %select_n3A_988 : vector<16xi1>, vector<16xi32>
        %add3A_1003 = arith.constant 1 : i32
        %add3A_1004 = vector.broadcast %add3A_1003 : i32 to vector<16xi32>
        %add3A_1005 = arith.addi %add3A_991, %add3A_1004 : vector<16xi32>
        %scan3A_1006 = arith.constant 4 : i32
        %scan3A_1007 = arith.addi %scan3A_948, %scan3A_1006 : i32
        %get3A_1008 = arith.constant 1 : i32
        %get3A_1009 = arith.index_cast %get3A_1008 : i32 to index
        %get3A_1010 = arith.index_cast %scan3A_1007 : i32 to index
        %get3A_1011 = arith.constant 112 : index
        %get3A_1012 = tpu.vector_load %arg4[%get3A_1009, %get3A_1010, %get3A_1011] {strides = array<i32>} : memref<2x64x256xf32, #tpu.memory_space<vmem>>, vector<1x1x16xf32>,
        %get3A_1013 = vector.shape_cast %get3A_1012 : vector<1x1x16xf32> to vector<16xf32>
        %lt3A_1014 = arith.cmpf olt, %get3A_1013, %select_n3A_1001 : vector<16xf32>
        %select_n3A_1015 = arith.select %lt3A_1014, %get3A_1013, %select_n3A_1001 : vector<16xi1>, vector<16xf32>
        %select_n3A_1016 = arith.select %lt3A_1014, %add3A_1005, %select_n3A_1002 : vector<16xi1>, vector<16xi32>
        %add3A_1017 = arith.constant 1 : i32
        %add3A_1018 = vector.broadcast %add3A_1017 : i32 to vector<16xi32>
        %add3A_1019 = arith.addi %add3A_1005, %add3A_1018 : vector<16xi32>
        %scan3A_1020 = arith.constant 5 : i32
        %scan3A_1021 = arith.addi %scan3A_948, %scan3A_1020 : i32
        %get3A_1022 = arith.constant 1 : i32
        %get3A_1023 = arith.index_cast %get3A_1022 : i32 to index
        %get3A_1024 = arith.index_cast %scan3A_1021 : i32 to index
        %get3A_1025 = arith.constant 112 : index
        %get3A_1026 = tpu.vector_load %arg4[%get3A_1023, %get3A_1024, %get3A_1025] {strides = array<i32>} : memref<2x64x256xf32, #tpu.memory_space<vmem>>, vector<1x1x16xf32>,
        %get3A_1027 = vector.shape_cast %get3A_1026 : vector<1x1x16xf32> to vector<16xf32>
        %lt3A_1028 = arith.cmpf olt, %get3A_1027, %select_n3A_1015 : vector<16xf32>
        %select_n3A_1029 = arith.select %lt3A_1028, %get3A_1027, %select_n3A_1015 : vector<16xi1>, vector<16xf32>
        %select_n3A_1030 = arith.select %lt3A_1028, %add3A_1019, %select_n3A_1016 : vector<16xi1>, vector<16xi32>
        %add3A_1031 = arith.constant 1 : i32
        %add3A_1032 = vector.broadcast %add3A_1031 : i32 to vector<16xi32>
        %add3A_1033 = arith.addi %add3A_1019, %add3A_1032 : vector<16xi32>
        %scan3A_1034 = arith.constant 6 : i32
        %scan3A_1035 = arith.addi %scan3A_948, %scan3A_1034 : i32
        %get3A_1036 = arith.constant 1 : i32
        %get3A_1037 = arith.index_cast %get3A_1036 : i32 to index
        %get3A_1038 = arith.index_cast %scan3A_1035 : i32 to index
        %get3A_1039 = arith.constant 112 : index
        %get3A_1040 = tpu.vector_load %arg4[%get3A_1037, %get3A_1038, %get3A_1039] {strides = array<i32>} : memref<2x64x256xf32, #tpu.memory_space<vmem>>, vector<1x1x16xf32>,
        %get3A_1041 = vector.shape_cast %get3A_1040 : vector<1x1x16xf32> to vector<16xf32>
        %lt3A_1042 = arith.cmpf olt, %get3A_1041, %select_n3A_1029 : vector<16xf32>
        %select_n3A_1043 = arith.select %lt3A_1042, %get3A_1041, %select_n3A_1029 : vector<16xi1>, vector<16xf32>
        %select_n3A_1044 = arith.select %lt3A_1042, %add3A_1033, %select_n3A_1030 : vector<16xi1>, vector<16xi32>
        %add3A_1045 = arith.constant 1 : i32
        %add3A_1046 = vector.broadcast %add3A_1045 : i32 to vector<16xi32>
        %add3A_1047 = arith.addi %add3A_1033, %add3A_1046 : vector<16xi32>
        %scan3A_1048 = arith.constant 7 : i32
        %scan3A_1049 = arith.addi %scan3A_948, %scan3A_1048 : i32
        %get3A_1050 = arith.constant 1 : i32
        %get3A_1051 = arith.index_cast %get3A_1050 : i32 to index
        %get3A_1052 = arith.index_cast %scan3A_1049 : i32 to index
        %get3A_1053 = arith.constant 112 : index
        %get3A_1054 = tpu.vector_load %arg4[%get3A_1051, %get3A_1052, %get3A_1053] {strides = array<i32>} : memref<2x64x256xf32, #tpu.memory_space<vmem>>, vector<1x1x16xf32>,
        %get3A_1055 = vector.shape_cast %get3A_1054 : vector<1x1x16xf32> to vector<16xf32>
        %lt3A_1056 = arith.cmpf olt, %get3A_1055, %select_n3A_1043 : vector<16xf32>
        %select_n3A_1057 = arith.select %lt3A_1056, %get3A_1055, %select_n3A_1043 : vector<16xi1>, vector<16xf32>
        %select_n3A_1058 = arith.select %lt3A_1056, %add3A_1047, %select_n3A_1044 : vector<16xi1>, vector<16xi32>
        %add3A_1059 = arith.constant 1 : i32
        %add3A_1060 = vector.broadcast %add3A_1059 : i32 to vector<16xi32>
        %add3A_1061 = arith.addi %add3A_1047, %add3A_1060 : vector<16xi32>
        scf.yield %select_n3A_1057, %select_n3A_1058, %add3A_1061 : vector<16xf32>, vector<16xi32>, vector<16xi32>
      }
      %scan3A_778 = arith.constant 64 : i32
      %swap3A_779 = arith.constant 112 : index
      %swap3A_780 = tpu.vector_load %arg5[%swap3A_779] {strides = array<i32>} : memref<256xf32, #tpu.memory_space<vmem>>, vector<16xf32>,
      %swap3A_781 = vector.shape_cast %swap3A_780 : vector<16xf32> to vector<16xf32>
      %swap3A_782 = vector.shape_cast %scan3A_777#0 : vector<16xf32> to vector<16xf32>
      tpu.vector_store %arg5[%swap3A_779], %swap3A_782 {strides = array<i32>} : memref<256xf32, #tpu.memory_space<vmem>>, vector<16xf32>,
      %swap3A_783 = arith.constant 112 : index
      %swap3A_784 = tpu.vector_load %arg6[%swap3A_783] {strides = array<i32>} : memref<256xi32, #tpu.memory_space<vmem>>, vector<16xi32>,
      %swap3A_785 = vector.shape_cast %swap3A_784 : vector<16xi32> to vector<16xi32>
      %swap3A_786 = vector.shape_cast %scan3A_777#1 : vector<16xi32> to vector<16xi32>
      tpu.vector_store %arg6[%swap3A_783], %swap3A_786 {strides = array<i32>} : memref<256xi32, #tpu.memory_space<vmem>>, vector<16xi32>,
      %get3A_787 = arith.constant 128 : index
      %get3A_788 = tpu.vector_load %arg5[%get3A_787] {strides = array<i32>} : memref<256xf32, #tpu.memory_space<vmem>>, vector<16xf32>,
      %get3A_789 = vector.shape_cast %get3A_788 : vector<16xf32> to vector<16xf32>
      %get3A_790 = arith.constant 128 : index
      %get3A_791 = tpu.vector_load %arg6[%get3A_790] {strides = array<i32>} : memref<256xi32, #tpu.memory_space<vmem>>, vector<16xi32>,
      %get3A_792 = vector.shape_cast %get3A_791 : vector<16xi32> to vector<16xi32>
      %scan3A_793 = arith.constant 0 : i32
      %scan3A_794 = arith.constant 64 : i32
      %scan3A_795 = arith.addi %scan3A_793, %scan3A_794 : i32
      %scan3A_796 = arith.constant 8 : i32
      %scan3A_797:3 = scf.for %scan3A_948 = %scan3A_793 to %scan3A_795 step %scan3A_796 iter_args(%scan3A_949 = %get3A_789, %scan3A_950 = %get3A_792, %scan3A_951 = %broadcast_in_dim3A_626) -> (vector<16xf32>, vector<16xi32>, vector<16xi32>)  : i32 {
        %get3A_952 = arith.constant 1 : i32
        %get3A_953 = arith.index_cast %get3A_952 : i32 to index
        %get3A_954 = arith.index_cast %scan3A_948 : i32 to index
        %get3A_955 = arith.constant 128 : index
        %get3A_956 = tpu.vector_load %arg4[%get3A_953, %get3A_954, %get3A_955] {strides = array<i32>} : memref<2x64x256xf32, #tpu.memory_space<vmem>>, vector<1x1x16xf32>,
        %get3A_957 = vector.shape_cast %get3A_956 : vector<1x1x16xf32> to vector<16xf32>
        %lt3A_958 = arith.cmpf olt, %get3A_957, %scan3A_949 : vector<16xf32>
        %select_n3A_959 = arith.select %lt3A_958, %get3A_957, %scan3A_949 : vector<16xi1>, vector<16xf32>
        %select_n3A_960 = arith.select %lt3A_958, %scan3A_951, %scan3A_950 : vector<16xi1>, vector<16xi32>
        %add3A_961 = arith.constant 1 : i32
        %add3A_962 = vector.broadcast %add3A_961 : i32 to vector<16xi32>
        %add3A_963 = arith.addi %scan3A_951, %add3A_962 : vector<16xi32>
        %scan3A_964 = arith.constant 1 : i32
        %scan3A_965 = arith.addi %scan3A_948, %scan3A_964 : i32
        %get3A_966 = arith.constant 1 : i32
        %get3A_967 = arith.index_cast %get3A_966 : i32 to index
        %get3A_968 = arith.index_cast %scan3A_965 : i32 to index
        %get3A_969 = arith.constant 128 : index
        %get3A_970 = tpu.vector_load %arg4[%get3A_967, %get3A_968, %get3A_969] {strides = array<i32>} : memref<2x64x256xf32, #tpu.memory_space<vmem>>, vector<1x1x16xf32>,
        %get3A_971 = vector.shape_cast %get3A_970 : vector<1x1x16xf32> to vector<16xf32>
        %lt3A_972 = arith.cmpf olt, %get3A_971, %select_n3A_959 : vector<16xf32>
        %select_n3A_973 = arith.select %lt3A_972, %get3A_971, %select_n3A_959 : vector<16xi1>, vector<16xf32>
        %select_n3A_974 = arith.select %lt3A_972, %add3A_963, %select_n3A_960 : vector<16xi1>, vector<16xi32>
        %add3A_975 = arith.constant 1 : i32
        %add3A_976 = vector.broadcast %add3A_975 : i32 to vector<16xi32>
        %add3A_977 = arith.addi %add3A_963, %add3A_976 : vector<16xi32>
        %scan3A_978 = arith.constant 2 : i32
        %scan3A_979 = arith.addi %scan3A_948, %scan3A_978 : i32
        %get3A_980 = arith.constant 1 : i32
        %get3A_981 = arith.index_cast %get3A_980 : i32 to index
        %get3A_982 = arith.index_cast %scan3A_979 : i32 to index
        %get3A_983 = arith.constant 128 : index
        %get3A_984 = tpu.vector_load %arg4[%get3A_981, %get3A_982, %get3A_983] {strides = array<i32>} : memref<2x64x256xf32, #tpu.memory_space<vmem>>, vector<1x1x16xf32>,
        %get3A_985 = vector.shape_cast %get3A_984 : vector<1x1x16xf32> to vector<16xf32>
        %lt3A_986 = arith.cmpf olt, %get3A_985, %select_n3A_973 : vector<16xf32>
        %select_n3A_987 = arith.select %lt3A_986, %get3A_985, %select_n3A_973 : vector<16xi1>, vector<16xf32>
        %select_n3A_988 = arith.select %lt3A_986, %add3A_977, %select_n3A_974 : vector<16xi1>, vector<16xi32>
        %add3A_989 = arith.constant 1 : i32
        %add3A_990 = vector.broadcast %add3A_989 : i32 to vector<16xi32>
        %add3A_991 = arith.addi %add3A_977, %add3A_990 : vector<16xi32>
        %scan3A_992 = arith.constant 3 : i32
        %scan3A_993 = arith.addi %scan3A_948, %scan3A_992 : i32
        %get3A_994 = arith.constant 1 : i32
        %get3A_995 = arith.index_cast %get3A_994 : i32 to index
        %get3A_996 = arith.index_cast %scan3A_993 : i32 to index
        %get3A_997 = arith.constant 128 : index
        %get3A_998 = tpu.vector_load %arg4[%get3A_995, %get3A_996, %get3A_997] {strides = array<i32>} : memref<2x64x256xf32, #tpu.memory_space<vmem>>, vector<1x1x16xf32>,
        %get3A_999 = vector.shape_cast %get3A_998 : vector<1x1x16xf32> to vector<16xf32>
        %lt3A_1000 = arith.cmpf olt, %get3A_999, %select_n3A_987 : vector<16xf32>
        %select_n3A_1001 = arith.select %lt3A_1000, %get3A_999, %select_n3A_987 : vector<16xi1>, vector<16xf32>
        %select_n3A_1002 = arith.select %lt3A_1000, %add3A_991, %select_n3A_988 : vector<16xi1>, vector<16xi32>
        %add3A_1003 = arith.constant 1 : i32
        %add3A_1004 = vector.broadcast %add3A_1003 : i32 to vector<16xi32>
        %add3A_1005 = arith.addi %add3A_991, %add3A_1004 : vector<16xi32>
        %scan3A_1006 = arith.constant 4 : i32
        %scan3A_1007 = arith.addi %scan3A_948, %scan3A_1006 : i32
        %get3A_1008 = arith.constant 1 : i32
        %get3A_1009 = arith.index_cast %get3A_1008 : i32 to index
        %get3A_1010 = arith.index_cast %scan3A_1007 : i32 to index
        %get3A_1011 = arith.constant 128 : index
        %get3A_1012 = tpu.vector_load %arg4[%get3A_1009, %get3A_1010, %get3A_1011] {strides = array<i32>} : memref<2x64x256xf32, #tpu.memory_space<vmem>>, vector<1x1x16xf32>,
        %get3A_1013 = vector.shape_cast %get3A_1012 : vector<1x1x16xf32> to vector<16xf32>
        %lt3A_1014 = arith.cmpf olt, %get3A_1013, %select_n3A_1001 : vector<16xf32>
        %select_n3A_1015 = arith.select %lt3A_1014, %get3A_1013, %select_n3A_1001 : vector<16xi1>, vector<16xf32>
        %select_n3A_1016 = arith.select %lt3A_1014, %add3A_1005, %select_n3A_1002 : vector<16xi1>, vector<16xi32>
        %add3A_1017 = arith.constant 1 : i32
        %add3A_1018 = vector.broadcast %add3A_1017 : i32 to vector<16xi32>
        %add3A_1019 = arith.addi %add3A_1005, %add3A_1018 : vector<16xi32>
        %scan3A_1020 = arith.constant 5 : i32
        %scan3A_1021 = arith.addi %scan3A_948, %scan3A_1020 : i32
        %get3A_1022 = arith.constant 1 : i32
        %get3A_1023 = arith.index_cast %get3A_1022 : i32 to index
        %get3A_1024 = arith.index_cast %scan3A_1021 : i32 to index
        %get3A_1025 = arith.constant 128 : index
        %get3A_1026 = tpu.vector_load %arg4[%get3A_1023, %get3A_1024, %get3A_1025] {strides = array<i32>} : memref<2x64x256xf32, #tpu.memory_space<vmem>>, vector<1x1x16xf32>,
        %get3A_1027 = vector.shape_cast %get3A_1026 : vector<1x1x16xf32> to vector<16xf32>
        %lt3A_1028 = arith.cmpf olt, %get3A_1027, %select_n3A_1015 : vector<16xf32>
        %select_n3A_1029 = arith.select %lt3A_1028, %get3A_1027, %select_n3A_1015 : vector<16xi1>, vector<16xf32>
        %select_n3A_1030 = arith.select %lt3A_1028, %add3A_1019, %select_n3A_1016 : vector<16xi1>, vector<16xi32>
        %add3A_1031 = arith.constant 1 : i32
        %add3A_1032 = vector.broadcast %add3A_1031 : i32 to vector<16xi32>
        %add3A_1033 = arith.addi %add3A_1019, %add3A_1032 : vector<16xi32>
        %scan3A_1034 = arith.constant 6 : i32
        %scan3A_1035 = arith.addi %scan3A_948, %scan3A_1034 : i32
        %get3A_1036 = arith.constant 1 : i32
        %get3A_1037 = arith.index_cast %get3A_1036 : i32 to index
        %get3A_1038 = arith.index_cast %scan3A_1035 : i32 to index
        %get3A_1039 = arith.constant 128 : index
        %get3A_1040 = tpu.vector_load %arg4[%get3A_1037, %get3A_1038, %get3A_1039] {strides = array<i32>} : memref<2x64x256xf32, #tpu.memory_space<vmem>>, vector<1x1x16xf32>,
        %get3A_1041 = vector.shape_cast %get3A_1040 : vector<1x1x16xf32> to vector<16xf32>
        %lt3A_1042 = arith.cmpf olt, %get3A_1041, %select_n3A_1029 : vector<16xf32>
        %select_n3A_1043 = arith.select %lt3A_1042, %get3A_1041, %select_n3A_1029 : vector<16xi1>, vector<16xf32>
        %select_n3A_1044 = arith.select %lt3A_1042, %add3A_1033, %select_n3A_1030 : vector<16xi1>, vector<16xi32>
        %add3A_1045 = arith.constant 1 : i32
        %add3A_1046 = vector.broadcast %add3A_1045 : i32 to vector<16xi32>
        %add3A_1047 = arith.addi %add3A_1033, %add3A_1046 : vector<16xi32>
        %scan3A_1048 = arith.constant 7 : i32
        %scan3A_1049 = arith.addi %scan3A_948, %scan3A_1048 : i32
        %get3A_1050 = arith.constant 1 : i32
        %get3A_1051 = arith.index_cast %get3A_1050 : i32 to index
        %get3A_1052 = arith.index_cast %scan3A_1049 : i32 to index
        %get3A_1053 = arith.constant 128 : index
        %get3A_1054 = tpu.vector_load %arg4[%get3A_1051, %get3A_1052, %get3A_1053] {strides = array<i32>} : memref<2x64x256xf32, #tpu.memory_space<vmem>>, vector<1x1x16xf32>,
        %get3A_1055 = vector.shape_cast %get3A_1054 : vector<1x1x16xf32> to vector<16xf32>
        %lt3A_1056 = arith.cmpf olt, %get3A_1055, %select_n3A_1043 : vector<16xf32>
        %select_n3A_1057 = arith.select %lt3A_1056, %get3A_1055, %select_n3A_1043 : vector<16xi1>, vector<16xf32>
        %select_n3A_1058 = arith.select %lt3A_1056, %add3A_1047, %select_n3A_1044 : vector<16xi1>, vector<16xi32>
        %add3A_1059 = arith.constant 1 : i32
        %add3A_1060 = vector.broadcast %add3A_1059 : i32 to vector<16xi32>
        %add3A_1061 = arith.addi %add3A_1047, %add3A_1060 : vector<16xi32>
        scf.yield %select_n3A_1057, %select_n3A_1058, %add3A_1061 : vector<16xf32>, vector<16xi32>, vector<16xi32>
      }
      %scan3A_798 = arith.constant 64 : i32
      %swap3A_799 = arith.constant 128 : index
      %swap3A_800 = tpu.vector_load %arg5[%swap3A_799] {strides = array<i32>} : memref<256xf32, #tpu.memory_space<vmem>>, vector<16xf32>,
      %swap3A_801 = vector.shape_cast %swap3A_800 : vector<16xf32> to vector<16xf32>
      %swap3A_802 = vector.shape_cast %scan3A_797#0 : vector<16xf32> to vector<16xf32>
      tpu.vector_store %arg5[%swap3A_799], %swap3A_802 {strides = array<i32>} : memref<256xf32, #tpu.memory_space<vmem>>, vector<16xf32>,
      %swap3A_803 = arith.constant 128 : index
      %swap3A_804 = tpu.vector_load %arg6[%swap3A_803] {strides = array<i32>} : memref<256xi32, #tpu.memory_space<vmem>>, vector<16xi32>,
      %swap3A_805 = vector.shape_cast %swap3A_804 : vector<16xi32> to vector<16xi32>
      %swap3A_806 = vector.shape_cast %scan3A_797#1 : vector<16xi32> to vector<16xi32>
      tpu.vector_store %arg6[%swap3A_803], %swap3A_806 {strides = array<i32>} : memref<256xi32, #tpu.memory_space<vmem>>, vector<16xi32>,
      %get3A_807 = arith.constant 144 : index
      %get3A_808 = tpu.vector_load %arg5[%get3A_807] {strides = array<i32>} : memref<256xf32, #tpu.memory_space<vmem>>, vector<16xf32>,
      %get3A_809 = vector.shape_cast %get3A_808 : vector<16xf32> to vector<16xf32>
      %get3A_810 = arith.constant 144 : index
      %get3A_811 = tpu.vector_load %arg6[%get3A_810] {strides = array<i32>} : memref<256xi32, #tpu.memory_space<vmem>>, vector<16xi32>,
      %get3A_812 = vector.shape_cast %get3A_811 : vector<16xi32> to vector<16xi32>
      %scan3A_813 = arith.constant 0 : i32
      %scan3A_814 = arith.constant 64 : i32
      %scan3A_815 = arith.addi %scan3A_813, %scan3A_814 : i32
      %scan3A_816 = arith.constant 8 : i32
      %scan3A_817:3 = scf.for %scan3A_948 = %scan3A_813 to %scan3A_815 step %scan3A_816 iter_args(%scan3A_949 = %get3A_809, %scan3A_950 = %get3A_812, %scan3A_951 = %broadcast_in_dim3A_626) -> (vector<16xf32>, vector<16xi32>, vector<16xi32>)  : i32 {
        %get3A_952 = arith.constant 1 : i32
        %get3A_953 = arith.index_cast %get3A_952 : i32 to index
        %get3A_954 = arith.index_cast %scan3A_948 : i32 to index
        %get3A_955 = arith.constant 144 : index
        %get3A_956 = tpu.vector_load %arg4[%get3A_953, %get3A_954, %get3A_955] {strides = array<i32>} : memref<2x64x256xf32, #tpu.memory_space<vmem>>, vector<1x1x16xf32>,
        %get3A_957 = vector.shape_cast %get3A_956 : vector<1x1x16xf32> to vector<16xf32>
        %lt3A_958 = arith.cmpf olt, %get3A_957, %scan3A_949 : vector<16xf32>
        %select_n3A_959 = arith.select %lt3A_958, %get3A_957, %scan3A_949 : vector<16xi1>, vector<16xf32>
        %select_n3A_960 = arith.select %lt3A_958, %scan3A_951, %scan3A_950 : vector<16xi1>, vector<16xi32>
        %add3A_961 = arith.constant 1 : i32
        %add3A_962 = vector.broadcast %add3A_961 : i32 to vector<16xi32>
        %add3A_963 = arith.addi %scan3A_951, %add3A_962 : vector<16xi32>
        %scan3A_964 = arith.constant 1 : i32
        %scan3A_965 = arith.addi %scan3A_948, %scan3A_964 : i32
        %get3A_966 = arith.constant 1 : i32
        %get3A_967 = arith.index_cast %get3A_966 : i32 to index
        %get3A_968 = arith.index_cast %scan3A_965 : i32 to index
        %get3A_969 = arith.constant 144 : index
        %get3A_970 = tpu.vector_load %arg4[%get3A_967, %get3A_968, %get3A_969] {strides = array<i32>} : memref<2x64x256xf32, #tpu.memory_space<vmem>>, vector<1x1x16xf32>,
        %get3A_971 = vector.shape_cast %get3A_970 : vector<1x1x16xf32> to vector<16xf32>
        %lt3A_972 = arith.cmpf olt, %get3A_971, %select_n3A_959 : vector<16xf32>
        %select_n3A_973 = arith.select %lt3A_972, %get3A_971, %select_n3A_959 : vector<16xi1>, vector<16xf32>
        %select_n3A_974 = arith.select %lt3A_972, %add3A_963, %select_n3A_960 : vector<16xi1>, vector<16xi32>
        %add3A_975 = arith.constant 1 : i32
        %add3A_976 = vector.broadcast %add3A_975 : i32 to vector<16xi32>
        %add3A_977 = arith.addi %add3A_963, %add3A_976 : vector<16xi32>
        %scan3A_978 = arith.constant 2 : i32
        %scan3A_979 = arith.addi %scan3A_948, %scan3A_978 : i32
        %get3A_980 = arith.constant 1 : i32
        %get3A_981 = arith.index_cast %get3A_980 : i32 to index
        %get3A_982 = arith.index_cast %scan3A_979 : i32 to index
        %get3A_983 = arith.constant 144 : index
        %get3A_984 = tpu.vector_load %arg4[%get3A_981, %get3A_982, %get3A_983] {strides = array<i32>} : memref<2x64x256xf32, #tpu.memory_space<vmem>>, vector<1x1x16xf32>,
        %get3A_985 = vector.shape_cast %get3A_984 : vector<1x1x16xf32> to vector<16xf32>
        %lt3A_986 = arith.cmpf olt, %get3A_985, %select_n3A_973 : vector<16xf32>
        %select_n3A_987 = arith.select %lt3A_986, %get3A_985, %select_n3A_973 : vector<16xi1>, vector<16xf32>
        %select_n3A_988 = arith.select %lt3A_986, %add3A_977, %select_n3A_974 : vector<16xi1>, vector<16xi32>
        %add3A_989 = arith.constant 1 : i32
        %add3A_990 = vector.broadcast %add3A_989 : i32 to vector<16xi32>
        %add3A_991 = arith.addi %add3A_977, %add3A_990 : vector<16xi32>
        %scan3A_992 = arith.constant 3 : i32
        %scan3A_993 = arith.addi %scan3A_948, %scan3A_992 : i32
        %get3A_994 = arith.constant 1 : i32
        %get3A_995 = arith.index_cast %get3A_994 : i32 to index
        %get3A_996 = arith.index_cast %scan3A_993 : i32 to index
        %get3A_997 = arith.constant 144 : index
        %get3A_998 = tpu.vector_load %arg4[%get3A_995, %get3A_996, %get3A_997] {strides = array<i32>} : memref<2x64x256xf32, #tpu.memory_space<vmem>>, vector<1x1x16xf32>,
        %get3A_999 = vector.shape_cast %get3A_998 : vector<1x1x16xf32> to vector<16xf32>
        %lt3A_1000 = arith.cmpf olt, %get3A_999, %select_n3A_987 : vector<16xf32>
        %select_n3A_1001 = arith.select %lt3A_1000, %get3A_999, %select_n3A_987 : vector<16xi1>, vector<16xf32>
        %select_n3A_1002 = arith.select %lt3A_1000, %add3A_991, %select_n3A_988 : vector<16xi1>, vector<16xi32>
        %add3A_1003 = arith.constant 1 : i32
        %add3A_1004 = vector.broadcast %add3A_1003 : i32 to vector<16xi32>
        %add3A_1005 = arith.addi %add3A_991, %add3A_1004 : vector<16xi32>
        %scan3A_1006 = arith.constant 4 : i32
        %scan3A_1007 = arith.addi %scan3A_948, %scan3A_1006 : i32
        %get3A_1008 = arith.constant 1 : i32
        %get3A_1009 = arith.index_cast %get3A_1008 : i32 to index
        %get3A_1010 = arith.index_cast %scan3A_1007 : i32 to index
        %get3A_1011 = arith.constant 144 : index
        %get3A_1012 = tpu.vector_load %arg4[%get3A_1009, %get3A_1010, %get3A_1011] {strides = array<i32>} : memref<2x64x256xf32, #tpu.memory_space<vmem>>, vector<1x1x16xf32>,
        %get3A_1013 = vector.shape_cast %get3A_1012 : vector<1x1x16xf32> to vector<16xf32>
        %lt3A_1014 = arith.cmpf olt, %get3A_1013, %select_n3A_1001 : vector<16xf32>
        %select_n3A_1015 = arith.select %lt3A_1014, %get3A_1013, %select_n3A_1001 : vector<16xi1>, vector<16xf32>
        %select_n3A_1016 = arith.select %lt3A_1014, %add3A_1005, %select_n3A_1002 : vector<16xi1>, vector<16xi32>
        %add3A_1017 = arith.constant 1 : i32
        %add3A_1018 = vector.broadcast %add3A_1017 : i32 to vector<16xi32>
        %add3A_1019 = arith.addi %add3A_1005, %add3A_1018 : vector<16xi32>
        %scan3A_1020 = arith.constant 5 : i32
        %scan3A_1021 = arith.addi %scan3A_948, %scan3A_1020 : i32
        %get3A_1022 = arith.constant 1 : i32
        %get3A_1023 = arith.index_cast %get3A_1022 : i32 to index
        %get3A_1024 = arith.index_cast %scan3A_1021 : i32 to index
        %get3A_1025 = arith.constant 144 : index
        %get3A_1026 = tpu.vector_load %arg4[%get3A_1023, %get3A_1024, %get3A_1025] {strides = array<i32>} : memref<2x64x256xf32, #tpu.memory_space<vmem>>, vector<1x1x16xf32>,
        %get3A_1027 = vector.shape_cast %get3A_1026 : vector<1x1x16xf32> to vector<16xf32>
        %lt3A_1028 = arith.cmpf olt, %get3A_1027, %select_n3A_1015 : vector<16xf32>
        %select_n3A_1029 = arith.select %lt3A_1028, %get3A_1027, %select_n3A_1015 : vector<16xi1>, vector<16xf32>
        %select_n3A_1030 = arith.select %lt3A_1028, %add3A_1019, %select_n3A_1016 : vector<16xi1>, vector<16xi32>
        %add3A_1031 = arith.constant 1 : i32
        %add3A_1032 = vector.broadcast %add3A_1031 : i32 to vector<16xi32>
        %add3A_1033 = arith.addi %add3A_1019, %add3A_1032 : vector<16xi32>
        %scan3A_1034 = arith.constant 6 : i32
        %scan3A_1035 = arith.addi %scan3A_948, %scan3A_1034 : i32
        %get3A_1036 = arith.constant 1 : i32
        %get3A_1037 = arith.index_cast %get3A_1036 : i32 to index
        %get3A_1038 = arith.index_cast %scan3A_1035 : i32 to index
        %get3A_1039 = arith.constant 144 : index
        %get3A_1040 = tpu.vector_load %arg4[%get3A_1037, %get3A_1038, %get3A_1039] {strides = array<i32>} : memref<2x64x256xf32, #tpu.memory_space<vmem>>, vector<1x1x16xf32>,
        %get3A_1041 = vector.shape_cast %get3A_1040 : vector<1x1x16xf32> to vector<16xf32>
        %lt3A_1042 = arith.cmpf olt, %get3A_1041, %select_n3A_1029 : vector<16xf32>
        %select_n3A_1043 = arith.select %lt3A_1042, %get3A_1041, %select_n3A_1029 : vector<16xi1>, vector<16xf32>
        %select_n3A_1044 = arith.select %lt3A_1042, %add3A_1033, %select_n3A_1030 : vector<16xi1>, vector<16xi32>
        %add3A_1045 = arith.constant 1 : i32
        %add3A_1046 = vector.broadcast %add3A_1045 : i32 to vector<16xi32>
        %add3A_1047 = arith.addi %add3A_1033, %add3A_1046 : vector<16xi32>
        %scan3A_1048 = arith.constant 7 : i32
        %scan3A_1049 = arith.addi %scan3A_948, %scan3A_1048 : i32
        %get3A_1050 = arith.constant 1 : i32
        %get3A_1051 = arith.index_cast %get3A_1050 : i32 to index
        %get3A_1052 = arith.index_cast %scan3A_1049 : i32 to index
        %get3A_1053 = arith.constant 144 : index
        %get3A_1054 = tpu.vector_load %arg4[%get3A_1051, %get3A_1052, %get3A_1053] {strides = array<i32>} : memref<2x64x256xf32, #tpu.memory_space<vmem>>, vector<1x1x16xf32>,
        %get3A_1055 = vector.shape_cast %get3A_1054 : vector<1x1x16xf32> to vector<16xf32>
        %lt3A_1056 = arith.cmpf olt, %get3A_1055, %select_n3A_1043 : vector<16xf32>
        %select_n3A_1057 = arith.select %lt3A_1056, %get3A_1055, %select_n3A_1043 : vector<16xi1>, vector<16xf32>
        %select_n3A_1058 = arith.select %lt3A_1056, %add3A_1047, %select_n3A_1044 : vector<16xi1>, vector<16xi32>
        %add3A_1059 = arith.constant 1 : i32
        %add3A_1060 = vector.broadcast %add3A_1059 : i32 to vector<16xi32>
        %add3A_1061 = arith.addi %add3A_1047, %add3A_1060 : vector<16xi32>
        scf.yield %select_n3A_1057, %select_n3A_1058, %add3A_1061 : vector<16xf32>, vector<16xi32>, vector<16xi32>
      }
      %scan3A_818 = arith.constant 64 : i32
      %swap3A_819 = arith.constant 144 : index
      %swap3A_820 = tpu.vector_load %arg5[%swap3A_819] {strides = array<i32>} : memref<256xf32, #tpu.memory_space<vmem>>, vector<16xf32>,
      %swap3A_821 = vector.shape_cast %swap3A_820 : vector<16xf32> to vector<16xf32>
      %swap3A_822 = vector.shape_cast %scan3A_817#0 : vector<16xf32> to vector<16xf32>
      tpu.vector_store %arg5[%swap3A_819], %swap3A_822 {strides = array<i32>} : memref<256xf32, #tpu.memory_space<vmem>>, vector<16xf32>,
      %swap3A_823 = arith.constant 144 : index
      %swap3A_824 = tpu.vector_load %arg6[%swap3A_823] {strides = array<i32>} : memref<256xi32, #tpu.memory_space<vmem>>, vector<16xi32>,
      %swap3A_825 = vector.shape_cast %swap3A_824 : vector<16xi32> to vector<16xi32>
      %swap3A_826 = vector.shape_cast %scan3A_817#1 : vector<16xi32> to vector<16xi32>
      tpu.vector_store %arg6[%swap3A_823], %swap3A_826 {strides = array<i32>} : memref<256xi32, #tpu.memory_space<vmem>>, vector<16xi32>,
      %get3A_827 = arith.constant 160 : index
      %get3A_828 = tpu.vector_load %arg5[%get3A_827] {strides = array<i32>} : memref<256xf32, #tpu.memory_space<vmem>>, vector<16xf32>,
      %get3A_829 = vector.shape_cast %get3A_828 : vector<16xf32> to vector<16xf32>
      %get3A_830 = arith.constant 160 : index
      %get3A_831 = tpu.vector_load %arg6[%get3A_830] {strides = array<i32>} : memref<256xi32, #tpu.memory_space<vmem>>, vector<16xi32>,
      %get3A_832 = vector.shape_cast %get3A_831 : vector<16xi32> to vector<16xi32>
      %scan3A_833 = arith.constant 0 : i32
      %scan3A_834 = arith.constant 64 : i32
      %scan3A_835 = arith.addi %scan3A_833, %scan3A_834 : i32
      %scan3A_836 = arith.constant 8 : i32
      %scan3A_837:3 = scf.for %scan3A_948 = %scan3A_833 to %scan3A_835 step %scan3A_836 iter_args(%scan3A_949 = %get3A_829, %scan3A_950 = %get3A_832, %scan3A_951 = %broadcast_in_dim3A_626) -> (vector<16xf32>, vector<16xi32>, vector<16xi32>)  : i32 {
        %get3A_952 = arith.constant 1 : i32
        %get3A_953 = arith.index_cast %get3A_952 : i32 to index
        %get3A_954 = arith.index_cast %scan3A_948 : i32 to index
        %get3A_955 = arith.constant 160 : index
        %get3A_956 = tpu.vector_load %arg4[%get3A_953, %get3A_954, %get3A_955] {strides = array<i32>} : memref<2x64x256xf32, #tpu.memory_space<vmem>>, vector<1x1x16xf32>,
        %get3A_957 = vector.shape_cast %get3A_956 : vector<1x1x16xf32> to vector<16xf32>
        %lt3A_958 = arith.cmpf olt, %get3A_957, %scan3A_949 : vector<16xf32>
        %select_n3A_959 = arith.select %lt3A_958, %get3A_957, %scan3A_949 : vector<16xi1>, vector<16xf32>
        %select_n3A_960 = arith.select %lt3A_958, %scan3A_951, %scan3A_950 : vector<16xi1>, vector<16xi32>
        %add3A_961 = arith.constant 1 : i32
        %add3A_962 = vector.broadcast %add3A_961 : i32 to vector<16xi32>
        %add3A_963 = arith.addi %scan3A_951, %add3A_962 : vector<16xi32>
        %scan3A_964 = arith.constant 1 : i32
        %scan3A_965 = arith.addi %scan3A_948, %scan3A_964 : i32
        %get3A_966 = arith.constant 1 : i32
        %get3A_967 = arith.index_cast %get3A_966 : i32 to index
        %get3A_968 = arith.index_cast %scan3A_965 : i32 to index
        %get3A_969 = arith.constant 160 : index
        %get3A_970 = tpu.vector_load %arg4[%get3A_967, %get3A_968, %get3A_969] {strides = array<i32>} : memref<2x64x256xf32, #tpu.memory_space<vmem>>, vector<1x1x16xf32>,
        %get3A_971 = vector.shape_cast %get3A_970 : vector<1x1x16xf32> to vector<16xf32>
        %lt3A_972 = arith.cmpf olt, %get3A_971, %select_n3A_959 : vector<16xf32>
        %select_n3A_973 = arith.select %lt3A_972, %get3A_971, %select_n3A_959 : vector<16xi1>, vector<16xf32>
        %select_n3A_974 = arith.select %lt3A_972, %add3A_963, %select_n3A_960 : vector<16xi1>, vector<16xi32>
        %add3A_975 = arith.constant 1 : i32
        %add3A_976 = vector.broadcast %add3A_975 : i32 to vector<16xi32>
        %add3A_977 = arith.addi %add3A_963, %add3A_976 : vector<16xi32>
        %scan3A_978 = arith.constant 2 : i32
        %scan3A_979 = arith.addi %scan3A_948, %scan3A_978 : i32
        %get3A_980 = arith.constant 1 : i32
        %get3A_981 = arith.index_cast %get3A_980 : i32 to index
        %get3A_982 = arith.index_cast %scan3A_979 : i32 to index
        %get3A_983 = arith.constant 160 : index
        %get3A_984 = tpu.vector_load %arg4[%get3A_981, %get3A_982, %get3A_983] {strides = array<i32>} : memref<2x64x256xf32, #tpu.memory_space<vmem>>, vector<1x1x16xf32>,
        %get3A_985 = vector.shape_cast %get3A_984 : vector<1x1x16xf32> to vector<16xf32>
        %lt3A_986 = arith.cmpf olt, %get3A_985, %select_n3A_973 : vector<16xf32>
        %select_n3A_987 = arith.select %lt3A_986, %get3A_985, %select_n3A_973 : vector<16xi1>, vector<16xf32>
        %select_n3A_988 = arith.select %lt3A_986, %add3A_977, %select_n3A_974 : vector<16xi1>, vector<16xi32>
        %add3A_989 = arith.constant 1 : i32
        %add3A_990 = vector.broadcast %add3A_989 : i32 to vector<16xi32>
        %add3A_991 = arith.addi %add3A_977, %add3A_990 : vector<16xi32>
        %scan3A_992 = arith.constant 3 : i32
        %scan3A_993 = arith.addi %scan3A_948, %scan3A_992 : i32
        %get3A_994 = arith.constant 1 : i32
        %get3A_995 = arith.index_cast %get3A_994 : i32 to index
        %get3A_996 = arith.index_cast %scan3A_993 : i32 to index
        %get3A_997 = arith.constant 160 : index
        %get3A_998 = tpu.vector_load %arg4[%get3A_995, %get3A_996, %get3A_997] {strides = array<i32>} : memref<2x64x256xf32, #tpu.memory_space<vmem>>, vector<1x1x16xf32>,
        %get3A_999 = vector.shape_cast %get3A_998 : vector<1x1x16xf32> to vector<16xf32>
        %lt3A_1000 = arith.cmpf olt, %get3A_999, %select_n3A_987 : vector<16xf32>
        %select_n3A_1001 = arith.select %lt3A_1000, %get3A_999, %select_n3A_987 : vector<16xi1>, vector<16xf32>
        %select_n3A_1002 = arith.select %lt3A_1000, %add3A_991, %select_n3A_988 : vector<16xi1>, vector<16xi32>
        %add3A_1003 = arith.constant 1 : i32
        %add3A_1004 = vector.broadcast %add3A_1003 : i32 to vector<16xi32>
        %add3A_1005 = arith.addi %add3A_991, %add3A_1004 : vector<16xi32>
        %scan3A_1006 = arith.constant 4 : i32
        %scan3A_1007 = arith.addi %scan3A_948, %scan3A_1006 : i32
        %get3A_1008 = arith.constant 1 : i32
        %get3A_1009 = arith.index_cast %get3A_1008 : i32 to index
        %get3A_1010 = arith.index_cast %scan3A_1007 : i32 to index
        %get3A_1011 = arith.constant 160 : index
        %get3A_1012 = tpu.vector_load %arg4[%get3A_1009, %get3A_1010, %get3A_1011] {strides = array<i32>} : memref<2x64x256xf32, #tpu.memory_space<vmem>>, vector<1x1x16xf32>,
        %get3A_1013 = vector.shape_cast %get3A_1012 : vector<1x1x16xf32> to vector<16xf32>
        %lt3A_1014 = arith.cmpf olt, %get3A_1013, %select_n3A_1001 : vector<16xf32>
        %select_n3A_1015 = arith.select %lt3A_1014, %get3A_1013, %select_n3A_1001 : vector<16xi1>, vector<16xf32>
        %select_n3A_1016 = arith.select %lt3A_1014, %add3A_1005, %select_n3A_1002 : vector<16xi1>, vector<16xi32>
        %add3A_1017 = arith.constant 1 : i32
        %add3A_1018 = vector.broadcast %add3A_1017 : i32 to vector<16xi32>
        %add3A_1019 = arith.addi %add3A_1005, %add3A_1018 : vector<16xi32>
        %scan3A_1020 = arith.constant 5 : i32
        %scan3A_1021 = arith.addi %scan3A_948, %scan3A_1020 : i32
        %get3A_1022 = arith.constant 1 : i32
        %get3A_1023 = arith.index_cast %get3A_1022 : i32 to index
        %get3A_1024 = arith.index_cast %scan3A_1021 : i32 to index
        %get3A_1025 = arith.constant 160 : index
        %get3A_1026 = tpu.vector_load %arg4[%get3A_1023, %get3A_1024, %get3A_1025] {strides = array<i32>} : memref<2x64x256xf32, #tpu.memory_space<vmem>>, vector<1x1x16xf32>,
        %get3A_1027 = vector.shape_cast %get3A_1026 : vector<1x1x16xf32> to vector<16xf32>
        %lt3A_1028 = arith.cmpf olt, %get3A_1027, %select_n3A_1015 : vector<16xf32>
        %select_n3A_1029 = arith.select %lt3A_1028, %get3A_1027, %select_n3A_1015 : vector<16xi1>, vector<16xf32>
        %select_n3A_1030 = arith.select %lt3A_1028, %add3A_1019, %select_n3A_1016 : vector<16xi1>, vector<16xi32>
        %add3A_1031 = arith.constant 1 : i32
        %add3A_1032 = vector.broadcast %add3A_1031 : i32 to vector<16xi32>
        %add3A_1033 = arith.addi %add3A_1019, %add3A_1032 : vector<16xi32>
        %scan3A_1034 = arith.constant 6 : i32
        %scan3A_1035 = arith.addi %scan3A_948, %scan3A_1034 : i32
        %get3A_1036 = arith.constant 1 : i32
        %get3A_1037 = arith.index_cast %get3A_1036 : i32 to index
        %get3A_1038 = arith.index_cast %scan3A_1035 : i32 to index
        %get3A_1039 = arith.constant 160 : index
        %get3A_1040 = tpu.vector_load %arg4[%get3A_1037, %get3A_1038, %get3A_1039] {strides = array<i32>} : memref<2x64x256xf32, #tpu.memory_space<vmem>>, vector<1x1x16xf32>,
        %get3A_1041 = vector.shape_cast %get3A_1040 : vector<1x1x16xf32> to vector<16xf32>
        %lt3A_1042 = arith.cmpf olt, %get3A_1041, %select_n3A_1029 : vector<16xf32>
        %select_n3A_1043 = arith.select %lt3A_1042, %get3A_1041, %select_n3A_1029 : vector<16xi1>, vector<16xf32>
        %select_n3A_1044 = arith.select %lt3A_1042, %add3A_1033, %select_n3A_1030 : vector<16xi1>, vector<16xi32>
        %add3A_1045 = arith.constant 1 : i32
        %add3A_1046 = vector.broadcast %add3A_1045 : i32 to vector<16xi32>
        %add3A_1047 = arith.addi %add3A_1033, %add3A_1046 : vector<16xi32>
        %scan3A_1048 = arith.constant 7 : i32
        %scan3A_1049 = arith.addi %scan3A_948, %scan3A_1048 : i32
        %get3A_1050 = arith.constant 1 : i32
        %get3A_1051 = arith.index_cast %get3A_1050 : i32 to index
        %get3A_1052 = arith.index_cast %scan3A_1049 : i32 to index
        %get3A_1053 = arith.constant 160 : index
        %get3A_1054 = tpu.vector_load %arg4[%get3A_1051, %get3A_1052, %get3A_1053] {strides = array<i32>} : memref<2x64x256xf32, #tpu.memory_space<vmem>>, vector<1x1x16xf32>,
        %get3A_1055 = vector.shape_cast %get3A_1054 : vector<1x1x16xf32> to vector<16xf32>
        %lt3A_1056 = arith.cmpf olt, %get3A_1055, %select_n3A_1043 : vector<16xf32>
        %select_n3A_1057 = arith.select %lt3A_1056, %get3A_1055, %select_n3A_1043 : vector<16xi1>, vector<16xf32>
        %select_n3A_1058 = arith.select %lt3A_1056, %add3A_1047, %select_n3A_1044 : vector<16xi1>, vector<16xi32>
        %add3A_1059 = arith.constant 1 : i32
        %add3A_1060 = vector.broadcast %add3A_1059 : i32 to vector<16xi32>
        %add3A_1061 = arith.addi %add3A_1047, %add3A_1060 : vector<16xi32>
        scf.yield %select_n3A_1057, %select_n3A_1058, %add3A_1061 : vector<16xf32>, vector<16xi32>, vector<16xi32>
      }
      %scan3A_838 = arith.constant 64 : i32
      %swap3A_839 = arith.constant 160 : index
      %swap3A_840 = tpu.vector_load %arg5[%swap3A_839] {strides = array<i32>} : memref<256xf32, #tpu.memory_space<vmem>>, vector<16xf32>,
      %swap3A_841 = vector.shape_cast %swap3A_840 : vector<16xf32> to vector<16xf32>
      %swap3A_842 = vector.shape_cast %scan3A_837#0 : vector<16xf32> to vector<16xf32>
      tpu.vector_store %arg5[%swap3A_839], %swap3A_842 {strides = array<i32>} : memref<256xf32, #tpu.memory_space<vmem>>, vector<16xf32>,
      %swap3A_843 = arith.constant 160 : index
      %swap3A_844 = tpu.vector_load %arg6[%swap3A_843] {strides = array<i32>} : memref<256xi32, #tpu.memory_space<vmem>>, vector<16xi32>,
      %swap3A_845 = vector.shape_cast %swap3A_844 : vector<16xi32> to vector<16xi32>
      %swap3A_846 = vector.shape_cast %scan3A_837#1 : vector<16xi32> to vector<16xi32>
      tpu.vector_store %arg6[%swap3A_843], %swap3A_846 {strides = array<i32>} : memref<256xi32, #tpu.memory_space<vmem>>, vector<16xi32>,
      %get3A_847 = arith.constant 176 : index
      %get3A_848 = tpu.vector_load %arg5[%get3A_847] {strides = array<i32>} : memref<256xf32, #tpu.memory_space<vmem>>, vector<16xf32>,
      %get3A_849 = vector.shape_cast %get3A_848 : vector<16xf32> to vector<16xf32>
      %get3A_850 = arith.constant 176 : index
      %get3A_851 = tpu.vector_load %arg6[%get3A_850] {strides = array<i32>} : memref<256xi32, #tpu.memory_space<vmem>>, vector<16xi32>,
      %get3A_852 = vector.shape_cast %get3A_851 : vector<16xi32> to vector<16xi32>
      %scan3A_853 = arith.constant 0 : i32
      %scan3A_854 = arith.constant 64 : i32
      %scan3A_855 = arith.addi %scan3A_853, %scan3A_854 : i32
      %scan3A_856 = arith.constant 8 : i32
      %scan3A_857:3 = scf.for %scan3A_948 = %scan3A_853 to %scan3A_855 step %scan3A_856 iter_args(%scan3A_949 = %get3A_849, %scan3A_950 = %get3A_852, %scan3A_951 = %broadcast_in_dim3A_626) -> (vector<16xf32>, vector<16xi32>, vector<16xi32>)  : i32 {
        %get3A_952 = arith.constant 1 : i32
        %get3A_953 = arith.index_cast %get3A_952 : i32 to index
        %get3A_954 = arith.index_cast %scan3A_948 : i32 to index
        %get3A_955 = arith.constant 176 : index
        %get3A_956 = tpu.vector_load %arg4[%get3A_953, %get3A_954, %get3A_955] {strides = array<i32>} : memref<2x64x256xf32, #tpu.memory_space<vmem>>, vector<1x1x16xf32>,
        %get3A_957 = vector.shape_cast %get3A_956 : vector<1x1x16xf32> to vector<16xf32>
        %lt3A_958 = arith.cmpf olt, %get3A_957, %scan3A_949 : vector<16xf32>
        %select_n3A_959 = arith.select %lt3A_958, %get3A_957, %scan3A_949 : vector<16xi1>, vector<16xf32>
        %select_n3A_960 = arith.select %lt3A_958, %scan3A_951, %scan3A_950 : vector<16xi1>, vector<16xi32>
        %add3A_961 = arith.constant 1 : i32
        %add3A_962 = vector.broadcast %add3A_961 : i32 to vector<16xi32>
        %add3A_963 = arith.addi %scan3A_951, %add3A_962 : vector<16xi32>
        %scan3A_964 = arith.constant 1 : i32
        %scan3A_965 = arith.addi %scan3A_948, %scan3A_964 : i32
        %get3A_966 = arith.constant 1 : i32
        %get3A_967 = arith.index_cast %get3A_966 : i32 to index
        %get3A_968 = arith.index_cast %scan3A_965 : i32 to index
        %get3A_969 = arith.constant 176 : index
        %get3A_970 = tpu.vector_load %arg4[%get3A_967, %get3A_968, %get3A_969] {strides = array<i32>} : memref<2x64x256xf32, #tpu.memory_space<vmem>>, vector<1x1x16xf32>,
        %get3A_971 = vector.shape_cast %get3A_970 : vector<1x1x16xf32> to vector<16xf32>
        %lt3A_972 = arith.cmpf olt, %get3A_971, %select_n3A_959 : vector<16xf32>
        %select_n3A_973 = arith.select %lt3A_972, %get3A_971, %select_n3A_959 : vector<16xi1>, vector<16xf32>
        %select_n3A_974 = arith.select %lt3A_972, %add3A_963, %select_n3A_960 : vector<16xi1>, vector<16xi32>
        %add3A_975 = arith.constant 1 : i32
        %add3A_976 = vector.broadcast %add3A_975 : i32 to vector<16xi32>
        %add3A_977 = arith.addi %add3A_963, %add3A_976 : vector<16xi32>
        %scan3A_978 = arith.constant 2 : i32
        %scan3A_979 = arith.addi %scan3A_948, %scan3A_978 : i32
        %get3A_980 = arith.constant 1 : i32
        %get3A_981 = arith.index_cast %get3A_980 : i32 to index
        %get3A_982 = arith.index_cast %scan3A_979 : i32 to index
        %get3A_983 = arith.constant 176 : index
        %get3A_984 = tpu.vector_load %arg4[%get3A_981, %get3A_982, %get3A_983] {strides = array<i32>} : memref<2x64x256xf32, #tpu.memory_space<vmem>>, vector<1x1x16xf32>,
        %get3A_985 = vector.shape_cast %get3A_984 : vector<1x1x16xf32> to vector<16xf32>
        %lt3A_986 = arith.cmpf olt, %get3A_985, %select_n3A_973 : vector<16xf32>
        %select_n3A_987 = arith.select %lt3A_986, %get3A_985, %select_n3A_973 : vector<16xi1>, vector<16xf32>
        %select_n3A_988 = arith.select %lt3A_986, %add3A_977, %select_n3A_974 : vector<16xi1>, vector<16xi32>
        %add3A_989 = arith.constant 1 : i32
        %add3A_990 = vector.broadcast %add3A_989 : i32 to vector<16xi32>
        %add3A_991 = arith.addi %add3A_977, %add3A_990 : vector<16xi32>
        %scan3A_992 = arith.constant 3 : i32
        %scan3A_993 = arith.addi %scan3A_948, %scan3A_992 : i32
        %get3A_994 = arith.constant 1 : i32
        %get3A_995 = arith.index_cast %get3A_994 : i32 to index
        %get3A_996 = arith.index_cast %scan3A_993 : i32 to index
        %get3A_997 = arith.constant 176 : index
        %get3A_998 = tpu.vector_load %arg4[%get3A_995, %get3A_996, %get3A_997] {strides = array<i32>} : memref<2x64x256xf32, #tpu.memory_space<vmem>>, vector<1x1x16xf32>,
        %get3A_999 = vector.shape_cast %get3A_998 : vector<1x1x16xf32> to vector<16xf32>
        %lt3A_1000 = arith.cmpf olt, %get3A_999, %select_n3A_987 : vector<16xf32>
        %select_n3A_1001 = arith.select %lt3A_1000, %get3A_999, %select_n3A_987 : vector<16xi1>, vector<16xf32>
        %select_n3A_1002 = arith.select %lt3A_1000, %add3A_991, %select_n3A_988 : vector<16xi1>, vector<16xi32>
        %add3A_1003 = arith.constant 1 : i32
        %add3A_1004 = vector.broadcast %add3A_1003 : i32 to vector<16xi32>
        %add3A_1005 = arith.addi %add3A_991, %add3A_1004 : vector<16xi32>
        %scan3A_1006 = arith.constant 4 : i32
        %scan3A_1007 = arith.addi %scan3A_948, %scan3A_1006 : i32
        %get3A_1008 = arith.constant 1 : i32
        %get3A_1009 = arith.index_cast %get3A_1008 : i32 to index
        %get3A_1010 = arith.index_cast %scan3A_1007 : i32 to index
        %get3A_1011 = arith.constant 176 : index
        %get3A_1012 = tpu.vector_load %arg4[%get3A_1009, %get3A_1010, %get3A_1011] {strides = array<i32>} : memref<2x64x256xf32, #tpu.memory_space<vmem>>, vector<1x1x16xf32>,
        %get3A_1013 = vector.shape_cast %get3A_1012 : vector<1x1x16xf32> to vector<16xf32>
        %lt3A_1014 = arith.cmpf olt, %get3A_1013, %select_n3A_1001 : vector<16xf32>
        %select_n3A_1015 = arith.select %lt3A_1014, %get3A_1013, %select_n3A_1001 : vector<16xi1>, vector<16xf32>
        %select_n3A_1016 = arith.select %lt3A_1014, %add3A_1005, %select_n3A_1002 : vector<16xi1>, vector<16xi32>
        %add3A_1017 = arith.constant 1 : i32
        %add3A_1018 = vector.broadcast %add3A_1017 : i32 to vector<16xi32>
        %add3A_1019 = arith.addi %add3A_1005, %add3A_1018 : vector<16xi32>
        %scan3A_1020 = arith.constant 5 : i32
        %scan3A_1021 = arith.addi %scan3A_948, %scan3A_1020 : i32
        %get3A_1022 = arith.constant 1 : i32
        %get3A_1023 = arith.index_cast %get3A_1022 : i32 to index
        %get3A_1024 = arith.index_cast %scan3A_1021 : i32 to index
        %get3A_1025 = arith.constant 176 : index
        %get3A_1026 = tpu.vector_load %arg4[%get3A_1023, %get3A_1024, %get3A_1025] {strides = array<i32>} : memref<2x64x256xf32, #tpu.memory_space<vmem>>, vector<1x1x16xf32>,
        %get3A_1027 = vector.shape_cast %get3A_1026 : vector<1x1x16xf32> to vector<16xf32>
        %lt3A_1028 = arith.cmpf olt, %get3A_1027, %select_n3A_1015 : vector<16xf32>
        %select_n3A_1029 = arith.select %lt3A_1028, %get3A_1027, %select_n3A_1015 : vector<16xi1>, vector<16xf32>
        %select_n3A_1030 = arith.select %lt3A_1028, %add3A_1019, %select_n3A_1016 : vector<16xi1>, vector<16xi32>
        %add3A_1031 = arith.constant 1 : i32
        %add3A_1032 = vector.broadcast %add3A_1031 : i32 to vector<16xi32>
        %add3A_1033 = arith.addi %add3A_1019, %add3A_1032 : vector<16xi32>
        %scan3A_1034 = arith.constant 6 : i32
        %scan3A_1035 = arith.addi %scan3A_948, %scan3A_1034 : i32
        %get3A_1036 = arith.constant 1 : i32
        %get3A_1037 = arith.index_cast %get3A_1036 : i32 to index
        %get3A_1038 = arith.index_cast %scan3A_1035 : i32 to index
        %get3A_1039 = arith.constant 176 : index
        %get3A_1040 = tpu.vector_load %arg4[%get3A_1037, %get3A_1038, %get3A_1039] {strides = array<i32>} : memref<2x64x256xf32, #tpu.memory_space<vmem>>, vector<1x1x16xf32>,
        %get3A_1041 = vector.shape_cast %get3A_1040 : vector<1x1x16xf32> to vector<16xf32>
        %lt3A_1042 = arith.cmpf olt, %get3A_1041, %select_n3A_1029 : vector<16xf32>
        %select_n3A_1043 = arith.select %lt3A_1042, %get3A_1041, %select_n3A_1029 : vector<16xi1>, vector<16xf32>
        %select_n3A_1044 = arith.select %lt3A_1042, %add3A_1033, %select_n3A_1030 : vector<16xi1>, vector<16xi32>
        %add3A_1045 = arith.constant 1 : i32
        %add3A_1046 = vector.broadcast %add3A_1045 : i32 to vector<16xi32>
        %add3A_1047 = arith.addi %add3A_1033, %add3A_1046 : vector<16xi32>
        %scan3A_1048 = arith.constant 7 : i32
        %scan3A_1049 = arith.addi %scan3A_948, %scan3A_1048 : i32
        %get3A_1050 = arith.constant 1 : i32
        %get3A_1051 = arith.index_cast %get3A_1050 : i32 to index
        %get3A_1052 = arith.index_cast %scan3A_1049 : i32 to index
        %get3A_1053 = arith.constant 176 : index
        %get3A_1054 = tpu.vector_load %arg4[%get3A_1051, %get3A_1052, %get3A_1053] {strides = array<i32>} : memref<2x64x256xf32, #tpu.memory_space<vmem>>, vector<1x1x16xf32>,
        %get3A_1055 = vector.shape_cast %get3A_1054 : vector<1x1x16xf32> to vector<16xf32>
        %lt3A_1056 = arith.cmpf olt, %get3A_1055, %select_n3A_1043 : vector<16xf32>
        %select_n3A_1057 = arith.select %lt3A_1056, %get3A_1055, %select_n3A_1043 : vector<16xi1>, vector<16xf32>
        %select_n3A_1058 = arith.select %lt3A_1056, %add3A_1047, %select_n3A_1044 : vector<16xi1>, vector<16xi32>
        %add3A_1059 = arith.constant 1 : i32
        %add3A_1060 = vector.broadcast %add3A_1059 : i32 to vector<16xi32>
        %add3A_1061 = arith.addi %add3A_1047, %add3A_1060 : vector<16xi32>
        scf.yield %select_n3A_1057, %select_n3A_1058, %add3A_1061 : vector<16xf32>, vector<16xi32>, vector<16xi32>
      }
      %scan3A_858 = arith.constant 64 : i32
      %swap3A_859 = arith.constant 176 : index
      %swap3A_860 = tpu.vector_load %arg5[%swap3A_859] {strides = array<i32>} : memref<256xf32, #tpu.memory_space<vmem>>, vector<16xf32>,
      %swap3A_861 = vector.shape_cast %swap3A_860 : vector<16xf32> to vector<16xf32>
      %swap3A_862 = vector.shape_cast %scan3A_857#0 : vector<16xf32> to vector<16xf32>
      tpu.vector_store %arg5[%swap3A_859], %swap3A_862 {strides = array<i32>} : memref<256xf32, #tpu.memory_space<vmem>>, vector<16xf32>,
      %swap3A_863 = arith.constant 176 : index
      %swap3A_864 = tpu.vector_load %arg6[%swap3A_863] {strides = array<i32>} : memref<256xi32, #tpu.memory_space<vmem>>, vector<16xi32>,
      %swap3A_865 = vector.shape_cast %swap3A_864 : vector<16xi32> to vector<16xi32>
      %swap3A_866 = vector.shape_cast %scan3A_857#1 : vector<16xi32> to vector<16xi32>
      tpu.vector_store %arg6[%swap3A_863], %swap3A_866 {strides = array<i32>} : memref<256xi32, #tpu.memory_space<vmem>>, vector<16xi32>,
      %get3A_867 = arith.constant 192 : index
      %get3A_868 = tpu.vector_load %arg5[%get3A_867] {strides = array<i32>} : memref<256xf32, #tpu.memory_space<vmem>>, vector<16xf32>,
      %get3A_869 = vector.shape_cast %get3A_868 : vector<16xf32> to vector<16xf32>
      %get3A_870 = arith.constant 192 : index
      %get3A_871 = tpu.vector_load %arg6[%get3A_870] {strides = array<i32>} : memref<256xi32, #tpu.memory_space<vmem>>, vector<16xi32>,
      %get3A_872 = vector.shape_cast %get3A_871 : vector<16xi32> to vector<16xi32>
      %scan3A_873 = arith.constant 0 : i32
      %scan3A_874 = arith.constant 64 : i32
      %scan3A_875 = arith.addi %scan3A_873, %scan3A_874 : i32
      %scan3A_876 = arith.constant 8 : i32
      %scan3A_877:3 = scf.for %scan3A_948 = %scan3A_873 to %scan3A_875 step %scan3A_876 iter_args(%scan3A_949 = %get3A_869, %scan3A_950 = %get3A_872, %scan3A_951 = %broadcast_in_dim3A_626) -> (vector<16xf32>, vector<16xi32>, vector<16xi32>)  : i32 {
        %get3A_952 = arith.constant 1 : i32
        %get3A_953 = arith.index_cast %get3A_952 : i32 to index
        %get3A_954 = arith.index_cast %scan3A_948 : i32 to index
        %get3A_955 = arith.constant 192 : index
        %get3A_956 = tpu.vector_load %arg4[%get3A_953, %get3A_954, %get3A_955] {strides = array<i32>} : memref<2x64x256xf32, #tpu.memory_space<vmem>>, vector<1x1x16xf32>,
        %get3A_957 = vector.shape_cast %get3A_956 : vector<1x1x16xf32> to vector<16xf32>
        %lt3A_958 = arith.cmpf olt, %get3A_957, %scan3A_949 : vector<16xf32>
        %select_n3A_959 = arith.select %lt3A_958, %get3A_957, %scan3A_949 : vector<16xi1>, vector<16xf32>
        %select_n3A_960 = arith.select %lt3A_958, %scan3A_951, %scan3A_950 : vector<16xi1>, vector<16xi32>
        %add3A_961 = arith.constant 1 : i32
        %add3A_962 = vector.broadcast %add3A_961 : i32 to vector<16xi32>
        %add3A_963 = arith.addi %scan3A_951, %add3A_962 : vector<16xi32>
        %scan3A_964 = arith.constant 1 : i32
        %scan3A_965 = arith.addi %scan3A_948, %scan3A_964 : i32
        %get3A_966 = arith.constant 1 : i32
        %get3A_967 = arith.index_cast %get3A_966 : i32 to index
        %get3A_968 = arith.index_cast %scan3A_965 : i32 to index
        %get3A_969 = arith.constant 192 : index
        %get3A_970 = tpu.vector_load %arg4[%get3A_967, %get3A_968, %get3A_969] {strides = array<i32>} : memref<2x64x256xf32, #tpu.memory_space<vmem>>, vector<1x1x16xf32>,
        %get3A_971 = vector.shape_cast %get3A_970 : vector<1x1x16xf32> to vector<16xf32>
        %lt3A_972 = arith.cmpf olt, %get3A_971, %select_n3A_959 : vector<16xf32>
        %select_n3A_973 = arith.select %lt3A_972, %get3A_971, %select_n3A_959 : vector<16xi1>, vector<16xf32>
        %select_n3A_974 = arith.select %lt3A_972, %add3A_963, %select_n3A_960 : vector<16xi1>, vector<16xi32>
        %add3A_975 = arith.constant 1 : i32
        %add3A_976 = vector.broadcast %add3A_975 : i32 to vector<16xi32>
        %add3A_977 = arith.addi %add3A_963, %add3A_976 : vector<16xi32>
        %scan3A_978 = arith.constant 2 : i32
        %scan3A_979 = arith.addi %scan3A_948, %scan3A_978 : i32
        %get3A_980 = arith.constant 1 : i32
        %get3A_981 = arith.index_cast %get3A_980 : i32 to index
        %get3A_982 = arith.index_cast %scan3A_979 : i32 to index
        %get3A_983 = arith.constant 192 : index
        %get3A_984 = tpu.vector_load %arg4[%get3A_981, %get3A_982, %get3A_983] {strides = array<i32>} : memref<2x64x256xf32, #tpu.memory_space<vmem>>, vector<1x1x16xf32>,
        %get3A_985 = vector.shape_cast %get3A_984 : vector<1x1x16xf32> to vector<16xf32>
        %lt3A_986 = arith.cmpf olt, %get3A_985, %select_n3A_973 : vector<16xf32>
        %select_n3A_987 = arith.select %lt3A_986, %get3A_985, %select_n3A_973 : vector<16xi1>, vector<16xf32>
        %select_n3A_988 = arith.select %lt3A_986, %add3A_977, %select_n3A_974 : vector<16xi1>, vector<16xi32>
        %add3A_989 = arith.constant 1 : i32
        %add3A_990 = vector.broadcast %add3A_989 : i32 to vector<16xi32>
        %add3A_991 = arith.addi %add3A_977, %add3A_990 : vector<16xi32>
        %scan3A_992 = arith.constant 3 : i32
        %scan3A_993 = arith.addi %scan3A_948, %scan3A_992 : i32
        %get3A_994 = arith.constant 1 : i32
        %get3A_995 = arith.index_cast %get3A_994 : i32 to index
        %get3A_996 = arith.index_cast %scan3A_993 : i32 to index
        %get3A_997 = arith.constant 192 : index
        %get3A_998 = tpu.vector_load %arg4[%get3A_995, %get3A_996, %get3A_997] {strides = array<i32>} : memref<2x64x256xf32, #tpu.memory_space<vmem>>, vector<1x1x16xf32>,
        %get3A_999 = vector.shape_cast %get3A_998 : vector<1x1x16xf32> to vector<16xf32>
        %lt3A_1000 = arith.cmpf olt, %get3A_999, %select_n3A_987 : vector<16xf32>
        %select_n3A_1001 = arith.select %lt3A_1000, %get3A_999, %select_n3A_987 : vector<16xi1>, vector<16xf32>
        %select_n3A_1002 = arith.select %lt3A_1000, %add3A_991, %select_n3A_988 : vector<16xi1>, vector<16xi32>
        %add3A_1003 = arith.constant 1 : i32
        %add3A_1004 = vector.broadcast %add3A_1003 : i32 to vector<16xi32>
        %add3A_1005 = arith.addi %add3A_991, %add3A_1004 : vector<16xi32>
        %scan3A_1006 = arith.constant 4 : i32
        %scan3A_1007 = arith.addi %scan3A_948, %scan3A_1006 : i32
        %get3A_1008 = arith.constant 1 : i32
        %get3A_1009 = arith.index_cast %get3A_1008 : i32 to index
        %get3A_1010 = arith.index_cast %scan3A_1007 : i32 to index
        %get3A_1011 = arith.constant 192 : index
        %get3A_1012 = tpu.vector_load %arg4[%get3A_1009, %get3A_1010, %get3A_1011] {strides = array<i32>} : memref<2x64x256xf32, #tpu.memory_space<vmem>>, vector<1x1x16xf32>,
        %get3A_1013 = vector.shape_cast %get3A_1012 : vector<1x1x16xf32> to vector<16xf32>
        %lt3A_1014 = arith.cmpf olt, %get3A_1013, %select_n3A_1001 : vector<16xf32>
        %select_n3A_1015 = arith.select %lt3A_1014, %get3A_1013, %select_n3A_1001 : vector<16xi1>, vector<16xf32>
        %select_n3A_1016 = arith.select %lt3A_1014, %add3A_1005, %select_n3A_1002 : vector<16xi1>, vector<16xi32>
        %add3A_1017 = arith.constant 1 : i32
        %add3A_1018 = vector.broadcast %add3A_1017 : i32 to vector<16xi32>
        %add3A_1019 = arith.addi %add3A_1005, %add3A_1018 : vector<16xi32>
        %scan3A_1020 = arith.constant 5 : i32
        %scan3A_1021 = arith.addi %scan3A_948, %scan3A_1020 : i32
        %get3A_1022 = arith.constant 1 : i32
        %get3A_1023 = arith.index_cast %get3A_1022 : i32 to index
        %get3A_1024 = arith.index_cast %scan3A_1021 : i32 to index
        %get3A_1025 = arith.constant 192 : index
        %get3A_1026 = tpu.vector_load %arg4[%get3A_1023, %get3A_1024, %get3A_1025] {strides = array<i32>} : memref<2x64x256xf32, #tpu.memory_space<vmem>>, vector<1x1x16xf32>,
        %get3A_1027 = vector.shape_cast %get3A_1026 : vector<1x1x16xf32> to vector<16xf32>
        %lt3A_1028 = arith.cmpf olt, %get3A_1027, %select_n3A_1015 : vector<16xf32>
        %select_n3A_1029 = arith.select %lt3A_1028, %get3A_1027, %select_n3A_1015 : vector<16xi1>, vector<16xf32>
        %select_n3A_1030 = arith.select %lt3A_1028, %add3A_1019, %select_n3A_1016 : vector<16xi1>, vector<16xi32>
        %add3A_1031 = arith.constant 1 : i32
        %add3A_1032 = vector.broadcast %add3A_1031 : i32 to vector<16xi32>
        %add3A_1033 = arith.addi %add3A_1019, %add3A_1032 : vector<16xi32>
        %scan3A_1034 = arith.constant 6 : i32
        %scan3A_1035 = arith.addi %scan3A_948, %scan3A_1034 : i32
        %get3A_1036 = arith.constant 1 : i32
        %get3A_1037 = arith.index_cast %get3A_1036 : i32 to index
        %get3A_1038 = arith.index_cast %scan3A_1035 : i32 to index
        %get3A_1039 = arith.constant 192 : index
        %get3A_1040 = tpu.vector_load %arg4[%get3A_1037, %get3A_1038, %get3A_1039] {strides = array<i32>} : memref<2x64x256xf32, #tpu.memory_space<vmem>>, vector<1x1x16xf32>,
        %get3A_1041 = vector.shape_cast %get3A_1040 : vector<1x1x16xf32> to vector<16xf32>
        %lt3A_1042 = arith.cmpf olt, %get3A_1041, %select_n3A_1029 : vector<16xf32>
        %select_n3A_1043 = arith.select %lt3A_1042, %get3A_1041, %select_n3A_1029 : vector<16xi1>, vector<16xf32>
        %select_n3A_1044 = arith.select %lt3A_1042, %add3A_1033, %select_n3A_1030 : vector<16xi1>, vector<16xi32>
        %add3A_1045 = arith.constant 1 : i32
        %add3A_1046 = vector.broadcast %add3A_1045 : i32 to vector<16xi32>
        %add3A_1047 = arith.addi %add3A_1033, %add3A_1046 : vector<16xi32>
        %scan3A_1048 = arith.constant 7 : i32
        %scan3A_1049 = arith.addi %scan3A_948, %scan3A_1048 : i32
        %get3A_1050 = arith.constant 1 : i32
        %get3A_1051 = arith.index_cast %get3A_1050 : i32 to index
        %get3A_1052 = arith.index_cast %scan3A_1049 : i32 to index
        %get3A_1053 = arith.constant 192 : index
        %get3A_1054 = tpu.vector_load %arg4[%get3A_1051, %get3A_1052, %get3A_1053] {strides = array<i32>} : memref<2x64x256xf32, #tpu.memory_space<vmem>>, vector<1x1x16xf32>,
        %get3A_1055 = vector.shape_cast %get3A_1054 : vector<1x1x16xf32> to vector<16xf32>
        %lt3A_1056 = arith.cmpf olt, %get3A_1055, %select_n3A_1043 : vector<16xf32>
        %select_n3A_1057 = arith.select %lt3A_1056, %get3A_1055, %select_n3A_1043 : vector<16xi1>, vector<16xf32>
        %select_n3A_1058 = arith.select %lt3A_1056, %add3A_1047, %select_n3A_1044 : vector<16xi1>, vector<16xi32>
        %add3A_1059 = arith.constant 1 : i32
        %add3A_1060 = vector.broadcast %add3A_1059 : i32 to vector<16xi32>
        %add3A_1061 = arith.addi %add3A_1047, %add3A_1060 : vector<16xi32>
        scf.yield %select_n3A_1057, %select_n3A_1058, %add3A_1061 : vector<16xf32>, vector<16xi32>, vector<16xi32>
      }
      %scan3A_878 = arith.constant 64 : i32
      %swap3A_879 = arith.constant 192 : index
      %swap3A_880 = tpu.vector_load %arg5[%swap3A_879] {strides = array<i32>} : memref<256xf32, #tpu.memory_space<vmem>>, vector<16xf32>,
      %swap3A_881 = vector.shape_cast %swap3A_880 : vector<16xf32> to vector<16xf32>
      %swap3A_882 = vector.shape_cast %scan3A_877#0 : vector<16xf32> to vector<16xf32>
      tpu.vector_store %arg5[%swap3A_879], %swap3A_882 {strides = array<i32>} : memref<256xf32, #tpu.memory_space<vmem>>, vector<16xf32>,
      %swap3A_883 = arith.constant 192 : index
      %swap3A_884 = tpu.vector_load %arg6[%swap3A_883] {strides = array<i32>} : memref<256xi32, #tpu.memory_space<vmem>>, vector<16xi32>,
      %swap3A_885 = vector.shape_cast %swap3A_884 : vector<16xi32> to vector<16xi32>
      %swap3A_886 = vector.shape_cast %scan3A_877#1 : vector<16xi32> to vector<16xi32>
      tpu.vector_store %arg6[%swap3A_883], %swap3A_886 {strides = array<i32>} : memref<256xi32, #tpu.memory_space<vmem>>, vector<16xi32>,
      %get3A_887 = arith.constant 208 : index
      %get3A_888 = tpu.vector_load %arg5[%get3A_887] {strides = array<i32>} : memref<256xf32, #tpu.memory_space<vmem>>, vector<16xf32>,
      %get3A_889 = vector.shape_cast %get3A_888 : vector<16xf32> to vector<16xf32>
      %get3A_890 = arith.constant 208 : index
      %get3A_891 = tpu.vector_load %arg6[%get3A_890] {strides = array<i32>} : memref<256xi32, #tpu.memory_space<vmem>>, vector<16xi32>,
      %get3A_892 = vector.shape_cast %get3A_891 : vector<16xi32> to vector<16xi32>
      %scan3A_893 = arith.constant 0 : i32
      %scan3A_894 = arith.constant 64 : i32
      %scan3A_895 = arith.addi %scan3A_893, %scan3A_894 : i32
      %scan3A_896 = arith.constant 8 : i32
      %scan3A_897:3 = scf.for %scan3A_948 = %scan3A_893 to %scan3A_895 step %scan3A_896 iter_args(%scan3A_949 = %get3A_889, %scan3A_950 = %get3A_892, %scan3A_951 = %broadcast_in_dim3A_626) -> (vector<16xf32>, vector<16xi32>, vector<16xi32>)  : i32 {
        %get3A_952 = arith.constant 1 : i32
        %get3A_953 = arith.index_cast %get3A_952 : i32 to index
        %get3A_954 = arith.index_cast %scan3A_948 : i32 to index
        %get3A_955 = arith.constant 208 : index
        %get3A_956 = tpu.vector_load %arg4[%get3A_953, %get3A_954, %get3A_955] {strides = array<i32>} : memref<2x64x256xf32, #tpu.memory_space<vmem>>, vector<1x1x16xf32>,
        %get3A_957 = vector.shape_cast %get3A_956 : vector<1x1x16xf32> to vector<16xf32>
        %lt3A_958 = arith.cmpf olt, %get3A_957, %scan3A_949 : vector<16xf32>
        %select_n3A_959 = arith.select %lt3A_958, %get3A_957, %scan3A_949 : vector<16xi1>, vector<16xf32>
        %select_n3A_960 = arith.select %lt3A_958, %scan3A_951, %scan3A_950 : vector<16xi1>, vector<16xi32>
        %add3A_961 = arith.constant 1 : i32
        %add3A_962 = vector.broadcast %add3A_961 : i32 to vector<16xi32>
        %add3A_963 = arith.addi %scan3A_951, %add3A_962 : vector<16xi32>
        %scan3A_964 = arith.constant 1 : i32
        %scan3A_965 = arith.addi %scan3A_948, %scan3A_964 : i32
        %get3A_966 = arith.constant 1 : i32
        %get3A_967 = arith.index_cast %get3A_966 : i32 to index
        %get3A_968 = arith.index_cast %scan3A_965 : i32 to index
        %get3A_969 = arith.constant 208 : index
        %get3A_970 = tpu.vector_load %arg4[%get3A_967, %get3A_968, %get3A_969] {strides = array<i32>} : memref<2x64x256xf32, #tpu.memory_space<vmem>>, vector<1x1x16xf32>,
        %get3A_971 = vector.shape_cast %get3A_970 : vector<1x1x16xf32> to vector<16xf32>
        %lt3A_972 = arith.cmpf olt, %get3A_971, %select_n3A_959 : vector<16xf32>
        %select_n3A_973 = arith.select %lt3A_972, %get3A_971, %select_n3A_959 : vector<16xi1>, vector<16xf32>
        %select_n3A_974 = arith.select %lt3A_972, %add3A_963, %select_n3A_960 : vector<16xi1>, vector<16xi32>
        %add3A_975 = arith.constant 1 : i32
        %add3A_976 = vector.broadcast %add3A_975 : i32 to vector<16xi32>
        %add3A_977 = arith.addi %add3A_963, %add3A_976 : vector<16xi32>
        %scan3A_978 = arith.constant 2 : i32
        %scan3A_979 = arith.addi %scan3A_948, %scan3A_978 : i32
        %get3A_980 = arith.constant 1 : i32
        %get3A_981 = arith.index_cast %get3A_980 : i32 to index
        %get3A_982 = arith.index_cast %scan3A_979 : i32 to index
        %get3A_983 = arith.constant 208 : index
        %get3A_984 = tpu.vector_load %arg4[%get3A_981, %get3A_982, %get3A_983] {strides = array<i32>} : memref<2x64x256xf32, #tpu.memory_space<vmem>>, vector<1x1x16xf32>,
        %get3A_985 = vector.shape_cast %get3A_984 : vector<1x1x16xf32> to vector<16xf32>
        %lt3A_986 = arith.cmpf olt, %get3A_985, %select_n3A_973 : vector<16xf32>
        %select_n3A_987 = arith.select %lt3A_986, %get3A_985, %select_n3A_973 : vector<16xi1>, vector<16xf32>
        %select_n3A_988 = arith.select %lt3A_986, %add3A_977, %select_n3A_974 : vector<16xi1>, vector<16xi32>
        %add3A_989 = arith.constant 1 : i32
        %add3A_990 = vector.broadcast %add3A_989 : i32 to vector<16xi32>
        %add3A_991 = arith.addi %add3A_977, %add3A_990 : vector<16xi32>
        %scan3A_992 = arith.constant 3 : i32
        %scan3A_993 = arith.addi %scan3A_948, %scan3A_992 : i32
        %get3A_994 = arith.constant 1 : i32
        %get3A_995 = arith.index_cast %get3A_994 : i32 to index
        %get3A_996 = arith.index_cast %scan3A_993 : i32 to index
        %get3A_997 = arith.constant 208 : index
        %get3A_998 = tpu.vector_load %arg4[%get3A_995, %get3A_996, %get3A_997] {strides = array<i32>} : memref<2x64x256xf32, #tpu.memory_space<vmem>>, vector<1x1x16xf32>,
        %get3A_999 = vector.shape_cast %get3A_998 : vector<1x1x16xf32> to vector<16xf32>
        %lt3A_1000 = arith.cmpf olt, %get3A_999, %select_n3A_987 : vector<16xf32>
        %select_n3A_1001 = arith.select %lt3A_1000, %get3A_999, %select_n3A_987 : vector<16xi1>, vector<16xf32>
        %select_n3A_1002 = arith.select %lt3A_1000, %add3A_991, %select_n3A_988 : vector<16xi1>, vector<16xi32>
        %add3A_1003 = arith.constant 1 : i32
        %add3A_1004 = vector.broadcast %add3A_1003 : i32 to vector<16xi32>
        %add3A_1005 = arith.addi %add3A_991, %add3A_1004 : vector<16xi32>
        %scan3A_1006 = arith.constant 4 : i32
        %scan3A_1007 = arith.addi %scan3A_948, %scan3A_1006 : i32
        %get3A_1008 = arith.constant 1 : i32
        %get3A_1009 = arith.index_cast %get3A_1008 : i32 to index
        %get3A_1010 = arith.index_cast %scan3A_1007 : i32 to index
        %get3A_1011 = arith.constant 208 : index
        %get3A_1012 = tpu.vector_load %arg4[%get3A_1009, %get3A_1010, %get3A_1011] {strides = array<i32>} : memref<2x64x256xf32, #tpu.memory_space<vmem>>, vector<1x1x16xf32>,
        %get3A_1013 = vector.shape_cast %get3A_1012 : vector<1x1x16xf32> to vector<16xf32>
        %lt3A_1014 = arith.cmpf olt, %get3A_1013, %select_n3A_1001 : vector<16xf32>
        %select_n3A_1015 = arith.select %lt3A_1014, %get3A_1013, %select_n3A_1001 : vector<16xi1>, vector<16xf32>
        %select_n3A_1016 = arith.select %lt3A_1014, %add3A_1005, %select_n3A_1002 : vector<16xi1>, vector<16xi32>
        %add3A_1017 = arith.constant 1 : i32
        %add3A_1018 = vector.broadcast %add3A_1017 : i32 to vector<16xi32>
        %add3A_1019 = arith.addi %add3A_1005, %add3A_1018 : vector<16xi32>
        %scan3A_1020 = arith.constant 5 : i32
        %scan3A_1021 = arith.addi %scan3A_948, %scan3A_1020 : i32
        %get3A_1022 = arith.constant 1 : i32
        %get3A_1023 = arith.index_cast %get3A_1022 : i32 to index
        %get3A_1024 = arith.index_cast %scan3A_1021 : i32 to index
        %get3A_1025 = arith.constant 208 : index
        %get3A_1026 = tpu.vector_load %arg4[%get3A_1023, %get3A_1024, %get3A_1025] {strides = array<i32>} : memref<2x64x256xf32, #tpu.memory_space<vmem>>, vector<1x1x16xf32>,
        %get3A_1027 = vector.shape_cast %get3A_1026 : vector<1x1x16xf32> to vector<16xf32>
        %lt3A_1028 = arith.cmpf olt, %get3A_1027, %select_n3A_1015 : vector<16xf32>
        %select_n3A_1029 = arith.select %lt3A_1028, %get3A_1027, %select_n3A_1015 : vector<16xi1>, vector<16xf32>
        %select_n3A_1030 = arith.select %lt3A_1028, %add3A_1019, %select_n3A_1016 : vector<16xi1>, vector<16xi32>
        %add3A_1031 = arith.constant 1 : i32
        %add3A_1032 = vector.broadcast %add3A_1031 : i32 to vector<16xi32>
        %add3A_1033 = arith.addi %add3A_1019, %add3A_1032 : vector<16xi32>
        %scan3A_1034 = arith.constant 6 : i32
        %scan3A_1035 = arith.addi %scan3A_948, %scan3A_1034 : i32
        %get3A_1036 = arith.constant 1 : i32
        %get3A_1037 = arith.index_cast %get3A_1036 : i32 to index
        %get3A_1038 = arith.index_cast %scan3A_1035 : i32 to index
        %get3A_1039 = arith.constant 208 : index
        %get3A_1040 = tpu.vector_load %arg4[%get3A_1037, %get3A_1038, %get3A_1039] {strides = array<i32>} : memref<2x64x256xf32, #tpu.memory_space<vmem>>, vector<1x1x16xf32>,
        %get3A_1041 = vector.shape_cast %get3A_1040 : vector<1x1x16xf32> to vector<16xf32>
        %lt3A_1042 = arith.cmpf olt, %get3A_1041, %select_n3A_1029 : vector<16xf32>
        %select_n3A_1043 = arith.select %lt3A_1042, %get3A_1041, %select_n3A_1029 : vector<16xi1>, vector<16xf32>
        %select_n3A_1044 = arith.select %lt3A_1042, %add3A_1033, %select_n3A_1030 : vector<16xi1>, vector<16xi32>
        %add3A_1045 = arith.constant 1 : i32
        %add3A_1046 = vector.broadcast %add3A_1045 : i32 to vector<16xi32>
        %add3A_1047 = arith.addi %add3A_1033, %add3A_1046 : vector<16xi32>
        %scan3A_1048 = arith.constant 7 : i32
        %scan3A_1049 = arith.addi %scan3A_948, %scan3A_1048 : i32
        %get3A_1050 = arith.constant 1 : i32
        %get3A_1051 = arith.index_cast %get3A_1050 : i32 to index
        %get3A_1052 = arith.index_cast %scan3A_1049 : i32 to index
        %get3A_1053 = arith.constant 208 : index
        %get3A_1054 = tpu.vector_load %arg4[%get3A_1051, %get3A_1052, %get3A_1053] {strides = array<i32>} : memref<2x64x256xf32, #tpu.memory_space<vmem>>, vector<1x1x16xf32>,
        %get3A_1055 = vector.shape_cast %get3A_1054 : vector<1x1x16xf32> to vector<16xf32>
        %lt3A_1056 = arith.cmpf olt, %get3A_1055, %select_n3A_1043 : vector<16xf32>
        %select_n3A_1057 = arith.select %lt3A_1056, %get3A_1055, %select_n3A_1043 : vector<16xi1>, vector<16xf32>
        %select_n3A_1058 = arith.select %lt3A_1056, %add3A_1047, %select_n3A_1044 : vector<16xi1>, vector<16xi32>
        %add3A_1059 = arith.constant 1 : i32
        %add3A_1060 = vector.broadcast %add3A_1059 : i32 to vector<16xi32>
        %add3A_1061 = arith.addi %add3A_1047, %add3A_1060 : vector<16xi32>
        scf.yield %select_n3A_1057, %select_n3A_1058, %add3A_1061 : vector<16xf32>, vector<16xi32>, vector<16xi32>
      }
      %scan3A_898 = arith.constant 64 : i32
      %swap3A_899 = arith.constant 208 : index
      %swap3A_900 = tpu.vector_load %arg5[%swap3A_899] {strides = array<i32>} : memref<256xf32, #tpu.memory_space<vmem>>, vector<16xf32>,
      %swap3A_901 = vector.shape_cast %swap3A_900 : vector<16xf32> to vector<16xf32>
      %swap3A_902 = vector.shape_cast %scan3A_897#0 : vector<16xf32> to vector<16xf32>
      tpu.vector_store %arg5[%swap3A_899], %swap3A_902 {strides = array<i32>} : memref<256xf32, #tpu.memory_space<vmem>>, vector<16xf32>,
      %swap3A_903 = arith.constant 208 : index
      %swap3A_904 = tpu.vector_load %arg6[%swap3A_903] {strides = array<i32>} : memref<256xi32, #tpu.memory_space<vmem>>, vector<16xi32>,
      %swap3A_905 = vector.shape_cast %swap3A_904 : vector<16xi32> to vector<16xi32>
      %swap3A_906 = vector.shape_cast %scan3A_897#1 : vector<16xi32> to vector<16xi32>
      tpu.vector_store %arg6[%swap3A_903], %swap3A_906 {strides = array<i32>} : memref<256xi32, #tpu.memory_space<vmem>>, vector<16xi32>,
      %get3A_907 = arith.constant 224 : index
      %get3A_908 = tpu.vector_load %arg5[%get3A_907] {strides = array<i32>} : memref<256xf32, #tpu.memory_space<vmem>>, vector<16xf32>,
      %get3A_909 = vector.shape_cast %get3A_908 : vector<16xf32> to vector<16xf32>
      %get3A_910 = arith.constant 224 : index
      %get3A_911 = tpu.vector_load %arg6[%get3A_910] {strides = array<i32>} : memref<256xi32, #tpu.memory_space<vmem>>, vector<16xi32>,
      %get3A_912 = vector.shape_cast %get3A_911 : vector<16xi32> to vector<16xi32>
      %scan3A_913 = arith.constant 0 : i32
      %scan3A_914 = arith.constant 64 : i32
      %scan3A_915 = arith.addi %scan3A_913, %scan3A_914 : i32
      %scan3A_916 = arith.constant 8 : i32
      %scan3A_917:3 = scf.for %scan3A_948 = %scan3A_913 to %scan3A_915 step %scan3A_916 iter_args(%scan3A_949 = %get3A_909, %scan3A_950 = %get3A_912, %scan3A_951 = %broadcast_in_dim3A_626) -> (vector<16xf32>, vector<16xi32>, vector<16xi32>)  : i32 {
        %get3A_952 = arith.constant 1 : i32
        %get3A_953 = arith.index_cast %get3A_952 : i32 to index
        %get3A_954 = arith.index_cast %scan3A_948 : i32 to index
        %get3A_955 = arith.constant 224 : index
        %get3A_956 = tpu.vector_load %arg4[%get3A_953, %get3A_954, %get3A_955] {strides = array<i32>} : memref<2x64x256xf32, #tpu.memory_space<vmem>>, vector<1x1x16xf32>,
        %get3A_957 = vector.shape_cast %get3A_956 : vector<1x1x16xf32> to vector<16xf32>
        %lt3A_958 = arith.cmpf olt, %get3A_957, %scan3A_949 : vector<16xf32>
        %select_n3A_959 = arith.select %lt3A_958, %get3A_957, %scan3A_949 : vector<16xi1>, vector<16xf32>
        %select_n3A_960 = arith.select %lt3A_958, %scan3A_951, %scan3A_950 : vector<16xi1>, vector<16xi32>
        %add3A_961 = arith.constant 1 : i32
        %add3A_962 = vector.broadcast %add3A_961 : i32 to vector<16xi32>
        %add3A_963 = arith.addi %scan3A_951, %add3A_962 : vector<16xi32>
        %scan3A_964 = arith.constant 1 : i32
        %scan3A_965 = arith.addi %scan3A_948, %scan3A_964 : i32
        %get3A_966 = arith.constant 1 : i32
        %get3A_967 = arith.index_cast %get3A_966 : i32 to index
        %get3A_968 = arith.index_cast %scan3A_965 : i32 to index
        %get3A_969 = arith.constant 224 : index
        %get3A_970 = tpu.vector_load %arg4[%get3A_967, %get3A_968, %get3A_969] {strides = array<i32>} : memref<2x64x256xf32, #tpu.memory_space<vmem>>, vector<1x1x16xf32>,
        %get3A_971 = vector.shape_cast %get3A_970 : vector<1x1x16xf32> to vector<16xf32>
        %lt3A_972 = arith.cmpf olt, %get3A_971, %select_n3A_959 : vector<16xf32>
        %select_n3A_973 = arith.select %lt3A_972, %get3A_971, %select_n3A_959 : vector<16xi1>, vector<16xf32>
        %select_n3A_974 = arith.select %lt3A_972, %add3A_963, %select_n3A_960 : vector<16xi1>, vector<16xi32>
        %add3A_975 = arith.constant 1 : i32
        %add3A_976 = vector.broadcast %add3A_975 : i32 to vector<16xi32>
        %add3A_977 = arith.addi %add3A_963, %add3A_976 : vector<16xi32>
        %scan3A_978 = arith.constant 2 : i32
        %scan3A_979 = arith.addi %scan3A_948, %scan3A_978 : i32
        %get3A_980 = arith.constant 1 : i32
        %get3A_981 = arith.index_cast %get3A_980 : i32 to index
        %get3A_982 = arith.index_cast %scan3A_979 : i32 to index
        %get3A_983 = arith.constant 224 : index
        %get3A_984 = tpu.vector_load %arg4[%get3A_981, %get3A_982, %get3A_983] {strides = array<i32>} : memref<2x64x256xf32, #tpu.memory_space<vmem>>, vector<1x1x16xf32>,
        %get3A_985 = vector.shape_cast %get3A_984 : vector<1x1x16xf32> to vector<16xf32>
        %lt3A_986 = arith.cmpf olt, %get3A_985, %select_n3A_973 : vector<16xf32>
        %select_n3A_987 = arith.select %lt3A_986, %get3A_985, %select_n3A_973 : vector<16xi1>, vector<16xf32>
        %select_n3A_988 = arith.select %lt3A_986, %add3A_977, %select_n3A_974 : vector<16xi1>, vector<16xi32>
        %add3A_989 = arith.constant 1 : i32
        %add3A_990 = vector.broadcast %add3A_989 : i32 to vector<16xi32>
        %add3A_991 = arith.addi %add3A_977, %add3A_990 : vector<16xi32>
        %scan3A_992 = arith.constant 3 : i32
        %scan3A_993 = arith.addi %scan3A_948, %scan3A_992 : i32
        %get3A_994 = arith.constant 1 : i32
        %get3A_995 = arith.index_cast %get3A_994 : i32 to index
        %get3A_996 = arith.index_cast %scan3A_993 : i32 to index
        %get3A_997 = arith.constant 224 : index
        %get3A_998 = tpu.vector_load %arg4[%get3A_995, %get3A_996, %get3A_997] {strides = array<i32>} : memref<2x64x256xf32, #tpu.memory_space<vmem>>, vector<1x1x16xf32>,
        %get3A_999 = vector.shape_cast %get3A_998 : vector<1x1x16xf32> to vector<16xf32>
        %lt3A_1000 = arith.cmpf olt, %get3A_999, %select_n3A_987 : vector<16xf32>
        %select_n3A_1001 = arith.select %lt3A_1000, %get3A_999, %select_n3A_987 : vector<16xi1>, vector<16xf32>
        %select_n3A_1002 = arith.select %lt3A_1000, %add3A_991, %select_n3A_988 : vector<16xi1>, vector<16xi32>
        %add3A_1003 = arith.constant 1 : i32
        %add3A_1004 = vector.broadcast %add3A_1003 : i32 to vector<16xi32>
        %add3A_1005 = arith.addi %add3A_991, %add3A_1004 : vector<16xi32>
        %scan3A_1006 = arith.constant 4 : i32
        %scan3A_1007 = arith.addi %scan3A_948, %scan3A_1006 : i32
        %get3A_1008 = arith.constant 1 : i32
        %get3A_1009 = arith.index_cast %get3A_1008 : i32 to index
        %get3A_1010 = arith.index_cast %scan3A_1007 : i32 to index
        %get3A_1011 = arith.constant 224 : index
        %get3A_1012 = tpu.vector_load %arg4[%get3A_1009, %get3A_1010, %get3A_1011] {strides = array<i32>} : memref<2x64x256xf32, #tpu.memory_space<vmem>>, vector<1x1x16xf32>,
        %get3A_1013 = vector.shape_cast %get3A_1012 : vector<1x1x16xf32> to vector<16xf32>
        %lt3A_1014 = arith.cmpf olt, %get3A_1013, %select_n3A_1001 : vector<16xf32>
        %select_n3A_1015 = arith.select %lt3A_1014, %get3A_1013, %select_n3A_1001 : vector<16xi1>, vector<16xf32>
        %select_n3A_1016 = arith.select %lt3A_1014, %add3A_1005, %select_n3A_1002 : vector<16xi1>, vector<16xi32>
        %add3A_1017 = arith.constant 1 : i32
        %add3A_1018 = vector.broadcast %add3A_1017 : i32 to vector<16xi32>
        %add3A_1019 = arith.addi %add3A_1005, %add3A_1018 : vector<16xi32>
        %scan3A_1020 = arith.constant 5 : i32
        %scan3A_1021 = arith.addi %scan3A_948, %scan3A_1020 : i32
        %get3A_1022 = arith.constant 1 : i32
        %get3A_1023 = arith.index_cast %get3A_1022 : i32 to index
        %get3A_1024 = arith.index_cast %scan3A_1021 : i32 to index
        %get3A_1025 = arith.constant 224 : index
        %get3A_1026 = tpu.vector_load %arg4[%get3A_1023, %get3A_1024, %get3A_1025] {strides = array<i32>} : memref<2x64x256xf32, #tpu.memory_space<vmem>>, vector<1x1x16xf32>,
        %get3A_1027 = vector.shape_cast %get3A_1026 : vector<1x1x16xf32> to vector<16xf32>
        %lt3A_1028 = arith.cmpf olt, %get3A_1027, %select_n3A_1015 : vector<16xf32>
        %select_n3A_1029 = arith.select %lt3A_1028, %get3A_1027, %select_n3A_1015 : vector<16xi1>, vector<16xf32>
        %select_n3A_1030 = arith.select %lt3A_1028, %add3A_1019, %select_n3A_1016 : vector<16xi1>, vector<16xi32>
        %add3A_1031 = arith.constant 1 : i32
        %add3A_1032 = vector.broadcast %add3A_1031 : i32 to vector<16xi32>
        %add3A_1033 = arith.addi %add3A_1019, %add3A_1032 : vector<16xi32>
        %scan3A_1034 = arith.constant 6 : i32
        %scan3A_1035 = arith.addi %scan3A_948, %scan3A_1034 : i32
        %get3A_1036 = arith.constant 1 : i32
        %get3A_1037 = arith.index_cast %get3A_1036 : i32 to index
        %get3A_1038 = arith.index_cast %scan3A_1035 : i32 to index
        %get3A_1039 = arith.constant 224 : index
        %get3A_1040 = tpu.vector_load %arg4[%get3A_1037, %get3A_1038, %get3A_1039] {strides = array<i32>} : memref<2x64x256xf32, #tpu.memory_space<vmem>>, vector<1x1x16xf32>,
        %get3A_1041 = vector.shape_cast %get3A_1040 : vector<1x1x16xf32> to vector<16xf32>
        %lt3A_1042 = arith.cmpf olt, %get3A_1041, %select_n3A_1029 : vector<16xf32>
        %select_n3A_1043 = arith.select %lt3A_1042, %get3A_1041, %select_n3A_1029 : vector<16xi1>, vector<16xf32>
        %select_n3A_1044 = arith.select %lt3A_1042, %add3A_1033, %select_n3A_1030 : vector<16xi1>, vector<16xi32>
        %add3A_1045 = arith.constant 1 : i32
        %add3A_1046 = vector.broadcast %add3A_1045 : i32 to vector<16xi32>
        %add3A_1047 = arith.addi %add3A_1033, %add3A_1046 : vector<16xi32>
        %scan3A_1048 = arith.constant 7 : i32
        %scan3A_1049 = arith.addi %scan3A_948, %scan3A_1048 : i32
        %get3A_1050 = arith.constant 1 : i32
        %get3A_1051 = arith.index_cast %get3A_1050 : i32 to index
        %get3A_1052 = arith.index_cast %scan3A_1049 : i32 to index
        %get3A_1053 = arith.constant 224 : index
        %get3A_1054 = tpu.vector_load %arg4[%get3A_1051, %get3A_1052, %get3A_1053] {strides = array<i32>} : memref<2x64x256xf32, #tpu.memory_space<vmem>>, vector<1x1x16xf32>,
        %get3A_1055 = vector.shape_cast %get3A_1054 : vector<1x1x16xf32> to vector<16xf32>
        %lt3A_1056 = arith.cmpf olt, %get3A_1055, %select_n3A_1043 : vector<16xf32>
        %select_n3A_1057 = arith.select %lt3A_1056, %get3A_1055, %select_n3A_1043 : vector<16xi1>, vector<16xf32>
        %select_n3A_1058 = arith.select %lt3A_1056, %add3A_1047, %select_n3A_1044 : vector<16xi1>, vector<16xi32>
        %add3A_1059 = arith.constant 1 : i32
        %add3A_1060 = vector.broadcast %add3A_1059 : i32 to vector<16xi32>
        %add3A_1061 = arith.addi %add3A_1047, %add3A_1060 : vector<16xi32>
        scf.yield %select_n3A_1057, %select_n3A_1058, %add3A_1061 : vector<16xf32>, vector<16xi32>, vector<16xi32>
      }
      %scan3A_918 = arith.constant 64 : i32
      %swap3A_919 = arith.constant 224 : index
      %swap3A_920 = tpu.vector_load %arg5[%swap3A_919] {strides = array<i32>} : memref<256xf32, #tpu.memory_space<vmem>>, vector<16xf32>,
      %swap3A_921 = vector.shape_cast %swap3A_920 : vector<16xf32> to vector<16xf32>
      %swap3A_922 = vector.shape_cast %scan3A_917#0 : vector<16xf32> to vector<16xf32>
      tpu.vector_store %arg5[%swap3A_919], %swap3A_922 {strides = array<i32>} : memref<256xf32, #tpu.memory_space<vmem>>, vector<16xf32>,
      %swap3A_923 = arith.constant 224 : index
      %swap3A_924 = tpu.vector_load %arg6[%swap3A_923] {strides = array<i32>} : memref<256xi32, #tpu.memory_space<vmem>>, vector<16xi32>,
      %swap3A_925 = vector.shape_cast %swap3A_924 : vector<16xi32> to vector<16xi32>
      %swap3A_926 = vector.shape_cast %scan3A_917#1 : vector<16xi32> to vector<16xi32>
      tpu.vector_store %arg6[%swap3A_923], %swap3A_926 {strides = array<i32>} : memref<256xi32, #tpu.memory_space<vmem>>, vector<16xi32>,
      %get3A_927 = arith.constant 240 : index
      %get3A_928 = tpu.vector_load %arg5[%get3A_927] {strides = array<i32>} : memref<256xf32, #tpu.memory_space<vmem>>, vector<16xf32>,
      %get3A_929 = vector.shape_cast %get3A_928 : vector<16xf32> to vector<16xf32>
      %get3A_930 = arith.constant 240 : index
      %get3A_931 = tpu.vector_load %arg6[%get3A_930] {strides = array<i32>} : memref<256xi32, #tpu.memory_space<vmem>>, vector<16xi32>,
      %get3A_932 = vector.shape_cast %get3A_931 : vector<16xi32> to vector<16xi32>
      %scan3A_933 = arith.constant 0 : i32
      %scan3A_934 = arith.constant 64 : i32
      %scan3A_935 = arith.addi %scan3A_933, %scan3A_934 : i32
      %scan3A_936 = arith.constant 8 : i32
      %scan3A_937:3 = scf.for %scan3A_948 = %scan3A_933 to %scan3A_935 step %scan3A_936 iter_args(%scan3A_949 = %get3A_929, %scan3A_950 = %get3A_932, %scan3A_951 = %broadcast_in_dim3A_626) -> (vector<16xf32>, vector<16xi32>, vector<16xi32>)  : i32 {
        %get3A_952 = arith.constant 1 : i32
        %get3A_953 = arith.index_cast %get3A_952 : i32 to index
        %get3A_954 = arith.index_cast %scan3A_948 : i32 to index
        %get3A_955 = arith.constant 240 : index
        %get3A_956 = tpu.vector_load %arg4[%get3A_953, %get3A_954, %get3A_955] {strides = array<i32>} : memref<2x64x256xf32, #tpu.memory_space<vmem>>, vector<1x1x16xf32>,
        %get3A_957 = vector.shape_cast %get3A_956 : vector<1x1x16xf32> to vector<16xf32>
        %lt3A_958 = arith.cmpf olt, %get3A_957, %scan3A_949 : vector<16xf32>
        %select_n3A_959 = arith.select %lt3A_958, %get3A_957, %scan3A_949 : vector<16xi1>, vector<16xf32>
        %select_n3A_960 = arith.select %lt3A_958, %scan3A_951, %scan3A_950 : vector<16xi1>, vector<16xi32>
        %add3A_961 = arith.constant 1 : i32
        %add3A_962 = vector.broadcast %add3A_961 : i32 to vector<16xi32>
        %add3A_963 = arith.addi %scan3A_951, %add3A_962 : vector<16xi32>
        %scan3A_964 = arith.constant 1 : i32
        %scan3A_965 = arith.addi %scan3A_948, %scan3A_964 : i32
        %get3A_966 = arith.constant 1 : i32
        %get3A_967 = arith.index_cast %get3A_966 : i32 to index
        %get3A_968 = arith.index_cast %scan3A_965 : i32 to index
        %get3A_969 = arith.constant 240 : index
        %get3A_970 = tpu.vector_load %arg4[%get3A_967, %get3A_968, %get3A_969] {strides = array<i32>} : memref<2x64x256xf32, #tpu.memory_space<vmem>>, vector<1x1x16xf32>,
        %get3A_971 = vector.shape_cast %get3A_970 : vector<1x1x16xf32> to vector<16xf32>
        %lt3A_972 = arith.cmpf olt, %get3A_971, %select_n3A_959 : vector<16xf32>
        %select_n3A_973 = arith.select %lt3A_972, %get3A_971, %select_n3A_959 : vector<16xi1>, vector<16xf32>
        %select_n3A_974 = arith.select %lt3A_972, %add3A_963, %select_n3A_960 : vector<16xi1>, vector<16xi32>
        %add3A_975 = arith.constant 1 : i32
        %add3A_976 = vector.broadcast %add3A_975 : i32 to vector<16xi32>
        %add3A_977 = arith.addi %add3A_963, %add3A_976 : vector<16xi32>
        %scan3A_978 = arith.constant 2 : i32
        %scan3A_979 = arith.addi %scan3A_948, %scan3A_978 : i32
        %get3A_980 = arith.constant 1 : i32
        %get3A_981 = arith.index_cast %get3A_980 : i32 to index
        %get3A_982 = arith.index_cast %scan3A_979 : i32 to index
        %get3A_983 = arith.constant 240 : index
        %get3A_984 = tpu.vector_load %arg4[%get3A_981, %get3A_982, %get3A_983] {strides = array<i32>} : memref<2x64x256xf32, #tpu.memory_space<vmem>>, vector<1x1x16xf32>,
        %get3A_985 = vector.shape_cast %get3A_984 : vector<1x1x16xf32> to vector<16xf32>
        %lt3A_986 = arith.cmpf olt, %get3A_985, %select_n3A_973 : vector<16xf32>
        %select_n3A_987 = arith.select %lt3A_986, %get3A_985, %select_n3A_973 : vector<16xi1>, vector<16xf32>
        %select_n3A_988 = arith.select %lt3A_986, %add3A_977, %select_n3A_974 : vector<16xi1>, vector<16xi32>
        %add3A_989 = arith.constant 1 : i32
        %add3A_990 = vector.broadcast %add3A_989 : i32 to vector<16xi32>
        %add3A_991 = arith.addi %add3A_977, %add3A_990 : vector<16xi32>
        %scan3A_992 = arith.constant 3 : i32
        %scan3A_993 = arith.addi %scan3A_948, %scan3A_992 : i32
        %get3A_994 = arith.constant 1 : i32
        %get3A_995 = arith.index_cast %get3A_994 : i32 to index
        %get3A_996 = arith.index_cast %scan3A_993 : i32 to index
        %get3A_997 = arith.constant 240 : index
        %get3A_998 = tpu.vector_load %arg4[%get3A_995, %get3A_996, %get3A_997] {strides = array<i32>} : memref<2x64x256xf32, #tpu.memory_space<vmem>>, vector<1x1x16xf32>,
        %get3A_999 = vector.shape_cast %get3A_998 : vector<1x1x16xf32> to vector<16xf32>
        %lt3A_1000 = arith.cmpf olt, %get3A_999, %select_n3A_987 : vector<16xf32>
        %select_n3A_1001 = arith.select %lt3A_1000, %get3A_999, %select_n3A_987 : vector<16xi1>, vector<16xf32>
        %select_n3A_1002 = arith.select %lt3A_1000, %add3A_991, %select_n3A_988 : vector<16xi1>, vector<16xi32>
        %add3A_1003 = arith.constant 1 : i32
        %add3A_1004 = vector.broadcast %add3A_1003 : i32 to vector<16xi32>
        %add3A_1005 = arith.addi %add3A_991, %add3A_1004 : vector<16xi32>
        %scan3A_1006 = arith.constant 4 : i32
        %scan3A_1007 = arith.addi %scan3A_948, %scan3A_1006 : i32
        %get3A_1008 = arith.constant 1 : i32
        %get3A_1009 = arith.index_cast %get3A_1008 : i32 to index
        %get3A_1010 = arith.index_cast %scan3A_1007 : i32 to index
        %get3A_1011 = arith.constant 240 : index
        %get3A_1012 = tpu.vector_load %arg4[%get3A_1009, %get3A_1010, %get3A_1011] {strides = array<i32>} : memref<2x64x256xf32, #tpu.memory_space<vmem>>, vector<1x1x16xf32>,
        %get3A_1013 = vector.shape_cast %get3A_1012 : vector<1x1x16xf32> to vector<16xf32>
        %lt3A_1014 = arith.cmpf olt, %get3A_1013, %select_n3A_1001 : vector<16xf32>
        %select_n3A_1015 = arith.select %lt3A_1014, %get3A_1013, %select_n3A_1001 : vector<16xi1>, vector<16xf32>
        %select_n3A_1016 = arith.select %lt3A_1014, %add3A_1005, %select_n3A_1002 : vector<16xi1>, vector<16xi32>
        %add3A_1017 = arith.constant 1 : i32
        %add3A_1018 = vector.broadcast %add3A_1017 : i32 to vector<16xi32>
        %add3A_1019 = arith.addi %add3A_1005, %add3A_1018 : vector<16xi32>
        %scan3A_1020 = arith.constant 5 : i32
        %scan3A_1021 = arith.addi %scan3A_948, %scan3A_1020 : i32
        %get3A_1022 = arith.constant 1 : i32
        %get3A_1023 = arith.index_cast %get3A_1022 : i32 to index
        %get3A_1024 = arith.index_cast %scan3A_1021 : i32 to index
        %get3A_1025 = arith.constant 240 : index
        %get3A_1026 = tpu.vector_load %arg4[%get3A_1023, %get3A_1024, %get3A_1025] {strides = array<i32>} : memref<2x64x256xf32, #tpu.memory_space<vmem>>, vector<1x1x16xf32>,
        %get3A_1027 = vector.shape_cast %get3A_1026 : vector<1x1x16xf32> to vector<16xf32>
        %lt3A_1028 = arith.cmpf olt, %get3A_1027, %select_n3A_1015 : vector<16xf32>
        %select_n3A_1029 = arith.select %lt3A_1028, %get3A_1027, %select_n3A_1015 : vector<16xi1>, vector<16xf32>
        %select_n3A_1030 = arith.select %lt3A_1028, %add3A_1019, %select_n3A_1016 : vector<16xi1>, vector<16xi32>
        %add3A_1031 = arith.constant 1 : i32
        %add3A_1032 = vector.broadcast %add3A_1031 : i32 to vector<16xi32>
        %add3A_1033 = arith.addi %add3A_1019, %add3A_1032 : vector<16xi32>
        %scan3A_1034 = arith.constant 6 : i32
        %scan3A_1035 = arith.addi %scan3A_948, %scan3A_1034 : i32
        %get3A_1036 = arith.constant 1 : i32
        %get3A_1037 = arith.index_cast %get3A_1036 : i32 to index
        %get3A_1038 = arith.index_cast %scan3A_1035 : i32 to index
        %get3A_1039 = arith.constant 240 : index
        %get3A_1040 = tpu.vector_load %arg4[%get3A_1037, %get3A_1038, %get3A_1039] {strides = array<i32>} : memref<2x64x256xf32, #tpu.memory_space<vmem>>, vector<1x1x16xf32>,
        %get3A_1041 = vector.shape_cast %get3A_1040 : vector<1x1x16xf32> to vector<16xf32>
        %lt3A_1042 = arith.cmpf olt, %get3A_1041, %select_n3A_1029 : vector<16xf32>
        %select_n3A_1043 = arith.select %lt3A_1042, %get3A_1041, %select_n3A_1029 : vector<16xi1>, vector<16xf32>
        %select_n3A_1044 = arith.select %lt3A_1042, %add3A_1033, %select_n3A_1030 : vector<16xi1>, vector<16xi32>
        %add3A_1045 = arith.constant 1 : i32
        %add3A_1046 = vector.broadcast %add3A_1045 : i32 to vector<16xi32>
        %add3A_1047 = arith.addi %add3A_1033, %add3A_1046 : vector<16xi32>
        %scan3A_1048 = arith.constant 7 : i32
        %scan3A_1049 = arith.addi %scan3A_948, %scan3A_1048 : i32
        %get3A_1050 = arith.constant 1 : i32
        %get3A_1051 = arith.index_cast %get3A_1050 : i32 to index
        %get3A_1052 = arith.index_cast %scan3A_1049 : i32 to index
        %get3A_1053 = arith.constant 240 : index
        %get3A_1054 = tpu.vector_load %arg4[%get3A_1051, %get3A_1052, %get3A_1053] {strides = array<i32>} : memref<2x64x256xf32, #tpu.memory_space<vmem>>, vector<1x1x16xf32>,
        %get3A_1055 = vector.shape_cast %get3A_1054 : vector<1x1x16xf32> to vector<16xf32>
        %lt3A_1056 = arith.cmpf olt, %get3A_1055, %select_n3A_1043 : vector<16xf32>
        %select_n3A_1057 = arith.select %lt3A_1056, %get3A_1055, %select_n3A_1043 : vector<16xi1>, vector<16xf32>
        %select_n3A_1058 = arith.select %lt3A_1056, %add3A_1047, %select_n3A_1044 : vector<16xi1>, vector<16xi32>
        %add3A_1059 = arith.constant 1 : i32
        %add3A_1060 = vector.broadcast %add3A_1059 : i32 to vector<16xi32>
        %add3A_1061 = arith.addi %add3A_1047, %add3A_1060 : vector<16xi32>
        scf.yield %select_n3A_1057, %select_n3A_1058, %add3A_1061 : vector<16xf32>, vector<16xi32>, vector<16xi32>
      }
      %scan3A_938 = arith.constant 64 : i32
      %swap3A_939 = arith.constant 240 : index
      %swap3A_940 = tpu.vector_load %arg5[%swap3A_939] {strides = array<i32>} : memref<256xf32, #tpu.memory_space<vmem>>, vector<16xf32>,
      %swap3A_941 = vector.shape_cast %swap3A_940 : vector<16xf32> to vector<16xf32>
      %swap3A_942 = vector.shape_cast %scan3A_937#0 : vector<16xf32> to vector<16xf32>
      tpu.vector_store %arg5[%swap3A_939], %swap3A_942 {strides = array<i32>} : memref<256xf32, #tpu.memory_space<vmem>>, vector<16xf32>,
      %swap3A_943 = arith.constant 240 : index
      %swap3A_944 = tpu.vector_load %arg6[%swap3A_943] {strides = array<i32>} : memref<256xi32, #tpu.memory_space<vmem>>, vector<16xi32>,
      %swap3A_945 = vector.shape_cast %swap3A_944 : vector<16xi32> to vector<16xi32>
      %swap3A_946 = vector.shape_cast %scan3A_937#1 : vector<16xi32> to vector<16xi32>
      tpu.vector_store %arg6[%swap3A_943], %swap3A_946 {strides = array<i32>} : memref<256xi32, #tpu.memory_space<vmem>>, vector<16xi32>,
      %scan3A_947 = arith.constant 0 : i32
      scf.yield %scan3A_947 : i32
    }
    %scan3A_242 = arith.constant 16 : i32
    "tpu.region"() ({
      %run_scoped3A = tpu.sem_alloc : memref<!tpu.dma_semaphore, #tpu.memory_space<semaphore_mem>>
      %dma_start3A_243 = tpu.memref_slice %arg3[%select_n3A, %mul3A_32] : memref<16x512xi32, #tpu.memory_space<hbm>> -> memref<1x256xi32, #tpu.memory_space<hbm>>
      %dma_start3A_244 = tpu.memref_squeeze %dma_start3A_243 : memref<1x256xi32, #tpu.memory_space<hbm>> -> memref<256xi32, #tpu.memory_space<hbm>>
      %dma_start3A_245 = tpu.memref_slice %arg3[%select_n3A, %mul3A_32] : memref<16x512xi32, #tpu.memory_space<hbm>> -> memref<1x256xi32, #tpu.memory_space<hbm>>
      %dma_start3A_246 = tpu.memref_squeeze %dma_start3A_245 : memref<1x256xi32, #tpu.memory_space<hbm>> -> memref<256xi32, #tpu.memory_space<hbm>>
      tpu.enqueue_dma source(%arg6 : memref<256xi32, #tpu.memory_space<vmem>>) target(%dma_start3A_246 : memref<256xi32, #tpu.memory_space<hbm>>) target_semaphore(%run_scoped3A : memref<!tpu.dma_semaphore, #tpu.memory_space<semaphore_mem>>)
      %dma_wait3A = tpu.memref_slice %arg3[%select_n3A, %mul3A_32] : memref<16x512xi32, #tpu.memory_space<hbm>> -> memref<1x256xi32, #tpu.memory_space<hbm>>
      %dma_wait3A_247 = tpu.memref_squeeze %dma_wait3A : memref<1x256xi32, #tpu.memory_space<hbm>> -> memref<256xi32, #tpu.memory_space<hbm>>
      %dma_wait3A_248 = tpu.memref_slice %arg3[%select_n3A, %mul3A_32] : memref<16x512xi32, #tpu.memory_space<hbm>> -> memref<1x256xi32, #tpu.memory_space<hbm>>
      %dma_wait3A_249 = tpu.memref_squeeze %dma_wait3A_248 : memref<1x256xi32, #tpu.memory_space<hbm>> -> memref<256xi32, #tpu.memory_space<hbm>>
      tpu.wait_dma2 semaphore(%run_scoped3A : memref<!tpu.dma_semaphore, #tpu.memory_space<semaphore_mem>>) src(%arg6 : memref<256xi32, #tpu.memory_space<vmem>>) dst(%dma_wait3A_249 : memref<256xi32, #tpu.memory_space<hbm>>)
      tpu.yield
    }) : () -> ()
    return
  }
}

module attributes {stable_mosaic.version = 14 : i64} {
  func.func @_tc_body(%arg0: i32, %arg1: memref<1x2048x512xf32, #tpu.memory_space<vmem>>, %arg2: memref<1x1x512xi32, #tpu.memory_space<vmem>>) attributes {dimension_semantics = [#tpu.dimension_semantics<arbitrary>], iteration_bounds = array<i64: 48>, scalar_prefetch = 0 : i64, scratch_operands = 0 : i64, tpu.core_type = #tpu.core_type<tc>, window_params = [{transform_indices = @transform_0, window_bounds = array<i64: 1, 2048, 512>}, {transform_indices = @transform_1, window_bounds = array<i64: 1, 1, 512>}]} {
    %broadcast_in_dim3A = arith.constant 0x7F800000 : f32
    %broadcast_in_dim3A_0 = vector.broadcast %broadcast_in_dim3A : f32 to vector<32x512xf32>
    %broadcast_in_dim3A_1 = arith.constant 0 : i32
    %broadcast_in_dim3A_2 = vector.broadcast %broadcast_in_dim3A_1 : i32 to vector<32x512xi32>
    %scan3A = arith.constant 0 : i32
    %scan3A_3 = arith.constant 64 : i32
    %scan3A_4 = arith.addi %scan3A, %scan3A_3 : i32
    %scan3A_5 = arith.constant 16 : i32
    %scan3A_6:2 = scf.for %scan3A_73 = %scan3A to %scan3A_4 step %scan3A_5 iter_args(%scan3A_74 = %broadcast_in_dim3A_0, %scan3A_75 = %broadcast_in_dim3A_2) -> (vector<32x512xf32>, vector<32x512xi32>)  : i32 {
      %mul3A_76 = arith.constant 32 : i32
      %mul3A_77 = arith.muli %scan3A_73, %mul3A_76 : i32
      %get3A = arith.constant 0 : index
      %get3A_78 = arith.index_cast %mul3A_77 : i32 to index
      %get3A_79 = arith.constant 0 : index
      %get3A_80 = vector.load %arg1[%get3A, %get3A_78, %get3A_79] : memref<1x2048x512xf32, #tpu.memory_space<vmem>>, vector<1x32x512xf32>
      %get3A_81 = vector.shape_cast %get3A_80 : vector<1x32x512xf32> to vector<32x512xf32>
      %lt3A_82 = arith.cmpf olt, %get3A_81, %scan3A_74 : vector<32x512xf32>
      %broadcast_in_dim3A_83 = vector.broadcast %scan3A_73 : i32 to vector<32x512xi32>
      %select_n3A_84 = arith.select %lt3A_82, %get3A_81, %scan3A_74 : vector<32x512xi1>, vector<32x512xf32>
      %select_n3A_85 = arith.select %lt3A_82, %broadcast_in_dim3A_83, %scan3A_75 : vector<32x512xi1>, vector<32x512xi32>
      %scan3A_86 = arith.constant 1 : i32
      %scan3A_87 = arith.addi %scan3A_73, %scan3A_86 : i32
      %mul3A_88 = arith.constant 32 : i32
      %mul3A_89 = arith.muli %scan3A_87, %mul3A_88 : i32
      %get3A_90 = arith.constant 0 : index
      %get3A_91 = arith.index_cast %mul3A_89 : i32 to index
      %get3A_92 = arith.constant 0 : index
      %get3A_93 = vector.load %arg1[%get3A_90, %get3A_91, %get3A_92] : memref<1x2048x512xf32, #tpu.memory_space<vmem>>, vector<1x32x512xf32>
      %get3A_94 = vector.shape_cast %get3A_93 : vector<1x32x512xf32> to vector<32x512xf32>
      %lt3A_95 = arith.cmpf olt, %get3A_94, %select_n3A_84 : vector<32x512xf32>
      %broadcast_in_dim3A_96 = vector.broadcast %scan3A_87 : i32 to vector<32x512xi32>
      %select_n3A_97 = arith.select %lt3A_95, %get3A_94, %select_n3A_84 : vector<32x512xi1>, vector<32x512xf32>
      %select_n3A_98 = arith.select %lt3A_95, %broadcast_in_dim3A_96, %select_n3A_85 : vector<32x512xi1>, vector<32x512xi32>
      %scan3A_99 = arith.constant 2 : i32
      %scan3A_100 = arith.addi %scan3A_73, %scan3A_99 : i32
      %mul3A_101 = arith.constant 32 : i32
      %mul3A_102 = arith.muli %scan3A_100, %mul3A_101 : i32
      %get3A_103 = arith.constant 0 : index
      %get3A_104 = arith.index_cast %mul3A_102 : i32 to index
      %get3A_105 = arith.constant 0 : index
      %get3A_106 = vector.load %arg1[%get3A_103, %get3A_104, %get3A_105] : memref<1x2048x512xf32, #tpu.memory_space<vmem>>, vector<1x32x512xf32>
      %get3A_107 = vector.shape_cast %get3A_106 : vector<1x32x512xf32> to vector<32x512xf32>
      %lt3A_108 = arith.cmpf olt, %get3A_107, %select_n3A_97 : vector<32x512xf32>
      %broadcast_in_dim3A_109 = vector.broadcast %scan3A_100 : i32 to vector<32x512xi32>
      %select_n3A_110 = arith.select %lt3A_108, %get3A_107, %select_n3A_97 : vector<32x512xi1>, vector<32x512xf32>
      %select_n3A_111 = arith.select %lt3A_108, %broadcast_in_dim3A_109, %select_n3A_98 : vector<32x512xi1>, vector<32x512xi32>
      %scan3A_112 = arith.constant 3 : i32
      %scan3A_113 = arith.addi %scan3A_73, %scan3A_112 : i32
      %mul3A_114 = arith.constant 32 : i32
      %mul3A_115 = arith.muli %scan3A_113, %mul3A_114 : i32
      %get3A_116 = arith.constant 0 : index
      %get3A_117 = arith.index_cast %mul3A_115 : i32 to index
      %get3A_118 = arith.constant 0 : index
      %get3A_119 = vector.load %arg1[%get3A_116, %get3A_117, %get3A_118] : memref<1x2048x512xf32, #tpu.memory_space<vmem>>, vector<1x32x512xf32>
      %get3A_120 = vector.shape_cast %get3A_119 : vector<1x32x512xf32> to vector<32x512xf32>
      %lt3A_121 = arith.cmpf olt, %get3A_120, %select_n3A_110 : vector<32x512xf32>
      %broadcast_in_dim3A_122 = vector.broadcast %scan3A_113 : i32 to vector<32x512xi32>
      %select_n3A_123 = arith.select %lt3A_121, %get3A_120, %select_n3A_110 : vector<32x512xi1>, vector<32x512xf32>
      %select_n3A_124 = arith.select %lt3A_121, %broadcast_in_dim3A_122, %select_n3A_111 : vector<32x512xi1>, vector<32x512xi32>
      %scan3A_125 = arith.constant 4 : i32
      %scan3A_126 = arith.addi %scan3A_73, %scan3A_125 : i32
      %mul3A_127 = arith.constant 32 : i32
      %mul3A_128 = arith.muli %scan3A_126, %mul3A_127 : i32
      %get3A_129 = arith.constant 0 : index
      %get3A_130 = arith.index_cast %mul3A_128 : i32 to index
      %get3A_131 = arith.constant 0 : index
      %get3A_132 = vector.load %arg1[%get3A_129, %get3A_130, %get3A_131] : memref<1x2048x512xf32, #tpu.memory_space<vmem>>, vector<1x32x512xf32>
      %get3A_133 = vector.shape_cast %get3A_132 : vector<1x32x512xf32> to vector<32x512xf32>
      %lt3A_134 = arith.cmpf olt, %get3A_133, %select_n3A_123 : vector<32x512xf32>
      %broadcast_in_dim3A_135 = vector.broadcast %scan3A_126 : i32 to vector<32x512xi32>
      %select_n3A_136 = arith.select %lt3A_134, %get3A_133, %select_n3A_123 : vector<32x512xi1>, vector<32x512xf32>
      %select_n3A_137 = arith.select %lt3A_134, %broadcast_in_dim3A_135, %select_n3A_124 : vector<32x512xi1>, vector<32x512xi32>
      %scan3A_138 = arith.constant 5 : i32
      %scan3A_139 = arith.addi %scan3A_73, %scan3A_138 : i32
      %mul3A_140 = arith.constant 32 : i32
      %mul3A_141 = arith.muli %scan3A_139, %mul3A_140 : i32
      %get3A_142 = arith.constant 0 : index
      %get3A_143 = arith.index_cast %mul3A_141 : i32 to index
      %get3A_144 = arith.constant 0 : index
      %get3A_145 = vector.load %arg1[%get3A_142, %get3A_143, %get3A_144] : memref<1x2048x512xf32, #tpu.memory_space<vmem>>, vector<1x32x512xf32>
      %get3A_146 = vector.shape_cast %get3A_145 : vector<1x32x512xf32> to vector<32x512xf32>
      %lt3A_147 = arith.cmpf olt, %get3A_146, %select_n3A_136 : vector<32x512xf32>
      %broadcast_in_dim3A_148 = vector.broadcast %scan3A_139 : i32 to vector<32x512xi32>
      %select_n3A_149 = arith.select %lt3A_147, %get3A_146, %select_n3A_136 : vector<32x512xi1>, vector<32x512xf32>
      %select_n3A_150 = arith.select %lt3A_147, %broadcast_in_dim3A_148, %select_n3A_137 : vector<32x512xi1>, vector<32x512xi32>
      %scan3A_151 = arith.constant 6 : i32
      %scan3A_152 = arith.addi %scan3A_73, %scan3A_151 : i32
      %mul3A_153 = arith.constant 32 : i32
      %mul3A_154 = arith.muli %scan3A_152, %mul3A_153 : i32
      %get3A_155 = arith.constant 0 : index
      %get3A_156 = arith.index_cast %mul3A_154 : i32 to index
      %get3A_157 = arith.constant 0 : index
      %get3A_158 = vector.load %arg1[%get3A_155, %get3A_156, %get3A_157] : memref<1x2048x512xf32, #tpu.memory_space<vmem>>, vector<1x32x512xf32>
      %get3A_159 = vector.shape_cast %get3A_158 : vector<1x32x512xf32> to vector<32x512xf32>
      %lt3A_160 = arith.cmpf olt, %get3A_159, %select_n3A_149 : vector<32x512xf32>
      %broadcast_in_dim3A_161 = vector.broadcast %scan3A_152 : i32 to vector<32x512xi32>
      %select_n3A_162 = arith.select %lt3A_160, %get3A_159, %select_n3A_149 : vector<32x512xi1>, vector<32x512xf32>
      %select_n3A_163 = arith.select %lt3A_160, %broadcast_in_dim3A_161, %select_n3A_150 : vector<32x512xi1>, vector<32x512xi32>
      %scan3A_164 = arith.constant 7 : i32
      %scan3A_165 = arith.addi %scan3A_73, %scan3A_164 : i32
      %mul3A_166 = arith.constant 32 : i32
      %mul3A_167 = arith.muli %scan3A_165, %mul3A_166 : i32
      %get3A_168 = arith.constant 0 : index
      %get3A_169 = arith.index_cast %mul3A_167 : i32 to index
      %get3A_170 = arith.constant 0 : index
      %get3A_171 = vector.load %arg1[%get3A_168, %get3A_169, %get3A_170] : memref<1x2048x512xf32, #tpu.memory_space<vmem>>, vector<1x32x512xf32>
      %get3A_172 = vector.shape_cast %get3A_171 : vector<1x32x512xf32> to vector<32x512xf32>
      %lt3A_173 = arith.cmpf olt, %get3A_172, %select_n3A_162 : vector<32x512xf32>
      %broadcast_in_dim3A_174 = vector.broadcast %scan3A_165 : i32 to vector<32x512xi32>
      %select_n3A_175 = arith.select %lt3A_173, %get3A_172, %select_n3A_162 : vector<32x512xi1>, vector<32x512xf32>
      %select_n3A_176 = arith.select %lt3A_173, %broadcast_in_dim3A_174, %select_n3A_163 : vector<32x512xi1>, vector<32x512xi32>
      %scan3A_177 = arith.constant 8 : i32
      %scan3A_178 = arith.addi %scan3A_73, %scan3A_177 : i32
      %mul3A_179 = arith.constant 32 : i32
      %mul3A_180 = arith.muli %scan3A_178, %mul3A_179 : i32
      %get3A_181 = arith.constant 0 : index
      %get3A_182 = arith.index_cast %mul3A_180 : i32 to index
      %get3A_183 = arith.constant 0 : index
      %get3A_184 = vector.load %arg1[%get3A_181, %get3A_182, %get3A_183] : memref<1x2048x512xf32, #tpu.memory_space<vmem>>, vector<1x32x512xf32>
      %get3A_185 = vector.shape_cast %get3A_184 : vector<1x32x512xf32> to vector<32x512xf32>
      %lt3A_186 = arith.cmpf olt, %get3A_185, %select_n3A_175 : vector<32x512xf32>
      %broadcast_in_dim3A_187 = vector.broadcast %scan3A_178 : i32 to vector<32x512xi32>
      %select_n3A_188 = arith.select %lt3A_186, %get3A_185, %select_n3A_175 : vector<32x512xi1>, vector<32x512xf32>
      %select_n3A_189 = arith.select %lt3A_186, %broadcast_in_dim3A_187, %select_n3A_176 : vector<32x512xi1>, vector<32x512xi32>
      %scan3A_190 = arith.constant 9 : i32
      %scan3A_191 = arith.addi %scan3A_73, %scan3A_190 : i32
      %mul3A_192 = arith.constant 32 : i32
      %mul3A_193 = arith.muli %scan3A_191, %mul3A_192 : i32
      %get3A_194 = arith.constant 0 : index
      %get3A_195 = arith.index_cast %mul3A_193 : i32 to index
      %get3A_196 = arith.constant 0 : index
      %get3A_197 = vector.load %arg1[%get3A_194, %get3A_195, %get3A_196] : memref<1x2048x512xf32, #tpu.memory_space<vmem>>, vector<1x32x512xf32>
      %get3A_198 = vector.shape_cast %get3A_197 : vector<1x32x512xf32> to vector<32x512xf32>
      %lt3A_199 = arith.cmpf olt, %get3A_198, %select_n3A_188 : vector<32x512xf32>
      %broadcast_in_dim3A_200 = vector.broadcast %scan3A_191 : i32 to vector<32x512xi32>
      %select_n3A_201 = arith.select %lt3A_199, %get3A_198, %select_n3A_188 : vector<32x512xi1>, vector<32x512xf32>
      %select_n3A_202 = arith.select %lt3A_199, %broadcast_in_dim3A_200, %select_n3A_189 : vector<32x512xi1>, vector<32x512xi32>
      %scan3A_203 = arith.constant 10 : i32
      %scan3A_204 = arith.addi %scan3A_73, %scan3A_203 : i32
      %mul3A_205 = arith.constant 32 : i32
      %mul3A_206 = arith.muli %scan3A_204, %mul3A_205 : i32
      %get3A_207 = arith.constant 0 : index
      %get3A_208 = arith.index_cast %mul3A_206 : i32 to index
      %get3A_209 = arith.constant 0 : index
      %get3A_210 = vector.load %arg1[%get3A_207, %get3A_208, %get3A_209] : memref<1x2048x512xf32, #tpu.memory_space<vmem>>, vector<1x32x512xf32>
      %get3A_211 = vector.shape_cast %get3A_210 : vector<1x32x512xf32> to vector<32x512xf32>
      %lt3A_212 = arith.cmpf olt, %get3A_211, %select_n3A_201 : vector<32x512xf32>
      %broadcast_in_dim3A_213 = vector.broadcast %scan3A_204 : i32 to vector<32x512xi32>
      %select_n3A_214 = arith.select %lt3A_212, %get3A_211, %select_n3A_201 : vector<32x512xi1>, vector<32x512xf32>
      %select_n3A_215 = arith.select %lt3A_212, %broadcast_in_dim3A_213, %select_n3A_202 : vector<32x512xi1>, vector<32x512xi32>
      %scan3A_216 = arith.constant 11 : i32
      %scan3A_217 = arith.addi %scan3A_73, %scan3A_216 : i32
      %mul3A_218 = arith.constant 32 : i32
      %mul3A_219 = arith.muli %scan3A_217, %mul3A_218 : i32
      %get3A_220 = arith.constant 0 : index
      %get3A_221 = arith.index_cast %mul3A_219 : i32 to index
      %get3A_222 = arith.constant 0 : index
      %get3A_223 = vector.load %arg1[%get3A_220, %get3A_221, %get3A_222] : memref<1x2048x512xf32, #tpu.memory_space<vmem>>, vector<1x32x512xf32>
      %get3A_224 = vector.shape_cast %get3A_223 : vector<1x32x512xf32> to vector<32x512xf32>
      %lt3A_225 = arith.cmpf olt, %get3A_224, %select_n3A_214 : vector<32x512xf32>
      %broadcast_in_dim3A_226 = vector.broadcast %scan3A_217 : i32 to vector<32x512xi32>
      %select_n3A_227 = arith.select %lt3A_225, %get3A_224, %select_n3A_214 : vector<32x512xi1>, vector<32x512xf32>
      %select_n3A_228 = arith.select %lt3A_225, %broadcast_in_dim3A_226, %select_n3A_215 : vector<32x512xi1>, vector<32x512xi32>
      %scan3A_229 = arith.constant 12 : i32
      %scan3A_230 = arith.addi %scan3A_73, %scan3A_229 : i32
      %mul3A_231 = arith.constant 32 : i32
      %mul3A_232 = arith.muli %scan3A_230, %mul3A_231 : i32
      %get3A_233 = arith.constant 0 : index
      %get3A_234 = arith.index_cast %mul3A_232 : i32 to index
      %get3A_235 = arith.constant 0 : index
      %get3A_236 = vector.load %arg1[%get3A_233, %get3A_234, %get3A_235] : memref<1x2048x512xf32, #tpu.memory_space<vmem>>, vector<1x32x512xf32>
      %get3A_237 = vector.shape_cast %get3A_236 : vector<1x32x512xf32> to vector<32x512xf32>
      %lt3A_238 = arith.cmpf olt, %get3A_237, %select_n3A_227 : vector<32x512xf32>
      %broadcast_in_dim3A_239 = vector.broadcast %scan3A_230 : i32 to vector<32x512xi32>
      %select_n3A_240 = arith.select %lt3A_238, %get3A_237, %select_n3A_227 : vector<32x512xi1>, vector<32x512xf32>
      %select_n3A_241 = arith.select %lt3A_238, %broadcast_in_dim3A_239, %select_n3A_228 : vector<32x512xi1>, vector<32x512xi32>
      %scan3A_242 = arith.constant 13 : i32
      %scan3A_243 = arith.addi %scan3A_73, %scan3A_242 : i32
      %mul3A_244 = arith.constant 32 : i32
      %mul3A_245 = arith.muli %scan3A_243, %mul3A_244 : i32
      %get3A_246 = arith.constant 0 : index
      %get3A_247 = arith.index_cast %mul3A_245 : i32 to index
      %get3A_248 = arith.constant 0 : index
      %get3A_249 = vector.load %arg1[%get3A_246, %get3A_247, %get3A_248] : memref<1x2048x512xf32, #tpu.memory_space<vmem>>, vector<1x32x512xf32>
      %get3A_250 = vector.shape_cast %get3A_249 : vector<1x32x512xf32> to vector<32x512xf32>
      %lt3A_251 = arith.cmpf olt, %get3A_250, %select_n3A_240 : vector<32x512xf32>
      %broadcast_in_dim3A_252 = vector.broadcast %scan3A_243 : i32 to vector<32x512xi32>
      %select_n3A_253 = arith.select %lt3A_251, %get3A_250, %select_n3A_240 : vector<32x512xi1>, vector<32x512xf32>
      %select_n3A_254 = arith.select %lt3A_251, %broadcast_in_dim3A_252, %select_n3A_241 : vector<32x512xi1>, vector<32x512xi32>
      %scan3A_255 = arith.constant 14 : i32
      %scan3A_256 = arith.addi %scan3A_73, %scan3A_255 : i32
      %mul3A_257 = arith.constant 32 : i32
      %mul3A_258 = arith.muli %scan3A_256, %mul3A_257 : i32
      %get3A_259 = arith.constant 0 : index
      %get3A_260 = arith.index_cast %mul3A_258 : i32 to index
      %get3A_261 = arith.constant 0 : index
      %get3A_262 = vector.load %arg1[%get3A_259, %get3A_260, %get3A_261] : memref<1x2048x512xf32, #tpu.memory_space<vmem>>, vector<1x32x512xf32>
      %get3A_263 = vector.shape_cast %get3A_262 : vector<1x32x512xf32> to vector<32x512xf32>
      %lt3A_264 = arith.cmpf olt, %get3A_263, %select_n3A_253 : vector<32x512xf32>
      %broadcast_in_dim3A_265 = vector.broadcast %scan3A_256 : i32 to vector<32x512xi32>
      %select_n3A_266 = arith.select %lt3A_264, %get3A_263, %select_n3A_253 : vector<32x512xi1>, vector<32x512xf32>
      %select_n3A_267 = arith.select %lt3A_264, %broadcast_in_dim3A_265, %select_n3A_254 : vector<32x512xi1>, vector<32x512xi32>
      %scan3A_268 = arith.constant 15 : i32
      %scan3A_269 = arith.addi %scan3A_73, %scan3A_268 : i32
      %mul3A_270 = arith.constant 32 : i32
      %mul3A_271 = arith.muli %scan3A_269, %mul3A_270 : i32
      %get3A_272 = arith.constant 0 : index
      %get3A_273 = arith.index_cast %mul3A_271 : i32 to index
      %get3A_274 = arith.constant 0 : index
      %get3A_275 = vector.load %arg1[%get3A_272, %get3A_273, %get3A_274] : memref<1x2048x512xf32, #tpu.memory_space<vmem>>, vector<1x32x512xf32>
      %get3A_276 = vector.shape_cast %get3A_275 : vector<1x32x512xf32> to vector<32x512xf32>
      %lt3A_277 = arith.cmpf olt, %get3A_276, %select_n3A_266 : vector<32x512xf32>
      %broadcast_in_dim3A_278 = vector.broadcast %scan3A_269 : i32 to vector<32x512xi32>
      %select_n3A_279 = arith.select %lt3A_277, %get3A_276, %select_n3A_266 : vector<32x512xi1>, vector<32x512xf32>
      %select_n3A_280 = arith.select %lt3A_277, %broadcast_in_dim3A_278, %select_n3A_267 : vector<32x512xi1>, vector<32x512xi32>
      scf.yield %select_n3A_279, %select_n3A_280 : vector<32x512xf32>, vector<32x512xi32>
    }
    %scan3A_7 = arith.constant 64 : i32
    %iota3A = tpu.iota {dimensions = array<i32: 0>} : vector<32x512xi32>
    %mul3A = arith.constant 32 : i32
    %mul3A_8 = vector.broadcast %mul3A : i32 to vector<32x512xi32>
    %mul3A_9 = arith.muli %scan3A_6#1, %mul3A_8 : vector<32x512xi32>
    %add3A = arith.addi %mul3A_9, %iota3A : vector<32x512xi32>
    %slice3A = vector.extract_strided_slice %scan3A_6#0 {offsets = [16, 0], sizes = [16, 512], strides = [1, 1]} : vector<32x512xf32> to vector<16x512xf32>
    %slice3A_10 = vector.extract_strided_slice %scan3A_6#0 {offsets = [0, 0], sizes = [16, 512], strides = [1, 1]} : vector<32x512xf32> to vector<16x512xf32>
    %concatenate3A = tpu.concatenate %slice3A, %slice3A_10 in 0 : vector<16x512xf32>, vector<16x512xf32> -> vector<32x512xf32>
    %slice3A_11 = vector.extract_strided_slice %add3A {offsets = [16, 0], sizes = [16, 512], strides = [1, 1]} : vector<32x512xi32> to vector<16x512xi32>
    %slice3A_12 = vector.extract_strided_slice %add3A {offsets = [0, 0], sizes = [16, 512], strides = [1, 1]} : vector<32x512xi32> to vector<16x512xi32>
    %concatenate3A_13 = tpu.concatenate %slice3A_11, %slice3A_12 in 0 : vector<16x512xi32>, vector<16x512xi32> -> vector<32x512xi32>
    %lt3A = arith.cmpf olt, %concatenate3A, %scan3A_6#0 : vector<32x512xf32>
    %eq3A = arith.cmpf oeq, %concatenate3A, %scan3A_6#0 : vector<32x512xf32>
    %lt3A_14 = arith.cmpi slt, %concatenate3A_13, %add3A : vector<32x512xi32>
    %and3A = arith.andi %eq3A, %lt3A_14 : vector<32x512xi1>
    %or3A = arith.ori %lt3A, %and3A : vector<32x512xi1>
    %select_n3A = arith.select %or3A, %concatenate3A, %scan3A_6#0 : vector<32x512xi1>, vector<32x512xf32>
    %select_n3A_15 = arith.select %or3A, %concatenate3A_13, %add3A : vector<32x512xi1>, vector<32x512xi32>
    %slice3A_16 = vector.extract_strided_slice %select_n3A {offsets = [8, 0], sizes = [24, 512], strides = [1, 1]} : vector<32x512xf32> to vector<24x512xf32>
    %slice3A_17 = vector.extract_strided_slice %select_n3A {offsets = [0, 0], sizes = [8, 512], strides = [1, 1]} : vector<32x512xf32> to vector<8x512xf32>
    %concatenate3A_18 = tpu.concatenate %slice3A_16, %slice3A_17 in 0 : vector<24x512xf32>, vector<8x512xf32> -> vector<32x512xf32>
    %slice3A_19 = vector.extract_strided_slice %select_n3A_15 {offsets = [8, 0], sizes = [24, 512], strides = [1, 1]} : vector<32x512xi32> to vector<24x512xi32>
    %slice3A_20 = vector.extract_strided_slice %select_n3A_15 {offsets = [0, 0], sizes = [8, 512], strides = [1, 1]} : vector<32x512xi32> to vector<8x512xi32>
    %concatenate3A_21 = tpu.concatenate %slice3A_19, %slice3A_20 in 0 : vector<24x512xi32>, vector<8x512xi32> -> vector<32x512xi32>
    %lt3A_22 = arith.cmpf olt, %concatenate3A_18, %select_n3A : vector<32x512xf32>
    %eq3A_23 = arith.cmpf oeq, %concatenate3A_18, %select_n3A : vector<32x512xf32>
    %lt3A_24 = arith.cmpi slt, %concatenate3A_21, %select_n3A_15 : vector<32x512xi32>
    %and3A_25 = arith.andi %eq3A_23, %lt3A_24 : vector<32x512xi1>
    %or3A_26 = arith.ori %lt3A_22, %and3A_25 : vector<32x512xi1>
    %select_n3A_27 = arith.select %or3A_26, %concatenate3A_18, %select_n3A : vector<32x512xi1>, vector<32x512xf32>
    %select_n3A_28 = arith.select %or3A_26, %concatenate3A_21, %select_n3A_15 : vector<32x512xi1>, vector<32x512xi32>
    %slice3A_29 = vector.extract_strided_slice %select_n3A_27 {offsets = [4, 0], sizes = [28, 512], strides = [1, 1]} : vector<32x512xf32> to vector<28x512xf32>
    %slice3A_30 = vector.extract_strided_slice %select_n3A_27 {offsets = [0, 0], sizes = [4, 512], strides = [1, 1]} : vector<32x512xf32> to vector<4x512xf32>
    %concatenate3A_31 = tpu.concatenate %slice3A_29, %slice3A_30 in 0 : vector<28x512xf32>, vector<4x512xf32> -> vector<32x512xf32>
    %slice3A_32 = vector.extract_strided_slice %select_n3A_28 {offsets = [4, 0], sizes = [28, 512], strides = [1, 1]} : vector<32x512xi32> to vector<28x512xi32>
    %slice3A_33 = vector.extract_strided_slice %select_n3A_28 {offsets = [0, 0], sizes = [4, 512], strides = [1, 1]} : vector<32x512xi32> to vector<4x512xi32>
    %concatenate3A_34 = tpu.concatenate %slice3A_32, %slice3A_33 in 0 : vector<28x512xi32>, vector<4x512xi32> -> vector<32x512xi32>
    %lt3A_35 = arith.cmpf olt, %concatenate3A_31, %select_n3A_27 : vector<32x512xf32>
    %eq3A_36 = arith.cmpf oeq, %concatenate3A_31, %select_n3A_27 : vector<32x512xf32>
    %lt3A_37 = arith.cmpi slt, %concatenate3A_34, %select_n3A_28 : vector<32x512xi32>
    %and3A_38 = arith.andi %eq3A_36, %lt3A_37 : vector<32x512xi1>
    %or3A_39 = arith.ori %lt3A_35, %and3A_38 : vector<32x512xi1>
    %select_n3A_40 = arith.select %or3A_39, %concatenate3A_31, %select_n3A_27 : vector<32x512xi1>, vector<32x512xf32>
    %select_n3A_41 = arith.select %or3A_39, %concatenate3A_34, %select_n3A_28 : vector<32x512xi1>, vector<32x512xi32>
    %slice3A_42 = vector.extract_strided_slice %select_n3A_40 {offsets = [2, 0], sizes = [30, 512], strides = [1, 1]} : vector<32x512xf32> to vector<30x512xf32>
    %slice3A_43 = vector.extract_strided_slice %select_n3A_40 {offsets = [0, 0], sizes = [2, 512], strides = [1, 1]} : vector<32x512xf32> to vector<2x512xf32>
    %concatenate3A_44 = tpu.concatenate %slice3A_42, %slice3A_43 in 0 : vector<30x512xf32>, vector<2x512xf32> -> vector<32x512xf32>
    %slice3A_45 = vector.extract_strided_slice %select_n3A_41 {offsets = [2, 0], sizes = [30, 512], strides = [1, 1]} : vector<32x512xi32> to vector<30x512xi32>
    %slice3A_46 = vector.extract_strided_slice %select_n3A_41 {offsets = [0, 0], sizes = [2, 512], strides = [1, 1]} : vector<32x512xi32> to vector<2x512xi32>
    %concatenate3A_47 = tpu.concatenate %slice3A_45, %slice3A_46 in 0 : vector<30x512xi32>, vector<2x512xi32> -> vector<32x512xi32>
    %lt3A_48 = arith.cmpf olt, %concatenate3A_44, %select_n3A_40 : vector<32x512xf32>
    %eq3A_49 = arith.cmpf oeq, %concatenate3A_44, %select_n3A_40 : vector<32x512xf32>
    %lt3A_50 = arith.cmpi slt, %concatenate3A_47, %select_n3A_41 : vector<32x512xi32>
    %and3A_51 = arith.andi %eq3A_49, %lt3A_50 : vector<32x512xi1>
    %or3A_52 = arith.ori %lt3A_48, %and3A_51 : vector<32x512xi1>
    %select_n3A_53 = arith.select %or3A_52, %concatenate3A_44, %select_n3A_40 : vector<32x512xi1>, vector<32x512xf32>
    %select_n3A_54 = arith.select %or3A_52, %concatenate3A_47, %select_n3A_41 : vector<32x512xi1>, vector<32x512xi32>
    %slice3A_55 = vector.extract_strided_slice %select_n3A_53 {offsets = [1, 0], sizes = [31, 512], strides = [1, 1]} : vector<32x512xf32> to vector<31x512xf32>
    %slice3A_56 = vector.extract_strided_slice %select_n3A_53 {offsets = [0, 0], sizes = [1, 512], strides = [1, 1]} : vector<32x512xf32> to vector<1x512xf32>
    %concatenate3A_57 = tpu.concatenate %slice3A_55, %slice3A_56 in 0 : vector<31x512xf32>, vector<1x512xf32> -> vector<32x512xf32>
    %slice3A_58 = vector.extract_strided_slice %select_n3A_54 {offsets = [1, 0], sizes = [31, 512], strides = [1, 1]} : vector<32x512xi32> to vector<31x512xi32>
    %slice3A_59 = vector.extract_strided_slice %select_n3A_54 {offsets = [0, 0], sizes = [1, 512], strides = [1, 1]} : vector<32x512xi32> to vector<1x512xi32>
    %concatenate3A_60 = tpu.concatenate %slice3A_58, %slice3A_59 in 0 : vector<31x512xi32>, vector<1x512xi32> -> vector<32x512xi32>
    %lt3A_61 = arith.cmpf olt, %concatenate3A_57, %select_n3A_53 : vector<32x512xf32>
    %eq3A_62 = arith.cmpf oeq, %concatenate3A_57, %select_n3A_53 : vector<32x512xf32>
    %lt3A_63 = arith.cmpi slt, %concatenate3A_60, %select_n3A_54 : vector<32x512xi32>
    %and3A_64 = arith.andi %eq3A_62, %lt3A_63 : vector<32x512xi1>
    %or3A_65 = arith.ori %lt3A_61, %and3A_64 : vector<32x512xi1>
    %select_n3A_66 = arith.select %or3A_65, %concatenate3A_60, %select_n3A_54 : vector<32x512xi1>, vector<32x512xi32>
    %slice3A_67 = vector.extract_strided_slice %select_n3A_66 {offsets = [0, 0], sizes = [1, 512], strides = [1, 1]} : vector<32x512xi32> to vector<1x512xi32>
    %squeeze3A = vector.shape_cast %slice3A_67 : vector<1x512xi32> to vector<512xi32>
    %swap3A = arith.constant 0 : index
    %swap3A_68 = arith.constant 0 : index
    %swap3A_69 = arith.constant 0 : index
    %swap3A_70 = vector.load %arg2[%swap3A, %swap3A_68, %swap3A_69] : memref<1x1x512xi32, #tpu.memory_space<vmem>>, vector<1x1x512xi32>
    %swap3A_71 = vector.shape_cast %swap3A_70 : vector<1x1x512xi32> to vector<512xi32>
    %swap3A_72 = vector.shape_cast %squeeze3A : vector<512xi32> to vector<1x1x512xi32>
    tpu.vector_store %arg2[%swap3A, %swap3A_68, %swap3A_69], %swap3A_72 {strides = array<i32>} : memref<1x1x512xi32, #tpu.memory_space<vmem>>, vector<1x1x512xi32>,
    return
  }
  func.func @transform_0(%arg0: i32) -> (i32, i32, i32) {
    %add3A = arith.constant 16 : i32
    %add3A_0 = arith.addi %arg0, %add3A : i32
    %c0_i32 = arith.constant 0 : i32
    %c0_i32_1 = arith.constant 0 : i32
    %c0_i32_2 = arith.constant 0 : i32
    return %add3A_0, %c0_i32, %c0_i32_1 : i32, i32, i32
  }
  func.func @transform_1(%arg0: i32) -> (i32, i32, i32) {
    %c0_i32 = arith.constant 0 : i32
    %c0_i32_0 = arith.constant 0 : i32
    %c0_i32_1 = arith.constant 0 : i32
    return %arg0, %c0_i32, %c0_i32_0 : i32, i32, i32
  }
}

</mosaic_0001>

<sc_bundles>
// kernel: kernel.4.cloned.1.call-start
scs
__scs_entry_jumppad:
0x0: {  	(pc) =	sbr.rel $0x88, $3  }
0x1: {  	(tag) =	ssettag $0x0;
	lr =	simm.s32 $0x1  }
0x2: {  	[smem:$0x3FA0] =	sst lr;
	_ =	strace $0xD0000000  }
0x3: {  	_ = 	snop  }
0x4: {  	_ = 	snop  }
0x5: {  	_ = 	snop  }
0x6: {  	_ = 	snop  }
0x7: {  	_ = 	snop  }
__scs_overlays_trampoline_lowered:
0x8: {  	[smem:$0x3FAF] =	sst s0  }
0x9: {  	[smem:$0x3FB0] =	sst s1  }
0xa: {  	[smem:$0x3FB1] =	sst s2  }
0xb: {  	[smem:$0x3FB2] =	sst s3  }
0xc: {  	[smem:$0x3FB3] =	sst s4  }
0xd: {  	[smem:$0x3FB4] =	sst s5  }
0xe: {  	[smem:$0x3FB5] =	sst s6  }
0xf: {  	[smem:$0x3FB6] =	sst s7  }
0x10: {  	[smem:$0x3FB7] =	sst s8  }
0x11: {  	[smem:$0x3FB8] =	sst s9;
	s0 =	simm.s32 @!p0 $0x0  }
0x12: {  	s1 =	sld [smem:$0x3F9E];
	s0 =	simm.s32 @p0 $0x1  }
0x13: {  	[smem:$0x3FB9] =	sst s0;
	s0 =	simm.s32 @!p1 $0x0  }
0x14: {  	s2 =	sld [smem:$0x3F9D];
	s0 =	simm.s32 @p1 $0x1  }
0x15: {  	[smem:$0x3FBA] =	sst s0;
	s0 =	simm.s32 @!p2 $0x0  }
0x16: {  	s3 =	sld [smem:$0x3FDB];
	s0 =	simm.s32 @p2 $0x1  }
0x17: {  	s4 =	simm.s32 $0x1BF5;
	[smem:$0x3FBC] =	sst s0  }
0x18: {  	s0 =	sld [smem:$0x3F9F];
	_ =	swait.ge [sflag:s4], $0x0  }
0x19: {  	s7 =	sld [smem:$0x3FA0]  }
0x1a: {  	s8 =	sadd.s32 $0xFFFFE003, lr  }
0x1b: {  	s9 =	sadd.s32 $0xFFFFFEF7, lr;
	s5 =	simm.s32 $0xFFFFFFFF;
	p2 =	slt.u32 s8, $0xFFFFF086  }
0x1c: {  	p1 =	slt.u32 s9, $0xF7A;
	s5 =	simm.s32 @!p2 $0x0  }
0x1d: {  	s5 =	simm.s32 @p1 $0x1;
	p0 =	seq.s32 s7, s2  }
0x1e: {  	s7 =	smul.u32 @!p0 $0xF7A, s2;
	p2 =	seq.s32 @!p0 s5, $0x0  }
0x1f: {  	s9 =	smul.u32 $0xF7A, s1;
	s8 =	simm.s32 @!p0 $0x1BF5;
	p2 =	por !p2, p0  }
0x20: {  	[sflag:s8] =	ssyncset.s32 @!p0 $0xFFFFF086;
	s6 =	sadd.s32 @!p0 s3, s7;
	s7 =	simm.s32 @!p0 $0x108  }
0x21: {  	s3 =	sadd.s32 s3, s9;
	s6 =	sadd.s32 @!p0 $0x88, s6;
	s7 =	simm.s32 @p2 $0x1082  }
0x22: {  	[simem:s7], [sflag:s8] =	dma.local @!p0 [hbm:s6], $0xF7A  }
0x23: {  	s9 =	sor.u32 $0xD0000000, s2;
	s6 =	simm.s32 $0x108;
	_ =	swait.ge @!p0 [sflag:s8], $0x0  }
0x24: {  	s3 =	sadd.s32 $0x88, s3;
	s6 =	simm.s32 @!p1 $0x1082;
	[sflag:s4] =	ssyncset.s32 $0xFFFFF086  }
0x25: {  	[simem:s6], [sflag:s4] =	dma.local [hbm:s3], $0xF7A  }
0x26: {  	[smem:$0x3FA0] =	sst s1;
	(tag) =	ssettag s2;
	_ =	strace s9  }
0x27: {  	s1 =	sld [smem:$0x3FB0]  }
0x28: {  	s2 =	sld [smem:$0x3FB1]  }
0x29: {  	s4 =	sld [smem:$0x3FB3]  }
0x2a: {  	p0 =	seq.s32 s5, $0x0;
	s5 =	sld [smem:$0x3FB4]  }
0x2b: {  	s6 =	sld [smem:$0x3FB5]  }
0x2c: {  	s7 =	sld [smem:$0x3FB6]  }
0x2d: {  	s3 =	simm.s32 $0x108;
	s8 =	sld [smem:$0x3FB7]  }
0x2e: {  	s3 =	simm.s32 @!p0 $0x1082;
	s9 =	sld [smem:$0x3FB8]  }
0x2f: {  	lr =	sadd.s32 s0, s3;
	s0 =	sld [smem:$0x3FAF]  }
0x30: {  	s3 =	sld [smem:$0x3FB2]  }
0x31: {  	[smem:$0x3FBB] =	sst s10  }
0x32: {  	s10 =	sld [smem:$0x3FB9];
	_ =	sdelay $0x3  }
0x33: {  	p0 =	seq.s32 s10, $0x1;
	s10 =	sld [smem:$0x3FBB];
	_ =	sdelay $0x3  }
0x34: {  	[smem:$0x3FBB] =	sst s10  }
0x35: {  	s10 =	sld [smem:$0x3FBA];
	_ =	sdelay $0x3  }
0x36: {  	p1 =	seq.s32 s10, $0x1;
	s10 =	sld [smem:$0x3FBB];
	_ =	sdelay $0x3  }
0x37: {  	[smem:$0x3FBB] =	sst s10  }
0x38: {  	s10 =	sld [smem:$0x3FBC]  }
0x39: {  	_ = 	snop;
	(pc) =	sbr.ind lr, $3  }
0x3a: {  	_ = 	snop  }
0x3b: {  	_ = 	snop  }
0x3c: {  	p2 =	seq.s32 s10, $0x1;
	s10 =	sld [smem:$0x3FBB]  }
0x3d: {  	_ =	shalt  }
0x3e: {  	_ =	shalt  }
0x3f: {  	_ =	shalt  }
0x40: {  	_ =	shalt  }
0x41: {  	_ =	shalt  }
0x42: {  	_ =	shalt  }
0x43: {  	_ =	shalt  }
0x44: {  	_ =	shalt  }
0x45: {  	_ =	shalt  }
0x46: {  	_ =	shalt  }
0x47: {  	_ =	shalt  }
0x48: {  	_ =	shalt  }
0x49: {  	_ =	shalt  }
0x4a: {  	_ =	shalt  }
0x4b: {  	_ =	shalt  }
0x4c: {  	_ =	shalt  }
0x4d: {  	_ =	shalt  }
0x4e: {  	_ =	shalt  }
0x4f: {  	_ =	shalt  }
0x50: {  	_ =	shalt  }
0x51: {  	_ =	shalt  }
0x52: {  	_ =	shalt  }
0x53: {  	_ =	shalt  }
0x54: {  	_ =	shalt  }
0x55: {  	_ =	shalt  }
0x56: {  	_ =	shalt  }
0x57: {  	_ =	shalt  }
0x58: {  	_ =	shalt  }
0x59: {  	_ =	shalt  }
0x5a: {  	_ =	shalt  }
0x5b: {  	_ =	shalt  }
0x5c: {  	_ =	shalt  }
0x5d: {  	_ =	shalt  }
0x5e: {  	_ =	shalt  }
0x5f: {  	_ =	shalt  }
0x60: {  	_ =	shalt  }
0x61: {  	_ =	shalt  }
0x62: {  	_ =	shalt  }
0x63: {  	_ =	shalt  }
0x64: {  	_ =	shalt  }
0x65: {  	_ =	shalt  }
0x66: {  	_ =	shalt  }
0x67: {  	_ =	shalt  }
0x68: {  	_ =	shalt  }
0x69: {  	_ =	shalt  }
0x6a: {  	_ =	shalt  }
0x6b: {  	_ =	shalt  }
0x6c: {  	_ =	shalt  }
0x6d: {  	_ =	shalt  }
0x6e: {  	_ =	shalt  }
0x6f: {  	_ =	shalt  }
0x70: {  	_ =	shalt  }
0x71: {  	_ =	shalt  }
0x72: {  	_ =	shalt  }
0x73: {  	_ =	shalt  }
0x74: {  	_ =	shalt  }
0x75: {  	_ =	shalt  }
0x76: {  	_ =	shalt  }
0x77: {  	_ =	shalt  }
0x78: {  	_ =	shalt  }
0x79: {  	_ =	shalt  }
0x7a: {  	_ =	shalt  }
0x7b: {  	_ =	shalt  }
0x7c: {  	_ =	shalt  }
0x7d: {  	_ =	shalt  }
0x7e: {  	_ =	shalt  }
0x7f: {  	_ =	shalt  }
0x80: {  	_ =	shalt  }
0x81: {  	_ =	shalt  }
0x82: {  	_ =	shalt  }
0x83: {  	_ =	shalt  }
0x84: {  	_ =	shalt  }
0x85: {  	_ =	shalt  }
0x86: {  	_ =	shalt  }
0x87: {  	_ =	shalt  }
.Lfunc_end0:
.L_simem_size_0:
called_computation_lowered:
.L_overlay_start_0:
0x88: {  	s2 =	sld [smem:$0x3FD9]  }
0x89: {  	s3 =	sld [smem:$0x3FFE];
	_ =	sdelay $0x1  }
0x8a: {  	s1 =	srdreg.scid  }
0x8b: {  	s0 =	sand.u32 $0x1, s1  }
0x8c: {  	s17 =	sshll.u32 s0, $0xA;
	s2 =	sadd.s32 s3, s2  }
0x8d: {  	s2 =	sadd.s32 s2, s17  }
0x8e: {  	[smem:$0x3FC7] =	sst s2  }
0x8f: {  	_ = 	snop  }
0x90: {  	s2 =	sld [smem:$0x3FC9];
	(tm) =	ssettm $0x1  }
0x91: {  	s18 =	sld [smem:$0x3FFB];
	_ =	sdelay $0x3  }
0x92: {  	_ =	strace s18  }
0x93: {  	s3 =	sld [smem:$0x3FFC];
	_ =	sdelay $0x3  }
0x94: {  	_ =	strace s3  }
0x95: {  	s3 =	sld [smem:$0x3FFD];
	_ =	sdelay $0x3  }
0x96: {  	_ =	strace s3  }
0x97: {  	_ =	strace $0x8FFFFFFF  }
0x98: {  	s19 =	sld [smem:$0x3FDB];
	_ =	sdelay $0x1  }
0x99: {  	s4 =	simm.s32 $_scs_section_size  }
0x9a: {  	s5 =	simm.s32 $_size__tile_overlayer_lowered;
	s6 =	simm.s32 $_tile_overlayer_lowered  }
0x9b: {  	s22 =	simm.s32 $0x1BFF;
	s21 =	sshll.u32 s6, $0x1;
	s3 =	sadd.s32 s4, s19  }
0x9c: {  	s7 =	simm.s32 $0x0;
	s20 =	sshll.u32 s5, $0x1;
	s5 =	sadd.s32 s21, s3  }
0x9d: {  	[timem:s7], [sflag:s22] =	dma.local [hbm:s5], s20  }
0x9e: {  	_ =	swait.ge [sflag:s22], s20  }
0x9f: {  	s4 =	ssub.s32 $0x0, s20;
	[sflag:s22] =	ssyncset.done $0x0  }
0xa0: {  	[sflag:s22] =	ssyncadd.s32 s4;
	_ =	sdelay $0x1  }
0xa1: {  	s23 =	simm.s32 $0x1B8B  }
0xa2: {  	_ =	swait.ge [sflag:s23], $0x1  }
0xa3: {  	[sflag:s23] =	ssyncset.done $0x0  }
0xa4: {  	s25 =	simm.s32 $0x1B8E;
	s24 =	sld [smem:$0x3FFE];
	[sflag:s23] =	ssyncadd.s32 $0xFFFFFFFF  }
0xa5: {  	s26 =	simm.s32 $execute0_lowered;
	[smem:$0x3FD2] =	sst s25  }
0xa6: {  	s5 =	sshll.u32 s26, $0x1;
	_ =	strace $0x80000046;
	[dreg:$0x1] =	wrdreg $0xFFFFFFFF  }
0xa7: {  	s28 =	simm.s32 $_size_execute0_lowered;
	s3 =	sadd.s32 s3, s5;
	[dreg:$0x0] =	wrdreg $0x0  }
0xa8: {  	s5 =	sshll.u32 s28, $0x1;
	[dreg:$0x2] =	wrdreg s3  }
0xa9: {  	[dreg:$0x3] =	wrdreg s5  }
0xaa: {  	[dreg:$0x4] =	wrdreg $0xC0  }
0xab: {  	_ =	task [dreg:s7], $0x5FFFF  }
0xac: {  	[dreg:$0x1] =	wrdreg $0xFFFFFFFF  }
0xad: {  	[dreg:$0x0] =	wrdreg $0x60  }
0xae: {  	[dreg:$0x2] =	wrdreg s2  }
0xaf: {  	[dreg:$0x3] =	wrdreg s24  }
0xb0: {  	[dreg:$0x4] =	wrdreg $0x9  }
0xb1: {  	_ =	task.clear_ibuf [dreg:s7], $0x5FFFF;
	_ =	strace $0x90000046  }
0xb2: {  	s29 =	simm.s32 $0x9;
	_ =	strace $0x80000048  }
0xb3: {  	_ =	swait.ge [sflag:s29], $0x1  }
0xb4: {  	[sflag:s29] =	ssyncadd.s32 $0xFFFFFFFF  }
0xb5: {  	_ =	strace $0x90000048  }
0xb6: {  	_ =	sfence  }
0xb7: {  	s30 =	sld [smem:$0x0];
	_ =	sdelay $0x2  }
0xb8: {  	s31 =	sshll.u32 s1, $0xD;
	s1 =	sshrl.u32 s1, $0x2  }
0xb9: {  	s3 =	sand.u32 $0x4000, s31;
	s1 =	sadd.s32 s1, s30  }
0xba: {  	s0 =	sor.u32 s3, s0;
	s1 =	sshll.u32 s1, $0x11  }
0xbb: {  	s0 =	sor.u32 s1, s0  }
0xbc: {  	s0 =	sadd.s32 $0x8F2B, s0  }
0xbd: {  	[sflag:s0] =	ssyncadd.remote.s32 $0x1  }
0xbe: {  	_ =	sfence.sel $0xFFFF  }
0xbf: {  	[dreg:$0x0] =	wrdreg $0xFFFFFFFF;
	(pc) =	sbr.abs _section_cstart, $3  }
0xc0: {  	[dreg:$0x1] =	wrdreg $0xFFFFFFFF  }
0xc1: {  	_ =	task.clear_ibuf [dreg:s7], $0x2FFFF;
	_ =	strace $0x9FFFFFFF  }
0xc2: {  	(tm) =	ssettm $0x7FFFFFFF  }
0xc3: {  	_ =	shalt  }
tec
execute0_lowered:
.L_overlay_start_1:
0x0: {  	(tag) =	ssettag $0x1  }
0x1: {  	s1 =	srdreg.scid;
	s2 =	rddreg [dreg:$0x0]  }
0x2: {  	s0 =	stileid.u32;
	s6 =	rddreg [dreg:$0x1]  }
0x3: {  	s4 =	simm.s32 $0x1;
	s3 =	simm.s32 $0x0;
	s5 =	sand.u32 $0x1, s1  }
0x4: {  	s12 =	simm.s32 $0x4000;
	s13 =	simm.s32 $0x2;
	s1 =	sor.u32 s5, s0  }
0x5: {  	s14 =	simm.s32 $0x80;
	p1 =	seq.s32 s5, $0x1;
	p0 =	seq.s32 s1, $0x0  }
0x6: {  	s15 =	simm.s32 $0x400;
	s16 =	simm.s32 $0x8100;
	p0 =	por !p0, !p1  }
0x7: {  	s17 =	simm.s32 $0x3;
	s18 =	simm.s32 $0x0;
	p0 =	por !p0, !p0  }
0x8: {  	[smem:$0x7FF] =	sst s3;
	s10 =	sshll.u32 s5, $0xB;
	s4 =	simm.s32 @!p0 $0x0  }
0x9: {  	s29 =	ssub.s32 $0x2, s5;
	s1 =	rddreg [dreg:$0x2];
	s7 =	ssub.s32 s0, s4  }
0xa: {  	_ =	strace $0x80000047;
	s8 =	sshll.u32 s7, $0x9;
	s9 =	sshll.u32 s7, $0x7  }
0xb: {  	s31 =	sshrl.u32 s29, $0x1;
	s8 =	sand.u32 $0xFFFFF000, s8;
	s9 =	sand.u32 $0x380, s9  }
0xc: {  	s4 =	simm.s32 $0x1;
	s7 =	sshll.u32 s7, $0x14;
	s8 =	sor.u32 s8, s9  }
0xd: {  	s5 =	sor.u32 s10, s7;
	s9 =	ssub.s32 s29, s31;
	s8 =	sor.u32 s10, s8  }
0xe: {  	s7 =	sor.u32 $0x10000, s5;
	s10 =	sshrl.u32 s5, $0x3;
	s30 =	sshrl.u32 s8, $0x3  }
0xf: {  	s9 =	smax.u32 s9, $0x1;
	s11 =	sadd.s32 s30, s6;
	s6 =	sadd.s32 s2, s10  }
0x10: {  	v0 =	vimm.f32 $+Inf;
	v1 =	vimm.s32 $0x0;
	s10 =	simm.s32 $0x800;
	s8 =	sadd.s32 $0x400, s11;
	s11 =	simm.s32 $0x1000  }
.LBB2_1:
0x11: {  	[tilespmem:$0x8000] =	vst v0  }
0x12: {  	[tilespmem:$0x8100] =	vst v1  }
0x13: {  	[tilespmem:$0x8010] =	vst v0  }
0x14: {  	[tilespmem:$0x8110] =	vst v1  }
0x15: {  	[tilespmem:$0x8020] =	vst v0  }
0x16: {  	[tilespmem:$0x8120] =	vst v1  }
0x17: {  	[tilespmem:$0x8030] =	vst v0  }
0x18: {  	[tilespmem:$0x8130] =	vst v1  }
0x19: {  	[tilespmem:$0x8040] =	vst v0  }
0x1a: {  	[tilespmem:$0x8140] =	vst v1  }
0x1b: {  	[tilespmem:$0x8050] =	vst v0  }
0x1c: {  	[tilespmem:$0x8150] =	vst v1  }
0x1d: {  	[tilespmem:$0x8060] =	vst v0  }
0x1e: {  	[tilespmem:$0x8160] =	vst v1  }
0x1f: {  	[tilespmem:$0x8070] =	vst v0  }
0x20: {  	[tilespmem:$0x8170] =	vst v1  }
0x21: {  	[tilespmem:$0x8080] =	vst v0  }
0x22: {  	[tilespmem:$0x8180] =	vst v1  }
0x23: {  	[tilespmem:$0x8090] =	vst v0  }
0x24: {  	[tilespmem:$0x8190] =	vst v1  }
0x25: {  	[tilespmem:$0x80A0] =	vst v0  }
0x26: {  	[tilespmem:$0x81A0] =	vst v1  }
0x27: {  	[tilespmem:$0x80B0] =	vst v0  }
0x28: {  	[tilespmem:$0x81B0] =	vst v1  }
0x29: {  	[tilespmem:$0x80C0] =	vst v0  }
0x2a: {  	[tilespmem:$0x81C0] =	vst v1  }
0x2b: {  	[tilespmem:$0x80D0] =	vst v0  }
0x2c: {  	[tilespmem:$0x81D0] =	vst v1  }
0x2d: {  	[tilespmem:$0x80E0] =	vst v0  }
0x2e: {  	[tilespmem:$0x81E0] =	vst v1  }
0x2f: {  	[tilespmem:$0x80F0] =	vst v0  }
0x30: {  	[tilespmem:$0x81F0] =	vst v1;
	s19 =	simm.s32 $0x0  }
0x31: {  	[tilespmem:s3], [sflag:$0x1] =	stream.strided.gather [hbm4b:s6+s10], $0x4000, s11, s10, $0x38;
	[tilespmem:$0x8200] =	vst v63  }
.LBB2_2:
0x32: {  	s21 =	sshll.u32 s19, $0x7  }
0x33: {  	s20 =	sor.u32 $0x40, s21  }
0x34: {  	s22 =	sshll.u32 s20, $0x9  }
0x35: {  	s22 =	sadd.s32 s5, s22  }
0x36: {  	s22 =	sshrl.u32 s22, $0x3  }
0x37: {  	s22 =	sadd.s32 s2, s22  }
0x38: {  	[tilespmem:s12], [sflag:$0x2] =	stream.strided.gather [hbm4b:s22+s10], $0x4000, s11, s10, $0x38;
	[tilespmem:$0x8200] =	vst v63  }
0x39: {  	_ =	swait.ge [sflag:s4], $0x4000  }
0x3a: {  	[sflag:s4] =	ssyncset.done $0x0  }
0x3b: {  	[sflag:s4] =	ssyncadd.s32 $0xFFFFC000  }
0x3c: {  	s31 =	simm.s32 $0x200;
	v2 =	vld [tilespmem:$0x8000]  }
0x3d: {  	v3 =	vld [tilespmem:s31+$0xFFFFFE00];
	_ =	sdelay $0x1  }
0x3e: {  	v4 =	vld [tilespmem:s31+$0xFFFFFE80];
	_ =	sdelay $0x1  }
0x3f: {  	v5 =	vld [tilespmem:s31+$0xFFFFFF00]  }
0x40: {  	v6 =	vld [tilespmem:$0x8100];
	vm0 =	vlt.f32 v3, v2  }
0x41: {  	v7 =	vld [tilespmem:s31+$0xFFFFFF80];
	v2 =	vsel vm0, v3, v2  }
0x42: {  	vm1 =	vlt.f32 v4, v2  }
0x43: {  	v9 =	vld [tilespmem:s31+$0x0];
	v3 =	vsel vm1, v4, v2  }
0x44: {  	vm2 =	vlt.f32 v5, v3  }
0x45: {  	v8 =	vld [tilespmem:s31+$0x80];
	v2 =	vmov s21;
	v5 =	vsel vm2, v5, v3  }
0x46: {  	v4 =	vsel vm0, v2, v6;
	v3 =	vor.u32 $0x1, v2;
	vm0 =	vlt.f32 v7, v5  }
0x47: {  	v10 =	vld [tilespmem:s31+$0x100];
	v6 =	vsel vm1, v3, v4;
	v4 =	vor.u32 $0x2, v2;
	v7 =	vsel vm0, v7, v5  }
0x48: {  	v6 =	vsel vm2, v4, v6;
	v5 =	vor.u32 $0x3, v2;
	vm1 =	vlt.f32 v9, v7  }
0x49: {  	v11 =	vsel vm0, v5, v6;
	v6 =	vor.u32 $0x4, v2;
	v12 =	vsel vm1, v9, v7;
	v9 =	vld [tilespmem:s31+$0x180]  }
0x4a: {  	s22 =	simm.s32 $0xA00;
	s21 =	simm.s32 $0x0;
	v13 =	vor.u32 $0x5, v2;
	v11 =	vsel vm1, v6, v11;
	vm0 =	vlt.f32 v8, v12;
	v7 =	vmovc v2  }
.LBB2_3:
0x4b: {  	v14 =	vld [tilespmem:s22+$0xFFFFFE00];
	s21 =	sadd.s32 $0x8, s21;
	v8 =	vsel vm0, v8, v12;
	v11 =	vsel vm0, v13, v11  }
0x4c: {  	v12 =	vor.u32 $0x6, v7;
	p0 =	slt.u32 s21, $0x38;
	vm0 =	vlt.f32 v10, v8  }
0x4d: {  	v13 =	vld [tilespmem:s22+$0xFFFFFE80];
	v8 =	vsel vm0, v10, v8;
	v10 =	vsel vm0, v12, v11  }
0x4e: {  	v11 =	vor.u32 $0x7, v7;
	vm0 =	vlt.f32 v9, v8  }
0x4f: {  	v12 =	vld [tilespmem:s22+$0xFFFFFF00];
	v8 =	vsel vm0, v9, v8;
	v9 =	vsel vm0, v11, v10  }
0x50: {  	v7 =	vadd.s32 $0x8, v7;
	vm0 =	vlt.f32 v14, v8  }
0x51: {  	v8 =	vsel vm0, v14, v8;
	v9 =	vsel vm0, v7, v9;
	v10 =	vld [tilespmem:s22+$0xFFFFFF80]  }
0x52: {  	v11 =	vor.u32 $0x1, v7;
	vm0 =	vlt.f32 v13, v8  }
0x53: {  	v8 =	vsel vm0, v13, v8;
	v9 =	vsel vm0, v11, v9;
	v11 =	vld [tilespmem:s22+$0x0]  }
0x54: {  	v13 =	vor.u32 $0x2, v7;
	vm0 =	vlt.f32 v12, v8  }
0x55: {  	v12 =	vsel vm0, v12, v8;
	v9 =	vsel vm0, v13, v9;
	v8 =	vld [tilespmem:s22+$0x80]  }
.Ltmp0:
0x56: {  	v13 =	vor.u32 $0x3, v7;
	vm0 =	vlt.f32 v10, v12;
	(pc) =	sbr.rel @p0 .LBB2_3-.Ltmp0, $4  }
0x57: {  	v12 =	vsel vm0, v10, v12;
	v9 =	vsel vm0, v13, v9;
	v10 =	vld [tilespmem:s22+$0x100]  }
0x58: {  	v13 =	vor.u32 $0x4, v7;
	vm0 =	vlt.f32 v11, v12  }
0x59: {  	v12 =	vsel vm0, v11, v12;
	v11 =	vsel vm0, v13, v9;
	v9 =	vld [tilespmem:s22+$0x180]  }
0x5a: {  	v13 =	vor.u32 $0x5, v7;
	s22 =	sadd.s32 $0x800, s22;
	vm0 =	vlt.f32 v8, v12  }
0x5b: {  	v8 =	vsel vm0, v8, v12  }
0x5c: {  	vm1 =	vlt.f32 v10, v8  }
0x5d: {  	v8 =	vsel vm1, v10, v8  }
0x5e: {  	v10 =	vsel vm0, v13, v11;
	v11 =	vor.u32 $0x6, v7;
	vm0 =	vlt.f32 v9, v8  }
0x5f: {  	v7 =	vor.u32 $0x7, v7;
	v10 =	vsel vm1, v11, v10;
	v8 =	vsel vm0, v9, v8  }
0x60: {  	v7 =	vsel vm0, v7, v10;
	[tilespmem:$0x8000] =	vst v8  }
0x61: {  	s22 =	simm.s32 $0x210;
	[tilespmem:$0x8100] =	vst v7;
	v7 =	vld [tilespmem:$0x8010]  }
0x62: {  	v8 =	vld [tilespmem:s22+$0xFFFFFE00];
	_ =	sdelay $0x1  }
0x63: {  	v9 =	vld [tilespmem:s22+$0xFFFFFE80];
	_ =	sdelay $0x1  }
0x64: {  	v10 =	vld [tilespmem:s22+$0xFFFFFF00]  }
0x65: {  	v11 =	vld [tilespmem:$0x8110];
	vm0 =	vlt.f32 v8, v7  }
0x66: {  	v7 =	vsel vm0, v8, v7  }
0x67: {  	v12 =	vld [tilespmem:s22+$0xFFFFFF80];
	vm1 =	vlt.f32 v9, v7  }
0x68: {  	v7 =	vsel vm1, v9, v7  }
0x69: {  	v9 =	vld [tilespmem:s22+$0x0];
	vm2 =	vlt.f32 v10, v7  }
0x6a: {  	v7 =	vsel vm2, v10, v7;
	v10 =	vsel vm0, v2, v11  }
0x6b: {  	v8 =	vld [tilespmem:s22+$0x80];
	v10 =	vsel vm1, v3, v10  }
0x6c: {  	vm0 =	vlt.f32 v12, v7;
	v10 =	vsel vm2, v4, v10  }
0x6d: {  	v7 =	vsel vm0, v12, v7;
	v11 =	vsel vm0, v5, v10;
	v10 =	vld [tilespmem:s22+$0x100]  }
0x6e: {  	vm1 =	vlt.f32 v9, v7  }
0x6f: {  	v12 =	vsel vm1, v9, v7;
	v9 =	vld [tilespmem:s22+$0x180]  }
0x70: {  	s21 =	simm.s32 $0x0;
	v13 =	vor.u32 $0x5, v2;
	v11 =	vsel vm1, v6, v11;
	s22 =	simm.s32 $0xA10;
	vm0 =	vlt.f32 v8, v12;
	v7 =	vmovc v2  }
.LBB2_5:
0x71: {  	v14 =	vld [tilespmem:s22+$0xFFFFFE00];
	s21 =	sadd.s32 $0x8, s21;
	v8 =	vsel vm0, v8, v12;
	v11 =	vsel vm0, v13, v11  }
0x72: {  	v12 =	vor.u32 $0x6, v7;
	p0 =	slt.u32 s21, $0x38;
	vm0 =	vlt.f32 v10, v8  }
0x73: {  	v13 =	vld [tilespmem:s22+$0xFFFFFE80];
	v8 =	vsel vm0, v10, v8;
	v10 =	vsel vm0, v12, v11  }
0x74: {  	v11 =	vor.u32 $0x7, v7;
	vm0 =	vlt.f32 v9, v8  }
0x75: {  	v12 =	vld [tilespmem:s22+$0xFFFFFF00];
	v8 =	vsel vm0, v9, v8;
	v9 =	vsel vm0, v11, v10  }
0x76: {  	v7 =	vadd.s32 $0x8, v7;
	vm0 =	vlt.f32 v14, v8  }
0x77: {  	v8 =	vsel vm0, v14, v8;
	v9 =	vsel vm0, v7, v9;
	v10 =	vld [tilespmem:s22+$0xFFFFFF80]  }
0x78: {  	v11 =	vor.u32 $0x1, v7;
	vm0 =	vlt.f32 v13, v8  }
0x79: {  	v8 =	vsel vm0, v13, v8;
	v9 =	vsel vm0, v11, v9;
	v11 =	vld [tilespmem:s22+$0x0]  }
0x7a: {  	v13 =	vor.u32 $0x2, v7;
	vm0 =	vlt.f32 v12, v8  }
0x7b: {  	v12 =	vsel vm0, v12, v8;
	v9 =	vsel vm0, v13, v9;
	v8 =	vld [tilespmem:s22+$0x80]  }
.Ltmp1:
0x7c: {  	v13 =	vor.u32 $0x3, v7;
	vm0 =	vlt.f32 v10, v12;
	(pc) =	sbr.rel @p0 .LBB2_5-.Ltmp1, $4  }
0x7d: {  	v12 =	vsel vm0, v10, v12;
	v9 =	vsel vm0, v13, v9;
	v10 =	vld [tilespmem:s22+$0x100]  }
0x7e: {  	v13 =	vor.u32 $0x4, v7;
	vm0 =	vlt.f32 v11, v12  }
0x7f: {  	v12 =	vsel vm0, v11, v12;
	v11 =	vsel vm0, v13, v9;
	v9 =	vld [tilespmem:s22+$0x180]  }
0x80: {  	v13 =	vor.u32 $0x5, v7;
	s22 =	sadd.s32 $0x800, s22;
	vm0 =	vlt.f32 v8, v12  }
0x81: {  	v8 =	vsel vm0, v8, v12  }
0x82: {  	vm1 =	vlt.f32 v10, v8  }
0x83: {  	v8 =	vsel vm1, v10, v8  }
0x84: {  	v10 =	vsel vm0, v13, v11;
	v11 =	vor.u32 $0x6, v7;
	vm0 =	vlt.f32 v9, v8  }
0x85: {  	v7 =	vor.u32 $0x7, v7;
	v10 =	vsel vm1, v11, v10;
	v8 =	vsel vm0, v9, v8  }
0x86: {  	v7 =	vsel vm0, v7, v10;
	[tilespmem:$0x8010] =	vst v8  }
0x87: {  	s22 =	simm.s32 $0x220;
	[tilespmem:$0x8110] =	vst v7;
	v7 =	vld [tilespmem:$0x8020]  }
0x88: {  	v8 =	vld [tilespmem:s22+$0xFFFFFE00];
	_ =	sdelay $0x1  }
0x89: {  	v9 =	vld [tilespmem:s22+$0xFFFFFE80];
	_ =	sdelay $0x1  }
0x8a: {  	v10 =	vld [tilespmem:s22+$0xFFFFFF00]  }
0x8b: {  	v11 =	vld [tilespmem:$0x8120];
	vm0 =	vlt.f32 v8, v7  }
0x8c: {  	v7 =	vsel vm0, v8, v7  }
0x8d: {  	v12 =	vld [tilespmem:s22+$0xFFFFFF80];
	vm1 =	vlt.f32 v9, v7  }
0x8e: {  	v7 =	vsel vm1, v9, v7  }
0x8f: {  	v9 =	vld [tilespmem:s22+$0x0];
	vm2 =	vlt.f32 v10, v7  }
0x90: {  	v7 =	vsel vm2, v10, v7;
	v10 =	vsel vm0, v2, v11  }
0x91: {  	v8 =	vld [tilespmem:s22+$0x80];
	v10 =	vsel vm1, v3, v10  }
0x92: {  	vm0 =	vlt.f32 v12, v7;
	v10 =	vsel vm2, v4, v10  }
0x93: {  	v7 =	vsel vm0, v12, v7;
	v11 =	vsel vm0, v5, v10;
	v10 =	vld [tilespmem:s22+$0x100]  }
0x94: {  	vm1 =	vlt.f32 v9, v7  }
0x95: {  	v12 =	vsel vm1, v9, v7;
	v9 =	vld [tilespmem:s22+$0x180]  }
0x96: {  	s21 =	simm.s32 $0x0;
	v13 =	vor.u32 $0x5, v2;
	v11 =	vsel vm1, v6, v11;
	s22 =	simm.s32 $0xA20;
	vm0 =	vlt.f32 v8, v12;
	v7 =	vmovc v2  }
.LBB2_7:
0x97: {  	v14 =	vld [tilespmem:s22+$0xFFFFFE00];
	s21 =	sadd.s32 $0x8, s21;
	v8 =	vsel vm0, v8, v12;
	v11 =	vsel vm0, v13, v11  }
0x98: {  	v12 =	vor.u32 $0x6, v7;
	p0 =	slt.u32 s21, $0x38;
	vm0 =	vlt.f32 v10, v8  }
0x99: {  	v13 =	vld [tilespmem:s22+$0xFFFFFE80];
	v8 =	vsel vm0, v10, v8;
	v10 =	vsel vm0, v12, v11  }
0x9a: {  	v11 =	vor.u32 $0x7, v7;
	vm0 =	vlt.f32 v9, v8  }
0x9b: {  	v12 =	vld [tilespmem:s22+$0xFFFFFF00];
	v8 =	vsel vm0, v9, v8;
	v9 =	vsel vm0, v11, v10  }
0x9c: {  	v7 =	vadd.s32 $0x8, v7;
	vm0 =	vlt.f32 v14, v8  }
0x9d: {  	v8 =	vsel vm0, v14, v8;
	v9 =	vsel vm0, v7, v9;
	v10 =	vld [tilespmem:s22+$0xFFFFFF80]  }
0x9e: {  	v11 =	vor.u32 $0x1, v7;
	vm0 =	vlt.f32 v13, v8  }
0x9f: {  	v8 =	vsel vm0, v13, v8;
	v9 =	vsel vm0, v11, v9;
	v11 =	vld [tilespmem:s22+$0x0]  }
0xa0: {  	v13 =	vor.u32 $0x2, v7;
	vm0 =	vlt.f32 v12, v8  }
0xa1: {  	v12 =	vsel vm0, v12, v8;
	v9 =	vsel vm0, v13, v9;
	v8 =	vld [tilespmem:s22+$0x80]  }
.Ltmp2:
0xa2: {  	v13 =	vor.u32 $0x3, v7;
	vm0 =	vlt.f32 v10, v12;
	(pc) =	sbr.rel @p0 .LBB2_7-.Ltmp2, $4  }
0xa3: {  	v12 =	vsel vm0, v10, v12;
	v9 =	vsel vm0, v13, v9;
	v10 =	vld [tilespmem:s22+$0x100]  }
0xa4: {  	v13 =	vor.u32 $0x4, v7;
	vm0 =	vlt.f32 v11, v12  }
0xa5: {  	v12 =	vsel vm0, v11, v12;
	v11 =	vsel vm0, v13, v9;
	v9 =	vld [tilespmem:s22+$0x180]  }
0xa6: {  	v13 =	vor.u32 $0x5, v7;
	s22 =	sadd.s32 $0x800, s22;
	vm0 =	vlt.f32 v8, v12  }
0xa7: {  	v8 =	vsel vm0, v8, v12  }
0xa8: {  	vm1 =	vlt.f32 v10, v8  }
0xa9: {  	v8 =	vsel vm1, v10, v8  }
0xaa: {  	v10 =	vsel vm0, v13, v11;
	v11 =	vor.u32 $0x6, v7;
	vm0 =	vlt.f32 v9, v8  }
0xab: {  	v7 =	vor.u32 $0x7, v7;
	v10 =	vsel vm1, v11, v10;
	v8 =	vsel vm0, v9, v8  }
0xac: {  	v7 =	vsel vm0, v7, v10;
	[tilespmem:$0x8020] =	vst v8  }
0xad: {  	s22 =	simm.s32 $0x230;
	[tilespmem:$0x8120] =	vst v7;
	v7 =	vld [tilespmem:$0x8030]  }
0xae: {  	v8 =	vld [tilespmem:s22+$0xFFFFFE00];
	_ =	sdelay $0x1  }
0xaf: {  	v9 =	vld [tilespmem:s22+$0xFFFFFE80];
	_ =	sdelay $0x1  }
0xb0: {  	v10 =	vld [tilespmem:s22+$0xFFFFFF00]  }
0xb1: {  	v11 =	vld [tilespmem:$0x8130];
	vm0 =	vlt.f32 v8, v7  }
0xb2: {  	v7 =	vsel vm0, v8, v7  }
0xb3: {  	v12 =	vld [tilespmem:s22+$0xFFFFFF80];
	vm1 =	vlt.f32 v9, v7  }
0xb4: {  	v7 =	vsel vm1, v9, v7  }
0xb5: {  	v9 =	vld [tilespmem:s22+$0x0];
	vm2 =	vlt.f32 v10, v7  }
0xb6: {  	v7 =	vsel vm2, v10, v7;
	v10 =	vsel vm0, v2, v11  }
0xb7: {  	v8 =	vld [tilespmem:s22+$0x80];
	v10 =	vsel vm1, v3, v10  }
0xb8: {  	vm0 =	vlt.f32 v12, v7;
	v10 =	vsel vm2, v4, v10  }
0xb9: {  	v7 =	vsel vm0, v12, v7;
	v11 =	vsel vm0, v5, v10;
	v10 =	vld [tilespmem:s22+$0x100]  }
0xba: {  	vm1 =	vlt.f32 v9, v7  }
0xbb: {  	v12 =	vsel vm1, v9, v7;
	v9 =	vld [tilespmem:s22+$0x180]  }
0xbc: {  	s21 =	simm.s32 $0x0;
	v13 =	vor.u32 $0x5, v2;
	v11 =	vsel vm1, v6, v11;
	s22 =	simm.s32 $0xA30;
	vm0 =	vlt.f32 v8, v12;
	v7 =	vmovc v2  }
.LBB2_9:
0xbd: {  	v14 =	vld [tilespmem:s22+$0xFFFFFE00];
	s21 =	sadd.s32 $0x8, s21;
	v8 =	vsel vm0, v8, v12;
	v11 =	vsel vm0, v13, v11  }
0xbe: {  	v12 =	vor.u32 $0x6, v7;
	p0 =	slt.u32 s21, $0x38;
	vm0 =	vlt.f32 v10, v8  }
0xbf: {  	v13 =	vld [tilespmem:s22+$0xFFFFFE80];
	v8 =	vsel vm0, v10, v8;
	v10 =	vsel vm0, v12, v11  }
0xc0: {  	v11 =	vor.u32 $0x7, v7;
	vm0 =	vlt.f32 v9, v8  }
0xc1: {  	v12 =	vld [tilespmem:s22+$0xFFFFFF00];
	v8 =	vsel vm0, v9, v8;
	v9 =	vsel vm0, v11, v10  }
0xc2: {  	v7 =	vadd.s32 $0x8, v7;
	vm0 =	vlt.f32 v14, v8  }
0xc3: {  	v8 =	vsel vm0, v14, v8;
	v9 =	vsel vm0, v7, v9;
	v10 =	vld [tilespmem:s22+$0xFFFFFF80]  }
0xc4: {  	v11 =	vor.u32 $0x1, v7;
	vm0 =	vlt.f32 v13, v8  }
0xc5: {  	v8 =	vsel vm0, v13, v8;
	v9 =	vsel vm0, v11, v9;
	v11 =	vld [tilespmem:s22+$0x0]  }
0xc6: {  	v13 =	vor.u32 $0x2, v7;
	vm0 =	vlt.f32 v12, v8  }
0xc7: {  	v12 =	vsel vm0, v12, v8;
	v9 =	vsel vm0, v13, v9;
	v8 =	vld [tilespmem:s22+$0x80]  }
.Ltmp3:
0xc8: {  	v13 =	vor.u32 $0x3, v7;
	vm0 =	vlt.f32 v10, v12;
	(pc) =	sbr.rel @p0 .LBB2_9-.Ltmp3, $4  }
0xc9: {  	v12 =	vsel vm0, v10, v12;
	v9 =	vsel vm0, v13, v9;
	v10 =	vld [tilespmem:s22+$0x100]  }
0xca: {  	v13 =	vor.u32 $0x4, v7;
	vm0 =	vlt.f32 v11, v12  }
0xcb: {  	v12 =	vsel vm0, v11, v12;
	v11 =	vsel vm0, v13, v9;
	v9 =	vld [tilespmem:s22+$0x180]  }
0xcc: {  	v13 =	vor.u32 $0x5, v7;
	s22 =	sadd.s32 $0x800, s22;
	vm0 =	vlt.f32 v8, v12  }
0xcd: {  	v8 =	vsel vm0, v8, v12  }
0xce: {  	vm1 =	vlt.f32 v10, v8  }
0xcf: {  	v8 =	vsel vm1, v10, v8  }
0xd0: {  	v10 =	vsel vm0, v13, v11;
	v11 =	vor.u32 $0x6, v7;
	vm0 =	vlt.f32 v9, v8  }
0xd1: {  	v7 =	vor.u32 $0x7, v7;
	v10 =	vsel vm1, v11, v10;
	v8 =	vsel vm0, v9, v8  }
0xd2: {  	v7 =	vsel vm0, v7, v10;
	[tilespmem:$0x8030] =	vst v8  }
0xd3: {  	s22 =	simm.s32 $0x240;
	[tilespmem:$0x8130] =	vst v7;
	v7 =	vld [tilespmem:$0x8040]  }
0xd4: {  	v8 =	vld [tilespmem:s22+$0xFFFFFE00];
	_ =	sdelay $0x1  }
0xd5: {  	v9 =	vld [tilespmem:s22+$0xFFFFFE80];
	_ =	sdelay $0x1  }
0xd6: {  	v10 =	vld [tilespmem:s22+$0xFFFFFF00]  }
0xd7: {  	v11 =	vld [tilespmem:$0x8140];
	vm0 =	vlt.f32 v8, v7  }
0xd8: {  	v7 =	vsel vm0, v8, v7  }
0xd9: {  	v12 =	vld [tilespmem:s22+$0xFFFFFF80];
	vm1 =	vlt.f32 v9, v7  }
0xda: {  	v7 =	vsel vm1, v9, v7  }
0xdb: {  	v9 =	vld [tilespmem:s22+$0x0];
	vm2 =	vlt.f32 v10, v7  }
0xdc: {  	v7 =	vsel vm2, v10, v7;
	v10 =	vsel vm0, v2, v11  }
0xdd: {  	v8 =	vld [tilespmem:s22+$0x80];
	v10 =	vsel vm1, v3, v10  }
0xde: {  	vm0 =	vlt.f32 v12, v7;
	v10 =	vsel vm2, v4, v10  }
0xdf: {  	v7 =	vsel vm0, v12, v7;
	v11 =	vsel vm0, v5, v10;
	v10 =	vld [tilespmem:s22+$0x100]  }
0xe0: {  	vm1 =	vlt.f32 v9, v7  }
0xe1: {  	v12 =	vsel vm1, v9, v7;
	v9 =	vld [tilespmem:s22+$0x180]  }
0xe2: {  	s21 =	simm.s32 $0x0;
	v13 =	vor.u32 $0x5, v2;
	v11 =	vsel vm1, v6, v11;
	s22 =	simm.s32 $0xA40;
	vm0 =	vlt.f32 v8, v12;
	v7 =	vmovc v2  }
.LBB2_11:
0xe3: {  	v14 =	vld [tilespmem:s22+$0xFFFFFE00];
	s21 =	sadd.s32 $0x8, s21;
	v8 =	vsel vm0, v8, v12;
	v11 =	vsel vm0, v13, v11  }
0xe4: {  	v12 =	vor.u32 $0x6, v7;
	p0 =	slt.u32 s21, $0x38;
	vm0 =	vlt.f32 v10, v8  }
0xe5: {  	v13 =	vld [tilespmem:s22+$0xFFFFFE80];
	v8 =	vsel vm0, v10, v8;
	v10 =	vsel vm0, v12, v11  }
0xe6: {  	v11 =	vor.u32 $0x7, v7;
	vm0 =	vlt.f32 v9, v8  }
0xe7: {  	v12 =	vld [tilespmem:s22+$0xFFFFFF00];
	v8 =	vsel vm0, v9, v8;
	v9 =	vsel vm0, v11, v10  }
0xe8: {  	v7 =	vadd.s32 $0x8, v7;
	vm0 =	vlt.f32 v14, v8  }
0xe9: {  	v8 =	vsel vm0, v14, v8;
	v9 =	vsel vm0, v7, v9;
	v10 =	vld [tilespmem:s22+$0xFFFFFF80]  }
0xea: {  	v11 =	vor.u32 $0x1, v7;
	vm0 =	vlt.f32 v13, v8  }
0xeb: {  	v8 =	vsel vm0, v13, v8;
	v9 =	vsel vm0, v11, v9;
	v11 =	vld [tilespmem:s22+$0x0]  }
0xec: {  	v13 =	vor.u32 $0x2, v7;
	vm0 =	vlt.f32 v12, v8  }
0xed: {  	v12 =	vsel vm0, v12, v8;
	v9 =	vsel vm0, v13, v9;
	v8 =	vld [tilespmem:s22+$0x80]  }
.Ltmp4:
0xee: {  	v13 =	vor.u32 $0x3, v7;
	vm0 =	vlt.f32 v10, v12;
	(pc) =	sbr.rel @p0 .LBB2_11-.Ltmp4, $4  }
0xef: {  	v12 =	vsel vm0, v10, v12;
	v9 =	vsel vm0, v13, v9;
	v10 =	vld [tilespmem:s22+$0x100]  }
0xf0: {  	v13 =	vor.u32 $0x4, v7;
	vm0 =	vlt.f32 v11, v12  }
0xf1: {  	v12 =	vsel vm0, v11, v12;
	v11 =	vsel vm0, v13, v9;
	v9 =	vld [tilespmem:s22+$0x180]  }
0xf2: {  	v13 =	vor.u32 $0x5, v7;
	s22 =	sadd.s32 $0x800, s22;
	vm0 =	vlt.f32 v8, v12  }
0xf3: {  	v8 =	vsel vm0, v8, v12  }
0xf4: {  	vm1 =	vlt.f32 v10, v8  }
0xf5: {  	v8 =	vsel vm1, v10, v8  }
0xf6: {  	v10 =	vsel vm0, v13, v11;
	v11 =	vor.u32 $0x6, v7;
	vm0 =	vlt.f32 v9, v8  }
0xf7: {  	v7 =	vor.u32 $0x7, v7;
	v10 =	vsel vm1, v11, v10;
	v8 =	vsel vm0, v9, v8  }
0xf8: {  	v7 =	vsel vm0, v7, v10;
	[tilespmem:$0x8040] =	vst v8  }
0xf9: {  	s22 =	simm.s32 $0x250;
	[tilespmem:$0x8140] =	vst v7;
	v7 =	vld [tilespmem:$0x8050]  }
0xfa: {  	v8 =	vld [tilespmem:s22+$0xFFFFFE00];
	_ =	sdelay $0x1  }
0xfb: {  	v9 =	vld [tilespmem:s22+$0xFFFFFE80];
	_ =	sdelay $0x1  }
0xfc: {  	v10 =	vld [tilespmem:s22+$0xFFFFFF00]  }
0xfd: {  	v11 =	vld [tilespmem:$0x8150];
	vm0 =	vlt.f32 v8, v7  }
0xfe: {  	v7 =	vsel vm0, v8, v7  }
0xff: {  	v12 =	vld [tilespmem:s22+$0xFFFFFF80];
	vm1 =	vlt.f32 v9, v7  }
0x100: {  	v7 =	vsel vm1, v9, v7  }
0x101: {  	v9 =	vld [tilespmem:s22+$0x0];
	vm2 =	vlt.f32 v10, v7  }
0x102: {  	v7 =	vsel vm2, v10, v7;
	v10 =	vsel vm0, v2, v11  }
0x103: {  	v8 =	vld [tilespmem:s22+$0x80];
	v10 =	vsel vm1, v3, v10  }
0x104: {  	vm0 =	vlt.f32 v12, v7;
	v10 =	vsel vm2, v4, v10  }
0x105: {  	v7 =	vsel vm0, v12, v7;
	v11 =	vsel vm0, v5, v10;
	v10 =	vld [tilespmem:s22+$0x100]  }
0x106: {  	vm1 =	vlt.f32 v9, v7  }
0x107: {  	v12 =	vsel vm1, v9, v7;
	v9 =	vld [tilespmem:s22+$0x180]  }
0x108: {  	s21 =	simm.s32 $0x0;
	v13 =	vor.u32 $0x5, v2;
	v11 =	vsel vm1, v6, v11;
	s22 =	simm.s32 $0xA50;
	vm0 =	vlt.f32 v8, v12;
	v7 =	vmovc v2  }
.LBB2_13:
0x109: {  	v14 =	vld [tilespmem:s22+$0xFFFFFE00];
	s21 =	sadd.s32 $0x8, s21;
	v8 =	vsel vm0, v8, v12;
	v11 =	vsel vm0, v13, v11  }
0x10a: {  	v12 =	vor.u32 $0x6, v7;
	p0 =	slt.u32 s21, $0x38;
	vm0 =	vlt.f32 v10, v8  }
0x10b: {  	v13 =	vld [tilespmem:s22+$0xFFFFFE80];
	v8 =	vsel vm0, v10, v8;
	v10 =	vsel vm0, v12, v11  }
0x10c: {  	v11 =	vor.u32 $0x7, v7;
	vm0 =	vlt.f32 v9, v8  }
0x10d: {  	v12 =	vld [tilespmem:s22+$0xFFFFFF00];
	v8 =	vsel vm0, v9, v8;
	v9 =	vsel vm0, v11, v10  }
0x10e: {  	v7 =	vadd.s32 $0x8, v7;
	vm0 =	vlt.f32 v14, v8  }
0x10f: {  	v8 =	vsel vm0, v14, v8;
	v9 =	vsel vm0, v7, v9;
	v10 =	vld [tilespmem:s22+$0xFFFFFF80]  }
0x110: {  	v11 =	vor.u32 $0x1, v7;
	vm0 =	vlt.f32 v13, v8  }
0x111: {  	v8 =	vsel vm0, v13, v8;
	v9 =	vsel vm0, v11, v9;
	v11 =	vld [tilespmem:s22+$0x0]  }
0x112: {  	v13 =	vor.u32 $0x2, v7;
	vm0 =	vlt.f32 v12, v8  }
0x113: {  	v12 =	vsel vm0, v12, v8;
	v9 =	vsel vm0, v13, v9;
	v8 =	vld [tilespmem:s22+$0x80]  }
.Ltmp5:
0x114: {  	v13 =	vor.u32 $0x3, v7;
	vm0 =	vlt.f32 v10, v12;
	(pc) =	sbr.rel @p0 .LBB2_13-.Ltmp5, $4  }
0x115: {  	v12 =	vsel vm0, v10, v12;
	v9 =	vsel vm0, v13, v9;
	v10 =	vld [tilespmem:s22+$0x100]  }
0x116: {  	v13 =	vor.u32 $0x4, v7;
	vm0 =	vlt.f32 v11, v12  }
0x117: {  	v12 =	vsel vm0, v11, v12;
	v11 =	vsel vm0, v13, v9;
	v9 =	vld [tilespmem:s22+$0x180]  }
0x118: {  	v13 =	vor.u32 $0x5, v7;
	s22 =	sadd.s32 $0x800, s22;
	vm0 =	vlt.f32 v8, v12  }
0x119: {  	v8 =	vsel vm0, v8, v12  }
0x11a: {  	vm1 =	vlt.f32 v10, v8  }
0x11b: {  	v8 =	vsel vm1, v10, v8  }
0x11c: {  	v10 =	vsel vm0, v13, v11;
	v11 =	vor.u32 $0x6, v7;
	vm0 =	vlt.f32 v9, v8  }
0x11d: {  	v7 =	vor.u32 $0x7, v7;
	v10 =	vsel vm1, v11, v10;
	v8 =	vsel vm0, v9, v8  }
0x11e: {  	v7 =	vsel vm0, v7, v10;
	[tilespmem:$0x8050] =	vst v8  }
0x11f: {  	s22 =	simm.s32 $0x260;
	[tilespmem:$0x8150] =	vst v7;
	v7 =	vld [tilespmem:$0x8060]  }
0x120: {  	v8 =	vld [tilespmem:s22+$0xFFFFFE00];
	_ =	sdelay $0x1  }
0x121: {  	v9 =	vld [tilespmem:s22+$0xFFFFFE80];
	_ =	sdelay $0x1  }
0x122: {  	v10 =	vld [tilespmem:s22+$0xFFFFFF00]  }
0x123: {  	v11 =	vld [tilespmem:$0x8160];
	vm0 =	vlt.f32 v8, v7  }
0x124: {  	v7 =	vsel vm0, v8, v7  }
0x125: {  	v12 =	vld [tilespmem:s22+$0xFFFFFF80];
	vm1 =	vlt.f32 v9, v7  }
0x126: {  	v7 =	vsel vm1, v9, v7  }
0x127: {  	v9 =	vld [tilespmem:s22+$0x0];
	vm2 =	vlt.f32 v10, v7  }
0x128: {  	v7 =	vsel vm2, v10, v7;
	v10 =	vsel vm0, v2, v11  }
0x129: {  	v8 =	vld [tilespmem:s22+$0x80];
	v10 =	vsel vm1, v3, v10  }
0x12a: {  	vm0 =	vlt.f32 v12, v7;
	v10 =	vsel vm2, v4, v10  }
0x12b: {  	v7 =	vsel vm0, v12, v7;
	v11 =	vsel vm0, v5, v10;
	v10 =	vld [tilespmem:s22+$0x100]  }
0x12c: {  	vm1 =	vlt.f32 v9, v7  }
0x12d: {  	v12 =	vsel vm1, v9, v7;
	v9 =	vld [tilespmem:s22+$0x180]  }
0x12e: {  	s21 =	simm.s32 $0x0;
	v13 =	vor.u32 $0x5, v2;
	v11 =	vsel vm1, v6, v11;
	s22 =	simm.s32 $0xA60;
	vm0 =	vlt.f32 v8, v12;
	v7 =	vmovc v2  }
.LBB2_15:
0x12f: {  	v14 =	vld [tilespmem:s22+$0xFFFFFE00];
	s21 =	sadd.s32 $0x8, s21;
	v8 =	vsel vm0, v8, v12;
	v11 =	vsel vm0, v13, v11  }
0x130: {  	v12 =	vor.u32 $0x6, v7;
	p0 =	slt.u32 s21, $0x38;
	vm0 =	vlt.f32 v10, v8  }
0x131: {  	v13 =	vld [tilespmem:s22+$0xFFFFFE80];
	v8 =	vsel vm0, v10, v8;
	v10 =	vsel vm0, v12, v11  }
0x132: {  	v11 =	vor.u32 $0x7, v7;
	vm0 =	vlt.f32 v9, v8  }
0x133: {  	v12 =	vld [tilespmem:s22+$0xFFFFFF00];
	v8 =	vsel vm0, v9, v8;
	v9 =	vsel vm0, v11, v10  }
0x134: {  	v7 =	vadd.s32 $0x8, v7;
	vm0 =	vlt.f32 v14, v8  }
0x135: {  	v8 =	vsel vm0, v14, v8;
	v9 =	vsel vm0, v7, v9;
	v10 =	vld [tilespmem:s22+$0xFFFFFF80]  }
0x136: {  	v11 =	vor.u32 $0x1, v7;
	vm0 =	vlt.f32 v13, v8  }
0x137: {  	v8 =	vsel vm0, v13, v8;
	v9 =	vsel vm0, v11, v9;
	v11 =	vld [tilespmem:s22+$0x0]  }
0x138: {  	v13 =	vor.u32 $0x2, v7;
	vm0 =	vlt.f32 v12, v8  }
0x139: {  	v12 =	vsel vm0, v12, v8;
	v9 =	vsel vm0, v13, v9;
	v8 =	vld [tilespmem:s22+$0x80]  }
.Ltmp6:
0x13a: {  	v13 =	vor.u32 $0x3, v7;
	vm0 =	vlt.f32 v10, v12;
	(pc) =	sbr.rel @p0 .LBB2_15-.Ltmp6, $4  }
0x13b: {  	v12 =	vsel vm0, v10, v12;
	v9 =	vsel vm0, v13, v9;
	v10 =	vld [tilespmem:s22+$0x100]  }
0x13c: {  	v13 =	vor.u32 $0x4, v7;
	vm0 =	vlt.f32 v11, v12  }
0x13d: {  	v12 =	vsel vm0, v11, v12;
	v11 =	vsel vm0, v13, v9;
	v9 =	vld [tilespmem:s22+$0x180]  }
0x13e: {  	v13 =	vor.u32 $0x5, v7;
	s22 =	sadd.s32 $0x800, s22;
	vm0 =	vlt.f32 v8, v12  }
0x13f: {  	v8 =	vsel vm0, v8, v12  }
0x140: {  	vm1 =	vlt.f32 v10, v8  }
0x141: {  	v8 =	vsel vm1, v10, v8  }
0x142: {  	v10 =	vsel vm0, v13, v11;
	v11 =	vor.u32 $0x6, v7;
	vm0 =	vlt.f32 v9, v8  }
0x143: {  	v7 =	vor.u32 $0x7, v7;
	v10 =	vsel vm1, v11, v10;
	v8 =	vsel vm0, v9, v8  }
0x144: {  	v7 =	vsel vm0, v7, v10;
	[tilespmem:$0x8060] =	vst v8  }
0x145: {  	s22 =	simm.s32 $0x270;
	[tilespmem:$0x8160] =	vst v7;
	v7 =	vld [tilespmem:$0x8070]  }
0x146: {  	v8 =	vld [tilespmem:s22+$0xFFFFFE00];
	_ =	sdelay $0x1  }
0x147: {  	v9 =	vld [tilespmem:s22+$0xFFFFFE80];
	_ =	sdelay $0x1  }
0x148: {  	v10 =	vld [tilespmem:s22+$0xFFFFFF00]  }
0x149: {  	v11 =	vld [tilespmem:$0x8170];
	vm0 =	vlt.f32 v8, v7  }
0x14a: {  	v7 =	vsel vm0, v8, v7  }
0x14b: {  	v12 =	vld [tilespmem:s22+$0xFFFFFF80];
	vm1 =	vlt.f32 v9, v7  }
0x14c: {  	v7 =	vsel vm1, v9, v7  }
0x14d: {  	v9 =	vld [tilespmem:s22+$0x0];
	vm2 =	vlt.f32 v10, v7  }
0x14e: {  	v7 =	vsel vm2, v10, v7;
	v10 =	vsel vm0, v2, v11  }
0x14f: {  	v8 =	vld [tilespmem:s22+$0x80];
	v10 =	vsel vm1, v3, v10  }
0x150: {  	vm0 =	vlt.f32 v12, v7;
	v10 =	vsel vm2, v4, v10  }
0x151: {  	v7 =	vsel vm0, v12, v7;
	v11 =	vsel vm0, v5, v10;
	v10 =	vld [tilespmem:s22+$0x100]  }
0x152: {  	vm1 =	vlt.f32 v9, v7  }
0x153: {  	v12 =	vsel vm1, v9, v7;
	v9 =	vld [tilespmem:s22+$0x180]  }
0x154: {  	s21 =	simm.s32 $0x0;
	v13 =	vor.u32 $0x5, v2;
	v11 =	vsel vm1, v6, v11;
	s22 =	simm.s32 $0xA70;
	vm0 =	vlt.f32 v8, v12;
	v7 =	vmovc v2  }
.LBB2_17:
0x155: {  	v14 =	vld [tilespmem:s22+$0xFFFFFE00];
	s21 =	sadd.s32 $0x8, s21;
	v8 =	vsel vm0, v8, v12;
	v11 =	vsel vm0, v13, v11  }
0x156: {  	v12 =	vor.u32 $0x6, v7;
	p0 =	slt.u32 s21, $0x38;
	vm0 =	vlt.f32 v10, v8  }
0x157: {  	v13 =	vld [tilespmem:s22+$0xFFFFFE80];
	v8 =	vsel vm0, v10, v8;
	v10 =	vsel vm0, v12, v11  }
0x158: {  	v11 =	vor.u32 $0x7, v7;
	vm0 =	vlt.f32 v9, v8  }
0x159: {  	v12 =	vld [tilespmem:s22+$0xFFFFFF00];
	v8 =	vsel vm0, v9, v8;
	v9 =	vsel vm0, v11, v10  }
0x15a: {  	v7 =	vadd.s32 $0x8, v7;
	vm0 =	vlt.f32 v14, v8  }
0x15b: {  	v8 =	vsel vm0, v14, v8;
	v9 =	vsel vm0, v7, v9;
	v10 =	vld [tilespmem:s22+$0xFFFFFF80]  }
0x15c: {  	v11 =	vor.u32 $0x1, v7;
	vm0 =	vlt.f32 v13, v8  }
0x15d: {  	v8 =	vsel vm0, v13, v8;
	v9 =	vsel vm0, v11, v9;
	v11 =	vld [tilespmem:s22+$0x0]  }
0x15e: {  	v13 =	vor.u32 $0x2, v7;
	vm0 =	vlt.f32 v12, v8  }
0x15f: {  	v12 =	vsel vm0, v12, v8;
	v9 =	vsel vm0, v13, v9;
	v8 =	vld [tilespmem:s22+$0x80]  }
.Ltmp7:
0x160: {  	v13 =	vor.u32 $0x3, v7;
	vm0 =	vlt.f32 v10, v12;
	(pc) =	sbr.rel @p0 .LBB2_17-.Ltmp7, $4  }
0x161: {  	v12 =	vsel vm0, v10, v12;
	v9 =	vsel vm0, v13, v9;
	v10 =	vld [tilespmem:s22+$0x100]  }
0x162: {  	v13 =	vor.u32 $0x4, v7;
	vm0 =	vlt.f32 v11, v12  }
0x163: {  	v12 =	vsel vm0, v11, v12;
	v11 =	vsel vm0, v13, v9;
	v9 =	vld [tilespmem:s22+$0x180]  }
0x164: {  	v13 =	vor.u32 $0x5, v7;
	s22 =	sadd.s32 $0x800, s22;
	vm0 =	vlt.f32 v8, v12  }
0x165: {  	v8 =	vsel vm0, v8, v12  }
0x166: {  	vm1 =	vlt.f32 v10, v8  }
0x167: {  	v8 =	vsel vm1, v10, v8  }
0x168: {  	v10 =	vsel vm0, v13, v11;
	v11 =	vor.u32 $0x6, v7;
	vm0 =	vlt.f32 v9, v8  }
0x169: {  	v7 =	vor.u32 $0x7, v7;
	v10 =	vsel vm1, v11, v10;
	v8 =	vsel vm0, v9, v8  }
0x16a: {  	v7 =	vsel vm0, v7, v10;
	[tilespmem:$0x8070] =	vst v8  }
0x16b: {  	s22 =	simm.s32 $0x780;
	[tilespmem:$0x8170] =	vst v7;
	v7 =	vld [tilespmem:$0x8080]  }
0x16c: {  	v8 =	vld [tilespmem:s22+$0xFFFFFC80];
	_ =	sdelay $0x1  }
0x16d: {  	v9 =	vld [tilespmem:s22+$0xFFFFFD00];
	_ =	sdelay $0x1  }
0x16e: {  	v10 =	vld [tilespmem:s22+$0xFFFFFD80]  }
0x16f: {  	v11 =	vld [tilespmem:$0x8180];
	vm0 =	vlt.f32 v8, v7  }
0x170: {  	v7 =	vsel vm0, v8, v7  }
0x171: {  	v12 =	vld [tilespmem:s22+$0xFFFFFE00];
	vm1 =	vlt.f32 v9, v7  }
0x172: {  	v7 =	vsel vm1, v9, v7  }
0x173: {  	v9 =	vld [tilespmem:s22+$0xFFFFFE80];
	vm2 =	vlt.f32 v10, v7  }
0x174: {  	v7 =	vsel vm2, v10, v7;
	v10 =	vsel vm0, v2, v11  }
0x175: {  	v8 =	vld [tilespmem:s22+$0xFFFFFF00];
	v10 =	vsel vm1, v3, v10  }
0x176: {  	vm0 =	vlt.f32 v12, v7;
	v10 =	vsel vm2, v4, v10  }
0x177: {  	v7 =	vsel vm0, v12, v7;
	v11 =	vsel vm0, v5, v10;
	v10 =	vld [tilespmem:s22+$0xFFFFFF80]  }
0x178: {  	vm1 =	vlt.f32 v9, v7  }
0x179: {  	v12 =	vsel vm1, v9, v7;
	v9 =	vld [tilespmem:s22+$0x0]  }
0x17a: {  	s21 =	simm.s32 $0x0;
	v13 =	vor.u32 $0x5, v2;
	v11 =	vsel vm1, v6, v11;
	s22 =	simm.s32 $0xF80;
	vm0 =	vlt.f32 v8, v12;
	v7 =	vmovc v2  }
.LBB2_19:
0x17b: {  	v14 =	vld [tilespmem:s22+$0xFFFFFC80];
	s21 =	sadd.s32 $0x8, s21;
	v8 =	vsel vm0, v8, v12;
	v11 =	vsel vm0, v13, v11  }
0x17c: {  	v12 =	vor.u32 $0x6, v7;
	p0 =	slt.u32 s21, $0x38;
	vm0 =	vlt.f32 v10, v8  }
0x17d: {  	v13 =	vld [tilespmem:s22+$0xFFFFFD00];
	v8 =	vsel vm0, v10, v8;
	v10 =	vsel vm0, v12, v11  }
0x17e: {  	v11 =	vor.u32 $0x7, v7;
	vm0 =	vlt.f32 v9, v8  }
0x17f: {  	v12 =	vld [tilespmem:s22+$0xFFFFFD80];
	v8 =	vsel vm0, v9, v8;
	v9 =	vsel vm0, v11, v10  }
0x180: {  	v7 =	vadd.s32 $0x8, v7;
	vm0 =	vlt.f32 v14, v8  }
0x181: {  	v8 =	vsel vm0, v14, v8;
	v9 =	vsel vm0, v7, v9;
	v10 =	vld [tilespmem:s22+$0xFFFFFE00]  }
0x182: {  	v11 =	vor.u32 $0x1, v7;
	vm0 =	vlt.f32 v13, v8  }
0x183: {  	v8 =	vsel vm0, v13, v8;
	v9 =	vsel vm0, v11, v9;
	v11 =	vld [tilespmem:s22+$0xFFFFFE80]  }
0x184: {  	v13 =	vor.u32 $0x2, v7;
	vm0 =	vlt.f32 v12, v8  }
0x185: {  	v12 =	vsel vm0, v12, v8;
	v9 =	vsel vm0, v13, v9;
	v8 =	vld [tilespmem:s22+$0xFFFFFF00]  }
.Ltmp8:
0x186: {  	v13 =	vor.u32 $0x3, v7;
	vm0 =	vlt.f32 v10, v12;
	(pc) =	sbr.rel @p0 .LBB2_19-.Ltmp8, $4  }
0x187: {  	v12 =	vsel vm0, v10, v12;
	v9 =	vsel vm0, v13, v9;
	v10 =	vld [tilespmem:s22+$0xFFFFFF80]  }
0x188: {  	v13 =	vor.u32 $0x4, v7;
	vm0 =	vlt.f32 v11, v12  }
0x189: {  	v12 =	vsel vm0, v11, v12;
	v11 =	vsel vm0, v13, v9;
	v9 =	vld [tilespmem:s22+$0x0]  }
0x18a: {  	v13 =	vor.u32 $0x5, v7;
	s22 =	sadd.s32 $0x800, s22;
	vm0 =	vlt.f32 v8, v12  }
0x18b: {  	v8 =	vsel vm0, v8, v12  }
0x18c: {  	vm1 =	vlt.f32 v10, v8  }
0x18d: {  	v8 =	vsel vm1, v10, v8  }
0x18e: {  	v10 =	vsel vm0, v13, v11;
	v11 =	vor.u32 $0x6, v7;
	vm0 =	vlt.f32 v9, v8  }
0x18f: {  	v7 =	vor.u32 $0x7, v7;
	v10 =	vsel vm1, v11, v10;
	v8 =	vsel vm0, v9, v8  }
0x190: {  	v7 =	vsel vm0, v7, v10;
	[tilespmem:$0x8080] =	vst v8  }
0x191: {  	s22 =	simm.s32 $0x790;
	[tilespmem:$0x8180] =	vst v7;
	v7 =	vld [tilespmem:$0x8090]  }
0x192: {  	v8 =	vld [tilespmem:s22+$0xFFFFFC80];
	_ =	sdelay $0x1  }
0x193: {  	v9 =	vld [tilespmem:s22+$0xFFFFFD00];
	_ =	sdelay $0x1  }
0x194: {  	v10 =	vld [tilespmem:s22+$0xFFFFFD80]  }
0x195: {  	v11 =	vld [tilespmem:$0x8190];
	vm0 =	vlt.f32 v8, v7  }
0x196: {  	v7 =	vsel vm0, v8, v7  }
0x197: {  	v12 =	vld [tilespmem:s22+$0xFFFFFE00];
	vm1 =	vlt.f32 v9, v7  }
0x198: {  	v7 =	vsel vm1, v9, v7  }
0x199: {  	v9 =	vld [tilespmem:s22+$0xFFFFFE80];
	vm2 =	vlt.f32 v10, v7  }
0x19a: {  	v7 =	vsel vm2, v10, v7;
	v10 =	vsel vm0, v2, v11  }
0x19b: {  	v8 =	vld [tilespmem:s22+$0xFFFFFF00];
	v10 =	vsel vm1, v3, v10  }
0x19c: {  	vm0 =	vlt.f32 v12, v7;
	v10 =	vsel vm2, v4, v10  }
0x19d: {  	v7 =	vsel vm0, v12, v7;
	v11 =	vsel vm0, v5, v10;
	v10 =	vld [tilespmem:s22+$0xFFFFFF80]  }
0x19e: {  	vm1 =	vlt.f32 v9, v7  }
0x19f: {  	v12 =	vsel vm1, v9, v7;
	v9 =	vld [tilespmem:s22+$0x0]  }
0x1a0: {  	s21 =	simm.s32 $0x0;
	v13 =	vor.u32 $0x5, v2;
	v11 =	vsel vm1, v6, v11;
	s22 =	simm.s32 $0xF90;
	vm0 =	vlt.f32 v8, v12;
	v7 =	vmovc v2  }
.LBB2_21:
0x1a1: {  	v14 =	vld [tilespmem:s22+$0xFFFFFC80];
	s21 =	sadd.s32 $0x8, s21;
	v8 =	vsel vm0, v8, v12;
	v11 =	vsel vm0, v13, v11  }
0x1a2: {  	v12 =	vor.u32 $0x6, v7;
	p0 =	slt.u32 s21, $0x38;
	vm0 =	vlt.f32 v10, v8  }
0x1a3: {  	v13 =	vld [tilespmem:s22+$0xFFFFFD00];
	v8 =	vsel vm0, v10, v8;
	v10 =	vsel vm0, v12, v11  }
0x1a4: {  	v11 =	vor.u32 $0x7, v7;
	vm0 =	vlt.f32 v9, v8  }
0x1a5: {  	v12 =	vld [tilespmem:s22+$0xFFFFFD80];
	v8 =	vsel vm0, v9, v8;
	v9 =	vsel vm0, v11, v10  }
0x1a6: {  	v7 =	vadd.s32 $0x8, v7;
	vm0 =	vlt.f32 v14, v8  }
0x1a7: {  	v8 =	vsel vm0, v14, v8;
	v9 =	vsel vm0, v7, v9;
	v10 =	vld [tilespmem:s22+$0xFFFFFE00]  }
0x1a8: {  	v11 =	vor.u32 $0x1, v7;
	vm0 =	vlt.f32 v13, v8  }
0x1a9: {  	v8 =	vsel vm0, v13, v8;
	v9 =	vsel vm0, v11, v9;
	v11 =	vld [tilespmem:s22+$0xFFFFFE80]  }
0x1aa: {  	v13 =	vor.u32 $0x2, v7;
	vm0 =	vlt.f32 v12, v8  }
0x1ab: {  	v12 =	vsel vm0, v12, v8;
	v9 =	vsel vm0, v13, v9;
	v8 =	vld [tilespmem:s22+$0xFFFFFF00]  }
.Ltmp9:
0x1ac: {  	v13 =	vor.u32 $0x3, v7;
	vm0 =	vlt.f32 v10, v12;
	(pc) =	sbr.rel @p0 .LBB2_21-.Ltmp9, $4  }
0x1ad: {  	v12 =	vsel vm0, v10, v12;
	v9 =	vsel vm0, v13, v9;
	v10 =	vld [tilespmem:s22+$0xFFFFFF80]  }
0x1ae: {  	v13 =	vor.u32 $0x4, v7;
	vm0 =	vlt.f32 v11, v12  }
0x1af: {  	v12 =	vsel vm0, v11, v12;
	v11 =	vsel vm0, v13, v9;
	v9 =	vld [tilespmem:s22+$0x0]  }
0x1b0: {  	v13 =	vor.u32 $0x5, v7;
	s22 =	sadd.s32 $0x800, s22;
	vm0 =	vlt.f32 v8, v12  }
0x1b1: {  	v8 =	vsel vm0, v8, v12  }
0x1b2: {  	vm1 =	vlt.f32 v10, v8  }
0x1b3: {  	v8 =	vsel vm1, v10, v8  }
0x1b4: {  	v10 =	vsel vm0, v13, v11;
	v11 =	vor.u32 $0x6, v7;
	vm0 =	vlt.f32 v9, v8  }
0x1b5: {  	v7 =	vor.u32 $0x7, v7;
	v10 =	vsel vm1, v11, v10;
	v8 =	vsel vm0, v9, v8  }
0x1b6: {  	v7 =	vsel vm0, v7, v10;
	[tilespmem:$0x8090] =	vst v8  }
0x1b7: {  	s22 =	simm.s32 $0x7A0;
	[tilespmem:$0x8190] =	vst v7;
	v7 =	vld [tilespmem:$0x80A0]  }
0x1b8: {  	v8 =	vld [tilespmem:s22+$0xFFFFFC80];
	_ =	sdelay $0x1  }
0x1b9: {  	v9 =	vld [tilespmem:s22+$0xFFFFFD00];
	_ =	sdelay $0x1  }
0x1ba: {  	v10 =	vld [tilespmem:s22+$0xFFFFFD80]  }
0x1bb: {  	v11 =	vld [tilespmem:$0x81A0];
	vm0 =	vlt.f32 v8, v7  }
0x1bc: {  	v7 =	vsel vm0, v8, v7  }
0x1bd: {  	v12 =	vld [tilespmem:s22+$0xFFFFFE00];
	vm1 =	vlt.f32 v9, v7  }
0x1be: {  	v7 =	vsel vm1, v9, v7  }
0x1bf: {  	v9 =	vld [tilespmem:s22+$0xFFFFFE80];
	vm2 =	vlt.f32 v10, v7  }
0x1c0: {  	v7 =	vsel vm2, v10, v7;
	v10 =	vsel vm0, v2, v11  }
0x1c1: {  	v8 =	vld [tilespmem:s22+$0xFFFFFF00];
	v10 =	vsel vm1, v3, v10  }
0x1c2: {  	vm0 =	vlt.f32 v12, v7;
	v10 =	vsel vm2, v4, v10  }
0x1c3: {  	v7 =	vsel vm0, v12, v7;
	v11 =	vsel vm0, v5, v10;
	v10 =	vld [tilespmem:s22+$0xFFFFFF80]  }
0x1c4: {  	vm1 =	vlt.f32 v9, v7  }
0x1c5: {  	v12 =	vsel vm1, v9, v7;
	v9 =	vld [tilespmem:s22+$0x0]  }
0x1c6: {  	s21 =	simm.s32 $0x0;
	v13 =	vor.u32 $0x5, v2;
	v11 =	vsel vm1, v6, v11;
	s22 =	simm.s32 $0xFA0;
	vm0 =	vlt.f32 v8, v12;
	v7 =	vmovc v2  }
.LBB2_23:
0x1c7: {  	v14 =	vld [tilespmem:s22+$0xFFFFFC80];
	s21 =	sadd.s32 $0x8, s21;
	v8 =	vsel vm0, v8, v12;
	v11 =	vsel vm0, v13, v11  }
0x1c8: {  	v12 =	vor.u32 $0x6, v7;
	p0 =	slt.u32 s21, $0x38;
	vm0 =	vlt.f32 v10, v8  }
0x1c9: {  	v13 =	vld [tilespmem:s22+$0xFFFFFD00];
	v8 =	vsel vm0, v10, v8;
	v10 =	vsel vm0, v12, v11  }
0x1ca: {  	v11 =	vor.u32 $0x7, v7;
	vm0 =	vlt.f32 v9, v8  }
0x1cb: {  	v12 =	vld [tilespmem:s22+$0xFFFFFD80];
	v8 =	vsel vm0, v9, v8;
	v9 =	vsel vm0, v11, v10  }
0x1cc: {  	v7 =	vadd.s32 $0x8, v7;
	vm0 =	vlt.f32 v14, v8  }
0x1cd: {  	v8 =	vsel vm0, v14, v8;
	v9 =	vsel vm0, v7, v9;
	v10 =	vld [tilespmem:s22+$0xFFFFFE00]  }
0x1ce: {  	v11 =	vor.u32 $0x1, v7;
	vm0 =	vlt.f32 v13, v8  }
0x1cf: {  	v8 =	vsel vm0, v13, v8;
	v9 =	vsel vm0, v11, v9;
	v11 =	vld [tilespmem:s22+$0xFFFFFE80]  }
0x1d0: {  	v13 =	vor.u32 $0x2, v7;
	vm0 =	vlt.f32 v12, v8  }
0x1d1: {  	v12 =	vsel vm0, v12, v8;
	v9 =	vsel vm0, v13, v9;
	v8 =	vld [tilespmem:s22+$0xFFFFFF00]  }
.Ltmp10:
0x1d2: {  	v13 =	vor.u32 $0x3, v7;
	vm0 =	vlt.f32 v10, v12;
	(pc) =	sbr.rel @p0 .LBB2_23-.Ltmp10, $4  }
0x1d3: {  	v12 =	vsel vm0, v10, v12;
	v9 =	vsel vm0, v13, v9;
	v10 =	vld [tilespmem:s22+$0xFFFFFF80]  }
0x1d4: {  	v13 =	vor.u32 $0x4, v7;
	vm0 =	vlt.f32 v11, v12  }
0x1d5: {  	v12 =	vsel vm0, v11, v12;
	v11 =	vsel vm0, v13, v9;
	v9 =	vld [tilespmem:s22+$0x0]  }
0x1d6: {  	v13 =	vor.u32 $0x5, v7;
	s22 =	sadd.s32 $0x800, s22;
	vm0 =	vlt.f32 v8, v12  }
0x1d7: {  	v8 =	vsel vm0, v8, v12  }
0x1d8: {  	vm1 =	vlt.f32 v10, v8  }
0x1d9: {  	v8 =	vsel vm1, v10, v8  }
0x1da: {  	v10 =	vsel vm0, v13, v11;
	v11 =	vor.u32 $0x6, v7;
	vm0 =	vlt.f32 v9, v8  }
0x1db: {  	v7 =	vor.u32 $0x7, v7;
	v10 =	vsel vm1, v11, v10;
	v8 =	vsel vm0, v9, v8  }
0x1dc: {  	v7 =	vsel vm0, v7, v10;
	[tilespmem:$0x80A0] =	vst v8  }
0x1dd: {  	s22 =	simm.s32 $0x7B0;
	[tilespmem:$0x81A0] =	vst v7;
	v7 =	vld [tilespmem:$0x80B0]  }
0x1de: {  	v8 =	vld [tilespmem:s22+$0xFFFFFC80];
	_ =	sdelay $0x1  }
0x1df: {  	v9 =	vld [tilespmem:s22+$0xFFFFFD00];
	_ =	sdelay $0x1  }
0x1e0: {  	v10 =	vld [tilespmem:s22+$0xFFFFFD80]  }
0x1e1: {  	v11 =	vld [tilespmem:$0x81B0];
	vm0 =	vlt.f32 v8, v7  }
0x1e2: {  	v7 =	vsel vm0, v8, v7  }
0x1e3: {  	v12 =	vld [tilespmem:s22+$0xFFFFFE00];
	vm1 =	vlt.f32 v9, v7  }
0x1e4: {  	v7 =	vsel vm1, v9, v7  }
0x1e5: {  	v9 =	vld [tilespmem:s22+$0xFFFFFE80];
	vm2 =	vlt.f32 v10, v7  }
0x1e6: {  	v7 =	vsel vm2, v10, v7;
	v10 =	vsel vm0, v2, v11  }
0x1e7: {  	v8 =	vld [tilespmem:s22+$0xFFFFFF00];
	v10 =	vsel vm1, v3, v10  }
0x1e8: {  	vm0 =	vlt.f32 v12, v7;
	v10 =	vsel vm2, v4, v10  }
0x1e9: {  	v7 =	vsel vm0, v12, v7;
	v11 =	vsel vm0, v5, v10;
	v10 =	vld [tilespmem:s22+$0xFFFFFF80]  }
0x1ea: {  	vm1 =	vlt.f32 v9, v7  }
0x1eb: {  	v12 =	vsel vm1, v9, v7;
	v9 =	vld [tilespmem:s22+$0x0]  }
0x1ec: {  	s21 =	simm.s32 $0x0;
	v13 =	vor.u32 $0x5, v2;
	v11 =	vsel vm1, v6, v11;
	s22 =	simm.s32 $0xFB0;
	vm0 =	vlt.f32 v8, v12;
	v7 =	vmovc v2  }
.LBB2_25:
0x1ed: {  	v14 =	vld [tilespmem:s22+$0xFFFFFC80];
	s21 =	sadd.s32 $0x8, s21;
	v8 =	vsel vm0, v8, v12;
	v11 =	vsel vm0, v13, v11  }
0x1ee: {  	v12 =	vor.u32 $0x6, v7;
	p0 =	slt.u32 s21, $0x38;
	vm0 =	vlt.f32 v10, v8  }
0x1ef: {  	v13 =	vld [tilespmem:s22+$0xFFFFFD00];
	v8 =	vsel vm0, v10, v8;
	v10 =	vsel vm0, v12, v11  }
0x1f0: {  	v11 =	vor.u32 $0x7, v7;
	vm0 =	vlt.f32 v9, v8  }
0x1f1: {  	v12 =	vld [tilespmem:s22+$0xFFFFFD80];
	v8 =	vsel vm0, v9, v8;
	v9 =	vsel vm0, v11, v10  }
0x1f2: {  	v7 =	vadd.s32 $0x8, v7;
	vm0 =	vlt.f32 v14, v8  }
0x1f3: {  	v8 =	vsel vm0, v14, v8;
	v9 =	vsel vm0, v7, v9;
	v10 =	vld [tilespmem:s22+$0xFFFFFE00]  }
0x1f4: {  	v11 =	vor.u32 $0x1, v7;
	vm0 =	vlt.f32 v13, v8  }
0x1f5: {  	v8 =	vsel vm0, v13, v8;
	v9 =	vsel vm0, v11, v9;
	v11 =	vld [tilespmem:s22+$0xFFFFFE80]  }
0x1f6: {  	v13 =	vor.u32 $0x2, v7;
	vm0 =	vlt.f32 v12, v8  }
0x1f7: {  	v12 =	vsel vm0, v12, v8;
	v9 =	vsel vm0, v13, v9;
	v8 =	vld [tilespmem:s22+$0xFFFFFF00]  }
.Ltmp11:
0x1f8: {  	v13 =	vor.u32 $0x3, v7;
	vm0 =	vlt.f32 v10, v12;
	(pc) =	sbr.rel @p0 .LBB2_25-.Ltmp11, $4  }
0x1f9: {  	v12 =	vsel vm0, v10, v12;
	v9 =	vsel vm0, v13, v9;
	v10 =	vld [tilespmem:s22+$0xFFFFFF80]  }
0x1fa: {  	v13 =	vor.u32 $0x4, v7;
	vm0 =	vlt.f32 v11, v12  }
0x1fb: {  	v12 =	vsel vm0, v11, v12;
	v11 =	vsel vm0, v13, v9;
	v9 =	vld [tilespmem:s22+$0x0]  }
0x1fc: {  	v13 =	vor.u32 $0x5, v7;
	s22 =	sadd.s32 $0x800, s22;
	vm0 =	vlt.f32 v8, v12  }
0x1fd: {  	v8 =	vsel vm0, v8, v12  }
0x1fe: {  	vm1 =	vlt.f32 v10, v8  }
0x1ff: {  	v8 =	vsel vm1, v10, v8  }
0x200: {  	v10 =	vsel vm0, v13, v11;
	v11 =	vor.u32 $0x6, v7;
	vm0 =	vlt.f32 v9, v8  }
0x201: {  	v7 =	vor.u32 $0x7, v7;
	v10 =	vsel vm1, v11, v10;
	v8 =	vsel vm0, v9, v8  }
0x202: {  	v7 =	vsel vm0, v7, v10;
	[tilespmem:$0x80B0] =	vst v8  }
0x203: {  	s22 =	simm.s32 $0x7C0;
	[tilespmem:$0x81B0] =	vst v7;
	v7 =	vld [tilespmem:$0x80C0]  }
0x204: {  	v8 =	vld [tilespmem:s22+$0xFFFFFC80];
	_ =	sdelay $0x1  }
0x205: {  	v9 =	vld [tilespmem:s22+$0xFFFFFD00];
	_ =	sdelay $0x1  }
0x206: {  	v10 =	vld [tilespmem:s22+$0xFFFFFD80]  }
0x207: {  	v11 =	vld [tilespmem:$0x81C0];
	vm0 =	vlt.f32 v8, v7  }
0x208: {  	v7 =	vsel vm0, v8, v7  }
0x209: {  	v12 =	vld [tilespmem:s22+$0xFFFFFE00];
	vm1 =	vlt.f32 v9, v7  }
0x20a: {  	v7 =	vsel vm1, v9, v7  }
0x20b: {  	v9 =	vld [tilespmem:s22+$0xFFFFFE80];
	vm2 =	vlt.f32 v10, v7  }
0x20c: {  	v7 =	vsel vm2, v10, v7;
	v10 =	vsel vm0, v2, v11  }
0x20d: {  	v8 =	vld [tilespmem:s22+$0xFFFFFF00];
	v10 =	vsel vm1, v3, v10  }
0x20e: {  	vm0 =	vlt.f32 v12, v7;
	v10 =	vsel vm2, v4, v10  }
0x20f: {  	v7 =	vsel vm0, v12, v7;
	v11 =	vsel vm0, v5, v10;
	v10 =	vld [tilespmem:s22+$0xFFFFFF80]  }
0x210: {  	vm1 =	vlt.f32 v9, v7  }
0x211: {  	v12 =	vsel vm1, v9, v7;
	v9 =	vld [tilespmem:s22+$0x0]  }
0x212: {  	s21 =	simm.s32 $0x0;
	v13 =	vor.u32 $0x5, v2;
	v11 =	vsel vm1, v6, v11;
	s22 =	simm.s32 $0xFC0;
	vm0 =	vlt.f32 v8, v12;
	v7 =	vmovc v2  }
.LBB2_27:
0x213: {  	v14 =	vld [tilespmem:s22+$0xFFFFFC80];
	s21 =	sadd.s32 $0x8, s21;
	v8 =	vsel vm0, v8, v12;
	v11 =	vsel vm0, v13, v11  }
0x214: {  	v12 =	vor.u32 $0x6, v7;
	p0 =	slt.u32 s21, $0x38;
	vm0 =	vlt.f32 v10, v8  }
0x215: {  	v13 =	vld [tilespmem:s22+$0xFFFFFD00];
	v8 =	vsel vm0, v10, v8;
	v10 =	vsel vm0, v12, v11  }
0x216: {  	v11 =	vor.u32 $0x7, v7;
	vm0 =	vlt.f32 v9, v8  }
0x217: {  	v12 =	vld [tilespmem:s22+$0xFFFFFD80];
	v8 =	vsel vm0, v9, v8;
	v9 =	vsel vm0, v11, v10  }
0x218: {  	v7 =	vadd.s32 $0x8, v7;
	vm0 =	vlt.f32 v14, v8  }
0x219: {  	v8 =	vsel vm0, v14, v8;
	v9 =	vsel vm0, v7, v9;
	v10 =	vld [tilespmem:s22+$0xFFFFFE00]  }
0x21a: {  	v11 =	vor.u32 $0x1, v7;
	vm0 =	vlt.f32 v13, v8  }
0x21b: {  	v8 =	vsel vm0, v13, v8;
	v9 =	vsel vm0, v11, v9;
	v11 =	vld [tilespmem:s22+$0xFFFFFE80]  }
0x21c: {  	v13 =	vor.u32 $0x2, v7;
	vm0 =	vlt.f32 v12, v8  }
0x21d: {  	v12 =	vsel vm0, v12, v8;
	v9 =	vsel vm0, v13, v9;
	v8 =	vld [tilespmem:s22+$0xFFFFFF00]  }
.Ltmp12:
0x21e: {  	v13 =	vor.u32 $0x3, v7;
	vm0 =	vlt.f32 v10, v12;
	(pc) =	sbr.rel @p0 .LBB2_27-.Ltmp12, $4  }
0x21f: {  	v12 =	vsel vm0, v10, v12;
	v9 =	vsel vm0, v13, v9;
	v10 =	vld [tilespmem:s22+$0xFFFFFF80]  }
0x220: {  	v13 =	vor.u32 $0x4, v7;
	vm0 =	vlt.f32 v11, v12  }
0x221: {  	v12 =	vsel vm0, v11, v12;
	v11 =	vsel vm0, v13, v9;
	v9 =	vld [tilespmem:s22+$0x0]  }
0x222: {  	v13 =	vor.u32 $0x5, v7;
	s22 =	sadd.s32 $0x800, s22;
	vm0 =	vlt.f32 v8, v12  }
0x223: {  	v8 =	vsel vm0, v8, v12  }
0x224: {  	vm1 =	vlt.f32 v10, v8  }
0x225: {  	v8 =	vsel vm1, v10, v8  }
0x226: {  	v10 =	vsel vm0, v13, v11;
	v11 =	vor.u32 $0x6, v7;
	vm0 =	vlt.f32 v9, v8  }
0x227: {  	v7 =	vor.u32 $0x7, v7;
	v10 =	vsel vm1, v11, v10;
	v8 =	vsel vm0, v9, v8  }
0x228: {  	v7 =	vsel vm0, v7, v10;
	[tilespmem:$0x80C0] =	vst v8  }
0x229: {  	s22 =	simm.s32 $0x7D0;
	[tilespmem:$0x81C0] =	vst v7;
	v7 =	vld [tilespmem:$0x80D0]  }
0x22a: {  	v8 =	vld [tilespmem:s22+$0xFFFFFC80];
	_ =	sdelay $0x1  }
0x22b: {  	v9 =	vld [tilespmem:s22+$0xFFFFFD00];
	_ =	sdelay $0x1  }
0x22c: {  	v10 =	vld [tilespmem:s22+$0xFFFFFD80]  }
0x22d: {  	v11 =	vld [tilespmem:$0x81D0];
	vm0 =	vlt.f32 v8, v7  }
0x22e: {  	v7 =	vsel vm0, v8, v7  }
0x22f: {  	v12 =	vld [tilespmem:s22+$0xFFFFFE00];
	vm1 =	vlt.f32 v9, v7  }
0x230: {  	v7 =	vsel vm1, v9, v7  }
0x231: {  	v9 =	vld [tilespmem:s22+$0xFFFFFE80];
	vm2 =	vlt.f32 v10, v7  }
0x232: {  	v7 =	vsel vm2, v10, v7;
	v10 =	vsel vm0, v2, v11  }
0x233: {  	v8 =	vld [tilespmem:s22+$0xFFFFFF00];
	v10 =	vsel vm1, v3, v10  }
0x234: {  	vm0 =	vlt.f32 v12, v7;
	v10 =	vsel vm2, v4, v10  }
0x235: {  	v7 =	vsel vm0, v12, v7;
	v11 =	vsel vm0, v5, v10;
	v10 =	vld [tilespmem:s22+$0xFFFFFF80]  }
0x236: {  	vm1 =	vlt.f32 v9, v7  }
0x237: {  	v12 =	vsel vm1, v9, v7;
	v9 =	vld [tilespmem:s22+$0x0]  }
0x238: {  	s21 =	simm.s32 $0x0;
	v13 =	vor.u32 $0x5, v2;
	v11 =	vsel vm1, v6, v11;
	s22 =	simm.s32 $0xFD0;
	vm0 =	vlt.f32 v8, v12;
	v7 =	vmovc v2  }
.LBB2_29:
0x239: {  	v14 =	vld [tilespmem:s22+$0xFFFFFC80];
	s21 =	sadd.s32 $0x8, s21;
	v8 =	vsel vm0, v8, v12;
	v11 =	vsel vm0, v13, v11  }
0x23a: {  	v12 =	vor.u32 $0x6, v7;
	p0 =	slt.u32 s21, $0x38;
	vm0 =	vlt.f32 v10, v8  }
0x23b: {  	v13 =	vld [tilespmem:s22+$0xFFFFFD00];
	v8 =	vsel vm0, v10, v8;
	v10 =	vsel vm0, v12, v11  }
0x23c: {  	v11 =	vor.u32 $0x7, v7;
	vm0 =	vlt.f32 v9, v8  }
0x23d: {  	v12 =	vld [tilespmem:s22+$0xFFFFFD80];
	v8 =	vsel vm0, v9, v8;
	v9 =	vsel vm0, v11, v10  }
0x23e: {  	v7 =	vadd.s32 $0x8, v7;
	vm0 =	vlt.f32 v14, v8  }
0x23f: {  	v8 =	vsel vm0, v14, v8;
	v9 =	vsel vm0, v7, v9;
	v10 =	vld [tilespmem:s22+$0xFFFFFE00]  }
0x240: {  	v11 =	vor.u32 $0x1, v7;
	vm0 =	vlt.f32 v13, v8  }
0x241: {  	v8 =	vsel vm0, v13, v8;
	v9 =	vsel vm0, v11, v9;
	v11 =	vld [tilespmem:s22+$0xFFFFFE80]  }
0x242: {  	v13 =	vor.u32 $0x2, v7;
	vm0 =	vlt.f32 v12, v8  }
0x243: {  	v12 =	vsel vm0, v12, v8;
	v9 =	vsel vm0, v13, v9;
	v8 =	vld [tilespmem:s22+$0xFFFFFF00]  }
.Ltmp13:
0x244: {  	v13 =	vor.u32 $0x3, v7;
	vm0 =	vlt.f32 v10, v12;
	(pc) =	sbr.rel @p0 .LBB2_29-.Ltmp13, $4  }
0x245: {  	v12 =	vsel vm0, v10, v12;
	v9 =	vsel vm0, v13, v9;
	v10 =	vld [tilespmem:s22+$0xFFFFFF80]  }
0x246: {  	v13 =	vor.u32 $0x4, v7;
	vm0 =	vlt.f32 v11, v12  }
0x247: {  	v12 =	vsel vm0, v11, v12;
	v11 =	vsel vm0, v13, v9;
	v9 =	vld [tilespmem:s22+$0x0]  }
0x248: {  	v13 =	vor.u32 $0x5, v7;
	s22 =	sadd.s32 $0x800, s22;
	vm0 =	vlt.f32 v8, v12  }
0x249: {  	v8 =	vsel vm0, v8, v12  }
0x24a: {  	vm1 =	vlt.f32 v10, v8  }
0x24b: {  	v8 =	vsel vm1, v10, v8  }
0x24c: {  	v10 =	vsel vm0, v13, v11;
	v11 =	vor.u32 $0x6, v7;
	vm0 =	vlt.f32 v9, v8  }
0x24d: {  	v7 =	vor.u32 $0x7, v7;
	v10 =	vsel vm1, v11, v10;
	v8 =	vsel vm0, v9, v8  }
0x24e: {  	v7 =	vsel vm0, v7, v10;
	[tilespmem:$0x80D0] =	vst v8  }
0x24f: {  	s22 =	simm.s32 $0x7E0;
	[tilespmem:$0x81D0] =	vst v7;
	v7 =	vld [tilespmem:$0x80E0]  }
0x250: {  	v8 =	vld [tilespmem:s22+$0xFFFFFC80];
	_ =	sdelay $0x1  }
0x251: {  	v9 =	vld [tilespmem:s22+$0xFFFFFD00];
	_ =	sdelay $0x1  }
0x252: {  	v10 =	vld [tilespmem:s22+$0xFFFFFD80]  }
0x253: {  	v11 =	vld [tilespmem:$0x81E0];
	vm0 =	vlt.f32 v8, v7  }
0x254: {  	v7 =	vsel vm0, v8, v7  }
0x255: {  	v12 =	vld [tilespmem:s22+$0xFFFFFE00];
	vm1 =	vlt.f32 v9, v7  }
0x256: {  	v7 =	vsel vm1, v9, v7  }
0x257: {  	v9 =	vld [tilespmem:s22+$0xFFFFFE80];
	vm2 =	vlt.f32 v10, v7  }
0x258: {  	v7 =	vsel vm2, v10, v7;
	v10 =	vsel vm0, v2, v11  }
0x259: {  	v8 =	vld [tilespmem:s22+$0xFFFFFF00];
	v10 =	vsel vm1, v3, v10  }
0x25a: {  	vm0 =	vlt.f32 v12, v7;
	v10 =	vsel vm2, v4, v10  }
0x25b: {  	v7 =	vsel vm0, v12, v7;
	v11 =	vsel vm0, v5, v10;
	v10 =	vld [tilespmem:s22+$0xFFFFFF80]  }
0x25c: {  	vm1 =	vlt.f32 v9, v7  }
0x25d: {  	v12 =	vsel vm1, v9, v7;
	v9 =	vld [tilespmem:s22+$0x0]  }
0x25e: {  	s21 =	simm.s32 $0x0;
	v13 =	vor.u32 $0x5, v2;
	v11 =	vsel vm1, v6, v11;
	s22 =	simm.s32 $0xFE0;
	vm0 =	vlt.f32 v8, v12;
	v7 =	vmovc v2  }
.LBB2_31:
0x25f: {  	v14 =	vld [tilespmem:s22+$0xFFFFFC80];
	s21 =	sadd.s32 $0x8, s21;
	v8 =	vsel vm0, v8, v12;
	v11 =	vsel vm0, v13, v11  }
0x260: {  	v12 =	vor.u32 $0x6, v7;
	p0 =	slt.u32 s21, $0x38;
	vm0 =	vlt.f32 v10, v8  }
0x261: {  	v13 =	vld [tilespmem:s22+$0xFFFFFD00];
	v8 =	vsel vm0, v10, v8;
	v10 =	vsel vm0, v12, v11  }
0x262: {  	v11 =	vor.u32 $0x7, v7;
	vm0 =	vlt.f32 v9, v8  }
0x263: {  	v12 =	vld [tilespmem:s22+$0xFFFFFD80];
	v8 =	vsel vm0, v9, v8;
	v9 =	vsel vm0, v11, v10  }
0x264: {  	v7 =	vadd.s32 $0x8, v7;
	vm0 =	vlt.f32 v14, v8  }
0x265: {  	v8 =	vsel vm0, v14, v8;
	v9 =	vsel vm0, v7, v9;
	v10 =	vld [tilespmem:s22+$0xFFFFFE00]  }
0x266: {  	v11 =	vor.u32 $0x1, v7;
	vm0 =	vlt.f32 v13, v8  }
0x267: {  	v8 =	vsel vm0, v13, v8;
	v9 =	vsel vm0, v11, v9;
	v11 =	vld [tilespmem:s22+$0xFFFFFE80]  }
0x268: {  	v13 =	vor.u32 $0x2, v7;
	vm0 =	vlt.f32 v12, v8  }
0x269: {  	v12 =	vsel vm0, v12, v8;
	v9 =	vsel vm0, v13, v9;
	v8 =	vld [tilespmem:s22+$0xFFFFFF00]  }
.Ltmp14:
0x26a: {  	v13 =	vor.u32 $0x3, v7;
	vm0 =	vlt.f32 v10, v12;
	(pc) =	sbr.rel @p0 .LBB2_31-.Ltmp14, $4  }
0x26b: {  	v12 =	vsel vm0, v10, v12;
	v9 =	vsel vm0, v13, v9;
	v10 =	vld [tilespmem:s22+$0xFFFFFF80]  }
0x26c: {  	v13 =	vor.u32 $0x4, v7;
	vm0 =	vlt.f32 v11, v12  }
0x26d: {  	v12 =	vsel vm0, v11, v12;
	v11 =	vsel vm0, v13, v9;
	v9 =	vld [tilespmem:s22+$0x0]  }
0x26e: {  	v13 =	vor.u32 $0x5, v7;
	s22 =	sadd.s32 $0x800, s22;
	vm0 =	vlt.f32 v8, v12  }
0x26f: {  	v8 =	vsel vm0, v8, v12  }
0x270: {  	vm1 =	vlt.f32 v10, v8  }
0x271: {  	v8 =	vsel vm1, v10, v8  }
0x272: {  	v10 =	vsel vm0, v13, v11;
	v11 =	vor.u32 $0x6, v7;
	vm0 =	vlt.f32 v9, v8  }
0x273: {  	v7 =	vor.u32 $0x7, v7;
	v10 =	vsel vm1, v11, v10;
	v8 =	vsel vm0, v9, v8  }
0x274: {  	v7 =	vsel vm0, v7, v10;
	[tilespmem:$0x80E0] =	vst v8  }
0x275: {  	s22 =	simm.s32 $0x7F0;
	[tilespmem:$0x81E0] =	vst v7;
	v7 =	vld [tilespmem:$0x80F0]  }
0x276: {  	v8 =	vld [tilespmem:s22+$0xFFFFFC80];
	_ =	sdelay $0x1  }
0x277: {  	v9 =	vld [tilespmem:s22+$0xFFFFFD00];
	_ =	sdelay $0x1  }
0x278: {  	v10 =	vld [tilespmem:s22+$0xFFFFFD80]  }
0x279: {  	v11 =	vld [tilespmem:$0x81F0];
	vm0 =	vlt.f32 v8, v7  }
0x27a: {  	v7 =	vsel vm0, v8, v7;
	v8 =	vld [tilespmem:s22+$0xFFFFFE00]  }
0x27b: {  	vm1 =	vlt.f32 v9, v7  }
0x27c: {  	v7 =	vsel vm1, v9, v7;
	v9 =	vld [tilespmem:s22+$0xFFFFFE80]  }
0x27d: {  	vm2 =	vlt.f32 v10, v7  }
0x27e: {  	v11 =	vsel vm0, v2, v11;
	v10 =	vsel vm2, v10, v7;
	v7 =	vld [tilespmem:s22+$0xFFFFFF00]  }
0x27f: {  	v3 =	vsel vm1, v3, v11;
	vm0 =	vlt.f32 v8, v10  }
0x280: {  	v3 =	vsel vm2, v4, v3;
	v4 =	vld [tilespmem:s22+$0xFFFFFF80];
	v8 =	vsel vm0, v8, v10  }
0x281: {  	v3 =	vsel vm0, v5, v3;
	vm1 =	vlt.f32 v9, v8  }
0x282: {  	v8 =	vsel vm1, v9, v8;
	v5 =	vsel vm1, v6, v3;
	v3 =	vld [tilespmem:s22+$0x0]  }
0x283: {  	s21 =	simm.s32 $0x0;
	v6 =	vor.u32 $0x5, v2;
	s22 =	simm.s32 $0xFF0;
	vm0 =	vlt.f32 v7, v8  }
.LBB2_33:
0x284: {  	v9 =	vld [tilespmem:s22+$0xFFFFFC80];
	s21 =	sadd.s32 $0x8, s21;
	v7 =	vsel vm0, v7, v8;
	v5 =	vsel vm0, v6, v5  }
0x285: {  	v6 =	vor.u32 $0x6, v2;
	p0 =	slt.u32 s21, $0x38;
	vm0 =	vlt.f32 v4, v7  }
0x286: {  	v8 =	vld [tilespmem:s22+$0xFFFFFD00];
	v4 =	vsel vm0, v4, v7;
	v5 =	vsel vm0, v6, v5  }
0x287: {  	v6 =	vor.u32 $0x7, v2;
	vm0 =	vlt.f32 v3, v4  }
0x288: {  	v7 =	vld [tilespmem:s22+$0xFFFFFD80];
	v3 =	vsel vm0, v3, v4;
	v4 =	vsel vm0, v6, v5  }
0x289: {  	v2 =	vadd.s32 $0x8, v2;
	vm0 =	vlt.f32 v9, v3  }
0x28a: {  	v3 =	vsel vm0, v9, v3;
	v4 =	vsel vm0, v2, v4;
	v5 =	vld [tilespmem:s22+$0xFFFFFE00]  }
0x28b: {  	v6 =	vor.u32 $0x1, v2;
	vm0 =	vlt.f32 v8, v3  }
0x28c: {  	v3 =	vsel vm0, v8, v3;
	v4 =	vsel vm0, v6, v4;
	v6 =	vld [tilespmem:s22+$0xFFFFFE80]  }
0x28d: {  	v8 =	vor.u32 $0x2, v2;
	vm0 =	vlt.f32 v7, v3  }
0x28e: {  	v3 =	vsel vm0, v7, v3;
	v4 =	vsel vm0, v8, v4;
	v7 =	vld [tilespmem:s22+$0xFFFFFF00]  }
.Ltmp15:
0x28f: {  	v8 =	vor.u32 $0x3, v2;
	vm0 =	vlt.f32 v5, v3;
	(pc) =	sbr.rel @p0 .LBB2_33-.Ltmp15, $4  }
0x290: {  	v3 =	vsel vm0, v5, v3;
	v5 =	vsel vm0, v8, v4;
	v4 =	vld [tilespmem:s22+$0xFFFFFF80]  }
0x291: {  	v9 =	vor.u32 $0x4, v2;
	vm0 =	vlt.f32 v6, v3  }
0x292: {  	v8 =	vsel vm0, v6, v3;
	v5 =	vsel vm0, v9, v5;
	v3 =	vld [tilespmem:s22+$0x0]  }
0x293: {  	v6 =	vor.u32 $0x5, v2;
	s22 =	sadd.s32 $0x800, s22;
	vm0 =	vlt.f32 v7, v8  }
0x294: {  	v7 =	vsel vm0, v7, v8  }
0x295: {  	vm1 =	vlt.f32 v4, v7  }
0x296: {  	p0 =	seq.s32 s19, $0xF;
	v4 =	vsel vm1, v4, v7  }
0x297: {  	v5 =	vsel vm0, v6, v5;
	v6 =	vor.u32 $0x6, v2;
	s21 =	sshll.u32 @!p0 s19, $0x10;
	vm0 =	vlt.f32 v3, v4  }
0x298: {  	v2 =	vor.u32 $0x7, v2;
	s21 =	sadd.s32 @!p0 s21, s7;
	v5 =	vsel vm1, v6, v5;
	v3 =	vsel vm0, v3, v4  }
0x299: {  	s22 =	simm.s32 @!p0 $0x800;
	s21 =	sshrl.u32 @!p0 s21, $0x3;
	v2 =	vsel vm0, v2, v5;
	[tilespmem:$0x80F0] =	vst v3  }
0x29a: {  	s23 =	simm.s32 @!p0 $0x1000;
	s24 =	simm.s32 @!p0 $0x0;
	s21 =	sadd.s32 @!p0 s2, s21;
	[tilespmem:$0x81F0] =	vst v2  }
0x29b: {  	[tilespmem:s24], [sflag:$0x1] =	stream.strided.gather @!p0 [hbm4b:s21+s22], $0x4000, s23, s22, $0x38;
	[tilespmem:$0x8200] =	vst v63  }
0x29c: {  	_ =	swait.ge [sflag:s13], $0x4000  }
0x29d: {  	[sflag:s13] =	ssyncset.done $0x0  }
0x29e: {  	[sflag:s13] =	ssyncadd.s32 $0xFFFFC000  }
0x29f: {  	s31 =	simm.s32 $0x4380;
	v2 =	vld [tilespmem:$0x8000]  }
0x2a0: {  	v3 =	vld [tilespmem:s31+$0xFFFFFC80];
	_ =	sdelay $0x1  }
0x2a1: {  	v4 =	vld [tilespmem:s31+$0xFFFFFD00];
	_ =	sdelay $0x1  }
0x2a2: {  	v5 =	vld [tilespmem:s31+$0xFFFFFD80]  }
0x2a3: {  	v6 =	vld [tilespmem:$0x8100];
	vm0 =	vlt.f32 v3, v2  }
0x2a4: {  	v7 =	vld [tilespmem:s31+$0xFFFFFE00];
	v2 =	vsel vm0, v3, v2  }
0x2a5: {  	vm1 =	vlt.f32 v4, v2  }
0x2a6: {  	v9 =	vld [tilespmem:s31+$0xFFFFFE80];
	v3 =	vsel vm1, v4, v2  }
0x2a7: {  	vm2 =	vlt.f32 v5, v3  }
0x2a8: {  	v8 =	vld [tilespmem:s31+$0xFFFFFF00];
	v2 =	vmov s20;
	v5 =	vsel vm2, v5, v3  }
0x2a9: {  	v4 =	vsel vm0, v2, v6;
	v3 =	vor.u32 $0x1, v2;
	vm0 =	vlt.f32 v7, v5  }
0x2aa: {  	v10 =	vld [tilespmem:s31+$0xFFFFFF80];
	v6 =	vsel vm1, v3, v4;
	v4 =	vor.u32 $0x2, v2;
	v7 =	vsel vm0, v7, v5  }
0x2ab: {  	v6 =	vsel vm2, v4, v6;
	v5 =	vor.u32 $0x3, v2;
	vm1 =	vlt.f32 v9, v7  }
0x2ac: {  	v11 =	vsel vm0, v5, v6;
	v6 =	vor.u32 $0x4, v2;
	v12 =	vsel vm1, v9, v7;
	v9 =	vld [tilespmem:s31+$0x0]  }
0x2ad: {  	s21 =	simm.s32 $0x4B80;
	s20 =	simm.s32 $0x0;
	v13 =	vor.u32 $0x5, v2;
	v11 =	vsel vm1, v6, v11;
	vm0 =	vlt.f32 v8, v12;
	v7 =	vmovc v2  }
.LBB2_35:
0x2ae: {  	v14 =	vld [tilespmem:s21+$0xFFFFFC80];
	s20 =	sadd.s32 $0x8, s20;
	v8 =	vsel vm0, v8, v12;
	v11 =	vsel vm0, v13, v11  }
0x2af: {  	v12 =	vor.u32 $0x6, v7;
	p0 =	slt.u32 s20, $0x38;
	vm0 =	vlt.f32 v10, v8  }
0x2b0: {  	v13 =	vld [tilespmem:s21+$0xFFFFFD00];
	v8 =	vsel vm0, v10, v8;
	v10 =	vsel vm0, v12, v11  }
0x2b1: {  	v11 =	vor.u32 $0x7, v7;
	vm0 =	vlt.f32 v9, v8  }
0x2b2: {  	v12 =	vld [tilespmem:s21+$0xFFFFFD80];
	v8 =	vsel vm0, v9, v8;
	v9 =	vsel vm0, v11, v10  }
0x2b3: {  	v7 =	vadd.s32 $0x8, v7;
	vm0 =	vlt.f32 v14, v8  }
0x2b4: {  	v8 =	vsel vm0, v14, v8;
	v9 =	vsel vm0, v7, v9;
	v10 =	vld [tilespmem:s21+$0xFFFFFE00]  }
0x2b5: {  	v11 =	vor.u32 $0x1, v7;
	vm0 =	vlt.f32 v13, v8  }
0x2b6: {  	v8 =	vsel vm0, v13, v8;
	v9 =	vsel vm0, v11, v9;
	v11 =	vld [tilespmem:s21+$0xFFFFFE80]  }
0x2b7: {  	v13 =	vor.u32 $0x2, v7;
	vm0 =	vlt.f32 v12, v8  }
0x2b8: {  	v12 =	vsel vm0, v12, v8;
	v9 =	vsel vm0, v13, v9;
	v8 =	vld [tilespmem:s21+$0xFFFFFF00]  }
.Ltmp16:
0x2b9: {  	v13 =	vor.u32 $0x3, v7;
	vm0 =	vlt.f32 v10, v12;
	(pc) =	sbr.rel @p0 .LBB2_35-.Ltmp16, $4  }
0x2ba: {  	v12 =	vsel vm0, v10, v12;
	v9 =	vsel vm0, v13, v9;
	v10 =	vld [tilespmem:s21+$0xFFFFFF80]  }
0x2bb: {  	v13 =	vor.u32 $0x4, v7;
	vm0 =	vlt.f32 v11, v12  }
0x2bc: {  	v12 =	vsel vm0, v11, v12;
	v11 =	vsel vm0, v13, v9;
	v9 =	vld [tilespmem:s21+$0x0]  }
0x2bd: {  	v13 =	vor.u32 $0x5, v7;
	s21 =	sadd.s32 $0x800, s21;
	vm0 =	vlt.f32 v8, v12  }
0x2be: {  	v8 =	vsel vm0, v8, v12  }
0x2bf: {  	vm1 =	vlt.f32 v10, v8  }
0x2c0: {  	v8 =	vsel vm1, v10, v8  }
0x2c1: {  	v10 =	vsel vm0, v13, v11;
	v11 =	vor.u32 $0x6, v7;
	vm0 =	vlt.f32 v9, v8  }
0x2c2: {  	v7 =	vor.u32 $0x7, v7;
	v10 =	vsel vm1, v11, v10;
	v8 =	vsel vm0, v9, v8  }
0x2c3: {  	v7 =	vsel vm0, v7, v10;
	[tilespmem:$0x8000] =	vst v8  }
0x2c4: {  	s21 =	simm.s32 $0x4390;
	[tilespmem:$0x8100] =	vst v7;
	v7 =	vld [tilespmem:$0x8010]  }
0x2c5: {  	v8 =	vld [tilespmem:s21+$0xFFFFFC80];
	_ =	sdelay $0x1  }
0x2c6: {  	v9 =	vld [tilespmem:s21+$0xFFFFFD00];
	_ =	sdelay $0x1  }
0x2c7: {  	v10 =	vld [tilespmem:s21+$0xFFFFFD80]  }
0x2c8: {  	v11 =	vld [tilespmem:$0x8110];
	vm0 =	vlt.f32 v8, v7  }
0x2c9: {  	v7 =	vsel vm0, v8, v7  }
0x2ca: {  	v12 =	vld [tilespmem:s21+$0xFFFFFE00];
	vm1 =	vlt.f32 v9, v7  }
0x2cb: {  	v7 =	vsel vm1, v9, v7  }
0x2cc: {  	v9 =	vld [tilespmem:s21+$0xFFFFFE80];
	vm2 =	vlt.f32 v10, v7  }
0x2cd: {  	v7 =	vsel vm2, v10, v7;
	v10 =	vsel vm0, v2, v11  }
0x2ce: {  	v8 =	vld [tilespmem:s21+$0xFFFFFF00];
	v10 =	vsel vm1, v3, v10  }
0x2cf: {  	vm0 =	vlt.f32 v12, v7;
	v10 =	vsel vm2, v4, v10  }
0x2d0: {  	v7 =	vsel vm0, v12, v7;
	v11 =	vsel vm0, v5, v10;
	v10 =	vld [tilespmem:s21+$0xFFFFFF80]  }
0x2d1: {  	vm1 =	vlt.f32 v9, v7  }
0x2d2: {  	v12 =	vsel vm1, v9, v7;
	v9 =	vld [tilespmem:s21+$0x0]  }
0x2d3: {  	s20 =	simm.s32 $0x0;
	v13 =	vor.u32 $0x5, v2;
	v11 =	vsel vm1, v6, v11;
	s21 =	simm.s32 $0x4B90;
	vm0 =	vlt.f32 v8, v12;
	v7 =	vmovc v2  }
.LBB2_37:
0x2d4: {  	v14 =	vld [tilespmem:s21+$0xFFFFFC80];
	s20 =	sadd.s32 $0x8, s20;
	v8 =	vsel vm0, v8, v12;
	v11 =	vsel vm0, v13, v11  }
0x2d5: {  	v12 =	vor.u32 $0x6, v7;
	p0 =	slt.u32 s20, $0x38;
	vm0 =	vlt.f32 v10, v8  }
0x2d6: {  	v13 =	vld [tilespmem:s21+$0xFFFFFD00];
	v8 =	vsel vm0, v10, v8;
	v10 =	vsel vm0, v12, v11  }
0x2d7: {  	v11 =	vor.u32 $0x7, v7;
	vm0 =	vlt.f32 v9, v8  }
0x2d8: {  	v12 =	vld [tilespmem:s21+$0xFFFFFD80];
	v8 =	vsel vm0, v9, v8;
	v9 =	vsel vm0, v11, v10  }
0x2d9: {  	v7 =	vadd.s32 $0x8, v7;
	vm0 =	vlt.f32 v14, v8  }
0x2da: {  	v8 =	vsel vm0, v14, v8;
	v9 =	vsel vm0, v7, v9;
	v10 =	vld [tilespmem:s21+$0xFFFFFE00]  }
0x2db: {  	v11 =	vor.u32 $0x1, v7;
	vm0 =	vlt.f32 v13, v8  }
0x2dc: {  	v8 =	vsel vm0, v13, v8;
	v9 =	vsel vm0, v11, v9;
	v11 =	vld [tilespmem:s21+$0xFFFFFE80]  }
0x2dd: {  	v13 =	vor.u32 $0x2, v7;
	vm0 =	vlt.f32 v12, v8  }
0x2de: {  	v12 =	vsel vm0, v12, v8;
	v9 =	vsel vm0, v13, v9;
	v8 =	vld [tilespmem:s21+$0xFFFFFF00]  }
.Ltmp17:
0x2df: {  	v13 =	vor.u32 $0x3, v7;
	vm0 =	vlt.f32 v10, v12;
	(pc) =	sbr.rel @p0 .LBB2_37-.Ltmp17, $4  }
0x2e0: {  	v12 =	vsel vm0, v10, v12;
	v9 =	vsel vm0, v13, v9;
	v10 =	vld [tilespmem:s21+$0xFFFFFF80]  }
0x2e1: {  	v13 =	vor.u32 $0x4, v7;
	vm0 =	vlt.f32 v11, v12  }
0x2e2: {  	v12 =	vsel vm0, v11, v12;
	v11 =	vsel vm0, v13, v9;
	v9 =	vld [tilespmem:s21+$0x0]  }
0x2e3: {  	v13 =	vor.u32 $0x5, v7;
	s21 =	sadd.s32 $0x800, s21;
	vm0 =	vlt.f32 v8, v12  }
0x2e4: {  	v8 =	vsel vm0, v8, v12  }
0x2e5: {  	vm1 =	vlt.f32 v10, v8  }
0x2e6: {  	v8 =	vsel vm1, v10, v8  }
0x2e7: {  	v10 =	vsel vm0, v13, v11;
	v11 =	vor.u32 $0x6, v7;
	vm0 =	vlt.f32 v9, v8  }
0x2e8: {  	v7 =	vor.u32 $0x7, v7;
	v10 =	vsel vm1, v11, v10;
	v8 =	vsel vm0, v9, v8  }
0x2e9: {  	v7 =	vsel vm0, v7, v10;
	[tilespmem:$0x8010] =	vst v8  }
0x2ea: {  	s21 =	simm.s32 $0x43A0;
	[tilespmem:$0x8110] =	vst v7;
	v7 =	vld [tilespmem:$0x8020]  }
0x2eb: {  	v8 =	vld [tilespmem:s21+$0xFFFFFC80];
	_ =	sdelay $0x1  }
0x2ec: {  	v9 =	vld [tilespmem:s21+$0xFFFFFD00];
	_ =	sdelay $0x1  }
0x2ed: {  	v10 =	vld [tilespmem:s21+$0xFFFFFD80]  }
0x2ee: {  	v11 =	vld [tilespmem:$0x8120];
	vm0 =	vlt.f32 v8, v7  }
0x2ef: {  	v7 =	vsel vm0, v8, v7  }
0x2f0: {  	v12 =	vld [tilespmem:s21+$0xFFFFFE00];
	vm1 =	vlt.f32 v9, v7  }
0x2f1: {  	v7 =	vsel vm1, v9, v7  }
0x2f2: {  	v9 =	vld [tilespmem:s21+$0xFFFFFE80];
	vm2 =	vlt.f32 v10, v7  }
0x2f3: {  	v7 =	vsel vm2, v10, v7;
	v10 =	vsel vm0, v2, v11  }
0x2f4: {  	v8 =	vld [tilespmem:s21+$0xFFFFFF00];
	v10 =	vsel vm1, v3, v10  }
0x2f5: {  	vm0 =	vlt.f32 v12, v7;
	v10 =	vsel vm2, v4, v10  }
0x2f6: {  	v7 =	vsel vm0, v12, v7;
	v11 =	vsel vm0, v5, v10;
	v10 =	vld [tilespmem:s21+$0xFFFFFF80]  }
0x2f7: {  	vm1 =	vlt.f32 v9, v7  }
0x2f8: {  	v12 =	vsel vm1, v9, v7;
	v9 =	vld [tilespmem:s21+$0x0]  }
0x2f9: {  	s20 =	simm.s32 $0x0;
	v13 =	vor.u32 $0x5, v2;
	v11 =	vsel vm1, v6, v11;
	s21 =	simm.s32 $0x4BA0;
	vm0 =	vlt.f32 v8, v12;
	v7 =	vmovc v2  }
.LBB2_39:
0x2fa: {  	v14 =	vld [tilespmem:s21+$0xFFFFFC80];
	s20 =	sadd.s32 $0x8, s20;
	v8 =	vsel vm0, v8, v12;
	v11 =	vsel vm0, v13, v11  }
0x2fb: {  	v12 =	vor.u32 $0x6, v7;
	p0 =	slt.u32 s20, $0x38;
	vm0 =	vlt.f32 v10, v8  }
0x2fc: {  	v13 =	vld [tilespmem:s21+$0xFFFFFD00];
	v8 =	vsel vm0, v10, v8;
	v10 =	vsel vm0, v12, v11  }
0x2fd: {  	v11 =	vor.u32 $0x7, v7;
	vm0 =	vlt.f32 v9, v8  }
0x2fe: {  	v12 =	vld [tilespmem:s21+$0xFFFFFD80];
	v8 =	vsel vm0, v9, v8;
	v9 =	vsel vm0, v11, v10  }
0x2ff: {  	v7 =	vadd.s32 $0x8, v7;
	vm0 =	vlt.f32 v14, v8  }
0x300: {  	v8 =	vsel vm0, v14, v8;
	v9 =	vsel vm0, v7, v9;
	v10 =	vld [tilespmem:s21+$0xFFFFFE00]  }
0x301: {  	v11 =	vor.u32 $0x1, v7;
	vm0 =	vlt.f32 v13, v8  }
0x302: {  	v8 =	vsel vm0, v13, v8;
	v9 =	vsel vm0, v11, v9;
	v11 =	vld [tilespmem:s21+$0xFFFFFE80]  }
0x303: {  	v13 =	vor.u32 $0x2, v7;
	vm0 =	vlt.f32 v12, v8  }
0x304: {  	v12 =	vsel vm0, v12, v8;
	v9 =	vsel vm0, v13, v9;
	v8 =	vld [tilespmem:s21+$0xFFFFFF00]  }
.Ltmp18:
0x305: {  	v13 =	vor.u32 $0x3, v7;
	vm0 =	vlt.f32 v10, v12;
	(pc) =	sbr.rel @p0 .LBB2_39-.Ltmp18, $4  }
0x306: {  	v12 =	vsel vm0, v10, v12;
	v9 =	vsel vm0, v13, v9;
	v10 =	vld [tilespmem:s21+$0xFFFFFF80]  }
0x307: {  	v13 =	vor.u32 $0x4, v7;
	vm0 =	vlt.f32 v11, v12  }
0x308: {  	v12 =	vsel vm0, v11, v12;
	v11 =	vsel vm0, v13, v9;
	v9 =	vld [tilespmem:s21+$0x0]  }
0x309: {  	v13 =	vor.u32 $0x5, v7;
	s21 =	sadd.s32 $0x800, s21;
	vm0 =	vlt.f32 v8, v12  }
0x30a: {  	v8 =	vsel vm0, v8, v12  }
0x30b: {  	vm1 =	vlt.f32 v10, v8  }
0x30c: {  	v8 =	vsel vm1, v10, v8  }
0x30d: {  	v10 =	vsel vm0, v13, v11;
	v11 =	vor.u32 $0x6, v7;
	vm0 =	vlt.f32 v9, v8  }
0x30e: {  	v7 =	vor.u32 $0x7, v7;
	v10 =	vsel vm1, v11, v10;
	v8 =	vsel vm0, v9, v8  }
0x30f: {  	v7 =	vsel vm0, v7, v10;
	[tilespmem:$0x8020] =	vst v8  }
0x310: {  	s21 =	simm.s32 $0x43B0;
	[tilespmem:$0x8120] =	vst v7;
	v7 =	vld [tilespmem:$0x8030]  }
0x311: {  	v8 =	vld [tilespmem:s21+$0xFFFFFC80];
	_ =	sdelay $0x1  }
0x312: {  	v9 =	vld [tilespmem:s21+$0xFFFFFD00];
	_ =	sdelay $0x1  }
0x313: {  	v10 =	vld [tilespmem:s21+$0xFFFFFD80]  }
0x314: {  	v11 =	vld [tilespmem:$0x8130];
	vm0 =	vlt.f32 v8, v7  }
0x315: {  	v7 =	vsel vm0, v8, v7  }
0x316: {  	v12 =	vld [tilespmem:s21+$0xFFFFFE00];
	vm1 =	vlt.f32 v9, v7  }
0x317: {  	v7 =	vsel vm1, v9, v7  }
0x318: {  	v9 =	vld [tilespmem:s21+$0xFFFFFE80];
	vm2 =	vlt.f32 v10, v7  }
0x319: {  	v7 =	vsel vm2, v10, v7;
	v10 =	vsel vm0, v2, v11  }
0x31a: {  	v8 =	vld [tilespmem:s21+$0xFFFFFF00];
	v10 =	vsel vm1, v3, v10  }
0x31b: {  	vm0 =	vlt.f32 v12, v7;
	v10 =	vsel vm2, v4, v10  }
0x31c: {  	v7 =	vsel vm0, v12, v7;
	v11 =	vsel vm0, v5, v10;
	v10 =	vld [tilespmem:s21+$0xFFFFFF80]  }
0x31d: {  	vm1 =	vlt.f32 v9, v7  }
0x31e: {  	v12 =	vsel vm1, v9, v7;
	v9 =	vld [tilespmem:s21+$0x0]  }
0x31f: {  	s20 =	simm.s32 $0x0;
	v13 =	vor.u32 $0x5, v2;
	v11 =	vsel vm1, v6, v11;
	s21 =	simm.s32 $0x4BB0;
	vm0 =	vlt.f32 v8, v12;
	v7 =	vmovc v2  }
.LBB2_41:
0x320: {  	v14 =	vld [tilespmem:s21+$0xFFFFFC80];
	s20 =	sadd.s32 $0x8, s20;
	v8 =	vsel vm0, v8, v12;
	v11 =	vsel vm0, v13, v11  }
0x321: {  	v12 =	vor.u32 $0x6, v7;
	p0 =	slt.u32 s20, $0x38;
	vm0 =	vlt.f32 v10, v8  }
0x322: {  	v13 =	vld [tilespmem:s21+$0xFFFFFD00];
	v8 =	vsel vm0, v10, v8;
	v10 =	vsel vm0, v12, v11  }
0x323: {  	v11 =	vor.u32 $0x7, v7;
	vm0 =	vlt.f32 v9, v8  }
0x324: {  	v12 =	vld [tilespmem:s21+$0xFFFFFD80];
	v8 =	vsel vm0, v9, v8;
	v9 =	vsel vm0, v11, v10  }
0x325: {  	v7 =	vadd.s32 $0x8, v7;
	vm0 =	vlt.f32 v14, v8  }
0x326: {  	v8 =	vsel vm0, v14, v8;
	v9 =	vsel vm0, v7, v9;
	v10 =	vld [tilespmem:s21+$0xFFFFFE00]  }
0x327: {  	v11 =	vor.u32 $0x1, v7;
	vm0 =	vlt.f32 v13, v8  }
0x328: {  	v8 =	vsel vm0, v13, v8;
	v9 =	vsel vm0, v11, v9;
	v11 =	vld [tilespmem:s21+$0xFFFFFE80]  }
0x329: {  	v13 =	vor.u32 $0x2, v7;
	vm0 =	vlt.f32 v12, v8  }
0x32a: {  	v12 =	vsel vm0, v12, v8;
	v9 =	vsel vm0, v13, v9;
	v8 =	vld [tilespmem:s21+$0xFFFFFF00]  }
.Ltmp19:
0x32b: {  	v13 =	vor.u32 $0x3, v7;
	vm0 =	vlt.f32 v10, v12;
	(pc) =	sbr.rel @p0 .LBB2_41-.Ltmp19, $4  }
0x32c: {  	v12 =	vsel vm0, v10, v12;
	v9 =	vsel vm0, v13, v9;
	v10 =	vld [tilespmem:s21+$0xFFFFFF80]  }
0x32d: {  	v13 =	vor.u32 $0x4, v7;
	vm0 =	vlt.f32 v11, v12  }
0x32e: {  	v12 =	vsel vm0, v11, v12;
	v11 =	vsel vm0, v13, v9;
	v9 =	vld [tilespmem:s21+$0x0]  }
0x32f: {  	v13 =	vor.u32 $0x5, v7;
	s21 =	sadd.s32 $0x800, s21;
	vm0 =	vlt.f32 v8, v12  }
0x330: {  	v8 =	vsel vm0, v8, v12  }
0x331: {  	vm1 =	vlt.f32 v10, v8  }
0x332: {  	v8 =	vsel vm1, v10, v8  }
0x333: {  	v10 =	vsel vm0, v13, v11;
	v11 =	vor.u32 $0x6, v7;
	vm0 =	vlt.f32 v9, v8  }
0x334: {  	v7 =	vor.u32 $0x7, v7;
	v10 =	vsel vm1, v11, v10;
	v8 =	vsel vm0, v9, v8  }
0x335: {  	v7 =	vsel vm0, v7, v10;
	[tilespmem:$0x8030] =	vst v8  }
0x336: {  	s21 =	simm.s32 $0x43C0;
	[tilespmem:$0x8130] =	vst v7;
	v7 =	vld [tilespmem:$0x8040]  }
0x337: {  	v8 =	vld [tilespmem:s21+$0xFFFFFC80];
	_ =	sdelay $0x1  }
0x338: {  	v9 =	vld [tilespmem:s21+$0xFFFFFD00];
	_ =	sdelay $0x1  }
0x339: {  	v10 =	vld [tilespmem:s21+$0xFFFFFD80]  }
0x33a: {  	v11 =	vld [tilespmem:$0x8140];
	vm0 =	vlt.f32 v8, v7  }
0x33b: {  	v7 =	vsel vm0, v8, v7  }
0x33c: {  	v12 =	vld [tilespmem:s21+$0xFFFFFE00];
	vm1 =	vlt.f32 v9, v7  }
0x33d: {  	v7 =	vsel vm1, v9, v7  }
0x33e: {  	v9 =	vld [tilespmem:s21+$0xFFFFFE80];
	vm2 =	vlt.f32 v10, v7  }
0x33f: {  	v7 =	vsel vm2, v10, v7;
	v10 =	vsel vm0, v2, v11  }
0x340: {  	v8 =	vld [tilespmem:s21+$0xFFFFFF00];
	v10 =	vsel vm1, v3, v10  }
0x341: {  	vm0 =	vlt.f32 v12, v7;
	v10 =	vsel vm2, v4, v10  }
0x342: {  	v7 =	vsel vm0, v12, v7;
	v11 =	vsel vm0, v5, v10;
	v10 =	vld [tilespmem:s21+$0xFFFFFF80]  }
0x343: {  	vm1 =	vlt.f32 v9, v7  }
0x344: {  	v12 =	vsel vm1, v9, v7;
	v9 =	vld [tilespmem:s21+$0x0]  }
0x345: {  	s20 =	simm.s32 $0x0;
	v13 =	vor.u32 $0x5, v2;
	v11 =	vsel vm1, v6, v11;
	s21 =	simm.s32 $0x4BC0;
	vm0 =	vlt.f32 v8, v12;
	v7 =	vmovc v2  }
.LBB2_43:
0x346: {  	v14 =	vld [tilespmem:s21+$0xFFFFFC80];
	s20 =	sadd.s32 $0x8, s20;
	v8 =	vsel vm0, v8, v12;
	v11 =	vsel vm0, v13, v11  }
0x347: {  	v12 =	vor.u32 $0x6, v7;
	p0 =	slt.u32 s20, $0x38;
	vm0 =	vlt.f32 v10, v8  }
0x348: {  	v13 =	vld [tilespmem:s21+$0xFFFFFD00];
	v8 =	vsel vm0, v10, v8;
	v10 =	vsel vm0, v12, v11  }
0x349: {  	v11 =	vor.u32 $0x7, v7;
	vm0 =	vlt.f32 v9, v8  }
0x34a: {  	v12 =	vld [tilespmem:s21+$0xFFFFFD80];
	v8 =	vsel vm0, v9, v8;
	v9 =	vsel vm0, v11, v10  }
0x34b: {  	v7 =	vadd.s32 $0x8, v7;
	vm0 =	vlt.f32 v14, v8  }
0x34c: {  	v8 =	vsel vm0, v14, v8;
	v9 =	vsel vm0, v7, v9;
	v10 =	vld [tilespmem:s21+$0xFFFFFE00]  }
0x34d: {  	v11 =	vor.u32 $0x1, v7;
	vm0 =	vlt.f32 v13, v8  }
0x34e: {  	v8 =	vsel vm0, v13, v8;
	v9 =	vsel vm0, v11, v9;
	v11 =	vld [tilespmem:s21+$0xFFFFFE80]  }
0x34f: {  	v13 =	vor.u32 $0x2, v7;
	vm0 =	vlt.f32 v12, v8  }
0x350: {  	v12 =	vsel vm0, v12, v8;
	v9 =	vsel vm0, v13, v9;
	v8 =	vld [tilespmem:s21+$0xFFFFFF00]  }
.Ltmp20:
0x351: {  	v13 =	vor.u32 $0x3, v7;
	vm0 =	vlt.f32 v10, v12;
	(pc) =	sbr.rel @p0 .LBB2_43-.Ltmp20, $4  }
0x352: {  	v12 =	vsel vm0, v10, v12;
	v9 =	vsel vm0, v13, v9;
	v10 =	vld [tilespmem:s21+$0xFFFFFF80]  }
0x353: {  	v13 =	vor.u32 $0x4, v7;
	vm0 =	vlt.f32 v11, v12  }
0x354: {  	v12 =	vsel vm0, v11, v12;
	v11 =	vsel vm0, v13, v9;
	v9 =	vld [tilespmem:s21+$0x0]  }
0x355: {  	v13 =	vor.u32 $0x5, v7;
	s21 =	sadd.s32 $0x800, s21;
	vm0 =	vlt.f32 v8, v12  }
0x356: {  	v8 =	vsel vm0, v8, v12  }
0x357: {  	vm1 =	vlt.f32 v10, v8  }
0x358: {  	v8 =	vsel vm1, v10, v8  }
0x359: {  	v10 =	vsel vm0, v13, v11;
	v11 =	vor.u32 $0x6, v7;
	vm0 =	vlt.f32 v9, v8  }
0x35a: {  	v7 =	vor.u32 $0x7, v7;
	v10 =	vsel vm1, v11, v10;
	v8 =	vsel vm0, v9, v8  }
0x35b: {  	v7 =	vsel vm0, v7, v10;
	[tilespmem:$0x8040] =	vst v8  }
0x35c: {  	s21 =	simm.s32 $0x43D0;
	[tilespmem:$0x8140] =	vst v7;
	v7 =	vld [tilespmem:$0x8050]  }
0x35d: {  	v8 =	vld [tilespmem:s21+$0xFFFFFC80];
	_ =	sdelay $0x1  }
0x35e: {  	v9 =	vld [tilespmem:s21+$0xFFFFFD00];
	_ =	sdelay $0x1  }
0x35f: {  	v10 =	vld [tilespmem:s21+$0xFFFFFD80]  }
0x360: {  	v11 =	vld [tilespmem:$0x8150];
	vm0 =	vlt.f32 v8, v7  }
0x361: {  	v7 =	vsel vm0, v8, v7  }
0x362: {  	v12 =	vld [tilespmem:s21+$0xFFFFFE00];
	vm1 =	vlt.f32 v9, v7  }
0x363: {  	v7 =	vsel vm1, v9, v7  }
0x364: {  	v9 =	vld [tilespmem:s21+$0xFFFFFE80];
	vm2 =	vlt.f32 v10, v7  }
0x365: {  	v7 =	vsel vm2, v10, v7;
	v10 =	vsel vm0, v2, v11  }
0x366: {  	v8 =	vld [tilespmem:s21+$0xFFFFFF00];
	v10 =	vsel vm1, v3, v10  }
0x367: {  	vm0 =	vlt.f32 v12, v7;
	v10 =	vsel vm2, v4, v10  }
0x368: {  	v7 =	vsel vm0, v12, v7;
	v11 =	vsel vm0, v5, v10;
	v10 =	vld [tilespmem:s21+$0xFFFFFF80]  }
0x369: {  	vm1 =	vlt.f32 v9, v7  }
0x36a: {  	v12 =	vsel vm1, v9, v7;
	v9 =	vld [tilespmem:s21+$0x0]  }
0x36b: {  	s20 =	simm.s32 $0x0;
	v13 =	vor.u32 $0x5, v2;
	v11 =	vsel vm1, v6, v11;
	s21 =	simm.s32 $0x4BD0;
	vm0 =	vlt.f32 v8, v12;
	v7 =	vmovc v2  }
.LBB2_45:
0x36c: {  	v14 =	vld [tilespmem:s21+$0xFFFFFC80];
	s20 =	sadd.s32 $0x8, s20;
	v8 =	vsel vm0, v8, v12;
	v11 =	vsel vm0, v13, v11  }
0x36d: {  	v12 =	vor.u32 $0x6, v7;
	p0 =	slt.u32 s20, $0x38;
	vm0 =	vlt.f32 v10, v8  }
0x36e: {  	v13 =	vld [tilespmem:s21+$0xFFFFFD00];
	v8 =	vsel vm0, v10, v8;
	v10 =	vsel vm0, v12, v11  }
0x36f: {  	v11 =	vor.u32 $0x7, v7;
	vm0 =	vlt.f32 v9, v8  }
0x370: {  	v12 =	vld [tilespmem:s21+$0xFFFFFD80];
	v8 =	vsel vm0, v9, v8;
	v9 =	vsel vm0, v11, v10  }
0x371: {  	v7 =	vadd.s32 $0x8, v7;
	vm0 =	vlt.f32 v14, v8  }
0x372: {  	v8 =	vsel vm0, v14, v8;
	v9 =	vsel vm0, v7, v9;
	v10 =	vld [tilespmem:s21+$0xFFFFFE00]  }
0x373: {  	v11 =	vor.u32 $0x1, v7;
	vm0 =	vlt.f32 v13, v8  }
0x374: {  	v8 =	vsel vm0, v13, v8;
	v9 =	vsel vm0, v11, v9;
	v11 =	vld [tilespmem:s21+$0xFFFFFE80]  }
0x375: {  	v13 =	vor.u32 $0x2, v7;
	vm0 =	vlt.f32 v12, v8  }
0x376: {  	v12 =	vsel vm0, v12, v8;
	v9 =	vsel vm0, v13, v9;
	v8 =	vld [tilespmem:s21+$0xFFFFFF00]  }
.Ltmp21:
0x377: {  	v13 =	vor.u32 $0x3, v7;
	vm0 =	vlt.f32 v10, v12;
	(pc) =	sbr.rel @p0 .LBB2_45-.Ltmp21, $4  }
0x378: {  	v12 =	vsel vm0, v10, v12;
	v9 =	vsel vm0, v13, v9;
	v10 =	vld [tilespmem:s21+$0xFFFFFF80]  }
0x379: {  	v13 =	vor.u32 $0x4, v7;
	vm0 =	vlt.f32 v11, v12  }
0x37a: {  	v12 =	vsel vm0, v11, v12;
	v11 =	vsel vm0, v13, v9;
	v9 =	vld [tilespmem:s21+$0x0]  }
0x37b: {  	v13 =	vor.u32 $0x5, v7;
	s21 =	sadd.s32 $0x800, s21;
	vm0 =	vlt.f32 v8, v12  }
0x37c: {  	v8 =	vsel vm0, v8, v12  }
0x37d: {  	vm1 =	vlt.f32 v10, v8  }
0x37e: {  	v8 =	vsel vm1, v10, v8  }
0x37f: {  	v10 =	vsel vm0, v13, v11;
	v11 =	vor.u32 $0x6, v7;
	vm0 =	vlt.f32 v9, v8  }
0x380: {  	v7 =	vor.u32 $0x7, v7;
	v10 =	vsel vm1, v11, v10;
	v8 =	vsel vm0, v9, v8  }
0x381: {  	v7 =	vsel vm0, v7, v10;
	[tilespmem:$0x8050] =	vst v8  }
0x382: {  	s21 =	simm.s32 $0x43E0;
	[tilespmem:$0x8150] =	vst v7;
	v7 =	vld [tilespmem:$0x8060]  }
0x383: {  	v8 =	vld [tilespmem:s21+$0xFFFFFC80];
	_ =	sdelay $0x1  }
0x384: {  	v9 =	vld [tilespmem:s21+$0xFFFFFD00];
	_ =	sdelay $0x1  }
0x385: {  	v10 =	vld [tilespmem:s21+$0xFFFFFD80]  }
0x386: {  	v11 =	vld [tilespmem:$0x8160];
	vm0 =	vlt.f32 v8, v7  }
0x387: {  	v7 =	vsel vm0, v8, v7  }
0x388: {  	v12 =	vld [tilespmem:s21+$0xFFFFFE00];
	vm1 =	vlt.f32 v9, v7  }
0x389: {  	v7 =	vsel vm1, v9, v7  }
0x38a: {  	v9 =	vld [tilespmem:s21+$0xFFFFFE80];
	vm2 =	vlt.f32 v10, v7  }
0x38b: {  	v7 =	vsel vm2, v10, v7;
	v10 =	vsel vm0, v2, v11  }
0x38c: {  	v8 =	vld [tilespmem:s21+$0xFFFFFF00];
	v10 =	vsel vm1, v3, v10  }
0x38d: {  	vm0 =	vlt.f32 v12, v7;
	v10 =	vsel vm2, v4, v10  }
0x38e: {  	v7 =	vsel vm0, v12, v7;
	v11 =	vsel vm0, v5, v10;
	v10 =	vld [tilespmem:s21+$0xFFFFFF80]  }
0x38f: {  	vm1 =	vlt.f32 v9, v7  }
0x390: {  	v12 =	vsel vm1, v9, v7;
	v9 =	vld [tilespmem:s21+$0x0]  }
0x391: {  	s20 =	simm.s32 $0x0;
	v13 =	vor.u32 $0x5, v2;
	v11 =	vsel vm1, v6, v11;
	s21 =	simm.s32 $0x4BE0;
	vm0 =	vlt.f32 v8, v12;
	v7 =	vmovc v2  }
.LBB2_47:
0x392: {  	v14 =	vld [tilespmem:s21+$0xFFFFFC80];
	s20 =	sadd.s32 $0x8, s20;
	v8 =	vsel vm0, v8, v12;
	v11 =	vsel vm0, v13, v11  }
0x393: {  	v12 =	vor.u32 $0x6, v7;
	p0 =	slt.u32 s20, $0x38;
	vm0 =	vlt.f32 v10, v8  }
0x394: {  	v13 =	vld [tilespmem:s21+$0xFFFFFD00];
	v8 =	vsel vm0, v10, v8;
	v10 =	vsel vm0, v12, v11  }
0x395: {  	v11 =	vor.u32 $0x7, v7;
	vm0 =	vlt.f32 v9, v8  }
0x396: {  	v12 =	vld [tilespmem:s21+$0xFFFFFD80];
	v8 =	vsel vm0, v9, v8;
	v9 =	vsel vm0, v11, v10  }
0x397: {  	v7 =	vadd.s32 $0x8, v7;
	vm0 =	vlt.f32 v14, v8  }
0x398: {  	v8 =	vsel vm0, v14, v8;
	v9 =	vsel vm0, v7, v9;
	v10 =	vld [tilespmem:s21+$0xFFFFFE00]  }
0x399: {  	v11 =	vor.u32 $0x1, v7;
	vm0 =	vlt.f32 v13, v8  }
0x39a: {  	v8 =	vsel vm0, v13, v8;
	v9 =	vsel vm0, v11, v9;
	v11 =	vld [tilespmem:s21+$0xFFFFFE80]  }
0x39b: {  	v13 =	vor.u32 $0x2, v7;
	vm0 =	vlt.f32 v12, v8  }
0x39c: {  	v12 =	vsel vm0, v12, v8;
	v9 =	vsel vm0, v13, v9;
	v8 =	vld [tilespmem:s21+$0xFFFFFF00]  }
.Ltmp22:
0x39d: {  	v13 =	vor.u32 $0x3, v7;
	vm0 =	vlt.f32 v10, v12;
	(pc) =	sbr.rel @p0 .LBB2_47-.Ltmp22, $4  }
0x39e: {  	v12 =	vsel vm0, v10, v12;
	v9 =	vsel vm0, v13, v9;
	v10 =	vld [tilespmem:s21+$0xFFFFFF80]  }
0x39f: {  	v13 =	vor.u32 $0x4, v7;
	vm0 =	vlt.f32 v11, v12  }
0x3a0: {  	v12 =	vsel vm0, v11, v12;
	v11 =	vsel vm0, v13, v9;
	v9 =	vld [tilespmem:s21+$0x0]  }
0x3a1: {  	v13 =	vor.u32 $0x5, v7;
	s21 =	sadd.s32 $0x800, s21;
	vm0 =	vlt.f32 v8, v12  }
0x3a2: {  	v8 =	vsel vm0, v8, v12  }
0x3a3: {  	vm1 =	vlt.f32 v10, v8  }
0x3a4: {  	v8 =	vsel vm1, v10, v8  }
0x3a5: {  	v10 =	vsel vm0, v13, v11;
	v11 =	vor.u32 $0x6, v7;
	vm0 =	vlt.f32 v9, v8  }
0x3a6: {  	v7 =	vor.u32 $0x7, v7;
	v10 =	vsel vm1, v11, v10;
	v8 =	vsel vm0, v9, v8  }
0x3a7: {  	v7 =	vsel vm0, v7, v10;
	[tilespmem:$0x8060] =	vst v8  }
0x3a8: {  	s21 =	simm.s32 $0x43F0;
	[tilespmem:$0x8160] =	vst v7;
	v7 =	vld [tilespmem:$0x8070]  }
0x3a9: {  	v8 =	vld [tilespmem:s21+$0xFFFFFC80];
	_ =	sdelay $0x1  }
0x3aa: {  	v9 =	vld [tilespmem:s21+$0xFFFFFD00];
	_ =	sdelay $0x1  }
0x3ab: {  	v10 =	vld [tilespmem:s21+$0xFFFFFD80]  }
0x3ac: {  	v11 =	vld [tilespmem:$0x8170];
	vm0 =	vlt.f32 v8, v7  }
0x3ad: {  	v7 =	vsel vm0, v8, v7  }
0x3ae: {  	v12 =	vld [tilespmem:s21+$0xFFFFFE00];
	vm1 =	vlt.f32 v9, v7  }
0x3af: {  	v7 =	vsel vm1, v9, v7  }
0x3b0: {  	v9 =	vld [tilespmem:s21+$0xFFFFFE80];
	vm2 =	vlt.f32 v10, v7  }
0x3b1: {  	v7 =	vsel vm2, v10, v7;
	v10 =	vsel vm0, v2, v11  }
0x3b2: {  	v8 =	vld [tilespmem:s21+$0xFFFFFF00];
	v10 =	vsel vm1, v3, v10  }
0x3b3: {  	vm0 =	vlt.f32 v12, v7;
	v10 =	vsel vm2, v4, v10  }
0x3b4: {  	v7 =	vsel vm0, v12, v7;
	v11 =	vsel vm0, v5, v10;
	v10 =	vld [tilespmem:s21+$0xFFFFFF80]  }
0x3b5: {  	vm1 =	vlt.f32 v9, v7  }
0x3b6: {  	v12 =	vsel vm1, v9, v7;
	v9 =	vld [tilespmem:s21+$0x0]  }
0x3b7: {  	s20 =	simm.s32 $0x0;
	v13 =	vor.u32 $0x5, v2;
	v11 =	vsel vm1, v6, v11;
	s21 =	simm.s32 $0x4BF0;
	vm0 =	vlt.f32 v8, v12;
	v7 =	vmovc v2  }
.LBB2_49:
0x3b8: {  	v14 =	vld [tilespmem:s21+$0xFFFFFC80];
	s20 =	sadd.s32 $0x8, s20;
	v8 =	vsel vm0, v8, v12;
	v11 =	vsel vm0, v13, v11  }
0x3b9: {  	v12 =	vor.u32 $0x6, v7;
	p0 =	slt.u32 s20, $0x38;
	vm0 =	vlt.f32 v10, v8  }
0x3ba: {  	v13 =	vld [tilespmem:s21+$0xFFFFFD00];
	v8 =	vsel vm0, v10, v8;
	v10 =	vsel vm0, v12, v11  }
0x3bb: {  	v11 =	vor.u32 $0x7, v7;
	vm0 =	vlt.f32 v9, v8  }
0x3bc: {  	v12 =	vld [tilespmem:s21+$0xFFFFFD80];
	v8 =	vsel vm0, v9, v8;
	v9 =	vsel vm0, v11, v10  }
0x3bd: {  	v7 =	vadd.s32 $0x8, v7;
	vm0 =	vlt.f32 v14, v8  }
0x3be: {  	v8 =	vsel vm0, v14, v8;
	v9 =	vsel vm0, v7, v9;
	v10 =	vld [tilespmem:s21+$0xFFFFFE00]  }
0x3bf: {  	v11 =	vor.u32 $0x1, v7;
	vm0 =	vlt.f32 v13, v8  }
0x3c0: {  	v8 =	vsel vm0, v13, v8;
	v9 =	vsel vm0, v11, v9;
	v11 =	vld [tilespmem:s21+$0xFFFFFE80]  }
0x3c1: {  	v13 =	vor.u32 $0x2, v7;
	vm0 =	vlt.f32 v12, v8  }
0x3c2: {  	v12 =	vsel vm0, v12, v8;
	v9 =	vsel vm0, v13, v9;
	v8 =	vld [tilespmem:s21+$0xFFFFFF00]  }
.Ltmp23:
0x3c3: {  	v13 =	vor.u32 $0x3, v7;
	vm0 =	vlt.f32 v10, v12;
	(pc) =	sbr.rel @p0 .LBB2_49-.Ltmp23, $4  }
0x3c4: {  	v12 =	vsel vm0, v10, v12;
	v9 =	vsel vm0, v13, v9;
	v10 =	vld [tilespmem:s21+$0xFFFFFF80]  }
0x3c5: {  	v13 =	vor.u32 $0x4, v7;
	vm0 =	vlt.f32 v11, v12  }
0x3c6: {  	v12 =	vsel vm0, v11, v12;
	v11 =	vsel vm0, v13, v9;
	v9 =	vld [tilespmem:s21+$0x0]  }
0x3c7: {  	v13 =	vor.u32 $0x5, v7;
	s21 =	sadd.s32 $0x800, s21;
	vm0 =	vlt.f32 v8, v12  }
0x3c8: {  	v8 =	vsel vm0, v8, v12  }
0x3c9: {  	vm1 =	vlt.f32 v10, v8  }
0x3ca: {  	v8 =	vsel vm1, v10, v8  }
0x3cb: {  	v10 =	vsel vm0, v13, v11;
	v11 =	vor.u32 $0x6, v7;
	vm0 =	vlt.f32 v9, v8  }
0x3cc: {  	v7 =	vor.u32 $0x7, v7;
	v10 =	vsel vm1, v11, v10;
	v8 =	vsel vm0, v9, v8  }
0x3cd: {  	v7 =	vsel vm0, v7, v10;
	[tilespmem:$0x8070] =	vst v8  }
0x3ce: {  	s21 =	simm.s32 $0x4780;
	[tilespmem:$0x8170] =	vst v7;
	v7 =	vld [tilespmem:$0x8080]  }
0x3cf: {  	v8 =	vld [tilespmem:s21+$0xFFFFFC80];
	_ =	sdelay $0x1  }
0x3d0: {  	v9 =	vld [tilespmem:s21+$0xFFFFFD00];
	_ =	sdelay $0x1  }
0x3d1: {  	v10 =	vld [tilespmem:s21+$0xFFFFFD80]  }
0x3d2: {  	v11 =	vld [tilespmem:$0x8180];
	vm0 =	vlt.f32 v8, v7  }
0x3d3: {  	v7 =	vsel vm0, v8, v7  }
0x3d4: {  	v12 =	vld [tilespmem:s21+$0xFFFFFE00];
	vm1 =	vlt.f32 v9, v7  }
0x3d5: {  	v7 =	vsel vm1, v9, v7  }
0x3d6: {  	v9 =	vld [tilespmem:s21+$0xFFFFFE80];
	vm2 =	vlt.f32 v10, v7  }
0x3d7: {  	v7 =	vsel vm2, v10, v7;
	v10 =	vsel vm0, v2, v11  }
0x3d8: {  	v8 =	vld [tilespmem:s21+$0xFFFFFF00];
	v10 =	vsel vm1, v3, v10  }
0x3d9: {  	vm0 =	vlt.f32 v12, v7;
	v10 =	vsel vm2, v4, v10  }
0x3da: {  	v7 =	vsel vm0, v12, v7;
	v11 =	vsel vm0, v5, v10;
	v10 =	vld [tilespmem:s21+$0xFFFFFF80]  }
0x3db: {  	vm1 =	vlt.f32 v9, v7  }
0x3dc: {  	v12 =	vsel vm1, v9, v7;
	v9 =	vld [tilespmem:s21+$0x0]  }
0x3dd: {  	s20 =	simm.s32 $0x0;
	v13 =	vor.u32 $0x5, v2;
	v11 =	vsel vm1, v6, v11;
	s21 =	simm.s32 $0x4F80;
	vm0 =	vlt.f32 v8, v12;
	v7 =	vmovc v2  }
.LBB2_51:
0x3de: {  	v14 =	vld [tilespmem:s21+$0xFFFFFC80];
	s20 =	sadd.s32 $0x8, s20;
	v8 =	vsel vm0, v8, v12;
	v11 =	vsel vm0, v13, v11  }
0x3df: {  	v12 =	vor.u32 $0x6, v7;
	p0 =	slt.u32 s20, $0x38;
	vm0 =	vlt.f32 v10, v8  }
0x3e0: {  	v13 =	vld [tilespmem:s21+$0xFFFFFD00];
	v8 =	vsel vm0, v10, v8;
	v10 =	vsel vm0, v12, v11  }
0x3e1: {  	v11 =	vor.u32 $0x7, v7;
	vm0 =	vlt.f32 v9, v8  }
0x3e2: {  	v12 =	vld [tilespmem:s21+$0xFFFFFD80];
	v8 =	vsel vm0, v9, v8;
	v9 =	vsel vm0, v11, v10  }
0x3e3: {  	v7 =	vadd.s32 $0x8, v7;
	vm0 =	vlt.f32 v14, v8  }
0x3e4: {  	v8 =	vsel vm0, v14, v8;
	v9 =	vsel vm0, v7, v9;
	v10 =	vld [tilespmem:s21+$0xFFFFFE00]  }
0x3e5: {  	v11 =	vor.u32 $0x1, v7;
	vm0 =	vlt.f32 v13, v8  }
0x3e6: {  	v8 =	vsel vm0, v13, v8;
	v9 =	vsel vm0, v11, v9;
	v11 =	vld [tilespmem:s21+$0xFFFFFE80]  }
0x3e7: {  	v13 =	vor.u32 $0x2, v7;
	vm0 =	vlt.f32 v12, v8  }
0x3e8: {  	v12 =	vsel vm0, v12, v8;
	v9 =	vsel vm0, v13, v9;
	v8 =	vld [tilespmem:s21+$0xFFFFFF00]  }
.Ltmp24:
0x3e9: {  	v13 =	vor.u32 $0x3, v7;
	vm0 =	vlt.f32 v10, v12;
	(pc) =	sbr.rel @p0 .LBB2_51-.Ltmp24, $4  }
0x3ea: {  	v12 =	vsel vm0, v10, v12;
	v9 =	vsel vm0, v13, v9;
	v10 =	vld [tilespmem:s21+$0xFFFFFF80]  }
0x3eb: {  	v13 =	vor.u32 $0x4, v7;
	vm0 =	vlt.f32 v11, v12  }
0x3ec: {  	v12 =	vsel vm0, v11, v12;
	v11 =	vsel vm0, v13, v9;
	v9 =	vld [tilespmem:s21+$0x0]  }
0x3ed: {  	v13 =	vor.u32 $0x5, v7;
	s21 =	sadd.s32 $0x800, s21;
	vm0 =	vlt.f32 v8, v12  }
0x3ee: {  	v8 =	vsel vm0, v8, v12  }
0x3ef: {  	vm1 =	vlt.f32 v10, v8  }
0x3f0: {  	v8 =	vsel vm1, v10, v8  }
0x3f1: {  	v10 =	vsel vm0, v13, v11;
	v11 =	vor.u32 $0x6, v7;
	vm0 =	vlt.f32 v9, v8  }
0x3f2: {  	v7 =	vor.u32 $0x7, v7;
	v10 =	vsel vm1, v11, v10;
	v8 =	vsel vm0, v9, v8  }
0x3f3: {  	v7 =	vsel vm0, v7, v10;
	[tilespmem:$0x8080] =	vst v8  }
0x3f4: {  	s21 =	simm.s32 $0x4790;
	[tilespmem:$0x8180] =	vst v7;
	v7 =	vld [tilespmem:$0x8090]  }
0x3f5: {  	v8 =	vld [tilespmem:s21+$0xFFFFFC80];
	_ =	sdelay $0x1  }
0x3f6: {  	v9 =	vld [tilespmem:s21+$0xFFFFFD00];
	_ =	sdelay $0x1  }
0x3f7: {  	v10 =	vld [tilespmem:s21+$0xFFFFFD80]  }
0x3f8: {  	v11 =	vld [tilespmem:$0x8190];
	vm0 =	vlt.f32 v8, v7  }
0x3f9: {  	v7 =	vsel vm0, v8, v7  }
0x3fa: {  	v12 =	vld [tilespmem:s21+$0xFFFFFE00];
	vm1 =	vlt.f32 v9, v7  }
0x3fb: {  	v7 =	vsel vm1, v9, v7  }
0x3fc: {  	v9 =	vld [tilespmem:s21+$0xFFFFFE80];
	vm2 =	vlt.f32 v10, v7  }
0x3fd: {  	v7 =	vsel vm2, v10, v7;
	v10 =	vsel vm0, v2, v11  }
0x3fe: {  	v8 =	vld [tilespmem:s21+$0xFFFFFF00];
	v10 =	vsel vm1, v3, v10  }
0x3ff: {  	vm0 =	vlt.f32 v12, v7;
	v10 =	vsel vm2, v4, v10  }
0x400: {  	v7 =	vsel vm0, v12, v7;
	v11 =	vsel vm0, v5, v10;
	v10 =	vld [tilespmem:s21+$0xFFFFFF80]  }
0x401: {  	vm1 =	vlt.f32 v9, v7  }
0x402: {  	v12 =	vsel vm1, v9, v7;
	v9 =	vld [tilespmem:s21+$0x0]  }
0x403: {  	s20 =	simm.s32 $0x0;
	v13 =	vor.u32 $0x5, v2;
	v11 =	vsel vm1, v6, v11;
	s21 =	simm.s32 $0x4F90;
	vm0 =	vlt.f32 v8, v12;
	v7 =	vmovc v2  }
.LBB2_53:
0x404: {  	v14 =	vld [tilespmem:s21+$0xFFFFFC80];
	s20 =	sadd.s32 $0x8, s20;
	v8 =	vsel vm0, v8, v12;
	v11 =	vsel vm0, v13, v11  }
0x405: {  	v12 =	vor.u32 $0x6, v7;
	p0 =	slt.u32 s20, $0x38;
	vm0 =	vlt.f32 v10, v8  }
0x406: {  	v13 =	vld [tilespmem:s21+$0xFFFFFD00];
	v8 =	vsel vm0, v10, v8;
	v10 =	vsel vm0, v12, v11  }
0x407: {  	v11 =	vor.u32 $0x7, v7;
	vm0 =	vlt.f32 v9, v8  }
0x408: {  	v12 =	vld [tilespmem:s21+$0xFFFFFD80];
	v8 =	vsel vm0, v9, v8;
	v9 =	vsel vm0, v11, v10  }
0x409: {  	v7 =	vadd.s32 $0x8, v7;
	vm0 =	vlt.f32 v14, v8  }
0x40a: {  	v8 =	vsel vm0, v14, v8;
	v9 =	vsel vm0, v7, v9;
	v10 =	vld [tilespmem:s21+$0xFFFFFE00]  }
0x40b: {  	v11 =	vor.u32 $0x1, v7;
	vm0 =	vlt.f32 v13, v8  }
0x40c: {  	v8 =	vsel vm0, v13, v8;
	v9 =	vsel vm0, v11, v9;
	v11 =	vld [tilespmem:s21+$0xFFFFFE80]  }
0x40d: {  	v13 =	vor.u32 $0x2, v7;
	vm0 =	vlt.f32 v12, v8  }
0x40e: {  	v12 =	vsel vm0, v12, v8;
	v9 =	vsel vm0, v13, v9;
	v8 =	vld [tilespmem:s21+$0xFFFFFF00]  }
.Ltmp25:
0x40f: {  	v13 =	vor.u32 $0x3, v7;
	vm0 =	vlt.f32 v10, v12;
	(pc) =	sbr.rel @p0 .LBB2_53-.Ltmp25, $4  }
0x410: {  	v12 =	vsel vm0, v10, v12;
	v9 =	vsel vm0, v13, v9;
	v10 =	vld [tilespmem:s21+$0xFFFFFF80]  }
0x411: {  	v13 =	vor.u32 $0x4, v7;
	vm0 =	vlt.f32 v11, v12  }
0x412: {  	v12 =	vsel vm0, v11, v12;
	v11 =	vsel vm0, v13, v9;
	v9 =	vld [tilespmem:s21+$0x0]  }
0x413: {  	v13 =	vor.u32 $0x5, v7;
	s21 =	sadd.s32 $0x800, s21;
	vm0 =	vlt.f32 v8, v12  }
0x414: {  	v8 =	vsel vm0, v8, v12  }
0x415: {  	vm1 =	vlt.f32 v10, v8  }
0x416: {  	v8 =	vsel vm1, v10, v8  }
0x417: {  	v10 =	vsel vm0, v13, v11;
	v11 =	vor.u32 $0x6, v7;
	vm0 =	vlt.f32 v9, v8  }
0x418: {  	v7 =	vor.u32 $0x7, v7;
	v10 =	vsel vm1, v11, v10;
	v8 =	vsel vm0, v9, v8  }
0x419: {  	v7 =	vsel vm0, v7, v10;
	[tilespmem:$0x8090] =	vst v8  }
0x41a: {  	s21 =	simm.s32 $0x47A0;
	[tilespmem:$0x8190] =	vst v7;
	v7 =	vld [tilespmem:$0x80A0]  }
0x41b: {  	v8 =	vld [tilespmem:s21+$0xFFFFFC80];
	_ =	sdelay $0x1  }
0x41c: {  	v9 =	vld [tilespmem:s21+$0xFFFFFD00];
	_ =	sdelay $0x1  }
0x41d: {  	v10 =	vld [tilespmem:s21+$0xFFFFFD80]  }
0x41e: {  	v11 =	vld [tilespmem:$0x81A0];
	vm0 =	vlt.f32 v8, v7  }
0x41f: {  	v7 =	vsel vm0, v8, v7  }
0x420: {  	v12 =	vld [tilespmem:s21+$0xFFFFFE00];
	vm1 =	vlt.f32 v9, v7  }
0x421: {  	v7 =	vsel vm1, v9, v7  }
0x422: {  	v9 =	vld [tilespmem:s21+$0xFFFFFE80];
	vm2 =	vlt.f32 v10, v7  }
0x423: {  	v7 =	vsel vm2, v10, v7;
	v10 =	vsel vm0, v2, v11  }
0x424: {  	v8 =	vld [tilespmem:s21+$0xFFFFFF00];
	v10 =	vsel vm1, v3, v10  }
0x425: {  	vm0 =	vlt.f32 v12, v7;
	v10 =	vsel vm2, v4, v10  }
0x426: {  	v7 =	vsel vm0, v12, v7;
	v11 =	vsel vm0, v5, v10;
	v10 =	vld [tilespmem:s21+$0xFFFFFF80]  }
0x427: {  	vm1 =	vlt.f32 v9, v7  }
0x428: {  	v12 =	vsel vm1, v9, v7;
	v9 =	vld [tilespmem:s21+$0x0]  }
0x429: {  	s20 =	simm.s32 $0x0;
	v13 =	vor.u32 $0x5, v2;
	v11 =	vsel vm1, v6, v11;
	s21 =	simm.s32 $0x4FA0;
	vm0 =	vlt.f32 v8, v12;
	v7 =	vmovc v2  }
.LBB2_55:
0x42a: {  	v14 =	vld [tilespmem:s21+$0xFFFFFC80];
	s20 =	sadd.s32 $0x8, s20;
	v8 =	vsel vm0, v8, v12;
	v11 =	vsel vm0, v13, v11  }
0x42b: {  	v12 =	vor.u32 $0x6, v7;
	p0 =	slt.u32 s20, $0x38;
	vm0 =	vlt.f32 v10, v8  }
0x42c: {  	v13 =	vld [tilespmem:s21+$0xFFFFFD00];
	v8 =	vsel vm0, v10, v8;
	v10 =	vsel vm0, v12, v11  }
0x42d: {  	v11 =	vor.u32 $0x7, v7;
	vm0 =	vlt.f32 v9, v8  }
0x42e: {  	v12 =	vld [tilespmem:s21+$0xFFFFFD80];
	v8 =	vsel vm0, v9, v8;
	v9 =	vsel vm0, v11, v10  }
0x42f: {  	v7 =	vadd.s32 $0x8, v7;
	vm0 =	vlt.f32 v14, v8  }
0x430: {  	v8 =	vsel vm0, v14, v8;
	v9 =	vsel vm0, v7, v9;
	v10 =	vld [tilespmem:s21+$0xFFFFFE00]  }
0x431: {  	v11 =	vor.u32 $0x1, v7;
	vm0 =	vlt.f32 v13, v8  }
0x432: {  	v8 =	vsel vm0, v13, v8;
	v9 =	vsel vm0, v11, v9;
	v11 =	vld [tilespmem:s21+$0xFFFFFE80]  }
0x433: {  	v13 =	vor.u32 $0x2, v7;
	vm0 =	vlt.f32 v12, v8  }
0x434: {  	v12 =	vsel vm0, v12, v8;
	v9 =	vsel vm0, v13, v9;
	v8 =	vld [tilespmem:s21+$0xFFFFFF00]  }
.Ltmp26:
0x435: {  	v13 =	vor.u32 $0x3, v7;
	vm0 =	vlt.f32 v10, v12;
	(pc) =	sbr.rel @p0 .LBB2_55-.Ltmp26, $4  }
0x436: {  	v12 =	vsel vm0, v10, v12;
	v9 =	vsel vm0, v13, v9;
	v10 =	vld [tilespmem:s21+$0xFFFFFF80]  }
0x437: {  	v13 =	vor.u32 $0x4, v7;
	vm0 =	vlt.f32 v11, v12  }
0x438: {  	v12 =	vsel vm0, v11, v12;
	v11 =	vsel vm0, v13, v9;
	v9 =	vld [tilespmem:s21+$0x0]  }
0x439: {  	v13 =	vor.u32 $0x5, v7;
	s21 =	sadd.s32 $0x800, s21;
	vm0 =	vlt.f32 v8, v12  }
0x43a: {  	v8 =	vsel vm0, v8, v12  }
0x43b: {  	vm1 =	vlt.f32 v10, v8  }
0x43c: {  	v8 =	vsel vm1, v10, v8  }
0x43d: {  	v10 =	vsel vm0, v13, v11;
	v11 =	vor.u32 $0x6, v7;
	vm0 =	vlt.f32 v9, v8  }
0x43e: {  	v7 =	vor.u32 $0x7, v7;
	v10 =	vsel vm1, v11, v10;
	v8 =	vsel vm0, v9, v8  }
0x43f: {  	v7 =	vsel vm0, v7, v10;
	[tilespmem:$0x80A0] =	vst v8  }
0x440: {  	s21 =	simm.s32 $0x47B0;
	[tilespmem:$0x81A0] =	vst v7;
	v7 =	vld [tilespmem:$0x80B0]  }
0x441: {  	v8 =	vld [tilespmem:s21+$0xFFFFFC80];
	_ =	sdelay $0x1  }
0x442: {  	v9 =	vld [tilespmem:s21+$0xFFFFFD00];
	_ =	sdelay $0x1  }
0x443: {  	v10 =	vld [tilespmem:s21+$0xFFFFFD80]  }
0x444: {  	v11 =	vld [tilespmem:$0x81B0];
	vm0 =	vlt.f32 v8, v7  }
0x445: {  	v7 =	vsel vm0, v8, v7  }
0x446: {  	v12 =	vld [tilespmem:s21+$0xFFFFFE00];
	vm1 =	vlt.f32 v9, v7  }
0x447: {  	v7 =	vsel vm1, v9, v7  }
0x448: {  	v9 =	vld [tilespmem:s21+$0xFFFFFE80];
	vm2 =	vlt.f32 v10, v7  }
0x449: {  	v7 =	vsel vm2, v10, v7;
	v10 =	vsel vm0, v2, v11  }
0x44a: {  	v8 =	vld [tilespmem:s21+$0xFFFFFF00];
	v10 =	vsel vm1, v3, v10  }
0x44b: {  	vm0 =	vlt.f32 v12, v7;
	v10 =	vsel vm2, v4, v10  }
0x44c: {  	v7 =	vsel vm0, v12, v7;
	v11 =	vsel vm0, v5, v10;
	v10 =	vld [tilespmem:s21+$0xFFFFFF80]  }
0x44d: {  	vm1 =	vlt.f32 v9, v7  }
0x44e: {  	v12 =	vsel vm1, v9, v7;
	v9 =	vld [tilespmem:s21+$0x0]  }
0x44f: {  	s20 =	simm.s32 $0x0;
	v13 =	vor.u32 $0x5, v2;
	v11 =	vsel vm1, v6, v11;
	s21 =	simm.s32 $0x4FB0;
	vm0 =	vlt.f32 v8, v12;
	v7 =	vmovc v2  }
.LBB2_57:
0x450: {  	v14 =	vld [tilespmem:s21+$0xFFFFFC80];
	s20 =	sadd.s32 $0x8, s20;
	v8 =	vsel vm0, v8, v12;
	v11 =	vsel vm0, v13, v11  }
0x451: {  	v12 =	vor.u32 $0x6, v7;
	p0 =	slt.u32 s20, $0x38;
	vm0 =	vlt.f32 v10, v8  }
0x452: {  	v13 =	vld [tilespmem:s21+$0xFFFFFD00];
	v8 =	vsel vm0, v10, v8;
	v10 =	vsel vm0, v12, v11  }
0x453: {  	v11 =	vor.u32 $0x7, v7;
	vm0 =	vlt.f32 v9, v8  }
0x454: {  	v12 =	vld [tilespmem:s21+$0xFFFFFD80];
	v8 =	vsel vm0, v9, v8;
	v9 =	vsel vm0, v11, v10  }
0x455: {  	v7 =	vadd.s32 $0x8, v7;
	vm0 =	vlt.f32 v14, v8  }
0x456: {  	v8 =	vsel vm0, v14, v8;
	v9 =	vsel vm0, v7, v9;
	v10 =	vld [tilespmem:s21+$0xFFFFFE00]  }
0x457: {  	v11 =	vor.u32 $0x1, v7;
	vm0 =	vlt.f32 v13, v8  }
0x458: {  	v8 =	vsel vm0, v13, v8;
	v9 =	vsel vm0, v11, v9;
	v11 =	vld [tilespmem:s21+$0xFFFFFE80]  }
0x459: {  	v13 =	vor.u32 $0x2, v7;
	vm0 =	vlt.f32 v12, v8  }
0x45a: {  	v12 =	vsel vm0, v12, v8;
	v9 =	vsel vm0, v13, v9;
	v8 =	vld [tilespmem:s21+$0xFFFFFF00]  }
.Ltmp27:
0x45b: {  	v13 =	vor.u32 $0x3, v7;
	vm0 =	vlt.f32 v10, v12;
	(pc) =	sbr.rel @p0 .LBB2_57-.Ltmp27, $4  }
0x45c: {  	v12 =	vsel vm0, v10, v12;
	v9 =	vsel vm0, v13, v9;
	v10 =	vld [tilespmem:s21+$0xFFFFFF80]  }
0x45d: {  	v13 =	vor.u32 $0x4, v7;
	vm0 =	vlt.f32 v11, v12  }
0x45e: {  	v12 =	vsel vm0, v11, v12;
	v11 =	vsel vm0, v13, v9;
	v9 =	vld [tilespmem:s21+$0x0]  }
0x45f: {  	v13 =	vor.u32 $0x5, v7;
	s21 =	sadd.s32 $0x800, s21;
	vm0 =	vlt.f32 v8, v12  }
0x460: {  	v8 =	vsel vm0, v8, v12  }
0x461: {  	vm1 =	vlt.f32 v10, v8  }
0x462: {  	v8 =	vsel vm1, v10, v8  }
0x463: {  	v10 =	vsel vm0, v13, v11;
	v11 =	vor.u32 $0x6, v7;
	vm0 =	vlt.f32 v9, v8  }
0x464: {  	v7 =	vor.u32 $0x7, v7;
	v10 =	vsel vm1, v11, v10;
	v8 =	vsel vm0, v9, v8  }
0x465: {  	v7 =	vsel vm0, v7, v10;
	[tilespmem:$0x80B0] =	vst v8  }
0x466: {  	s21 =	simm.s32 $0x47C0;
	[tilespmem:$0x81B0] =	vst v7;
	v7 =	vld [tilespmem:$0x80C0]  }
0x467: {  	v8 =	vld [tilespmem:s21+$0xFFFFFC80];
	_ =	sdelay $0x1  }
0x468: {  	v9 =	vld [tilespmem:s21+$0xFFFFFD00];
	_ =	sdelay $0x1  }
0x469: {  	v10 =	vld [tilespmem:s21+$0xFFFFFD80]  }
0x46a: {  	v11 =	vld [tilespmem:$0x81C0];
	vm0 =	vlt.f32 v8, v7  }
0x46b: {  	v7 =	vsel vm0, v8, v7  }
0x46c: {  	v12 =	vld [tilespmem:s21+$0xFFFFFE00];
	vm1 =	vlt.f32 v9, v7  }
0x46d: {  	v7 =	vsel vm1, v9, v7  }
0x46e: {  	v9 =	vld [tilespmem:s21+$0xFFFFFE80];
	vm2 =	vlt.f32 v10, v7  }
0x46f: {  	v7 =	vsel vm2, v10, v7;
	v10 =	vsel vm0, v2, v11  }
0x470: {  	v8 =	vld [tilespmem:s21+$0xFFFFFF00];
	v10 =	vsel vm1, v3, v10  }
0x471: {  	vm0 =	vlt.f32 v12, v7;
	v10 =	vsel vm2, v4, v10  }
0x472: {  	v7 =	vsel vm0, v12, v7;
	v11 =	vsel vm0, v5, v10;
	v10 =	vld [tilespmem:s21+$0xFFFFFF80]  }
0x473: {  	vm1 =	vlt.f32 v9, v7  }
0x474: {  	v12 =	vsel vm1, v9, v7;
	v9 =	vld [tilespmem:s21+$0x0]  }
0x475: {  	s20 =	simm.s32 $0x0;
	v13 =	vor.u32 $0x5, v2;
	v11 =	vsel vm1, v6, v11;
	s21 =	simm.s32 $0x4FC0;
	vm0 =	vlt.f32 v8, v12;
	v7 =	vmovc v2  }
.LBB2_59:
0x476: {  	v14 =	vld [tilespmem:s21+$0xFFFFFC80];
	s20 =	sadd.s32 $0x8, s20;
	v8 =	vsel vm0, v8, v12;
	v11 =	vsel vm0, v13, v11  }
0x477: {  	v12 =	vor.u32 $0x6, v7;
	p0 =	slt.u32 s20, $0x38;
	vm0 =	vlt.f32 v10, v8  }
0x478: {  	v13 =	vld [tilespmem:s21+$0xFFFFFD00];
	v8 =	vsel vm0, v10, v8;
	v10 =	vsel vm0, v12, v11  }
0x479: {  	v11 =	vor.u32 $0x7, v7;
	vm0 =	vlt.f32 v9, v8  }
0x47a: {  	v12 =	vld [tilespmem:s21+$0xFFFFFD80];
	v8 =	vsel vm0, v9, v8;
	v9 =	vsel vm0, v11, v10  }
0x47b: {  	v7 =	vadd.s32 $0x8, v7;
	vm0 =	vlt.f32 v14, v8  }
0x47c: {  	v8 =	vsel vm0, v14, v8;
	v9 =	vsel vm0, v7, v9;
	v10 =	vld [tilespmem:s21+$0xFFFFFE00]  }
0x47d: {  	v11 =	vor.u32 $0x1, v7;
	vm0 =	vlt.f32 v13, v8  }
0x47e: {  	v8 =	vsel vm0, v13, v8;
	v9 =	vsel vm0, v11, v9;
	v11 =	vld [tilespmem:s21+$0xFFFFFE80]  }
0x47f: {  	v13 =	vor.u32 $0x2, v7;
	vm0 =	vlt.f32 v12, v8  }
0x480: {  	v12 =	vsel vm0, v12, v8;
	v9 =	vsel vm0, v13, v9;
	v8 =	vld [tilespmem:s21+$0xFFFFFF00]  }
.Ltmp28:
0x481: {  	v13 =	vor.u32 $0x3, v7;
	vm0 =	vlt.f32 v10, v12;
	(pc) =	sbr.rel @p0 .LBB2_59-.Ltmp28, $4  }
0x482: {  	v12 =	vsel vm0, v10, v12;
	v9 =	vsel vm0, v13, v9;
	v10 =	vld [tilespmem:s21+$0xFFFFFF80]  }
0x483: {  	v13 =	vor.u32 $0x4, v7;
	vm0 =	vlt.f32 v11, v12  }
0x484: {  	v12 =	vsel vm0, v11, v12;
	v11 =	vsel vm0, v13, v9;
	v9 =	vld [tilespmem:s21+$0x0]  }
0x485: {  	v13 =	vor.u32 $0x5, v7;
	s21 =	sadd.s32 $0x800, s21;
	vm0 =	vlt.f32 v8, v12  }
0x486: {  	v8 =	vsel vm0, v8, v12  }
0x487: {  	vm1 =	vlt.f32 v10, v8  }
0x488: {  	v8 =	vsel vm1, v10, v8  }
0x489: {  	v10 =	vsel vm0, v13, v11;
	v11 =	vor.u32 $0x6, v7;
	vm0 =	vlt.f32 v9, v8  }
0x48a: {  	v7 =	vor.u32 $0x7, v7;
	v10 =	vsel vm1, v11, v10;
	v8 =	vsel vm0, v9, v8  }
0x48b: {  	v7 =	vsel vm0, v7, v10;
	[tilespmem:$0x80C0] =	vst v8  }
0x48c: {  	s21 =	simm.s32 $0x47D0;
	[tilespmem:$0x81C0] =	vst v7;
	v7 =	vld [tilespmem:$0x80D0]  }
0x48d: {  	v8 =	vld [tilespmem:s21+$0xFFFFFC80];
	_ =	sdelay $0x1  }
0x48e: {  	v9 =	vld [tilespmem:s21+$0xFFFFFD00];
	_ =	sdelay $0x1  }
0x48f: {  	v10 =	vld [tilespmem:s21+$0xFFFFFD80]  }
0x490: {  	v11 =	vld [tilespmem:$0x81D0];
	vm0 =	vlt.f32 v8, v7  }
0x491: {  	v7 =	vsel vm0, v8, v7  }
0x492: {  	v12 =	vld [tilespmem:s21+$0xFFFFFE00];
	vm1 =	vlt.f32 v9, v7  }
0x493: {  	v7 =	vsel vm1, v9, v7  }
0x494: {  	v9 =	vld [tilespmem:s21+$0xFFFFFE80];
	vm2 =	vlt.f32 v10, v7  }
0x495: {  	v7 =	vsel vm2, v10, v7;
	v10 =	vsel vm0, v2, v11  }
0x496: {  	v8 =	vld [tilespmem:s21+$0xFFFFFF00];
	v10 =	vsel vm1, v3, v10  }
0x497: {  	vm0 =	vlt.f32 v12, v7;
	v10 =	vsel vm2, v4, v10  }
0x498: {  	v7 =	vsel vm0, v12, v7;
	v11 =	vsel vm0, v5, v10;
	v10 =	vld [tilespmem:s21+$0xFFFFFF80]  }
0x499: {  	vm1 =	vlt.f32 v9, v7  }
0x49a: {  	v12 =	vsel vm1, v9, v7;
	v9 =	vld [tilespmem:s21+$0x0]  }
0x49b: {  	s20 =	simm.s32 $0x0;
	v13 =	vor.u32 $0x5, v2;
	v11 =	vsel vm1, v6, v11;
	s21 =	simm.s32 $0x4FD0;
	vm0 =	vlt.f32 v8, v12;
	v7 =	vmovc v2  }
.LBB2_61:
0x49c: {  	v14 =	vld [tilespmem:s21+$0xFFFFFC80];
	s20 =	sadd.s32 $0x8, s20;
	v8 =	vsel vm0, v8, v12;
	v11 =	vsel vm0, v13, v11  }
0x49d: {  	v12 =	vor.u32 $0x6, v7;
	p0 =	slt.u32 s20, $0x38;
	vm0 =	vlt.f32 v10, v8  }
0x49e: {  	v13 =	vld [tilespmem:s21+$0xFFFFFD00];
	v8 =	vsel vm0, v10, v8;
	v10 =	vsel vm0, v12, v11  }
0x49f: {  	v11 =	vor.u32 $0x7, v7;
	vm0 =	vlt.f32 v9, v8  }
0x4a0: {  	v12 =	vld [tilespmem:s21+$0xFFFFFD80];
	v8 =	vsel vm0, v9, v8;
	v9 =	vsel vm0, v11, v10  }
0x4a1: {  	v7 =	vadd.s32 $0x8, v7;
	vm0 =	vlt.f32 v14, v8  }
0x4a2: {  	v8 =	vsel vm0, v14, v8;
	v9 =	vsel vm0, v7, v9;
	v10 =	vld [tilespmem:s21+$0xFFFFFE00]  }
0x4a3: {  	v11 =	vor.u32 $0x1, v7;
	vm0 =	vlt.f32 v13, v8  }
0x4a4: {  	v8 =	vsel vm0, v13, v8;
	v9 =	vsel vm0, v11, v9;
	v11 =	vld [tilespmem:s21+$0xFFFFFE80]  }
0x4a5: {  	v13 =	vor.u32 $0x2, v7;
	vm0 =	vlt.f32 v12, v8  }
0x4a6: {  	v12 =	vsel vm0, v12, v8;
	v9 =	vsel vm0, v13, v9;
	v8 =	vld [tilespmem:s21+$0xFFFFFF00]  }
.Ltmp29:
0x4a7: {  	v13 =	vor.u32 $0x3, v7;
	vm0 =	vlt.f32 v10, v12;
	(pc) =	sbr.rel @p0 .LBB2_61-.Ltmp29, $4  }
0x4a8: {  	v12 =	vsel vm0, v10, v12;
	v9 =	vsel vm0, v13, v9;
	v10 =	vld [tilespmem:s21+$0xFFFFFF80]  }
0x4a9: {  	v13 =	vor.u32 $0x4, v7;
	vm0 =	vlt.f32 v11, v12  }
0x4aa: {  	v12 =	vsel vm0, v11, v12;
	v11 =	vsel vm0, v13, v9;
	v9 =	vld [tilespmem:s21+$0x0]  }
0x4ab: {  	v13 =	vor.u32 $0x5, v7;
	s21 =	sadd.s32 $0x800, s21;
	vm0 =	vlt.f32 v8, v12  }
0x4ac: {  	v8 =	vsel vm0, v8, v12  }
0x4ad: {  	vm1 =	vlt.f32 v10, v8  }
0x4ae: {  	v8 =	vsel vm1, v10, v8  }
0x4af: {  	v10 =	vsel vm0, v13, v11;
	v11 =	vor.u32 $0x6, v7;
	vm0 =	vlt.f32 v9, v8  }
0x4b0: {  	v7 =	vor.u32 $0x7, v7;
	v10 =	vsel vm1, v11, v10;
	v8 =	vsel vm0, v9, v8  }
0x4b1: {  	v7 =	vsel vm0, v7, v10;
	[tilespmem:$0x80D0] =	vst v8  }
0x4b2: {  	s21 =	simm.s32 $0x47E0;
	[tilespmem:$0x81D0] =	vst v7;
	v7 =	vld [tilespmem:$0x80E0]  }
0x4b3: {  	v8 =	vld [tilespmem:s21+$0xFFFFFC80];
	_ =	sdelay $0x1  }
0x4b4: {  	v9 =	vld [tilespmem:s21+$0xFFFFFD00];
	_ =	sdelay $0x1  }
0x4b5: {  	v10 =	vld [tilespmem:s21+$0xFFFFFD80]  }
0x4b6: {  	v11 =	vld [tilespmem:$0x81E0];
	vm0 =	vlt.f32 v8, v7  }
0x4b7: {  	v7 =	vsel vm0, v8, v7  }
0x4b8: {  	v12 =	vld [tilespmem:s21+$0xFFFFFE00];
	vm1 =	vlt.f32 v9, v7  }
0x4b9: {  	v7 =	vsel vm1, v9, v7  }
0x4ba: {  	v9 =	vld [tilespmem:s21+$0xFFFFFE80];
	vm2 =	vlt.f32 v10, v7  }
0x4bb: {  	v7 =	vsel vm2, v10, v7;
	v10 =	vsel vm0, v2, v11  }
0x4bc: {  	v8 =	vld [tilespmem:s21+$0xFFFFFF00];
	v10 =	vsel vm1, v3, v10  }
0x4bd: {  	vm0 =	vlt.f32 v12, v7;
	v10 =	vsel vm2, v4, v10  }
0x4be: {  	v7 =	vsel vm0, v12, v7;
	v11 =	vsel vm0, v5, v10;
	v10 =	vld [tilespmem:s21+$0xFFFFFF80]  }
0x4bf: {  	vm1 =	vlt.f32 v9, v7  }
0x4c0: {  	v12 =	vsel vm1, v9, v7;
	v9 =	vld [tilespmem:s21+$0x0]  }
0x4c1: {  	s20 =	simm.s32 $0x0;
	v13 =	vor.u32 $0x5, v2;
	v11 =	vsel vm1, v6, v11;
	s21 =	simm.s32 $0x4FE0;
	vm0 =	vlt.f32 v8, v12;
	v7 =	vmovc v2  }
.LBB2_63:
0x4c2: {  	v14 =	vld [tilespmem:s21+$0xFFFFFC80];
	s20 =	sadd.s32 $0x8, s20;
	v8 =	vsel vm0, v8, v12;
	v11 =	vsel vm0, v13, v11  }
0x4c3: {  	v12 =	vor.u32 $0x6, v7;
	p0 =	slt.u32 s20, $0x38;
	vm0 =	vlt.f32 v10, v8  }
0x4c4: {  	v13 =	vld [tilespmem:s21+$0xFFFFFD00];
	v8 =	vsel vm0, v10, v8;
	v10 =	vsel vm0, v12, v11  }
0x4c5: {  	v11 =	vor.u32 $0x7, v7;
	vm0 =	vlt.f32 v9, v8  }
0x4c6: {  	v12 =	vld [tilespmem:s21+$0xFFFFFD80];
	v8 =	vsel vm0, v9, v8;
	v9 =	vsel vm0, v11, v10  }
0x4c7: {  	v7 =	vadd.s32 $0x8, v7;
	vm0 =	vlt.f32 v14, v8  }
0x4c8: {  	v8 =	vsel vm0, v14, v8;
	v9 =	vsel vm0, v7, v9;
	v10 =	vld [tilespmem:s21+$0xFFFFFE00]  }
0x4c9: {  	v11 =	vor.u32 $0x1, v7;
	vm0 =	vlt.f32 v13, v8  }
0x4ca: {  	v8 =	vsel vm0, v13, v8;
	v9 =	vsel vm0, v11, v9;
	v11 =	vld [tilespmem:s21+$0xFFFFFE80]  }
0x4cb: {  	v13 =	vor.u32 $0x2, v7;
	vm0 =	vlt.f32 v12, v8  }
0x4cc: {  	v12 =	vsel vm0, v12, v8;
	v9 =	vsel vm0, v13, v9;
	v8 =	vld [tilespmem:s21+$0xFFFFFF00]  }
.Ltmp30:
0x4cd: {  	v13 =	vor.u32 $0x3, v7;
	vm0 =	vlt.f32 v10, v12;
	(pc) =	sbr.rel @p0 .LBB2_63-.Ltmp30, $4  }
0x4ce: {  	v12 =	vsel vm0, v10, v12;
	v9 =	vsel vm0, v13, v9;
	v10 =	vld [tilespmem:s21+$0xFFFFFF80]  }
0x4cf: {  	v13 =	vor.u32 $0x4, v7;
	vm0 =	vlt.f32 v11, v12  }
0x4d0: {  	v12 =	vsel vm0, v11, v12;
	v11 =	vsel vm0, v13, v9;
	v9 =	vld [tilespmem:s21+$0x0]  }
0x4d1: {  	v13 =	vor.u32 $0x5, v7;
	s21 =	sadd.s32 $0x800, s21;
	vm0 =	vlt.f32 v8, v12  }
0x4d2: {  	v8 =	vsel vm0, v8, v12  }
0x4d3: {  	vm1 =	vlt.f32 v10, v8  }
0x4d4: {  	v8 =	vsel vm1, v10, v8  }
0x4d5: {  	v10 =	vsel vm0, v13, v11;
	v11 =	vor.u32 $0x6, v7;
	vm0 =	vlt.f32 v9, v8  }
0x4d6: {  	v7 =	vor.u32 $0x7, v7;
	v10 =	vsel vm1, v11, v10;
	v8 =	vsel vm0, v9, v8  }
0x4d7: {  	v7 =	vsel vm0, v7, v10;
	[tilespmem:$0x80E0] =	vst v8  }
0x4d8: {  	s21 =	simm.s32 $0x47F0;
	[tilespmem:$0x81E0] =	vst v7;
	v7 =	vld [tilespmem:$0x80F0]  }
0x4d9: {  	v8 =	vld [tilespmem:s21+$0xFFFFFC80];
	_ =	sdelay $0x1  }
0x4da: {  	v9 =	vld [tilespmem:s21+$0xFFFFFD00];
	_ =	sdelay $0x1  }
0x4db: {  	v10 =	vld [tilespmem:s21+$0xFFFFFD80]  }
0x4dc: {  	v11 =	vld [tilespmem:$0x81F0];
	vm0 =	vlt.f32 v8, v7  }
0x4dd: {  	v7 =	vsel vm0, v8, v7;
	v8 =	vld [tilespmem:s21+$0xFFFFFE00]  }
0x4de: {  	vm1 =	vlt.f32 v9, v7  }
0x4df: {  	v7 =	vsel vm1, v9, v7;
	v9 =	vld [tilespmem:s21+$0xFFFFFE80]  }
0x4e0: {  	vm2 =	vlt.f32 v10, v7  }
0x4e1: {  	v11 =	vsel vm0, v2, v11;
	v10 =	vsel vm2, v10, v7;
	v7 =	vld [tilespmem:s21+$0xFFFFFF00]  }
0x4e2: {  	v3 =	vsel vm1, v3, v11;
	vm0 =	vlt.f32 v8, v10  }
0x4e3: {  	v3 =	vsel vm2, v4, v3;
	v4 =	vld [tilespmem:s21+$0xFFFFFF80];
	v8 =	vsel vm0, v8, v10  }
0x4e4: {  	v3 =	vsel vm0, v5, v3;
	vm1 =	vlt.f32 v9, v8  }
0x4e5: {  	v8 =	vsel vm1, v9, v8;
	v5 =	vsel vm1, v6, v3;
	v3 =	vld [tilespmem:s21+$0x0]  }
0x4e6: {  	s20 =	simm.s32 $0x0;
	v6 =	vor.u32 $0x5, v2;
	s21 =	simm.s32 $0x4FF0;
	vm0 =	vlt.f32 v7, v8  }
.LBB2_65:
0x4e7: {  	v9 =	vld [tilespmem:s21+$0xFFFFFC80];
	s20 =	sadd.s32 $0x8, s20;
	v7 =	vsel vm0, v7, v8;
	v5 =	vsel vm0, v6, v5  }
0x4e8: {  	v6 =	vor.u32 $0x6, v2;
	p0 =	slt.u32 s20, $0x38;
	vm0 =	vlt.f32 v4, v7  }
0x4e9: {  	v8 =	vld [tilespmem:s21+$0xFFFFFD00];
	v4 =	vsel vm0, v4, v7;
	v5 =	vsel vm0, v6, v5  }
0x4ea: {  	v6 =	vor.u32 $0x7, v2;
	vm0 =	vlt.f32 v3, v4  }
0x4eb: {  	v7 =	vld [tilespmem:s21+$0xFFFFFD80];
	v3 =	vsel vm0, v3, v4;
	v4 =	vsel vm0, v6, v5  }
0x4ec: {  	v2 =	vadd.s32 $0x8, v2;
	vm0 =	vlt.f32 v9, v3  }
0x4ed: {  	v3 =	vsel vm0, v9, v3;
	v4 =	vsel vm0, v2, v4;
	v5 =	vld [tilespmem:s21+$0xFFFFFE00]  }
0x4ee: {  	v6 =	vor.u32 $0x1, v2;
	vm0 =	vlt.f32 v8, v3  }
0x4ef: {  	v3 =	vsel vm0, v8, v3;
	v4 =	vsel vm0, v6, v4;
	v6 =	vld [tilespmem:s21+$0xFFFFFE80]  }
0x4f0: {  	v8 =	vor.u32 $0x2, v2;
	vm0 =	vlt.f32 v7, v3  }
0x4f1: {  	v3 =	vsel vm0, v7, v3;
	v4 =	vsel vm0, v8, v4;
	v7 =	vld [tilespmem:s21+$0xFFFFFF00]  }
.Ltmp31:
0x4f2: {  	v8 =	vor.u32 $0x3, v2;
	vm0 =	vlt.f32 v5, v3;
	(pc) =	sbr.rel @p0 .LBB2_65-.Ltmp31, $4  }
0x4f3: {  	v3 =	vsel vm0, v5, v3;
	v5 =	vsel vm0, v8, v4;
	v4 =	vld [tilespmem:s21+$0xFFFFFF80]  }
0x4f4: {  	v9 =	vor.u32 $0x4, v2;
	vm0 =	vlt.f32 v6, v3  }
0x4f5: {  	v8 =	vsel vm0, v6, v3;
	v5 =	vsel vm0, v9, v5;
	v3 =	vld [tilespmem:s21+$0x0]  }
0x4f6: {  	v6 =	vor.u32 $0x5, v2;
	s21 =	sadd.s32 $0x800, s21;
	vm0 =	vlt.f32 v7, v8  }
0x4f7: {  	v7 =	vsel vm0, v7, v8;
	s19 =	sadd.s32 $0x1, s19  }
0x4f8: {  	vm1 =	vlt.f32 v4, v7;
	p0 =	sne.s32 s19, $0x10  }
.Ltmp32:
0x4f9: {  	v4 =	vsel vm1, v4, v7;
	(pc) =	sbr.rel @p0 .LBB2_2-.Ltmp32, $4  }
0x4fa: {  	v5 =	vsel vm0, v6, v5;
	v63 =	vor.u32 $0x6, v2;
	vm15 =	vlt.f32 v3, v4  }
0x4fb: {  	v2 =	vor.u32 $0x7, v2;
	v5 =	vsel vm1, v63, v5;
	v3 =	vsel vm15, v3, v4  }
0x4fc: {  	v2 =	vsel vm15, v2, v5;
	[tilespmem:$0x80F0] =	vst v3  }
0x4fd: {  	[tilespmem:$0x81F0] =	vst v2  }
0x4fe: {  	s18 =	sadd.s32 $0x1, s18  }
0x4ff: {  	p0 =	sne.s32 s18, s9  }
.Ltmp33:
0x500: {  	_ = 	snop;
	(pc) =	sbr.rel @p0 .LBB2_1-.Ltmp33, $4  }
0x501: {  	[hbm4b:s8+s14] =	stream.strided.scatter [tilespmem:s16], [sflag:$0x3], $0x100, s15, s14, $0x38;
	[tilespmem:$0x8200] =	vst v63  }
0x502: {  	_ =	swait.ge [sflag:s17], $0x100  }
0x503: {  	[sflag:s17] =	ssyncset.done $0x0  }
0x504: {  	[sflag:s17] =	ssyncadd.s32 $0xFFFFFF00  }
0x505: {  	_ =	sfence.sel $0x180000  }
0x506: {  	[bflag:$0x0] =	sbarrier.arrive $0xFFFF  }
0x507: {  	p0 =	sne.s32 s0, $0x0;
	_ =	strace $0x90000047  }
0x508: {  	s0 =	sadd.s32 @!p0 $0x100000, s1;
	[bflag:$0x2] =	sbarrier.arrive $0xFFFF  }
0x509: {  	[sflag:s0] =	ssyncadd.tile.s32 @!p0 $0x1;
	_ =	shalt  }
.Lfunc_end2:
_tile_overlayer_lowered:
.L_overlay_start_2:
0x50a: {  	(tag) =	ssettag $0x2  }
0x50b: {  	s0 =	rddreg [dreg:$0x0];
	s2 =	stileid.u32  }
0x50c: {  	s1 =	rddreg [dreg:$0x1];
	p0 =	sne.s32 s2, $0x0  }
0x50d: {  	s3 =	rddreg [dreg:$0x2];
	[bflag:$0x3] =	sbarrier.arrive $0xFFFF;
	s2 =	simm.s32 @!p0 $0x1C03  }
0x50e: {  	[timem:s3], [sflag:s2] =	dma.local @!p0 [hbm:s0], s1  }
0x50f: {  	s0 =	simm.s32 @!p0 $0x3  }
0x510: {  	_ =	swait.ge @!p0 [sflag:s0], s1  }
0x511: {  	s1 =	ssub.s32 @!p0 $0x0, s1;
	[sflag:s0] =	ssyncset.done @!p0 $0x0  }
0x512: {  	[sflag:s0] =	ssyncadd.s32 @!p0 s1  }
0x513: {  	[bflag:$0x3] =	sbarrier.arrive $0xFFFF  }
0x514: {  	_ =	shalt  }

</sc_bundles>
